<compile_context>
chip_gen: v7x
topology: tpu7x:2x2x1
jax: 0.10.2.dev20260603
libtpu: 0.0.44.dev20260713+nightly
codegen_flags: <defaults>
</compile_context>

<pallas_src>
import functools

import jax
import jax.numpy as jnp
from jax import lax
from jax.experimental import pallas as pl
from jax.experimental.pallas import tpu as pltpu
from jax.experimental.pallas import tpu_sc as plsc

S, B, D = 4096, 4, 1024
L = 16
NC, NS = 2, 16
NW = NC * NS
ROWS_W = S // NW
CH = 4
NBUF = 4
P = 2
W = NBUF - P
G = ROWS_W // CH

_mesh = plsc.VectorSubcoreMesh(core_axis_name="c", subcore_axis_name="s")


def _sc_body(x_hbm, pe_hbm, o_hbm, buf, pebuf, *sems):
    in_sems = sems[0:NBUF]
    pe_sems = sems[NBUF:2 * NBUF]
    out_sems = sems[2 * NBUF:3 * NBUF]
    wid = lax.axis_index("s") * NC + lax.axis_index("c")
    base = wid * ROWS_W

    def issue_in(j, slot):
        s0 = base + j * CH
        pltpu.async_copy(x_hbm.at[pl.ds(s0, CH)], buf.at[slot], in_sems[slot])
        pltpu.async_copy(pe_hbm.at[pl.ds(s0, CH)], pebuf.at[slot], pe_sems[slot])

    def wait_in(j, slot):
        s0 = base + j * CH
        pltpu.make_async_copy(x_hbm.at[pl.ds(s0, CH)], buf.at[slot], in_sems[slot]).wait()
        pltpu.make_async_copy(pe_hbm.at[pl.ds(s0, CH)], pebuf.at[slot], pe_sems[slot]).wait()

    def issue_out(j, slot):
        s0 = base + j * CH
        pltpu.async_copy(buf.at[slot], o_hbm.at[pl.ds(s0, CH)], out_sems[slot])

    def wait_out(j, slot):
        s0 = base + j * CH
        pltpu.make_async_copy(buf.at[slot], o_hbm.at[pl.ds(s0, CH)], out_sems[slot]).wait()

    UNROLL = 1

    def compute(slot):
        def dv_body(dv, carry):
            for u in range(UNROLL):
                off = pl.multiple_of((dv * UNROLL + u) * L, L)
                for s in range(CH):
                    pe_vec = pebuf[slot, s, pl.ds(off, L)]
                    for b in range(B):
                        plsc.addupdate(buf.at[slot, s, b, pl.ds(off, L)], pe_vec)
            return carry

        lax.fori_loop(0, D // (L * UNROLL), dv_body, 0)

    def step(j, slot, do_wait_out, do_issue_in):
        pslot = (slot + P) % NBUF
        if do_wait_out:
            wait_out(j - W, pslot)
        if do_issue_in:
            issue_in(j + P, pslot)
        wait_in(j, slot)
        compute(slot)
        issue_out(j, slot)

    for j in range(P):
        issue_in(j, j)

    for j in range(W):
        step(j, j % NBUF, do_wait_out=False, do_issue_in=True)

    n_main = (G - P - W) // NBUF
    def main_body(g0, carry):
        for k in range(NBUF):
            step(g0 + k, (W + k) % NBUF, do_wait_out=True, do_issue_in=True)
        return carry

    lax.fori_loop(0, n_main, lambda m, c: main_body(W + m * NBUF, c), 0)

    for j in range(W + n_main * NBUF, G):
        step(j, j % NBUF, do_wait_out=True, do_issue_in=(j + P <= G - 1))

    for j in range(G - W, G):
        wait_out(j, j % NBUF)


def kernel(input, pe_table):
    k = functools.partial(
        pl.kernel,
        mesh=_mesh,
        out_type=jax.ShapeDtypeStruct((S, B, D), jnp.float32),
        scratch_types=[
            pltpu.VMEM((NBUF, CH, B, D), jnp.float32),
            pltpu.VMEM((NBUF, CH, D), jnp.float32),
        ] + [pltpu.SemaphoreType.DMA] * (3 * NBUF),
    )(_sc_body)
    return k(input, pe_table)

# --- scband reference (transcript-rebuilt; emitter-appended) ---
"""Pipeline reference for scband-learned-position-embedding-13237089206395 (READ-ONLY COPY).

The authoritative reference and input builder live on the scoring server;
editing this copy changes nothing except your own understanding.
"""

import jax, jax.numpy as jnp
import numpy as np

MAX_LEN = 8192
INPUT_SIZE = 1024
SEQ_LEN = 4096
BATCH = 4

def setup_inputs(seed: int = 0) -> dict:
    key = jax.random.key(seed)
    k1, k2 = jax.random.split(key)
    input = jax.random.normal(k1, (SEQ_LEN, BATCH, INPUT_SIZE), dtype=jnp.float32)
    pe_table = jax.random.normal(k2, (MAX_LEN, INPUT_SIZE), dtype=jnp.float32)
    return {"input": input, "pe_table": pe_table}

def reference(input, pe_table):
    # batch_first = False, so input is already (S, B, D)
    length = input.shape[0]
    positions = jnp.arange(length, dtype=jnp.int32)
    # if length > max_len, positions beyond max_len are clamped to max_len - 1
    positions = jnp.minimum(positions, MAX_LEN - 1)
    pe = jnp.take(pe_table, positions, axis=0)  # (S, D)
    pe = pe[:, None, :]                          # (S, 1, D)
    output = pe + input                          # broadcast over batch
    return output

if __name__ == "__main__":
    import jax
    _d = setup_inputs()
    print(jax.jit(kernel)(*tuple(_d.values())))

</pallas_src>

<mosaic_0001>
#map = affine_map<(d0, d1) -> (0, 0, 0)>
#map1 = affine_map<(d0, d1) -> (0, 0)>
module attributes {stable_mosaic.version = 14 : i64} {
  func.func @_sc_body(%arg0: i32, %arg1: i32, %arg2: memref<4096x4x1024xf32, #tpu.memory_space<hbm>>, %arg3: memref<8192x1024xf32, #tpu.memory_space<hbm>>, %arg4: memref<4096x4x1024xf32, #tpu.memory_space<hbm>>, %arg5: memref<4x4x4x1024xf32, #tpu.memory_space<vmem>>, %arg6: memref<4x4x1024xf32, #tpu.memory_space<vmem>>, %arg7: memref<!tpu.dma_semaphore, #tpu.memory_space<semaphore_mem>>, %arg8: memref<!tpu.dma_semaphore, #tpu.memory_space<semaphore_mem>>, %arg9: memref<!tpu.dma_semaphore, #tpu.memory_space<semaphore_mem>>, %arg10: memref<!tpu.dma_semaphore, #tpu.memory_space<semaphore_mem>>, %arg11: memref<!tpu.dma_semaphore, #tpu.memory_space<semaphore_mem>>, %arg12: memref<!tpu.dma_semaphore, #tpu.memory_space<semaphore_mem>>, %arg13: memref<!tpu.dma_semaphore, #tpu.memory_space<semaphore_mem>>, %arg14: memref<!tpu.dma_semaphore, #tpu.memory_space<semaphore_mem>>, %arg15: memref<!tpu.dma_semaphore, #tpu.memory_space<semaphore_mem>>, %arg16: memref<!tpu.dma_semaphore, #tpu.memory_space<semaphore_mem>>, %arg17: memref<!tpu.dma_semaphore, #tpu.memory_space<semaphore_mem>>, %arg18: memref<!tpu.dma_semaphore, #tpu.memory_space<semaphore_mem>>) attributes {dimension_semantics = [#tpu.dimension_semantics<core_parallel>, #tpu.dimension_semantics<subcore_parallel>], iteration_bounds = array<i64: 2, 16>, scalar_prefetch = 0 : i64, scratch_operands = 14 : i64, tpu.core_type = #tpu.core_type<sc_vector_subcore>, window_params = [{transform_indices = #map}, {transform_indices = #map1}, {transform_indices = #map}]} {
    %mul3A = arith.constant 2 : i32
    %mul3A_0 = arith.muli %arg1, %mul3A : i32
    %add3A = arith.addi %mul3A_0, %arg0 : i32
    %mul3A_1 = arith.constant 128 : i32
    %mul3A_2 = arith.muli %add3A, %mul3A_1 : i32
    %add3A_3 = arith.constant 0 : i32
    %add3A_4 = arith.addi %mul3A_2, %add3A_3 : i32
    %dma_start3A = arith.constant 0 : i32
    %dma_start3A_5 = arith.constant 0 : i32
    %dma_start3A_6 = arith.constant 0 : i32
    %dma_start3A_7 = arith.constant 0 : i32
    %dma_start3A_8 = tpu.memref_slice %arg5[%dma_start3A, %dma_start3A_5, %dma_start3A_6, %dma_start3A_7] : memref<4x4x4x1024xf32, #tpu.memory_space<vmem>> -> memref<1x4x4x1024xf32, #tpu.memory_space<vmem>>
    %dma_start3A_9 = tpu.memref_squeeze %dma_start3A_8 : memref<1x4x4x1024xf32, #tpu.memory_space<vmem>> -> memref<4x4x1024xf32, #tpu.memory_space<vmem>>
    %dma_start3A_10 = arith.constant 0 : i32
    %dma_start3A_11 = arith.constant 0 : i32
    %dma_start3A_12 = tpu.memref_slice %arg2[%add3A_4, %dma_start3A_10, %dma_start3A_11] : memref<4096x4x1024xf32, #tpu.memory_space<hbm>> -> memref<4x4x1024xf32, #tpu.memory_space<hbm>>
    %dma_start3A_13 = arith.constant 0 : i32
    %dma_start3A_14 = arith.constant 0 : i32
    %dma_start3A_15 = arith.constant 0 : i32
    %dma_start3A_16 = tpu.memref_slice %arg5[%dma_start3A, %dma_start3A_13, %dma_start3A_14, %dma_start3A_15] : memref<4x4x4x1024xf32, #tpu.memory_space<vmem>> -> memref<1x4x4x1024xf32, #tpu.memory_space<vmem>>
    %dma_start3A_17 = tpu.memref_squeeze %dma_start3A_16 : memref<1x4x4x1024xf32, #tpu.memory_space<vmem>> -> memref<4x4x1024xf32, #tpu.memory_space<vmem>>
    %dma_start3A_18 = arith.constant 0 : i32
    %dma_start3A_19 = arith.constant 0 : i32
    %dma_start3A_20 = tpu.memref_slice %arg2[%add3A_4, %dma_start3A_18, %dma_start3A_19] : memref<4096x4x1024xf32, #tpu.memory_space<hbm>> -> memref<4x4x1024xf32, #tpu.memory_space<hbm>>
    tpu.enqueue_dma source(%dma_start3A_20 : memref<4x4x1024xf32, #tpu.memory_space<hbm>>) target(%dma_start3A_17 : memref<4x4x1024xf32, #tpu.memory_space<vmem>>) target_semaphore(%arg7 : memref<!tpu.dma_semaphore, #tpu.memory_space<semaphore_mem>>)
    %dma_start3A_21 = arith.constant 0 : i32
    %dma_start3A_22 = arith.constant 0 : i32
    %dma_start3A_23 = arith.constant 0 : i32
    %dma_start3A_24 = tpu.memref_slice %arg6[%dma_start3A_21, %dma_start3A_22, %dma_start3A_23] : memref<4x4x1024xf32, #tpu.memory_space<vmem>> -> memref<1x4x1024xf32, #tpu.memory_space<vmem>>
    %dma_start3A_25 = tpu.memref_squeeze %dma_start3A_24 : memref<1x4x1024xf32, #tpu.memory_space<vmem>> -> memref<4x1024xf32, #tpu.memory_space<vmem>>
    %dma_start3A_26 = arith.constant 0 : i32
    %dma_start3A_27 = tpu.memref_slice %arg3[%add3A_4, %dma_start3A_26] : memref<8192x1024xf32, #tpu.memory_space<hbm>> -> memref<4x1024xf32, #tpu.memory_space<hbm>>
    %dma_start3A_28 = arith.constant 0 : i32
    %dma_start3A_29 = arith.constant 0 : i32
    %dma_start3A_30 = tpu.memref_slice %arg6[%dma_start3A_21, %dma_start3A_28, %dma_start3A_29] : memref<4x4x1024xf32, #tpu.memory_space<vmem>> -> memref<1x4x1024xf32, #tpu.memory_space<vmem>>
    %dma_start3A_31 = tpu.memref_squeeze %dma_start3A_30 : memref<1x4x1024xf32, #tpu.memory_space<vmem>> -> memref<4x1024xf32, #tpu.memory_space<vmem>>
    %dma_start3A_32 = arith.constant 0 : i32
    %dma_start3A_33 = tpu.memref_slice %arg3[%add3A_4, %dma_start3A_32] : memref<8192x1024xf32, #tpu.memory_space<hbm>> -> memref<4x1024xf32, #tpu.memory_space<hbm>>
    tpu.enqueue_dma source(%dma_start3A_33 : memref<4x1024xf32, #tpu.memory_space<hbm>>) target(%dma_start3A_31 : memref<4x1024xf32, #tpu.memory_space<vmem>>) target_semaphore(%arg11 : memref<!tpu.dma_semaphore, #tpu.memory_space<semaphore_mem>>)
    %add3A_34 = arith.constant 4 : i32
    %add3A_35 = arith.addi %mul3A_2, %add3A_34 : i32
    %dma_start3A_36 = arith.constant 1 : i32
    %dma_start3A_37 = arith.constant 0 : i32
    %dma_start3A_38 = arith.constant 0 : i32
    %dma_start3A_39 = arith.constant 0 : i32
    %dma_start3A_40 = tpu.memref_slice %arg5[%dma_start3A_36, %dma_start3A_37, %dma_start3A_38, %dma_start3A_39] : memref<4x4x4x1024xf32, #tpu.memory_space<vmem>> -> memref<1x4x4x1024xf32, #tpu.memory_space<vmem>>
    %dma_start3A_41 = tpu.memref_squeeze %dma_start3A_40 : memref<1x4x4x1024xf32, #tpu.memory_space<vmem>> -> memref<4x4x1024xf32, #tpu.memory_space<vmem>>
    %dma_start3A_42 = arith.constant 0 : i32
    %dma_start3A_43 = arith.constant 0 : i32
    %dma_start3A_44 = tpu.memref_slice %arg2[%add3A_35, %dma_start3A_42, %dma_start3A_43] : memref<4096x4x1024xf32, #tpu.memory_space<hbm>> -> memref<4x4x1024xf32, #tpu.memory_space<hbm>>
    %dma_start3A_45 = arith.constant 0 : i32
    %dma_start3A_46 = arith.constant 0 : i32
    %dma_start3A_47 = arith.constant 0 : i32
    %dma_start3A_48 = tpu.memref_slice %arg5[%dma_start3A_36, %dma_start3A_45, %dma_start3A_46, %dma_start3A_47] : memref<4x4x4x1024xf32, #tpu.memory_space<vmem>> -> memref<1x4x4x1024xf32, #tpu.memory_space<vmem>>
    %dma_start3A_49 = tpu.memref_squeeze %dma_start3A_48 : memref<1x4x4x1024xf32, #tpu.memory_space<vmem>> -> memref<4x4x1024xf32, #tpu.memory_space<vmem>>
    %dma_start3A_50 = arith.constant 0 : i32
    %dma_start3A_51 = arith.constant 0 : i32
    %dma_start3A_52 = tpu.memref_slice %arg2[%add3A_35, %dma_start3A_50, %dma_start3A_51] : memref<4096x4x1024xf32, #tpu.memory_space<hbm>> -> memref<4x4x1024xf32, #tpu.memory_space<hbm>>
    tpu.enqueue_dma source(%dma_start3A_52 : memref<4x4x1024xf32, #tpu.memory_space<hbm>>) target(%dma_start3A_49 : memref<4x4x1024xf32, #tpu.memory_space<vmem>>) target_semaphore(%arg8 : memref<!tpu.dma_semaphore, #tpu.memory_space<semaphore_mem>>)
    %dma_start3A_53 = arith.constant 1 : i32
    %dma_start3A_54 = arith.constant 0 : i32
    %dma_start3A_55 = arith.constant 0 : i32
    %dma_start3A_56 = tpu.memref_slice %arg6[%dma_start3A_53, %dma_start3A_54, %dma_start3A_55] : memref<4x4x1024xf32, #tpu.memory_space<vmem>> -> memref<1x4x1024xf32, #tpu.memory_space<vmem>>
    %dma_start3A_57 = tpu.memref_squeeze %dma_start3A_56 : memref<1x4x1024xf32, #tpu.memory_space<vmem>> -> memref<4x1024xf32, #tpu.memory_space<vmem>>
    %dma_start3A_58 = arith.constant 0 : i32
    %dma_start3A_59 = tpu.memref_slice %arg3[%add3A_35, %dma_start3A_58] : memref<8192x1024xf32, #tpu.memory_space<hbm>> -> memref<4x1024xf32, #tpu.memory_space<hbm>>
    %dma_start3A_60 = arith.constant 0 : i32
    %dma_start3A_61 = arith.constant 0 : i32
    %dma_start3A_62 = tpu.memref_slice %arg6[%dma_start3A_53, %dma_start3A_60, %dma_start3A_61] : memref<4x4x1024xf32, #tpu.memory_space<vmem>> -> memref<1x4x1024xf32, #tpu.memory_space<vmem>>
    %dma_start3A_63 = tpu.memref_squeeze %dma_start3A_62 : memref<1x4x1024xf32, #tpu.memory_space<vmem>> -> memref<4x1024xf32, #tpu.memory_space<vmem>>
    %dma_start3A_64 = arith.constant 0 : i32
    %dma_start3A_65 = tpu.memref_slice %arg3[%add3A_35, %dma_start3A_64] : memref<8192x1024xf32, #tpu.memory_space<hbm>> -> memref<4x1024xf32, #tpu.memory_space<hbm>>
    tpu.enqueue_dma source(%dma_start3A_65 : memref<4x1024xf32, #tpu.memory_space<hbm>>) target(%dma_start3A_63 : memref<4x1024xf32, #tpu.memory_space<vmem>>) target_semaphore(%arg12 : memref<!tpu.dma_semaphore, #tpu.memory_space<semaphore_mem>>)
    %add3A_66 = arith.constant 8 : i32
    %add3A_67 = arith.addi %mul3A_2, %add3A_66 : i32
    %dma_start3A_68 = arith.constant 2 : i32
    %dma_start3A_69 = arith.constant 0 : i32
    %dma_start3A_70 = arith.constant 0 : i32
    %dma_start3A_71 = arith.constant 0 : i32
    %dma_start3A_72 = tpu.memref_slice %arg5[%dma_start3A_68, %dma_start3A_69, %dma_start3A_70, %dma_start3A_71] : memref<4x4x4x1024xf32, #tpu.memory_space<vmem>> -> memref<1x4x4x1024xf32, #tpu.memory_space<vmem>>
    %dma_start3A_73 = tpu.memref_squeeze %dma_start3A_72 : memref<1x4x4x1024xf32, #tpu.memory_space<vmem>> -> memref<4x4x1024xf32, #tpu.memory_space<vmem>>
    %dma_start3A_74 = arith.constant 0 : i32
    %dma_start3A_75 = arith.constant 0 : i32
    %dma_start3A_76 = tpu.memref_slice %arg2[%add3A_67, %dma_start3A_74, %dma_start3A_75] : memref<4096x4x1024xf32, #tpu.memory_space<hbm>> -> memref<4x4x1024xf32, #tpu.memory_space<hbm>>
    %dma_start3A_77 = arith.constant 0 : i32
    %dma_start3A_78 = arith.constant 0 : i32
    %dma_start3A_79 = arith.constant 0 : i32
    %dma_start3A_80 = tpu.memref_slice %arg5[%dma_start3A_68, %dma_start3A_77, %dma_start3A_78, %dma_start3A_79] : memref<4x4x4x1024xf32, #tpu.memory_space<vmem>> -> memref<1x4x4x1024xf32, #tpu.memory_space<vmem>>
    %dma_start3A_81 = tpu.memref_squeeze %dma_start3A_80 : memref<1x4x4x1024xf32, #tpu.memory_space<vmem>> -> memref<4x4x1024xf32, #tpu.memory_space<vmem>>
    %dma_start3A_82 = arith.constant 0 : i32
    %dma_start3A_83 = arith.constant 0 : i32
    %dma_start3A_84 = tpu.memref_slice %arg2[%add3A_67, %dma_start3A_82, %dma_start3A_83] : memref<4096x4x1024xf32, #tpu.memory_space<hbm>> -> memref<4x4x1024xf32, #tpu.memory_space<hbm>>
    tpu.enqueue_dma source(%dma_start3A_84 : memref<4x4x1024xf32, #tpu.memory_space<hbm>>) target(%dma_start3A_81 : memref<4x4x1024xf32, #tpu.memory_space<vmem>>) target_semaphore(%arg9 : memref<!tpu.dma_semaphore, #tpu.memory_space<semaphore_mem>>)
    %dma_start3A_85 = arith.constant 2 : i32
    %dma_start3A_86 = arith.constant 0 : i32
    %dma_start3A_87 = arith.constant 0 : i32
    %dma_start3A_88 = tpu.memref_slice %arg6[%dma_start3A_85, %dma_start3A_86, %dma_start3A_87] : memref<4x4x1024xf32, #tpu.memory_space<vmem>> -> memref<1x4x1024xf32, #tpu.memory_space<vmem>>
    %dma_start3A_89 = tpu.memref_squeeze %dma_start3A_88 : memref<1x4x1024xf32, #tpu.memory_space<vmem>> -> memref<4x1024xf32, #tpu.memory_space<vmem>>
    %dma_start3A_90 = arith.constant 0 : i32
    %dma_start3A_91 = tpu.memref_slice %arg3[%add3A_67, %dma_start3A_90] : memref<8192x1024xf32, #tpu.memory_space<hbm>> -> memref<4x1024xf32, #tpu.memory_space<hbm>>
    %dma_start3A_92 = arith.constant 0 : i32
    %dma_start3A_93 = arith.constant 0 : i32
    %dma_start3A_94 = tpu.memref_slice %arg6[%dma_start3A_85, %dma_start3A_92, %dma_start3A_93] : memref<4x4x1024xf32, #tpu.memory_space<vmem>> -> memref<1x4x1024xf32, #tpu.memory_space<vmem>>
    %dma_start3A_95 = tpu.memref_squeeze %dma_start3A_94 : memref<1x4x1024xf32, #tpu.memory_space<vmem>> -> memref<4x1024xf32, #tpu.memory_space<vmem>>
    %dma_start3A_96 = arith.constant 0 : i32
    %dma_start3A_97 = tpu.memref_slice %arg3[%add3A_67, %dma_start3A_96] : memref<8192x1024xf32, #tpu.memory_space<hbm>> -> memref<4x1024xf32, #tpu.memory_space<hbm>>
    tpu.enqueue_dma source(%dma_start3A_97 : memref<4x1024xf32, #tpu.memory_space<hbm>>) target(%dma_start3A_95 : memref<4x1024xf32, #tpu.memory_space<vmem>>) target_semaphore(%arg13 : memref<!tpu.dma_semaphore, #tpu.memory_space<semaphore_mem>>)
    %add3A_98 = arith.constant 0 : i32
    %add3A_99 = arith.addi %mul3A_2, %add3A_98 : i32
    %dma_wait3A = arith.constant 0 : i32
    %dma_wait3A_100 = arith.constant 0 : i32
    %dma_wait3A_101 = arith.constant 0 : i32
    %dma_wait3A_102 = arith.constant 0 : i32
    %dma_wait3A_103 = tpu.memref_slice %arg5[%dma_wait3A, %dma_wait3A_100, %dma_wait3A_101, %dma_wait3A_102] : memref<4x4x4x1024xf32, #tpu.memory_space<vmem>> -> memref<1x4x4x1024xf32, #tpu.memory_space<vmem>>
    %dma_wait3A_104 = tpu.memref_squeeze %dma_wait3A_103 : memref<1x4x4x1024xf32, #tpu.memory_space<vmem>> -> memref<4x4x1024xf32, #tpu.memory_space<vmem>>
    %dma_wait3A_105 = arith.constant 0 : i32
    %dma_wait3A_106 = arith.constant 0 : i32
    %dma_wait3A_107 = tpu.memref_slice %arg2[%add3A_99, %dma_wait3A_105, %dma_wait3A_106] : memref<4096x4x1024xf32, #tpu.memory_space<hbm>> -> memref<4x4x1024xf32, #tpu.memory_space<hbm>>
    %dma_wait3A_108 = arith.constant 0 : i32
    %dma_wait3A_109 = arith.constant 0 : i32
    %dma_wait3A_110 = arith.constant 0 : i32
    %dma_wait3A_111 = tpu.memref_slice %arg5[%dma_wait3A, %dma_wait3A_108, %dma_wait3A_109, %dma_wait3A_110] : memref<4x4x4x1024xf32, #tpu.memory_space<vmem>> -> memref<1x4x4x1024xf32, #tpu.memory_space<vmem>>
    %dma_wait3A_112 = tpu.memref_squeeze %dma_wait3A_111 : memref<1x4x4x1024xf32, #tpu.memory_space<vmem>> -> memref<4x4x1024xf32, #tpu.memory_space<vmem>>
    %dma_wait3A_113 = arith.constant 0 : i32
    %dma_wait3A_114 = arith.constant 0 : i32
    %dma_wait3A_115 = tpu.memref_slice %arg2[%add3A_99, %dma_wait3A_113, %dma_wait3A_114] : memref<4096x4x1024xf32, #tpu.memory_space<hbm>> -> memref<4x4x1024xf32, #tpu.memory_space<hbm>>
    tpu.wait_dma2 semaphore(%arg7 : memref<!tpu.dma_semaphore, #tpu.memory_space<semaphore_mem>>) src(%dma_wait3A_115 : memref<4x4x1024xf32, #tpu.memory_space<hbm>>) dst(%dma_wait3A_112 : memref<4x4x1024xf32, #tpu.memory_space<vmem>>)
    %dma_wait3A_116 = arith.constant 0 : i32
    %dma_wait3A_117 = arith.constant 0 : i32
    %dma_wait3A_118 = arith.constant 0 : i32
    %dma_wait3A_119 = tpu.memref_slice %arg6[%dma_wait3A_116, %dma_wait3A_117, %dma_wait3A_118] : memref<4x4x1024xf32, #tpu.memory_space<vmem>> -> memref<1x4x1024xf32, #tpu.memory_space<vmem>>
    %dma_wait3A_120 = tpu.memref_squeeze %dma_wait3A_119 : memref<1x4x1024xf32, #tpu.memory_space<vmem>> -> memref<4x1024xf32, #tpu.memory_space<vmem>>
    %dma_wait3A_121 = arith.constant 0 : i32
    %dma_wait3A_122 = tpu.memref_slice %arg3[%add3A_99, %dma_wait3A_121] : memref<8192x1024xf32, #tpu.memory_space<hbm>> -> memref<4x1024xf32, #tpu.memory_space<hbm>>
    %dma_wait3A_123 = arith.constant 0 : i32
    %dma_wait3A_124 = arith.constant 0 : i32
    %dma_wait3A_125 = tpu.memref_slice %arg6[%dma_wait3A_116, %dma_wait3A_123, %dma_wait3A_124] : memref<4x4x1024xf32, #tpu.memory_space<vmem>> -> memref<1x4x1024xf32, #tpu.memory_space<vmem>>
    %dma_wait3A_126 = tpu.memref_squeeze %dma_wait3A_125 : memref<1x4x1024xf32, #tpu.memory_space<vmem>> -> memref<4x1024xf32, #tpu.memory_space<vmem>>
    %dma_wait3A_127 = arith.constant 0 : i32
    %dma_wait3A_128 = tpu.memref_slice %arg3[%add3A_99, %dma_wait3A_127] : memref<8192x1024xf32, #tpu.memory_space<hbm>> -> memref<4x1024xf32, #tpu.memory_space<hbm>>
    tpu.wait_dma2 semaphore(%arg11 : memref<!tpu.dma_semaphore, #tpu.memory_space<semaphore_mem>>) src(%dma_wait3A_128 : memref<4x1024xf32, #tpu.memory_space<hbm>>) dst(%dma_wait3A_126 : memref<4x1024xf32, #tpu.memory_space<vmem>>)
    %scan3A = arith.constant 0 : i32
    %scan3A_129 = arith.constant 0 : i32
    %scan3A_130 = arith.constant 64 : i32
    %scan3A_131 = arith.addi %scan3A_129, %scan3A_130 : i32
    %scan3A_132 = arith.constant 1 : i32
    scf.for %scan3A_438 = %scan3A_129 to %scan3A_131 step %scan3A_132  : i32 {
      %mul3A_439 = arith.constant 1 : i32
      %mul3A_440 = arith.muli %scan3A_438, %mul3A_439 : i32
      %add3A_441 = arith.constant 0 : i32
      %add3A_442 = arith.addi %mul3A_440, %add3A_441 : i32
      %mul3A_443 = arith.constant 16 : i32
      %mul3A_444 = arith.muli %add3A_442, %mul3A_443 : i32
      %multiple_of3A = tpu.assume_multiple %mul3A_444, 16 : i32
      %get3A = arith.constant 0 : i32
      %get3A_445 = arith.constant 0 : i32
      %get3A_446 = arith.index_cast %get3A : i32 to index
      %get3A_447 = arith.index_cast %get3A_445 : i32 to index
      %get3A_448 = arith.index_cast %multiple_of3A : i32 to index
      %get3A_449 = tpu.vector_load %arg6[%get3A_446, %get3A_447, %get3A_448] {strides = array<i32>} : memref<4x4x1024xf32, #tpu.memory_space<vmem>>, vector<1x1x16xf32>,
      %get3A_450 = vector.shape_cast %get3A_449 : vector<1x1x16xf32> to vector<16xf32>
      %swap3A = arith.constant 0 : i32
      %swap3A_451 = arith.constant 0 : i32
      %swap3A_452 = arith.constant 0 : i32
      %swap3A_453 = arith.index_cast %swap3A : i32 to index
      %swap3A_454 = arith.index_cast %swap3A_451 : i32 to index
      %swap3A_455 = arith.index_cast %swap3A_452 : i32 to index
      %swap3A_456 = arith.index_cast %multiple_of3A : i32 to index
      %swap3A_457 = tpu.vector_load %arg5[%swap3A_453, %swap3A_454, %swap3A_455, %swap3A_456] {strides = array<i32>} : memref<4x4x4x1024xf32, #tpu.memory_space<vmem>>, vector<1x1x1x16xf32>,
      %swap3A_458 = vector.shape_cast %swap3A_457 : vector<1x1x1x16xf32> to vector<16xf32>
      %swap3A_459 = vector.shape_cast %get3A_450 : vector<16xf32> to vector<1x1x1x16xf32>
      tpu.vector_store %arg5[%swap3A_453, %swap3A_454, %swap3A_455, %swap3A_456], %swap3A_459 {add = true, strides = array<i32>} : memref<4x4x4x1024xf32, #tpu.memory_space<vmem>>, vector<1x1x1x16xf32>,
      %swap3A_460 = arith.constant 0 : i32
      %swap3A_461 = arith.constant 0 : i32
      %swap3A_462 = arith.constant 1 : i32
      %swap3A_463 = arith.index_cast %swap3A_460 : i32 to index
      %swap3A_464 = arith.index_cast %swap3A_461 : i32 to index
      %swap3A_465 = arith.index_cast %swap3A_462 : i32 to index
      %swap3A_466 = arith.index_cast %multiple_of3A : i32 to index
      %swap3A_467 = tpu.vector_load %arg5[%swap3A_463, %swap3A_464, %swap3A_465, %swap3A_466] {strides = array<i32>} : memref<4x4x4x1024xf32, #tpu.memory_space<vmem>>, vector<1x1x1x16xf32>,
      %swap3A_468 = vector.shape_cast %swap3A_467 : vector<1x1x1x16xf32> to vector<16xf32>
      %swap3A_469 = vector.shape_cast %get3A_450 : vector<16xf32> to vector<1x1x1x16xf32>
      tpu.vector_store %arg5[%swap3A_463, %swap3A_464, %swap3A_465, %swap3A_466], %swap3A_469 {add = true, strides = array<i32>} : memref<4x4x4x1024xf32, #tpu.memory_space<vmem>>, vector<1x1x1x16xf32>,
      %swap3A_470 = arith.constant 0 : i32
      %swap3A_471 = arith.constant 0 : i32
      %swap3A_472 = arith.constant 2 : i32
      %swap3A_473 = arith.index_cast %swap3A_470 : i32 to index
      %swap3A_474 = arith.index_cast %swap3A_471 : i32 to index
      %swap3A_475 = arith.index_cast %swap3A_472 : i32 to index
      %swap3A_476 = arith.index_cast %multiple_of3A : i32 to index
      %swap3A_477 = tpu.vector_load %arg5[%swap3A_473, %swap3A_474, %swap3A_475, %swap3A_476] {strides = array<i32>} : memref<4x4x4x1024xf32, #tpu.memory_space<vmem>>, vector<1x1x1x16xf32>,
      %swap3A_478 = vector.shape_cast %swap3A_477 : vector<1x1x1x16xf32> to vector<16xf32>
      %swap3A_479 = vector.shape_cast %get3A_450 : vector<16xf32> to vector<1x1x1x16xf32>
      tpu.vector_store %arg5[%swap3A_473, %swap3A_474, %swap3A_475, %swap3A_476], %swap3A_479 {add = true, strides = array<i32>} : memref<4x4x4x1024xf32, #tpu.memory_space<vmem>>, vector<1x1x1x16xf32>,
      %swap3A_480 = arith.constant 0 : i32
      %swap3A_481 = arith.constant 0 : i32
      %swap3A_482 = arith.constant 3 : i32
      %swap3A_483 = arith.index_cast %swap3A_480 : i32 to index
      %swap3A_484 = arith.index_cast %swap3A_481 : i32 to index
      %swap3A_485 = arith.index_cast %swap3A_482 : i32 to index
      %swap3A_486 = arith.index_cast %multiple_of3A : i32 to index
      %swap3A_487 = tpu.vector_load %arg5[%swap3A_483, %swap3A_484, %swap3A_485, %swap3A_486] {strides = array<i32>} : memref<4x4x4x1024xf32, #tpu.memory_space<vmem>>, vector<1x1x1x16xf32>,
      %swap3A_488 = vector.shape_cast %swap3A_487 : vector<1x1x1x16xf32> to vector<16xf32>
      %swap3A_489 = vector.shape_cast %get3A_450 : vector<16xf32> to vector<1x1x1x16xf32>
      tpu.vector_store %arg5[%swap3A_483, %swap3A_484, %swap3A_485, %swap3A_486], %swap3A_489 {add = true, strides = array<i32>} : memref<4x4x4x1024xf32, #tpu.memory_space<vmem>>, vector<1x1x1x16xf32>,
      %get3A_490 = arith.constant 0 : i32
      %get3A_491 = arith.constant 1 : i32
      %get3A_492 = arith.index_cast %get3A_490 : i32 to index
      %get3A_493 = arith.index_cast %get3A_491 : i32 to index
      %get3A_494 = arith.index_cast %multiple_of3A : i32 to index
      %get3A_495 = tpu.vector_load %arg6[%get3A_492, %get3A_493, %get3A_494] {strides = array<i32>} : memref<4x4x1024xf32, #tpu.memory_space<vmem>>, vector<1x1x16xf32>,
      %get3A_496 = vector.shape_cast %get3A_495 : vector<1x1x16xf32> to vector<16xf32>
      %swap3A_497 = arith.constant 0 : i32
      %swap3A_498 = arith.constant 1 : i32
      %swap3A_499 = arith.constant 0 : i32
      %swap3A_500 = arith.index_cast %swap3A_497 : i32 to index
      %swap3A_501 = arith.index_cast %swap3A_498 : i32 to index
      %swap3A_502 = arith.index_cast %swap3A_499 : i32 to index
      %swap3A_503 = arith.index_cast %multiple_of3A : i32 to index
      %swap3A_504 = tpu.vector_load %arg5[%swap3A_500, %swap3A_501, %swap3A_502, %swap3A_503] {strides = array<i32>} : memref<4x4x4x1024xf32, #tpu.memory_space<vmem>>, vector<1x1x1x16xf32>,
      %swap3A_505 = vector.shape_cast %swap3A_504 : vector<1x1x1x16xf32> to vector<16xf32>
      %swap3A_506 = vector.shape_cast %get3A_496 : vector<16xf32> to vector<1x1x1x16xf32>
      tpu.vector_store %arg5[%swap3A_500, %swap3A_501, %swap3A_502, %swap3A_503], %swap3A_506 {add = true, strides = array<i32>} : memref<4x4x4x1024xf32, #tpu.memory_space<vmem>>, vector<1x1x1x16xf32>,
      %swap3A_507 = arith.constant 0 : i32
      %swap3A_508 = arith.constant 1 : i32
      %swap3A_509 = arith.constant 1 : i32
      %swap3A_510 = arith.index_cast %swap3A_507 : i32 to index
      %swap3A_511 = arith.index_cast %swap3A_508 : i32 to index
      %swap3A_512 = arith.index_cast %swap3A_509 : i32 to index
      %swap3A_513 = arith.index_cast %multiple_of3A : i32 to index
      %swap3A_514 = tpu.vector_load %arg5[%swap3A_510, %swap3A_511, %swap3A_512, %swap3A_513] {strides = array<i32>} : memref<4x4x4x1024xf32, #tpu.memory_space<vmem>>, vector<1x1x1x16xf32>,
      %swap3A_515 = vector.shape_cast %swap3A_514 : vector<1x1x1x16xf32> to vector<16xf32>
      %swap3A_516 = vector.shape_cast %get3A_496 : vector<16xf32> to vector<1x1x1x16xf32>
      tpu.vector_store %arg5[%swap3A_510, %swap3A_511, %swap3A_512, %swap3A_513], %swap3A_516 {add = true, strides = array<i32>} : memref<4x4x4x1024xf32, #tpu.memory_space<vmem>>, vector<1x1x1x16xf32>,
      %swap3A_517 = arith.constant 0 : i32
      %swap3A_518 = arith.constant 1 : i32
      %swap3A_519 = arith.constant 2 : i32
      %swap3A_520 = arith.index_cast %swap3A_517 : i32 to index
      %swap3A_521 = arith.index_cast %swap3A_518 : i32 to index
      %swap3A_522 = arith.index_cast %swap3A_519 : i32 to index
      %swap3A_523 = arith.index_cast %multiple_of3A : i32 to index
      %swap3A_524 = tpu.vector_load %arg5[%swap3A_520, %swap3A_521, %swap3A_522, %swap3A_523] {strides = array<i32>} : memref<4x4x4x1024xf32, #tpu.memory_space<vmem>>, vector<1x1x1x16xf32>,
      %swap3A_525 = vector.shape_cast %swap3A_524 : vector<1x1x1x16xf32> to vector<16xf32>
      %swap3A_526 = vector.shape_cast %get3A_496 : vector<16xf32> to vector<1x1x1x16xf32>
      tpu.vector_store %arg5[%swap3A_520, %swap3A_521, %swap3A_522, %swap3A_523], %swap3A_526 {add = true, strides = array<i32>} : memref<4x4x4x1024xf32, #tpu.memory_space<vmem>>, vector<1x1x1x16xf32>,
      %swap3A_527 = arith.constant 0 : i32
      %swap3A_528 = arith.constant 1 : i32
      %swap3A_529 = arith.constant 3 : i32
      %swap3A_530 = arith.index_cast %swap3A_527 : i32 to index
      %swap3A_531 = arith.index_cast %swap3A_528 : i32 to index
      %swap3A_532 = arith.index_cast %swap3A_529 : i32 to index
      %swap3A_533 = arith.index_cast %multiple_of3A : i32 to index
      %swap3A_534 = tpu.vector_load %arg5[%swap3A_530, %swap3A_531, %swap3A_532, %swap3A_533] {strides = array<i32>} : memref<4x4x4x1024xf32, #tpu.memory_space<vmem>>, vector<1x1x1x16xf32>,
      %swap3A_535 = vector.shape_cast %swap3A_534 : vector<1x1x1x16xf32> to vector<16xf32>
      %swap3A_536 = vector.shape_cast %get3A_496 : vector<16xf32> to vector<1x1x1x16xf32>
      tpu.vector_store %arg5[%swap3A_530, %swap3A_531, %swap3A_532, %swap3A_533], %swap3A_536 {add = true, strides = array<i32>} : memref<4x4x4x1024xf32, #tpu.memory_space<vmem>>, vector<1x1x1x16xf32>,
      %get3A_537 = arith.constant 0 : i32
      %get3A_538 = arith.constant 2 : i32
      %get3A_539 = arith.index_cast %get3A_537 : i32 to index
      %get3A_540 = arith.index_cast %get3A_538 : i32 to index
      %get3A_541 = arith.index_cast %multiple_of3A : i32 to index
      %get3A_542 = tpu.vector_load %arg6[%get3A_539, %get3A_540, %get3A_541] {strides = array<i32>} : memref<4x4x1024xf32, #tpu.memory_space<vmem>>, vector<1x1x16xf32>,
      %get3A_543 = vector.shape_cast %get3A_542 : vector<1x1x16xf32> to vector<16xf32>
      %swap3A_544 = arith.constant 0 : i32
      %swap3A_545 = arith.constant 2 : i32
      %swap3A_546 = arith.constant 0 : i32
      %swap3A_547 = arith.index_cast %swap3A_544 : i32 to index
      %swap3A_548 = arith.index_cast %swap3A_545 : i32 to index
      %swap3A_549 = arith.index_cast %swap3A_546 : i32 to index
      %swap3A_550 = arith.index_cast %multiple_of3A : i32 to index
      %swap3A_551 = tpu.vector_load %arg5[%swap3A_547, %swap3A_548, %swap3A_549, %swap3A_550] {strides = array<i32>} : memref<4x4x4x1024xf32, #tpu.memory_space<vmem>>, vector<1x1x1x16xf32>,
      %swap3A_552 = vector.shape_cast %swap3A_551 : vector<1x1x1x16xf32> to vector<16xf32>
      %swap3A_553 = vector.shape_cast %get3A_543 : vector<16xf32> to vector<1x1x1x16xf32>
      tpu.vector_store %arg5[%swap3A_547, %swap3A_548, %swap3A_549, %swap3A_550], %swap3A_553 {add = true, strides = array<i32>} : memref<4x4x4x1024xf32, #tpu.memory_space<vmem>>, vector<1x1x1x16xf32>,
      %swap3A_554 = arith.constant 0 : i32
      %swap3A_555 = arith.constant 2 : i32
      %swap3A_556 = arith.constant 1 : i32
      %swap3A_557 = arith.index_cast %swap3A_554 : i32 to index
      %swap3A_558 = arith.index_cast %swap3A_555 : i32 to index
      %swap3A_559 = arith.index_cast %swap3A_556 : i32 to index
      %swap3A_560 = arith.index_cast %multiple_of3A : i32 to index
      %swap3A_561 = tpu.vector_load %arg5[%swap3A_557, %swap3A_558, %swap3A_559, %swap3A_560] {strides = array<i32>} : memref<4x4x4x1024xf32, #tpu.memory_space<vmem>>, vector<1x1x1x16xf32>,
      %swap3A_562 = vector.shape_cast %swap3A_561 : vector<1x1x1x16xf32> to vector<16xf32>
      %swap3A_563 = vector.shape_cast %get3A_543 : vector<16xf32> to vector<1x1x1x16xf32>
      tpu.vector_store %arg5[%swap3A_557, %swap3A_558, %swap3A_559, %swap3A_560], %swap3A_563 {add = true, strides = array<i32>} : memref<4x4x4x1024xf32, #tpu.memory_space<vmem>>, vector<1x1x1x16xf32>,
      %swap3A_564 = arith.constant 0 : i32
      %swap3A_565 = arith.constant 2 : i32
      %swap3A_566 = arith.constant 2 : i32
      %swap3A_567 = arith.index_cast %swap3A_564 : i32 to index
      %swap3A_568 = arith.index_cast %swap3A_565 : i32 to index
      %swap3A_569 = arith.index_cast %swap3A_566 : i32 to index
      %swap3A_570 = arith.index_cast %multiple_of3A : i32 to index
      %swap3A_571 = tpu.vector_load %arg5[%swap3A_567, %swap3A_568, %swap3A_569, %swap3A_570] {strides = array<i32>} : memref<4x4x4x1024xf32, #tpu.memory_space<vmem>>, vector<1x1x1x16xf32>,
      %swap3A_572 = vector.shape_cast %swap3A_571 : vector<1x1x1x16xf32> to vector<16xf32>
      %swap3A_573 = vector.shape_cast %get3A_543 : vector<16xf32> to vector<1x1x1x16xf32>
      tpu.vector_store %arg5[%swap3A_567, %swap3A_568, %swap3A_569, %swap3A_570], %swap3A_573 {add = true, strides = array<i32>} : memref<4x4x4x1024xf32, #tpu.memory_space<vmem>>, vector<1x1x1x16xf32>,
      %swap3A_574 = arith.constant 0 : i32
      %swap3A_575 = arith.constant 2 : i32
      %swap3A_576 = arith.constant 3 : i32
      %swap3A_577 = arith.index_cast %swap3A_574 : i32 to index
      %swap3A_578 = arith.index_cast %swap3A_575 : i32 to index
      %swap3A_579 = arith.index_cast %swap3A_576 : i32 to index
      %swap3A_580 = arith.index_cast %multiple_of3A : i32 to index
      %swap3A_581 = tpu.vector_load %arg5[%swap3A_577, %swap3A_578, %swap3A_579, %swap3A_580] {strides = array<i32>} : memref<4x4x4x1024xf32, #tpu.memory_space<vmem>>, vector<1x1x1x16xf32>,
      %swap3A_582 = vector.shape_cast %swap3A_581 : vector<1x1x1x16xf32> to vector<16xf32>
      %swap3A_583 = vector.shape_cast %get3A_543 : vector<16xf32> to vector<1x1x1x16xf32>
      tpu.vector_store %arg5[%swap3A_577, %swap3A_578, %swap3A_579, %swap3A_580], %swap3A_583 {add = true, strides = array<i32>} : memref<4x4x4x1024xf32, #tpu.memory_space<vmem>>, vector<1x1x1x16xf32>,
      %get3A_584 = arith.constant 0 : i32
      %get3A_585 = arith.constant 3 : i32
      %get3A_586 = arith.index_cast %get3A_584 : i32 to index
      %get3A_587 = arith.index_cast %get3A_585 : i32 to index
      %get3A_588 = arith.index_cast %multiple_of3A : i32 to index
      %get3A_589 = tpu.vector_load %arg6[%get3A_586, %get3A_587, %get3A_588] {strides = array<i32>} : memref<4x4x1024xf32, #tpu.memory_space<vmem>>, vector<1x1x16xf32>,
      %get3A_590 = vector.shape_cast %get3A_589 : vector<1x1x16xf32> to vector<16xf32>
      %swap3A_591 = arith.constant 0 : i32
      %swap3A_592 = arith.constant 3 : i32
      %swap3A_593 = arith.constant 0 : i32
      %swap3A_594 = arith.index_cast %swap3A_591 : i32 to index
      %swap3A_595 = arith.index_cast %swap3A_592 : i32 to index
      %swap3A_596 = arith.index_cast %swap3A_593 : i32 to index
      %swap3A_597 = arith.index_cast %multiple_of3A : i32 to index
      %swap3A_598 = tpu.vector_load %arg5[%swap3A_594, %swap3A_595, %swap3A_596, %swap3A_597] {strides = array<i32>} : memref<4x4x4x1024xf32, #tpu.memory_space<vmem>>, vector<1x1x1x16xf32>,
      %swap3A_599 = vector.shape_cast %swap3A_598 : vector<1x1x1x16xf32> to vector<16xf32>
      %swap3A_600 = vector.shape_cast %get3A_590 : vector<16xf32> to vector<1x1x1x16xf32>
      tpu.vector_store %arg5[%swap3A_594, %swap3A_595, %swap3A_596, %swap3A_597], %swap3A_600 {add = true, strides = array<i32>} : memref<4x4x4x1024xf32, #tpu.memory_space<vmem>>, vector<1x1x1x16xf32>,
      %swap3A_601 = arith.constant 0 : i32
      %swap3A_602 = arith.constant 3 : i32
      %swap3A_603 = arith.constant 1 : i32
      %swap3A_604 = arith.index_cast %swap3A_601 : i32 to index
      %swap3A_605 = arith.index_cast %swap3A_602 : i32 to index
      %swap3A_606 = arith.index_cast %swap3A_603 : i32 to index
      %swap3A_607 = arith.index_cast %multiple_of3A : i32 to index
      %swap3A_608 = tpu.vector_load %arg5[%swap3A_604, %swap3A_605, %swap3A_606, %swap3A_607] {strides = array<i32>} : memref<4x4x4x1024xf32, #tpu.memory_space<vmem>>, vector<1x1x1x16xf32>,
      %swap3A_609 = vector.shape_cast %swap3A_608 : vector<1x1x1x16xf32> to vector<16xf32>
      %swap3A_610 = vector.shape_cast %get3A_590 : vector<16xf32> to vector<1x1x1x16xf32>
      tpu.vector_store %arg5[%swap3A_604, %swap3A_605, %swap3A_606, %swap3A_607], %swap3A_610 {add = true, strides = array<i32>} : memref<4x4x4x1024xf32, #tpu.memory_space<vmem>>, vector<1x1x1x16xf32>,
      %swap3A_611 = arith.constant 0 : i32
      %swap3A_612 = arith.constant 3 : i32
      %swap3A_613 = arith.constant 2 : i32
      %swap3A_614 = arith.index_cast %swap3A_611 : i32 to index
      %swap3A_615 = arith.index_cast %swap3A_612 : i32 to index
      %swap3A_616 = arith.index_cast %swap3A_613 : i32 to index
      %swap3A_617 = arith.index_cast %multiple_of3A : i32 to index
      %swap3A_618 = tpu.vector_load %arg5[%swap3A_614, %swap3A_615, %swap3A_616, %swap3A_617] {strides = array<i32>} : memref<4x4x4x1024xf32, #tpu.memory_space<vmem>>, vector<1x1x1x16xf32>,
      %swap3A_619 = vector.shape_cast %swap3A_618 : vector<1x1x1x16xf32> to vector<16xf32>
      %swap3A_620 = vector.shape_cast %get3A_590 : vector<16xf32> to vector<1x1x1x16xf32>
      tpu.vector_store %arg5[%swap3A_614, %swap3A_615, %swap3A_616, %swap3A_617], %swap3A_620 {add = true, strides = array<i32>} : memref<4x4x4x1024xf32, #tpu.memory_space<vmem>>, vector<1x1x1x16xf32>,
      %swap3A_621 = arith.constant 0 : i32
      %swap3A_622 = arith.constant 3 : i32
      %swap3A_623 = arith.constant 3 : i32
      %swap3A_624 = arith.index_cast %swap3A_621 : i32 to index
      %swap3A_625 = arith.index_cast %swap3A_622 : i32 to index
      %swap3A_626 = arith.index_cast %swap3A_623 : i32 to index
      %swap3A_627 = arith.index_cast %multiple_of3A : i32 to index
      %swap3A_628 = tpu.vector_load %arg5[%swap3A_624, %swap3A_625, %swap3A_626, %swap3A_627] {strides = array<i32>} : memref<4x4x4x1024xf32, #tpu.memory_space<vmem>>, vector<1x1x1x16xf32>,
      %swap3A_629 = vector.shape_cast %swap3A_628 : vector<1x1x1x16xf32> to vector<16xf32>
      %swap3A_630 = vector.shape_cast %get3A_590 : vector<16xf32> to vector<1x1x1x16xf32>
      tpu.vector_store %arg5[%swap3A_624, %swap3A_625, %swap3A_626, %swap3A_627], %swap3A_630 {add = true, strides = array<i32>} : memref<4x4x4x1024xf32, #tpu.memory_space<vmem>>, vector<1x1x1x16xf32>,
    }
    %scan3A_133 = arith.constant 64 : i32
    %add3A_134 = arith.constant 0 : i32
    %add3A_135 = arith.addi %mul3A_2, %add3A_134 : i32
    %dma_start3A_136 = arith.constant 0 : i32
    %dma_start3A_137 = arith.constant 0 : i32
    %dma_start3A_138 = arith.constant 0 : i32
    %dma_start3A_139 = arith.constant 0 : i32
    %dma_start3A_140 = tpu.memref_slice %arg5[%dma_start3A_136, %dma_start3A_137, %dma_start3A_138, %dma_start3A_139] : memref<4x4x4x1024xf32, #tpu.memory_space<vmem>> -> memref<1x4x4x1024xf32, #tpu.memory_space<vmem>>
    %dma_start3A_141 = tpu.memref_squeeze %dma_start3A_140 : memref<1x4x4x1024xf32, #tpu.memory_space<vmem>> -> memref<4x4x1024xf32, #tpu.memory_space<vmem>>
    %dma_start3A_142 = arith.constant 0 : i32
    %dma_start3A_143 = arith.constant 0 : i32
    %dma_start3A_144 = tpu.memref_slice %arg4[%add3A_135, %dma_start3A_142, %dma_start3A_143] : memref<4096x4x1024xf32, #tpu.memory_space<hbm>> -> memref<4x4x1024xf32, #tpu.memory_space<hbm>>
    %dma_start3A_145 = arith.constant 0 : i32
    %dma_start3A_146 = arith.constant 0 : i32
    %dma_start3A_147 = tpu.memref_slice %arg4[%add3A_135, %dma_start3A_145, %dma_start3A_146] : memref<4096x4x1024xf32, #tpu.memory_space<hbm>> -> memref<4x4x1024xf32, #tpu.memory_space<hbm>>
    %dma_start3A_148 = arith.constant 0 : i32
    %dma_start3A_149 = arith.constant 0 : i32
    %dma_start3A_150 = arith.constant 0 : i32
    %dma_start3A_151 = tpu.memref_slice %arg5[%dma_start3A_136, %dma_start3A_148, %dma_start3A_149, %dma_start3A_150] : memref<4x4x4x1024xf32, #tpu.memory_space<vmem>> -> memref<1x4x4x1024xf32, #tpu.memory_space<vmem>>
    %dma_start3A_152 = tpu.memref_squeeze %dma_start3A_151 : memref<1x4x4x1024xf32, #tpu.memory_space<vmem>> -> memref<4x4x1024xf32, #tpu.memory_space<vmem>>
    tpu.enqueue_dma source(%dma_start3A_152 : memref<4x4x1024xf32, #tpu.memory_space<vmem>>) target(%dma_start3A_147 : memref<4x4x1024xf32, #tpu.memory_space<hbm>>) target_semaphore(%arg15 : memref<!tpu.dma_semaphore, #tpu.memory_space<semaphore_mem>>)
    %add3A_153 = arith.constant 12 : i32
    %add3A_154 = arith.addi %mul3A_2, %add3A_153 : i32
    %dma_start3A_155 = arith.constant 3 : i32
    %dma_start3A_156 = arith.constant 0 : i32
    %dma_start3A_157 = arith.constant 0 : i32
    %dma_start3A_158 = arith.constant 0 : i32
    %dma_start3A_159 = tpu.memref_slice %arg5[%dma_start3A_155, %dma_start3A_156, %dma_start3A_157, %dma_start3A_158] : memref<4x4x4x1024xf32, #tpu.memory_space<vmem>> -> memref<1x4x4x1024xf32, #tpu.memory_space<vmem>>
    %dma_start3A_160 = tpu.memref_squeeze %dma_start3A_159 : memref<1x4x4x1024xf32, #tpu.memory_space<vmem>> -> memref<4x4x1024xf32, #tpu.memory_space<vmem>>
    %dma_start3A_161 = arith.constant 0 : i32
    %dma_start3A_162 = arith.constant 0 : i32
    %dma_start3A_163 = tpu.memref_slice %arg2[%add3A_154, %dma_start3A_161, %dma_start3A_162] : memref<4096x4x1024xf32, #tpu.memory_space<hbm>> -> memref<4x4x1024xf32, #tpu.memory_space<hbm>>
    %dma_start3A_164 = arith.constant 0 : i32
    %dma_start3A_165 = arith.constant 0 : i32
    %dma_start3A_166 = arith.constant 0 : i32
    %dma_start3A_167 = tpu.memref_slice %arg5[%dma_start3A_155, %dma_start3A_164, %dma_start3A_165, %dma_start3A_166] : memref<4x4x4x1024xf32, #tpu.memory_space<vmem>> -> memref<1x4x4x1024xf32, #tpu.memory_space<vmem>>
    %dma_start3A_168 = tpu.memref_squeeze %dma_start3A_167 : memref<1x4x4x1024xf32, #tpu.memory_space<vmem>> -> memref<4x4x1024xf32, #tpu.memory_space<vmem>>
    %dma_start3A_169 = arith.constant 0 : i32
    %dma_start3A_170 = arith.constant 0 : i32
    %dma_start3A_171 = tpu.memref_slice %arg2[%add3A_154, %dma_start3A_169, %dma_start3A_170] : memref<4096x4x1024xf32, #tpu.memory_space<hbm>> -> memref<4x4x1024xf32, #tpu.memory_space<hbm>>
    tpu.enqueue_dma source(%dma_start3A_171 : memref<4x4x1024xf32, #tpu.memory_space<hbm>>) target(%dma_start3A_168 : memref<4x4x1024xf32, #tpu.memory_space<vmem>>) target_semaphore(%arg10 : memref<!tpu.dma_semaphore, #tpu.memory_space<semaphore_mem>>)
    %dma_start3A_172 = arith.constant 3 : i32
    %dma_start3A_173 = arith.constant 0 : i32
    %dma_start3A_174 = arith.constant 0 : i32
    %dma_start3A_175 = tpu.memref_slice %arg6[%dma_start3A_172, %dma_start3A_173, %dma_start3A_174] : memref<4x4x1024xf32, #tpu.memory_space<vmem>> -> memref<1x4x1024xf32, #tpu.memory_space<vmem>>
    %dma_start3A_176 = tpu.memref_squeeze %dma_start3A_175 : memref<1x4x1024xf32, #tpu.memory_space<vmem>> -> memref<4x1024xf32, #tpu.memory_space<vmem>>
    %dma_start3A_177 = arith.constant 0 : i32
    %dma_start3A_178 = tpu.memref_slice %arg3[%add3A_154, %dma_start3A_177] : memref<8192x1024xf32, #tpu.memory_space<hbm>> -> memref<4x1024xf32, #tpu.memory_space<hbm>>
    %dma_start3A_179 = arith.constant 0 : i32
    %dma_start3A_180 = arith.constant 0 : i32
    %dma_start3A_181 = tpu.memref_slice %arg6[%dma_start3A_172, %dma_start3A_179, %dma_start3A_180] : memref<4x4x1024xf32, #tpu.memory_space<vmem>> -> memref<1x4x1024xf32, #tpu.memory_space<vmem>>
    %dma_start3A_182 = tpu.memref_squeeze %dma_start3A_181 : memref<1x4x1024xf32, #tpu.memory_space<vmem>> -> memref<4x1024xf32, #tpu.memory_space<vmem>>
    %dma_start3A_183 = arith.constant 0 : i32
    %dma_start3A_184 = tpu.memref_slice %arg3[%add3A_154, %dma_start3A_183] : memref<8192x1024xf32, #tpu.memory_space<hbm>> -> memref<4x1024xf32, #tpu.memory_space<hbm>>
    tpu.enqueue_dma source(%dma_start3A_184 : memref<4x1024xf32, #tpu.memory_space<hbm>>) target(%dma_start3A_182 : memref<4x1024xf32, #tpu.memory_space<vmem>>) target_semaphore(%arg14 : memref<!tpu.dma_semaphore, #tpu.memory_space<semaphore_mem>>)
    %add3A_185 = arith.constant 4 : i32
    %add3A_186 = arith.addi %mul3A_2, %add3A_185 : i32
    %dma_wait3A_187 = arith.constant 1 : i32
    %dma_wait3A_188 = arith.constant 0 : i32
    %dma_wait3A_189 = arith.constant 0 : i32
    %dma_wait3A_190 = arith.constant 0 : i32
    %dma_wait3A_191 = tpu.memref_slice %arg5[%dma_wait3A_187, %dma_wait3A_188, %dma_wait3A_189, %dma_wait3A_190] : memref<4x4x4x1024xf32, #tpu.memory_space<vmem>> -> memref<1x4x4x1024xf32, #tpu.memory_space<vmem>>
    %dma_wait3A_192 = tpu.memref_squeeze %dma_wait3A_191 : memref<1x4x4x1024xf32, #tpu.memory_space<vmem>> -> memref<4x4x1024xf32, #tpu.memory_space<vmem>>
    %dma_wait3A_193 = arith.constant 0 : i32
    %dma_wait3A_194 = arith.constant 0 : i32
    %dma_wait3A_195 = tpu.memref_slice %arg2[%add3A_186, %dma_wait3A_193, %dma_wait3A_194] : memref<4096x4x1024xf32, #tpu.memory_space<hbm>> -> memref<4x4x1024xf32, #tpu.memory_space<hbm>>
    %dma_wait3A_196 = arith.constant 0 : i32
    %dma_wait3A_197 = arith.constant 0 : i32
    %dma_wait3A_198 = arith.constant 0 : i32
    %dma_wait3A_199 = tpu.memref_slice %arg5[%dma_wait3A_187, %dma_wait3A_196, %dma_wait3A_197, %dma_wait3A_198] : memref<4x4x4x1024xf32, #tpu.memory_space<vmem>> -> memref<1x4x4x1024xf32, #tpu.memory_space<vmem>>
    %dma_wait3A_200 = tpu.memref_squeeze %dma_wait3A_199 : memref<1x4x4x1024xf32, #tpu.memory_space<vmem>> -> memref<4x4x1024xf32, #tpu.memory_space<vmem>>
    %dma_wait3A_201 = arith.constant 0 : i32
    %dma_wait3A_202 = arith.constant 0 : i32
    %dma_wait3A_203 = tpu.memref_slice %arg2[%add3A_186, %dma_wait3A_201, %dma_wait3A_202] : memref<4096x4x1024xf32, #tpu.memory_space<hbm>> -> memref<4x4x1024xf32, #tpu.memory_space<hbm>>
    tpu.wait_dma2 semaphore(%arg8 : memref<!tpu.dma_semaphore, #tpu.memory_space<semaphore_mem>>) src(%dma_wait3A_203 : memref<4x4x1024xf32, #tpu.memory_space<hbm>>) dst(%dma_wait3A_200 : memref<4x4x1024xf32, #tpu.memory_space<vmem>>)
    %dma_wait3A_204 = arith.constant 1 : i32
    %dma_wait3A_205 = arith.constant 0 : i32
    %dma_wait3A_206 = arith.constant 0 : i32
    %dma_wait3A_207 = tpu.memref_slice %arg6[%dma_wait3A_204, %dma_wait3A_205, %dma_wait3A_206] : memref<4x4x1024xf32, #tpu.memory_space<vmem>> -> memref<1x4x1024xf32, #tpu.memory_space<vmem>>
    %dma_wait3A_208 = tpu.memref_squeeze %dma_wait3A_207 : memref<1x4x1024xf32, #tpu.memory_space<vmem>> -> memref<4x1024xf32, #tpu.memory_space<vmem>>
    %dma_wait3A_209 = arith.constant 0 : i32
    %dma_wait3A_210 = tpu.memref_slice %arg3[%add3A_186, %dma_wait3A_209] : memref<8192x1024xf32, #tpu.memory_space<hbm>> -> memref<4x1024xf32, #tpu.memory_space<hbm>>
    %dma_wait3A_211 = arith.constant 0 : i32
    %dma_wait3A_212 = arith.constant 0 : i32
    %dma_wait3A_213 = tpu.memref_slice %arg6[%dma_wait3A_204, %dma_wait3A_211, %dma_wait3A_212] : memref<4x4x1024xf32, #tpu.memory_space<vmem>> -> memref<1x4x1024xf32, #tpu.memory_space<vmem>>
    %dma_wait3A_214 = tpu.memref_squeeze %dma_wait3A_213 : memref<1x4x1024xf32, #tpu.memory_space<vmem>> -> memref<4x1024xf32, #tpu.memory_space<vmem>>
    %dma_wait3A_215 = arith.constant 0 : i32
    %dma_wait3A_216 = tpu.memref_slice %arg3[%add3A_186, %dma_wait3A_215] : memref<8192x1024xf32, #tpu.memory_space<hbm>> -> memref<4x1024xf32, #tpu.memory_space<hbm>>
    tpu.wait_dma2 semaphore(%arg12 : memref<!tpu.dma_semaphore, #tpu.memory_space<semaphore_mem>>) src(%dma_wait3A_216 : memref<4x1024xf32, #tpu.memory_space<hbm>>) dst(%dma_wait3A_214 : memref<4x1024xf32, #tpu.memory_space<vmem>>)
    %scan3A_217 = arith.constant 0 : i32
    %scan3A_218 = arith.constant 0 : i32
    %scan3A_219 = arith.constant 64 : i32
    %scan3A_220 = arith.addi %scan3A_218, %scan3A_219 : i32
    %scan3A_221 = arith.constant 1 : i32
    scf.for %scan3A_438 = %scan3A_218 to %scan3A_220 step %scan3A_221  : i32 {
      %mul3A_439 = arith.constant 1 : i32
      %mul3A_440 = arith.muli %scan3A_438, %mul3A_439 : i32
      %add3A_441 = arith.constant 0 : i32
      %add3A_442 = arith.addi %mul3A_440, %add3A_441 : i32
      %mul3A_443 = arith.constant 16 : i32
      %mul3A_444 = arith.muli %add3A_442, %mul3A_443 : i32
      %multiple_of3A = tpu.assume_multiple %mul3A_444, 16 : i32
      %get3A = arith.constant 1 : i32
      %get3A_445 = arith.constant 0 : i32
      %get3A_446 = arith.index_cast %get3A : i32 to index
      %get3A_447 = arith.index_cast %get3A_445 : i32 to index
      %get3A_448 = arith.index_cast %multiple_of3A : i32 to index
      %get3A_449 = tpu.vector_load %arg6[%get3A_446, %get3A_447, %get3A_448] {strides = array<i32>} : memref<4x4x1024xf32, #tpu.memory_space<vmem>>, vector<1x1x16xf32>,
      %get3A_450 = vector.shape_cast %get3A_449 : vector<1x1x16xf32> to vector<16xf32>
      %swap3A = arith.constant 1 : i32
      %swap3A_451 = arith.constant 0 : i32
      %swap3A_452 = arith.constant 0 : i32
      %swap3A_453 = arith.index_cast %swap3A : i32 to index
      %swap3A_454 = arith.index_cast %swap3A_451 : i32 to index
      %swap3A_455 = arith.index_cast %swap3A_452 : i32 to index
      %swap3A_456 = arith.index_cast %multiple_of3A : i32 to index
      %swap3A_457 = tpu.vector_load %arg5[%swap3A_453, %swap3A_454, %swap3A_455, %swap3A_456] {strides = array<i32>} : memref<4x4x4x1024xf32, #tpu.memory_space<vmem>>, vector<1x1x1x16xf32>,
      %swap3A_458 = vector.shape_cast %swap3A_457 : vector<1x1x1x16xf32> to vector<16xf32>
      %swap3A_459 = vector.shape_cast %get3A_450 : vector<16xf32> to vector<1x1x1x16xf32>
      tpu.vector_store %arg5[%swap3A_453, %swap3A_454, %swap3A_455, %swap3A_456], %swap3A_459 {add = true, strides = array<i32>} : memref<4x4x4x1024xf32, #tpu.memory_space<vmem>>, vector<1x1x1x16xf32>,
      %swap3A_460 = arith.constant 1 : i32
      %swap3A_461 = arith.constant 0 : i32
      %swap3A_462 = arith.constant 1 : i32
      %swap3A_463 = arith.index_cast %swap3A_460 : i32 to index
      %swap3A_464 = arith.index_cast %swap3A_461 : i32 to index
      %swap3A_465 = arith.index_cast %swap3A_462 : i32 to index
      %swap3A_466 = arith.index_cast %multiple_of3A : i32 to index
      %swap3A_467 = tpu.vector_load %arg5[%swap3A_463, %swap3A_464, %swap3A_465, %swap3A_466] {strides = array<i32>} : memref<4x4x4x1024xf32, #tpu.memory_space<vmem>>, vector<1x1x1x16xf32>,
      %swap3A_468 = vector.shape_cast %swap3A_467 : vector<1x1x1x16xf32> to vector<16xf32>
      %swap3A_469 = vector.shape_cast %get3A_450 : vector<16xf32> to vector<1x1x1x16xf32>
      tpu.vector_store %arg5[%swap3A_463, %swap3A_464, %swap3A_465, %swap3A_466], %swap3A_469 {add = true, strides = array<i32>} : memref<4x4x4x1024xf32, #tpu.memory_space<vmem>>, vector<1x1x1x16xf32>,
      %swap3A_470 = arith.constant 1 : i32
      %swap3A_471 = arith.constant 0 : i32
      %swap3A_472 = arith.constant 2 : i32
      %swap3A_473 = arith.index_cast %swap3A_470 : i32 to index
      %swap3A_474 = arith.index_cast %swap3A_471 : i32 to index
      %swap3A_475 = arith.index_cast %swap3A_472 : i32 to index
      %swap3A_476 = arith.index_cast %multiple_of3A : i32 to index
      %swap3A_477 = tpu.vector_load %arg5[%swap3A_473, %swap3A_474, %swap3A_475, %swap3A_476] {strides = array<i32>} : memref<4x4x4x1024xf32, #tpu.memory_space<vmem>>, vector<1x1x1x16xf32>,
      %swap3A_478 = vector.shape_cast %swap3A_477 : vector<1x1x1x16xf32> to vector<16xf32>
      %swap3A_479 = vector.shape_cast %get3A_450 : vector<16xf32> to vector<1x1x1x16xf32>
      tpu.vector_store %arg5[%swap3A_473, %swap3A_474, %swap3A_475, %swap3A_476], %swap3A_479 {add = true, strides = array<i32>} : memref<4x4x4x1024xf32, #tpu.memory_space<vmem>>, vector<1x1x1x16xf32>,
      %swap3A_480 = arith.constant 1 : i32
      %swap3A_481 = arith.constant 0 : i32
      %swap3A_482 = arith.constant 3 : i32
      %swap3A_483 = arith.index_cast %swap3A_480 : i32 to index
      %swap3A_484 = arith.index_cast %swap3A_481 : i32 to index
      %swap3A_485 = arith.index_cast %swap3A_482 : i32 to index
      %swap3A_486 = arith.index_cast %multiple_of3A : i32 to index
      %swap3A_487 = tpu.vector_load %arg5[%swap3A_483, %swap3A_484, %swap3A_485, %swap3A_486] {strides = array<i32>} : memref<4x4x4x1024xf32, #tpu.memory_space<vmem>>, vector<1x1x1x16xf32>,
      %swap3A_488 = vector.shape_cast %swap3A_487 : vector<1x1x1x16xf32> to vector<16xf32>
      %swap3A_489 = vector.shape_cast %get3A_450 : vector<16xf32> to vector<1x1x1x16xf32>
      tpu.vector_store %arg5[%swap3A_483, %swap3A_484, %swap3A_485, %swap3A_486], %swap3A_489 {add = true, strides = array<i32>} : memref<4x4x4x1024xf32, #tpu.memory_space<vmem>>, vector<1x1x1x16xf32>,
      %get3A_490 = arith.constant 1 : i32
      %get3A_491 = arith.constant 1 : i32
      %get3A_492 = arith.index_cast %get3A_490 : i32 to index
      %get3A_493 = arith.index_cast %get3A_491 : i32 to index
      %get3A_494 = arith.index_cast %multiple_of3A : i32 to index
      %get3A_495 = tpu.vector_load %arg6[%get3A_492, %get3A_493, %get3A_494] {strides = array<i32>} : memref<4x4x1024xf32, #tpu.memory_space<vmem>>, vector<1x1x16xf32>,
      %get3A_496 = vector.shape_cast %get3A_495 : vector<1x1x16xf32> to vector<16xf32>
      %swap3A_497 = arith.constant 1 : i32
      %swap3A_498 = arith.constant 1 : i32
      %swap3A_499 = arith.constant 0 : i32
      %swap3A_500 = arith.index_cast %swap3A_497 : i32 to index
      %swap3A_501 = arith.index_cast %swap3A_498 : i32 to index
      %swap3A_502 = arith.index_cast %swap3A_499 : i32 to index
      %swap3A_503 = arith.index_cast %multiple_of3A : i32 to index
      %swap3A_504 = tpu.vector_load %arg5[%swap3A_500, %swap3A_501, %swap3A_502, %swap3A_503] {strides = array<i32>} : memref<4x4x4x1024xf32, #tpu.memory_space<vmem>>, vector<1x1x1x16xf32>,
      %swap3A_505 = vector.shape_cast %swap3A_504 : vector<1x1x1x16xf32> to vector<16xf32>
      %swap3A_506 = vector.shape_cast %get3A_496 : vector<16xf32> to vector<1x1x1x16xf32>
      tpu.vector_store %arg5[%swap3A_500, %swap3A_501, %swap3A_502, %swap3A_503], %swap3A_506 {add = true, strides = array<i32>} : memref<4x4x4x1024xf32, #tpu.memory_space<vmem>>, vector<1x1x1x16xf32>,
      %swap3A_507 = arith.constant 1 : i32
      %swap3A_508 = arith.constant 1 : i32
      %swap3A_509 = arith.constant 1 : i32
      %swap3A_510 = arith.index_cast %swap3A_507 : i32 to index
      %swap3A_511 = arith.index_cast %swap3A_508 : i32 to index
      %swap3A_512 = arith.index_cast %swap3A_509 : i32 to index
      %swap3A_513 = arith.index_cast %multiple_of3A : i32 to index
      %swap3A_514 = tpu.vector_load %arg5[%swap3A_510, %swap3A_511, %swap3A_512, %swap3A_513] {strides = array<i32>} : memref<4x4x4x1024xf32, #tpu.memory_space<vmem>>, vector<1x1x1x16xf32>,
      %swap3A_515 = vector.shape_cast %swap3A_514 : vector<1x1x1x16xf32> to vector<16xf32>
      %swap3A_516 = vector.shape_cast %get3A_496 : vector<16xf32> to vector<1x1x1x16xf32>
      tpu.vector_store %arg5[%swap3A_510, %swap3A_511, %swap3A_512, %swap3A_513], %swap3A_516 {add = true, strides = array<i32>} : memref<4x4x4x1024xf32, #tpu.memory_space<vmem>>, vector<1x1x1x16xf32>,
      %swap3A_517 = arith.constant 1 : i32
      %swap3A_518 = arith.constant 1 : i32
      %swap3A_519 = arith.constant 2 : i32
      %swap3A_520 = arith.index_cast %swap3A_517 : i32 to index
      %swap3A_521 = arith.index_cast %swap3A_518 : i32 to index
      %swap3A_522 = arith.index_cast %swap3A_519 : i32 to index
      %swap3A_523 = arith.index_cast %multiple_of3A : i32 to index
      %swap3A_524 = tpu.vector_load %arg5[%swap3A_520, %swap3A_521, %swap3A_522, %swap3A_523] {strides = array<i32>} : memref<4x4x4x1024xf32, #tpu.memory_space<vmem>>, vector<1x1x1x16xf32>,
      %swap3A_525 = vector.shape_cast %swap3A_524 : vector<1x1x1x16xf32> to vector<16xf32>
      %swap3A_526 = vector.shape_cast %get3A_496 : vector<16xf32> to vector<1x1x1x16xf32>
      tpu.vector_store %arg5[%swap3A_520, %swap3A_521, %swap3A_522, %swap3A_523], %swap3A_526 {add = true, strides = array<i32>} : memref<4x4x4x1024xf32, #tpu.memory_space<vmem>>, vector<1x1x1x16xf32>,
      %swap3A_527 = arith.constant 1 : i32
      %swap3A_528 = arith.constant 1 : i32
      %swap3A_529 = arith.constant 3 : i32
      %swap3A_530 = arith.index_cast %swap3A_527 : i32 to index
      %swap3A_531 = arith.index_cast %swap3A_528 : i32 to index
      %swap3A_532 = arith.index_cast %swap3A_529 : i32 to index
      %swap3A_533 = arith.index_cast %multiple_of3A : i32 to index
      %swap3A_534 = tpu.vector_load %arg5[%swap3A_530, %swap3A_531, %swap3A_532, %swap3A_533] {strides = array<i32>} : memref<4x4x4x1024xf32, #tpu.memory_space<vmem>>, vector<1x1x1x16xf32>,
      %swap3A_535 = vector.shape_cast %swap3A_534 : vector<1x1x1x16xf32> to vector<16xf32>
      %swap3A_536 = vector.shape_cast %get3A_496 : vector<16xf32> to vector<1x1x1x16xf32>
      tpu.vector_store %arg5[%swap3A_530, %swap3A_531, %swap3A_532, %swap3A_533], %swap3A_536 {add = true, strides = array<i32>} : memref<4x4x4x1024xf32, #tpu.memory_space<vmem>>, vector<1x1x1x16xf32>,
      %get3A_537 = arith.constant 1 : i32
      %get3A_538 = arith.constant 2 : i32
      %get3A_539 = arith.index_cast %get3A_537 : i32 to index
      %get3A_540 = arith.index_cast %get3A_538 : i32 to index
      %get3A_541 = arith.index_cast %multiple_of3A : i32 to index
      %get3A_542 = tpu.vector_load %arg6[%get3A_539, %get3A_540, %get3A_541] {strides = array<i32>} : memref<4x4x1024xf32, #tpu.memory_space<vmem>>, vector<1x1x16xf32>,
      %get3A_543 = vector.shape_cast %get3A_542 : vector<1x1x16xf32> to vector<16xf32>
      %swap3A_544 = arith.constant 1 : i32
      %swap3A_545 = arith.constant 2 : i32
      %swap3A_546 = arith.constant 0 : i32
      %swap3A_547 = arith.index_cast %swap3A_544 : i32 to index
      %swap3A_548 = arith.index_cast %swap3A_545 : i32 to index
      %swap3A_549 = arith.index_cast %swap3A_546 : i32 to index
      %swap3A_550 = arith.index_cast %multiple_of3A : i32 to index
      %swap3A_551 = tpu.vector_load %arg5[%swap3A_547, %swap3A_548, %swap3A_549, %swap3A_550] {strides = array<i32>} : memref<4x4x4x1024xf32, #tpu.memory_space<vmem>>, vector<1x1x1x16xf32>,
      %swap3A_552 = vector.shape_cast %swap3A_551 : vector<1x1x1x16xf32> to vector<16xf32>
      %swap3A_553 = vector.shape_cast %get3A_543 : vector<16xf32> to vector<1x1x1x16xf32>
      tpu.vector_store %arg5[%swap3A_547, %swap3A_548, %swap3A_549, %swap3A_550], %swap3A_553 {add = true, strides = array<i32>} : memref<4x4x4x1024xf32, #tpu.memory_space<vmem>>, vector<1x1x1x16xf32>,
      %swap3A_554 = arith.constant 1 : i32
      %swap3A_555 = arith.constant 2 : i32
      %swap3A_556 = arith.constant 1 : i32
      %swap3A_557 = arith.index_cast %swap3A_554 : i32 to index
      %swap3A_558 = arith.index_cast %swap3A_555 : i32 to index
      %swap3A_559 = arith.index_cast %swap3A_556 : i32 to index
      %swap3A_560 = arith.index_cast %multiple_of3A : i32 to index
      %swap3A_561 = tpu.vector_load %arg5[%swap3A_557, %swap3A_558, %swap3A_559, %swap3A_560] {strides = array<i32>} : memref<4x4x4x1024xf32, #tpu.memory_space<vmem>>, vector<1x1x1x16xf32>,
      %swap3A_562 = vector.shape_cast %swap3A_561 : vector<1x1x1x16xf32> to vector<16xf32>
      %swap3A_563 = vector.shape_cast %get3A_543 : vector<16xf32> to vector<1x1x1x16xf32>
      tpu.vector_store %arg5[%swap3A_557, %swap3A_558, %swap3A_559, %swap3A_560], %swap3A_563 {add = true, strides = array<i32>} : memref<4x4x4x1024xf32, #tpu.memory_space<vmem>>, vector<1x1x1x16xf32>,
      %swap3A_564 = arith.constant 1 : i32
      %swap3A_565 = arith.constant 2 : i32
      %swap3A_566 = arith.constant 2 : i32
      %swap3A_567 = arith.index_cast %swap3A_564 : i32 to index
      %swap3A_568 = arith.index_cast %swap3A_565 : i32 to index
      %swap3A_569 = arith.index_cast %swap3A_566 : i32 to index
      %swap3A_570 = arith.index_cast %multiple_of3A : i32 to index
      %swap3A_571 = tpu.vector_load %arg5[%swap3A_567, %swap3A_568, %swap3A_569, %swap3A_570] {strides = array<i32>} : memref<4x4x4x1024xf32, #tpu.memory_space<vmem>>, vector<1x1x1x16xf32>,
      %swap3A_572 = vector.shape_cast %swap3A_571 : vector<1x1x1x16xf32> to vector<16xf32>
      %swap3A_573 = vector.shape_cast %get3A_543 : vector<16xf32> to vector<1x1x1x16xf32>
      tpu.vector_store %arg5[%swap3A_567, %swap3A_568, %swap3A_569, %swap3A_570], %swap3A_573 {add = true, strides = array<i32>} : memref<4x4x4x1024xf32, #tpu.memory_space<vmem>>, vector<1x1x1x16xf32>,
      %swap3A_574 = arith.constant 1 : i32
      %swap3A_575 = arith.constant 2 : i32
      %swap3A_576 = arith.constant 3 : i32
      %swap3A_577 = arith.index_cast %swap3A_574 : i32 to index
      %swap3A_578 = arith.index_cast %swap3A_575 : i32 to index
      %swap3A_579 = arith.index_cast %swap3A_576 : i32 to index
      %swap3A_580 = arith.index_cast %multiple_of3A : i32 to index
      %swap3A_581 = tpu.vector_load %arg5[%swap3A_577, %swap3A_578, %swap3A_579, %swap3A_580] {strides = array<i32>} : memref<4x4x4x1024xf32, #tpu.memory_space<vmem>>, vector<1x1x1x16xf32>,
      %swap3A_582 = vector.shape_cast %swap3A_581 : vector<1x1x1x16xf32> to vector<16xf32>
      %swap3A_583 = vector.shape_cast %get3A_543 : vector<16xf32> to vector<1x1x1x16xf32>
      tpu.vector_store %arg5[%swap3A_577, %swap3A_578, %swap3A_579, %swap3A_580], %swap3A_583 {add = true, strides = array<i32>} : memref<4x4x4x1024xf32, #tpu.memory_space<vmem>>, vector<1x1x1x16xf32>,
      %get3A_584 = arith.constant 1 : i32
      %get3A_585 = arith.constant 3 : i32
      %get3A_586 = arith.index_cast %get3A_584 : i32 to index
      %get3A_587 = arith.index_cast %get3A_585 : i32 to index
      %get3A_588 = arith.index_cast %multiple_of3A : i32 to index
      %get3A_589 = tpu.vector_load %arg6[%get3A_586, %get3A_587, %get3A_588] {strides = array<i32>} : memref<4x4x1024xf32, #tpu.memory_space<vmem>>, vector<1x1x16xf32>,
      %get3A_590 = vector.shape_cast %get3A_589 : vector<1x1x16xf32> to vector<16xf32>
      %swap3A_591 = arith.constant 1 : i32
      %swap3A_592 = arith.constant 3 : i32
      %swap3A_593 = arith.constant 0 : i32
      %swap3A_594 = arith.index_cast %swap3A_591 : i32 to index
      %swap3A_595 = arith.index_cast %swap3A_592 : i32 to index
      %swap3A_596 = arith.index_cast %swap3A_593 : i32 to index
      %swap3A_597 = arith.index_cast %multiple_of3A : i32 to index
      %swap3A_598 = tpu.vector_load %arg5[%swap3A_594, %swap3A_595, %swap3A_596, %swap3A_597] {strides = array<i32>} : memref<4x4x4x1024xf32, #tpu.memory_space<vmem>>, vector<1x1x1x16xf32>,
      %swap3A_599 = vector.shape_cast %swap3A_598 : vector<1x1x1x16xf32> to vector<16xf32>
      %swap3A_600 = vector.shape_cast %get3A_590 : vector<16xf32> to vector<1x1x1x16xf32>
      tpu.vector_store %arg5[%swap3A_594, %swap3A_595, %swap3A_596, %swap3A_597], %swap3A_600 {add = true, strides = array<i32>} : memref<4x4x4x1024xf32, #tpu.memory_space<vmem>>, vector<1x1x1x16xf32>,
      %swap3A_601 = arith.constant 1 : i32
      %swap3A_602 = arith.constant 3 : i32
      %swap3A_603 = arith.constant 1 : i32
      %swap3A_604 = arith.index_cast %swap3A_601 : i32 to index
      %swap3A_605 = arith.index_cast %swap3A_602 : i32 to index
      %swap3A_606 = arith.index_cast %swap3A_603 : i32 to index
      %swap3A_607 = arith.index_cast %multiple_of3A : i32 to index
      %swap3A_608 = tpu.vector_load %arg5[%swap3A_604, %swap3A_605, %swap3A_606, %swap3A_607] {strides = array<i32>} : memref<4x4x4x1024xf32, #tpu.memory_space<vmem>>, vector<1x1x1x16xf32>,
      %swap3A_609 = vector.shape_cast %swap3A_608 : vector<1x1x1x16xf32> to vector<16xf32>
      %swap3A_610 = vector.shape_cast %get3A_590 : vector<16xf32> to vector<1x1x1x16xf32>
      tpu.vector_store %arg5[%swap3A_604, %swap3A_605, %swap3A_606, %swap3A_607], %swap3A_610 {add = true, strides = array<i32>} : memref<4x4x4x1024xf32, #tpu.memory_space<vmem>>, vector<1x1x1x16xf32>,
      %swap3A_611 = arith.constant 1 : i32
      %swap3A_612 = arith.constant 3 : i32
      %swap3A_613 = arith.constant 2 : i32
      %swap3A_614 = arith.index_cast %swap3A_611 : i32 to index
      %swap3A_615 = arith.index_cast %swap3A_612 : i32 to index
      %swap3A_616 = arith.index_cast %swap3A_613 : i32 to index
      %swap3A_617 = arith.index_cast %multiple_of3A : i32 to index
      %swap3A_618 = tpu.vector_load %arg5[%swap3A_614, %swap3A_615, %swap3A_616, %swap3A_617] {strides = array<i32>} : memref<4x4x4x1024xf32, #tpu.memory_space<vmem>>, vector<1x1x1x16xf32>,
      %swap3A_619 = vector.shape_cast %swap3A_618 : vector<1x1x1x16xf32> to vector<16xf32>
      %swap3A_620 = vector.shape_cast %get3A_590 : vector<16xf32> to vector<1x1x1x16xf32>
      tpu.vector_store %arg5[%swap3A_614, %swap3A_615, %swap3A_616, %swap3A_617], %swap3A_620 {add = true, strides = array<i32>} : memref<4x4x4x1024xf32, #tpu.memory_space<vmem>>, vector<1x1x1x16xf32>,
      %swap3A_621 = arith.constant 1 : i32
      %swap3A_622 = arith.constant 3 : i32
      %swap3A_623 = arith.constant 3 : i32
      %swap3A_624 = arith.index_cast %swap3A_621 : i32 to index
      %swap3A_625 = arith.index_cast %swap3A_622 : i32 to index
      %swap3A_626 = arith.index_cast %swap3A_623 : i32 to index
      %swap3A_627 = arith.index_cast %multiple_of3A : i32 to index
      %swap3A_628 = tpu.vector_load %arg5[%swap3A_624, %swap3A_625, %swap3A_626, %swap3A_627] {strides = array<i32>} : memref<4x4x4x1024xf32, #tpu.memory_space<vmem>>, vector<1x1x1x16xf32>,
      %swap3A_629 = vector.shape_cast %swap3A_628 : vector<1x1x1x16xf32> to vector<16xf32>
      %swap3A_630 = vector.shape_cast %get3A_590 : vector<16xf32> to vector<1x1x1x16xf32>
      tpu.vector_store %arg5[%swap3A_624, %swap3A_625, %swap3A_626, %swap3A_627], %swap3A_630 {add = true, strides = array<i32>} : memref<4x4x4x1024xf32, #tpu.memory_space<vmem>>, vector<1x1x1x16xf32>,
    }
    %scan3A_222 = arith.constant 64 : i32
    %add3A_223 = arith.constant 4 : i32
    %add3A_224 = arith.addi %mul3A_2, %add3A_223 : i32
    %dma_start3A_225 = arith.constant 1 : i32
    %dma_start3A_226 = arith.constant 0 : i32
    %dma_start3A_227 = arith.constant 0 : i32
    %dma_start3A_228 = arith.constant 0 : i32
    %dma_start3A_229 = tpu.memref_slice %arg5[%dma_start3A_225, %dma_start3A_226, %dma_start3A_227, %dma_start3A_228] : memref<4x4x4x1024xf32, #tpu.memory_space<vmem>> -> memref<1x4x4x1024xf32, #tpu.memory_space<vmem>>
    %dma_start3A_230 = tpu.memref_squeeze %dma_start3A_229 : memref<1x4x4x1024xf32, #tpu.memory_space<vmem>> -> memref<4x4x1024xf32, #tpu.memory_space<vmem>>
    %dma_start3A_231 = arith.constant 0 : i32
    %dma_start3A_232 = arith.constant 0 : i32
    %dma_start3A_233 = tpu.memref_slice %arg4[%add3A_224, %dma_start3A_231, %dma_start3A_232] : memref<4096x4x1024xf32, #tpu.memory_space<hbm>> -> memref<4x4x1024xf32, #tpu.memory_space<hbm>>
    %dma_start3A_234 = arith.constant 0 : i32
    %dma_start3A_235 = arith.constant 0 : i32
    %dma_start3A_236 = tpu.memref_slice %arg4[%add3A_224, %dma_start3A_234, %dma_start3A_235] : memref<4096x4x1024xf32, #tpu.memory_space<hbm>> -> memref<4x4x1024xf32, #tpu.memory_space<hbm>>
    %dma_start3A_237 = arith.constant 0 : i32
    %dma_start3A_238 = arith.constant 0 : i32
    %dma_start3A_239 = arith.constant 0 : i32
    %dma_start3A_240 = tpu.memref_slice %arg5[%dma_start3A_225, %dma_start3A_237, %dma_start3A_238, %dma_start3A_239] : memref<4x4x4x1024xf32, #tpu.memory_space<vmem>> -> memref<1x4x4x1024xf32, #tpu.memory_space<vmem>>
    %dma_start3A_241 = tpu.memref_squeeze %dma_start3A_240 : memref<1x4x4x1024xf32, #tpu.memory_space<vmem>> -> memref<4x4x1024xf32, #tpu.memory_space<vmem>>
    tpu.enqueue_dma source(%dma_start3A_241 : memref<4x4x1024xf32, #tpu.memory_space<vmem>>) target(%dma_start3A_236 : memref<4x4x1024xf32, #tpu.memory_space<hbm>>) target_semaphore(%arg16 : memref<!tpu.dma_semaphore, #tpu.memory_space<semaphore_mem>>)
    %scan3A_242 = arith.constant 0 : i32
    %scan3A_243 = arith.constant 0 : i32
    %scan3A_244 = arith.constant 7 : i32
    %scan3A_245 = arith.addi %scan3A_243, %scan3A_244 : i32
    %scan3A_246 = arith.constant 1 : i32
    scf.for %scan3A_438 = %scan3A_243 to %scan3A_245 step %scan3A_246  : i32 {
      %mul3A_439 = arith.constant 4 : i32
      %mul3A_440 = arith.muli %scan3A_438, %mul3A_439 : i32
      %add3A_441 = arith.constant 2 : i32
      %add3A_442 = arith.addi %add3A_441, %mul3A_440 : i32
      %add3A_443 = arith.constant 0 : i32
      %add3A_444 = arith.addi %add3A_442, %add3A_443 : i32
      %sub3A = arith.constant 2 : i32
      %sub3A_445 = arith.subi %add3A_444, %sub3A : i32
      %mul3A_446 = arith.constant 4 : i32
      %mul3A_447 = arith.muli %sub3A_445, %mul3A_446 : i32
      %add3A_448 = arith.addi %mul3A_2, %mul3A_447 : i32
      %dma_wait3A_449 = arith.constant 0 : i32
      %dma_wait3A_450 = arith.constant 0 : i32
      %dma_wait3A_451 = arith.constant 0 : i32
      %dma_wait3A_452 = arith.constant 0 : i32
      %dma_wait3A_453 = tpu.memref_slice %arg5[%dma_wait3A_449, %dma_wait3A_450, %dma_wait3A_451, %dma_wait3A_452] : memref<4x4x4x1024xf32, #tpu.memory_space<vmem>> -> memref<1x4x4x1024xf32, #tpu.memory_space<vmem>>
      %dma_wait3A_454 = tpu.memref_squeeze %dma_wait3A_453 : memref<1x4x4x1024xf32, #tpu.memory_space<vmem>> -> memref<4x4x1024xf32, #tpu.memory_space<vmem>>
      %dma_wait3A_455 = arith.constant 0 : i32
      %dma_wait3A_456 = arith.constant 0 : i32
      %dma_wait3A_457 = tpu.memref_slice %arg4[%add3A_448, %dma_wait3A_455, %dma_wait3A_456] : memref<4096x4x1024xf32, #tpu.memory_space<hbm>> -> memref<4x4x1024xf32, #tpu.memory_space<hbm>>
      %dma_wait3A_458 = arith.constant 0 : i32
      %dma_wait3A_459 = arith.constant 0 : i32
      %dma_wait3A_460 = tpu.memref_slice %arg4[%add3A_448, %dma_wait3A_458, %dma_wait3A_459] : memref<4096x4x1024xf32, #tpu.memory_space<hbm>> -> memref<4x4x1024xf32, #tpu.memory_space<hbm>>
      %dma_wait3A_461 = arith.constant 0 : i32
      %dma_wait3A_462 = arith.constant 0 : i32
      %dma_wait3A_463 = arith.constant 0 : i32
      %dma_wait3A_464 = tpu.memref_slice %arg5[%dma_wait3A_449, %dma_wait3A_461, %dma_wait3A_462, %dma_wait3A_463] : memref<4x4x4x1024xf32, #tpu.memory_space<vmem>> -> memref<1x4x4x1024xf32, #tpu.memory_space<vmem>>
      %dma_wait3A_465 = tpu.memref_squeeze %dma_wait3A_464 : memref<1x4x4x1024xf32, #tpu.memory_space<vmem>> -> memref<4x4x1024xf32, #tpu.memory_space<vmem>>
      tpu.wait_dma2 semaphore(%arg15 : memref<!tpu.dma_semaphore, #tpu.memory_space<semaphore_mem>>) src(%dma_wait3A_465 : memref<4x4x1024xf32, #tpu.memory_space<vmem>>) dst(%dma_wait3A_460 : memref<4x4x1024xf32, #tpu.memory_space<hbm>>)
      %add3A_466 = arith.constant 2 : i32
      %add3A_467 = arith.addi %add3A_444, %add3A_466 : i32
      %mul3A_468 = arith.constant 4 : i32
      %mul3A_469 = arith.muli %add3A_467, %mul3A_468 : i32
      %add3A_470 = arith.addi %mul3A_2, %mul3A_469 : i32
      %dma_start3A_471 = arith.constant 0 : i32
      %dma_start3A_472 = arith.constant 0 : i32
      %dma_start3A_473 = arith.constant 0 : i32
      %dma_start3A_474 = arith.constant 0 : i32
      %dma_start3A_475 = tpu.memref_slice %arg5[%dma_start3A_471, %dma_start3A_472, %dma_start3A_473, %dma_start3A_474] : memref<4x4x4x1024xf32, #tpu.memory_space<vmem>> -> memref<1x4x4x1024xf32, #tpu.memory_space<vmem>>
      %dma_start3A_476 = tpu.memref_squeeze %dma_start3A_475 : memref<1x4x4x1024xf32, #tpu.memory_space<vmem>> -> memref<4x4x1024xf32, #tpu.memory_space<vmem>>
      %dma_start3A_477 = arith.constant 0 : i32
      %dma_start3A_478 = arith.constant 0 : i32
      %dma_start3A_479 = tpu.memref_slice %arg2[%add3A_470, %dma_start3A_477, %dma_start3A_478] : memref<4096x4x1024xf32, #tpu.memory_space<hbm>> -> memref<4x4x1024xf32, #tpu.memory_space<hbm>>
      %dma_start3A_480 = arith.constant 0 : i32
      %dma_start3A_481 = arith.constant 0 : i32
      %dma_start3A_482 = arith.constant 0 : i32
      %dma_start3A_483 = tpu.memref_slice %arg5[%dma_start3A_471, %dma_start3A_480, %dma_start3A_481, %dma_start3A_482] : memref<4x4x4x1024xf32, #tpu.memory_space<vmem>> -> memref<1x4x4x1024xf32, #tpu.memory_space<vmem>>
      %dma_start3A_484 = tpu.memref_squeeze %dma_start3A_483 : memref<1x4x4x1024xf32, #tpu.memory_space<vmem>> -> memref<4x4x1024xf32, #tpu.memory_space<vmem>>
      %dma_start3A_485 = arith.constant 0 : i32
      %dma_start3A_486 = arith.constant 0 : i32
      %dma_start3A_487 = tpu.memref_slice %arg2[%add3A_470, %dma_start3A_485, %dma_start3A_486] : memref<4096x4x1024xf32, #tpu.memory_space<hbm>> -> memref<4x4x1024xf32, #tpu.memory_space<hbm>>
      tpu.enqueue_dma source(%dma_start3A_487 : memref<4x4x1024xf32, #tpu.memory_space<hbm>>) target(%dma_start3A_484 : memref<4x4x1024xf32, #tpu.memory_space<vmem>>) target_semaphore(%arg7 : memref<!tpu.dma_semaphore, #tpu.memory_space<semaphore_mem>>)
      %dma_start3A_488 = arith.constant 0 : i32
      %dma_start3A_489 = arith.constant 0 : i32
      %dma_start3A_490 = arith.constant 0 : i32
      %dma_start3A_491 = tpu.memref_slice %arg6[%dma_start3A_488, %dma_start3A_489, %dma_start3A_490] : memref<4x4x1024xf32, #tpu.memory_space<vmem>> -> memref<1x4x1024xf32, #tpu.memory_space<vmem>>
      %dma_start3A_492 = tpu.memref_squeeze %dma_start3A_491 : memref<1x4x1024xf32, #tpu.memory_space<vmem>> -> memref<4x1024xf32, #tpu.memory_space<vmem>>
      %dma_start3A_493 = arith.constant 0 : i32
      %dma_start3A_494 = tpu.memref_slice %arg3[%add3A_470, %dma_start3A_493] : memref<8192x1024xf32, #tpu.memory_space<hbm>> -> memref<4x1024xf32, #tpu.memory_space<hbm>>
      %dma_start3A_495 = arith.constant 0 : i32
      %dma_start3A_496 = arith.constant 0 : i32
      %dma_start3A_497 = tpu.memref_slice %arg6[%dma_start3A_488, %dma_start3A_495, %dma_start3A_496] : memref<4x4x1024xf32, #tpu.memory_space<vmem>> -> memref<1x4x1024xf32, #tpu.memory_space<vmem>>
      %dma_start3A_498 = tpu.memref_squeeze %dma_start3A_497 : memref<1x4x1024xf32, #tpu.memory_space<vmem>> -> memref<4x1024xf32, #tpu.memory_space<vmem>>
      %dma_start3A_499 = arith.constant 0 : i32
      %dma_start3A_500 = tpu.memref_slice %arg3[%add3A_470, %dma_start3A_499] : memref<8192x1024xf32, #tpu.memory_space<hbm>> -> memref<4x1024xf32, #tpu.memory_space<hbm>>
      tpu.enqueue_dma source(%dma_start3A_500 : memref<4x1024xf32, #tpu.memory_space<hbm>>) target(%dma_start3A_498 : memref<4x1024xf32, #tpu.memory_space<vmem>>) target_semaphore(%arg11 : memref<!tpu.dma_semaphore, #tpu.memory_space<semaphore_mem>>)
      %mul3A_501 = arith.constant 4 : i32
      %mul3A_502 = arith.muli %add3A_444, %mul3A_501 : i32
      %add3A_503 = arith.addi %mul3A_2, %mul3A_502 : i32
      %dma_wait3A_504 = arith.constant 2 : i32
      %dma_wait3A_505 = arith.constant 0 : i32
      %dma_wait3A_506 = arith.constant 0 : i32
      %dma_wait3A_507 = arith.constant 0 : i32
      %dma_wait3A_508 = tpu.memref_slice %arg5[%dma_wait3A_504, %dma_wait3A_505, %dma_wait3A_506, %dma_wait3A_507] : memref<4x4x4x1024xf32, #tpu.memory_space<vmem>> -> memref<1x4x4x1024xf32, #tpu.memory_space<vmem>>
      %dma_wait3A_509 = tpu.memref_squeeze %dma_wait3A_508 : memref<1x4x4x1024xf32, #tpu.memory_space<vmem>> -> memref<4x4x1024xf32, #tpu.memory_space<vmem>>
      %dma_wait3A_510 = arith.constant 0 : i32
      %dma_wait3A_511 = arith.constant 0 : i32
      %dma_wait3A_512 = tpu.memref_slice %arg2[%add3A_503, %dma_wait3A_510, %dma_wait3A_511] : memref<4096x4x1024xf32, #tpu.memory_space<hbm>> -> memref<4x4x1024xf32, #tpu.memory_space<hbm>>
      %dma_wait3A_513 = arith.constant 0 : i32
      %dma_wait3A_514 = arith.constant 0 : i32
      %dma_wait3A_515 = arith.constant 0 : i32
      %dma_wait3A_516 = tpu.memref_slice %arg5[%dma_wait3A_504, %dma_wait3A_513, %dma_wait3A_514, %dma_wait3A_515] : memref<4x4x4x1024xf32, #tpu.memory_space<vmem>> -> memref<1x4x4x1024xf32, #tpu.memory_space<vmem>>
      %dma_wait3A_517 = tpu.memref_squeeze %dma_wait3A_516 : memref<1x4x4x1024xf32, #tpu.memory_space<vmem>> -> memref<4x4x1024xf32, #tpu.memory_space<vmem>>
      %dma_wait3A_518 = arith.constant 0 : i32
      %dma_wait3A_519 = arith.constant 0 : i32
      %dma_wait3A_520 = tpu.memref_slice %arg2[%add3A_503, %dma_wait3A_518, %dma_wait3A_519] : memref<4096x4x1024xf32, #tpu.memory_space<hbm>> -> memref<4x4x1024xf32, #tpu.memory_space<hbm>>
      tpu.wait_dma2 semaphore(%arg9 : memref<!tpu.dma_semaphore, #tpu.memory_space<semaphore_mem>>) src(%dma_wait3A_520 : memref<4x4x1024xf32, #tpu.memory_space<hbm>>) dst(%dma_wait3A_517 : memref<4x4x1024xf32, #tpu.memory_space<vmem>>)
      %dma_wait3A_521 = arith.constant 2 : i32
      %dma_wait3A_522 = arith.constant 0 : i32
      %dma_wait3A_523 = arith.constant 0 : i32
      %dma_wait3A_524 = tpu.memref_slice %arg6[%dma_wait3A_521, %dma_wait3A_522, %dma_wait3A_523] : memref<4x4x1024xf32, #tpu.memory_space<vmem>> -> memref<1x4x1024xf32, #tpu.memory_space<vmem>>
      %dma_wait3A_525 = tpu.memref_squeeze %dma_wait3A_524 : memref<1x4x1024xf32, #tpu.memory_space<vmem>> -> memref<4x1024xf32, #tpu.memory_space<vmem>>
      %dma_wait3A_526 = arith.constant 0 : i32
      %dma_wait3A_527 = tpu.memref_slice %arg3[%add3A_503, %dma_wait3A_526] : memref<8192x1024xf32, #tpu.memory_space<hbm>> -> memref<4x1024xf32, #tpu.memory_space<hbm>>
      %dma_wait3A_528 = arith.constant 0 : i32
      %dma_wait3A_529 = arith.constant 0 : i32
      %dma_wait3A_530 = tpu.memref_slice %arg6[%dma_wait3A_521, %dma_wait3A_528, %dma_wait3A_529] : memref<4x4x1024xf32, #tpu.memory_space<vmem>> -> memref<1x4x1024xf32, #tpu.memory_space<vmem>>
      %dma_wait3A_531 = tpu.memref_squeeze %dma_wait3A_530 : memref<1x4x1024xf32, #tpu.memory_space<vmem>> -> memref<4x1024xf32, #tpu.memory_space<vmem>>
      %dma_wait3A_532 = arith.constant 0 : i32
      %dma_wait3A_533 = tpu.memref_slice %arg3[%add3A_503, %dma_wait3A_532] : memref<8192x1024xf32, #tpu.memory_space<hbm>> -> memref<4x1024xf32, #tpu.memory_space<hbm>>
      tpu.wait_dma2 semaphore(%arg13 : memref<!tpu.dma_semaphore, #tpu.memory_space<semaphore_mem>>) src(%dma_wait3A_533 : memref<4x1024xf32, #tpu.memory_space<hbm>>) dst(%dma_wait3A_531 : memref<4x1024xf32, #tpu.memory_space<vmem>>)
      %scan3A_534 = arith.constant 0 : i32
      %scan3A_535 = arith.constant 0 : i32
      %scan3A_536 = arith.constant 64 : i32
      %scan3A_537 = arith.addi %scan3A_535, %scan3A_536 : i32
      %scan3A_538 = arith.constant 1 : i32
      scf.for %scan3A_914 = %scan3A_535 to %scan3A_537 step %scan3A_538  : i32 {
        %mul3A_915 = arith.constant 1 : i32
        %mul3A_916 = arith.muli %scan3A_914, %mul3A_915 : i32
        %add3A_917 = arith.constant 0 : i32
        %add3A_918 = arith.addi %mul3A_916, %add3A_917 : i32
        %mul3A_919 = arith.constant 16 : i32
        %mul3A_920 = arith.muli %add3A_918, %mul3A_919 : i32
        %multiple_of3A = tpu.assume_multiple %mul3A_920, 16 : i32
        %get3A = arith.constant 2 : i32
        %get3A_921 = arith.constant 0 : i32
        %get3A_922 = arith.index_cast %get3A : i32 to index
        %get3A_923 = arith.index_cast %get3A_921 : i32 to index
        %get3A_924 = arith.index_cast %multiple_of3A : i32 to index
        %get3A_925 = tpu.vector_load %arg6[%get3A_922, %get3A_923, %get3A_924] {strides = array<i32>} : memref<4x4x1024xf32, #tpu.memory_space<vmem>>, vector<1x1x16xf32>,
        %get3A_926 = vector.shape_cast %get3A_925 : vector<1x1x16xf32> to vector<16xf32>
        %swap3A = arith.constant 2 : i32
        %swap3A_927 = arith.constant 0 : i32
        %swap3A_928 = arith.constant 0 : i32
        %swap3A_929 = arith.index_cast %swap3A : i32 to index
        %swap3A_930 = arith.index_cast %swap3A_927 : i32 to index
        %swap3A_931 = arith.index_cast %swap3A_928 : i32 to index
        %swap3A_932 = arith.index_cast %multiple_of3A : i32 to index
        %swap3A_933 = tpu.vector_load %arg5[%swap3A_929, %swap3A_930, %swap3A_931, %swap3A_932] {strides = array<i32>} : memref<4x4x4x1024xf32, #tpu.memory_space<vmem>>, vector<1x1x1x16xf32>,
        %swap3A_934 = vector.shape_cast %swap3A_933 : vector<1x1x1x16xf32> to vector<16xf32>
        %swap3A_935 = vector.shape_cast %get3A_926 : vector<16xf32> to vector<1x1x1x16xf32>
        tpu.vector_store %arg5[%swap3A_929, %swap3A_930, %swap3A_931, %swap3A_932], %swap3A_935 {add = true, strides = array<i32>} : memref<4x4x4x1024xf32, #tpu.memory_space<vmem>>, vector<1x1x1x16xf32>,
        %swap3A_936 = arith.constant 2 : i32
        %swap3A_937 = arith.constant 0 : i32
        %swap3A_938 = arith.constant 1 : i32
        %swap3A_939 = arith.index_cast %swap3A_936 : i32 to index
        %swap3A_940 = arith.index_cast %swap3A_937 : i32 to index
        %swap3A_941 = arith.index_cast %swap3A_938 : i32 to index
        %swap3A_942 = arith.index_cast %multiple_of3A : i32 to index
        %swap3A_943 = tpu.vector_load %arg5[%swap3A_939, %swap3A_940, %swap3A_941, %swap3A_942] {strides = array<i32>} : memref<4x4x4x1024xf32, #tpu.memory_space<vmem>>, vector<1x1x1x16xf32>,
        %swap3A_944 = vector.shape_cast %swap3A_943 : vector<1x1x1x16xf32> to vector<16xf32>
        %swap3A_945 = vector.shape_cast %get3A_926 : vector<16xf32> to vector<1x1x1x16xf32>
        tpu.vector_store %arg5[%swap3A_939, %swap3A_940, %swap3A_941, %swap3A_942], %swap3A_945 {add = true, strides = array<i32>} : memref<4x4x4x1024xf32, #tpu.memory_space<vmem>>, vector<1x1x1x16xf32>,
        %swap3A_946 = arith.constant 2 : i32
        %swap3A_947 = arith.constant 0 : i32
        %swap3A_948 = arith.constant 2 : i32
        %swap3A_949 = arith.index_cast %swap3A_946 : i32 to index
        %swap3A_950 = arith.index_cast %swap3A_947 : i32 to index
        %swap3A_951 = arith.index_cast %swap3A_948 : i32 to index
        %swap3A_952 = arith.index_cast %multiple_of3A : i32 to index
        %swap3A_953 = tpu.vector_load %arg5[%swap3A_949, %swap3A_950, %swap3A_951, %swap3A_952] {strides = array<i32>} : memref<4x4x4x1024xf32, #tpu.memory_space<vmem>>, vector<1x1x1x16xf32>,
        %swap3A_954 = vector.shape_cast %swap3A_953 : vector<1x1x1x16xf32> to vector<16xf32>
        %swap3A_955 = vector.shape_cast %get3A_926 : vector<16xf32> to vector<1x1x1x16xf32>
        tpu.vector_store %arg5[%swap3A_949, %swap3A_950, %swap3A_951, %swap3A_952], %swap3A_955 {add = true, strides = array<i32>} : memref<4x4x4x1024xf32, #tpu.memory_space<vmem>>, vector<1x1x1x16xf32>,
        %swap3A_956 = arith.constant 2 : i32
        %swap3A_957 = arith.constant 0 : i32
        %swap3A_958 = arith.constant 3 : i32
        %swap3A_959 = arith.index_cast %swap3A_956 : i32 to index
        %swap3A_960 = arith.index_cast %swap3A_957 : i32 to index
        %swap3A_961 = arith.index_cast %swap3A_958 : i32 to index
        %swap3A_962 = arith.index_cast %multiple_of3A : i32 to index
        %swap3A_963 = tpu.vector_load %arg5[%swap3A_959, %swap3A_960, %swap3A_961, %swap3A_962] {strides = array<i32>} : memref<4x4x4x1024xf32, #tpu.memory_space<vmem>>, vector<1x1x1x16xf32>,
        %swap3A_964 = vector.shape_cast %swap3A_963 : vector<1x1x1x16xf32> to vector<16xf32>
        %swap3A_965 = vector.shape_cast %get3A_926 : vector<16xf32> to vector<1x1x1x16xf32>
        tpu.vector_store %arg5[%swap3A_959, %swap3A_960, %swap3A_961, %swap3A_962], %swap3A_965 {add = true, strides = array<i32>} : memref<4x4x4x1024xf32, #tpu.memory_space<vmem>>, vector<1x1x1x16xf32>,
        %get3A_966 = arith.constant 2 : i32
        %get3A_967 = arith.constant 1 : i32
        %get3A_968 = arith.index_cast %get3A_966 : i32 to index
        %get3A_969 = arith.index_cast %get3A_967 : i32 to index
        %get3A_970 = arith.index_cast %multiple_of3A : i32 to index
        %get3A_971 = tpu.vector_load %arg6[%get3A_968, %get3A_969, %get3A_970] {strides = array<i32>} : memref<4x4x1024xf32, #tpu.memory_space<vmem>>, vector<1x1x16xf32>,
        %get3A_972 = vector.shape_cast %get3A_971 : vector<1x1x16xf32> to vector<16xf32>
        %swap3A_973 = arith.constant 2 : i32
        %swap3A_974 = arith.constant 1 : i32
        %swap3A_975 = arith.constant 0 : i32
        %swap3A_976 = arith.index_cast %swap3A_973 : i32 to index
        %swap3A_977 = arith.index_cast %swap3A_974 : i32 to index
        %swap3A_978 = arith.index_cast %swap3A_975 : i32 to index
        %swap3A_979 = arith.index_cast %multiple_of3A : i32 to index
        %swap3A_980 = tpu.vector_load %arg5[%swap3A_976, %swap3A_977, %swap3A_978, %swap3A_979] {strides = array<i32>} : memref<4x4x4x1024xf32, #tpu.memory_space<vmem>>, vector<1x1x1x16xf32>,
        %swap3A_981 = vector.shape_cast %swap3A_980 : vector<1x1x1x16xf32> to vector<16xf32>
        %swap3A_982 = vector.shape_cast %get3A_972 : vector<16xf32> to vector<1x1x1x16xf32>
        tpu.vector_store %arg5[%swap3A_976, %swap3A_977, %swap3A_978, %swap3A_979], %swap3A_982 {add = true, strides = array<i32>} : memref<4x4x4x1024xf32, #tpu.memory_space<vmem>>, vector<1x1x1x16xf32>,
        %swap3A_983 = arith.constant 2 : i32
        %swap3A_984 = arith.constant 1 : i32
        %swap3A_985 = arith.constant 1 : i32
        %swap3A_986 = arith.index_cast %swap3A_983 : i32 to index
        %swap3A_987 = arith.index_cast %swap3A_984 : i32 to index
        %swap3A_988 = arith.index_cast %swap3A_985 : i32 to index
        %swap3A_989 = arith.index_cast %multiple_of3A : i32 to index
        %swap3A_990 = tpu.vector_load %arg5[%swap3A_986, %swap3A_987, %swap3A_988, %swap3A_989] {strides = array<i32>} : memref<4x4x4x1024xf32, #tpu.memory_space<vmem>>, vector<1x1x1x16xf32>,
        %swap3A_991 = vector.shape_cast %swap3A_990 : vector<1x1x1x16xf32> to vector<16xf32>
        %swap3A_992 = vector.shape_cast %get3A_972 : vector<16xf32> to vector<1x1x1x16xf32>
        tpu.vector_store %arg5[%swap3A_986, %swap3A_987, %swap3A_988, %swap3A_989], %swap3A_992 {add = true, strides = array<i32>} : memref<4x4x4x1024xf32, #tpu.memory_space<vmem>>, vector<1x1x1x16xf32>,
        %swap3A_993 = arith.constant 2 : i32
        %swap3A_994 = arith.constant 1 : i32
        %swap3A_995 = arith.constant 2 : i32
        %swap3A_996 = arith.index_cast %swap3A_993 : i32 to index
        %swap3A_997 = arith.index_cast %swap3A_994 : i32 to index
        %swap3A_998 = arith.index_cast %swap3A_995 : i32 to index
        %swap3A_999 = arith.index_cast %multiple_of3A : i32 to index
        %swap3A_1000 = tpu.vector_load %arg5[%swap3A_996, %swap3A_997, %swap3A_998, %swap3A_999] {strides = array<i32>} : memref<4x4x4x1024xf32, #tpu.memory_space<vmem>>, vector<1x1x1x16xf32>,
        %swap3A_1001 = vector.shape_cast %swap3A_1000 : vector<1x1x1x16xf32> to vector<16xf32>
        %swap3A_1002 = vector.shape_cast %get3A_972 : vector<16xf32> to vector<1x1x1x16xf32>
        tpu.vector_store %arg5[%swap3A_996, %swap3A_997, %swap3A_998, %swap3A_999], %swap3A_1002 {add = true, strides = array<i32>} : memref<4x4x4x1024xf32, #tpu.memory_space<vmem>>, vector<1x1x1x16xf32>,
        %swap3A_1003 = arith.constant 2 : i32
        %swap3A_1004 = arith.constant 1 : i32
        %swap3A_1005 = arith.constant 3 : i32
        %swap3A_1006 = arith.index_cast %swap3A_1003 : i32 to index
        %swap3A_1007 = arith.index_cast %swap3A_1004 : i32 to index
        %swap3A_1008 = arith.index_cast %swap3A_1005 : i32 to index
        %swap3A_1009 = arith.index_cast %multiple_of3A : i32 to index
        %swap3A_1010 = tpu.vector_load %arg5[%swap3A_1006, %swap3A_1007, %swap3A_1008, %swap3A_1009] {strides = array<i32>} : memref<4x4x4x1024xf32, #tpu.memory_space<vmem>>, vector<1x1x1x16xf32>,
        %swap3A_1011 = vector.shape_cast %swap3A_1010 : vector<1x1x1x16xf32> to vector<16xf32>
        %swap3A_1012 = vector.shape_cast %get3A_972 : vector<16xf32> to vector<1x1x1x16xf32>
        tpu.vector_store %arg5[%swap3A_1006, %swap3A_1007, %swap3A_1008, %swap3A_1009], %swap3A_1012 {add = true, strides = array<i32>} : memref<4x4x4x1024xf32, #tpu.memory_space<vmem>>, vector<1x1x1x16xf32>,
        %get3A_1013 = arith.constant 2 : i32
        %get3A_1014 = arith.constant 2 : i32
        %get3A_1015 = arith.index_cast %get3A_1013 : i32 to index
        %get3A_1016 = arith.index_cast %get3A_1014 : i32 to index
        %get3A_1017 = arith.index_cast %multiple_of3A : i32 to index
        %get3A_1018 = tpu.vector_load %arg6[%get3A_1015, %get3A_1016, %get3A_1017] {strides = array<i32>} : memref<4x4x1024xf32, #tpu.memory_space<vmem>>, vector<1x1x16xf32>,
        %get3A_1019 = vector.shape_cast %get3A_1018 : vector<1x1x16xf32> to vector<16xf32>
        %swap3A_1020 = arith.constant 2 : i32
        %swap3A_1021 = arith.constant 2 : i32
        %swap3A_1022 = arith.constant 0 : i32
        %swap3A_1023 = arith.index_cast %swap3A_1020 : i32 to index
        %swap3A_1024 = arith.index_cast %swap3A_1021 : i32 to index
        %swap3A_1025 = arith.index_cast %swap3A_1022 : i32 to index
        %swap3A_1026 = arith.index_cast %multiple_of3A : i32 to index
        %swap3A_1027 = tpu.vector_load %arg5[%swap3A_1023, %swap3A_1024, %swap3A_1025, %swap3A_1026] {strides = array<i32>} : memref<4x4x4x1024xf32, #tpu.memory_space<vmem>>, vector<1x1x1x16xf32>,
        %swap3A_1028 = vector.shape_cast %swap3A_1027 : vector<1x1x1x16xf32> to vector<16xf32>
        %swap3A_1029 = vector.shape_cast %get3A_1019 : vector<16xf32> to vector<1x1x1x16xf32>
        tpu.vector_store %arg5[%swap3A_1023, %swap3A_1024, %swap3A_1025, %swap3A_1026], %swap3A_1029 {add = true, strides = array<i32>} : memref<4x4x4x1024xf32, #tpu.memory_space<vmem>>, vector<1x1x1x16xf32>,
        %swap3A_1030 = arith.constant 2 : i32
        %swap3A_1031 = arith.constant 2 : i32
        %swap3A_1032 = arith.constant 1 : i32
        %swap3A_1033 = arith.index_cast %swap3A_1030 : i32 to index
        %swap3A_1034 = arith.index_cast %swap3A_1031 : i32 to index
        %swap3A_1035 = arith.index_cast %swap3A_1032 : i32 to index
        %swap3A_1036 = arith.index_cast %multiple_of3A : i32 to index
        %swap3A_1037 = tpu.vector_load %arg5[%swap3A_1033, %swap3A_1034, %swap3A_1035, %swap3A_1036] {strides = array<i32>} : memref<4x4x4x1024xf32, #tpu.memory_space<vmem>>, vector<1x1x1x16xf32>,
        %swap3A_1038 = vector.shape_cast %swap3A_1037 : vector<1x1x1x16xf32> to vector<16xf32>
        %swap3A_1039 = vector.shape_cast %get3A_1019 : vector<16xf32> to vector<1x1x1x16xf32>
        tpu.vector_store %arg5[%swap3A_1033, %swap3A_1034, %swap3A_1035, %swap3A_1036], %swap3A_1039 {add = true, strides = array<i32>} : memref<4x4x4x1024xf32, #tpu.memory_space<vmem>>, vector<1x1x1x16xf32>,
        %swap3A_1040 = arith.constant 2 : i32
        %swap3A_1041 = arith.constant 2 : i32
        %swap3A_1042 = arith.constant 2 : i32
        %swap3A_1043 = arith.index_cast %swap3A_1040 : i32 to index
        %swap3A_1044 = arith.index_cast %swap3A_1041 : i32 to index
        %swap3A_1045 = arith.index_cast %swap3A_1042 : i32 to index
        %swap3A_1046 = arith.index_cast %multiple_of3A : i32 to index
        %swap3A_1047 = tpu.vector_load %arg5[%swap3A_1043, %swap3A_1044, %swap3A_1045, %swap3A_1046] {strides = array<i32>} : memref<4x4x4x1024xf32, #tpu.memory_space<vmem>>, vector<1x1x1x16xf32>,
        %swap3A_1048 = vector.shape_cast %swap3A_1047 : vector<1x1x1x16xf32> to vector<16xf32>
        %swap3A_1049 = vector.shape_cast %get3A_1019 : vector<16xf32> to vector<1x1x1x16xf32>
        tpu.vector_store %arg5[%swap3A_1043, %swap3A_1044, %swap3A_1045, %swap3A_1046], %swap3A_1049 {add = true, strides = array<i32>} : memref<4x4x4x1024xf32, #tpu.memory_space<vmem>>, vector<1x1x1x16xf32>,
        %swap3A_1050 = arith.constant 2 : i32
        %swap3A_1051 = arith.constant 2 : i32
        %swap3A_1052 = arith.constant 3 : i32
        %swap3A_1053 = arith.index_cast %swap3A_1050 : i32 to index
        %swap3A_1054 = arith.index_cast %swap3A_1051 : i32 to index
        %swap3A_1055 = arith.index_cast %swap3A_1052 : i32 to index
        %swap3A_1056 = arith.index_cast %multiple_of3A : i32 to index
        %swap3A_1057 = tpu.vector_load %arg5[%swap3A_1053, %swap3A_1054, %swap3A_1055, %swap3A_1056] {strides = array<i32>} : memref<4x4x4x1024xf32, #tpu.memory_space<vmem>>, vector<1x1x1x16xf32>,
        %swap3A_1058 = vector.shape_cast %swap3A_1057 : vector<1x1x1x16xf32> to vector<16xf32>
        %swap3A_1059 = vector.shape_cast %get3A_1019 : vector<16xf32> to vector<1x1x1x16xf32>
        tpu.vector_store %arg5[%swap3A_1053, %swap3A_1054, %swap3A_1055, %swap3A_1056], %swap3A_1059 {add = true, strides = array<i32>} : memref<4x4x4x1024xf32, #tpu.memory_space<vmem>>, vector<1x1x1x16xf32>,
        %get3A_1060 = arith.constant 2 : i32
        %get3A_1061 = arith.constant 3 : i32
        %get3A_1062 = arith.index_cast %get3A_1060 : i32 to index
        %get3A_1063 = arith.index_cast %get3A_1061 : i32 to index
        %get3A_1064 = arith.index_cast %multiple_of3A : i32 to index
        %get3A_1065 = tpu.vector_load %arg6[%get3A_1062, %get3A_1063, %get3A_1064] {strides = array<i32>} : memref<4x4x1024xf32, #tpu.memory_space<vmem>>, vector<1x1x16xf32>,
        %get3A_1066 = vector.shape_cast %get3A_1065 : vector<1x1x16xf32> to vector<16xf32>
        %swap3A_1067 = arith.constant 2 : i32
        %swap3A_1068 = arith.constant 3 : i32
        %swap3A_1069 = arith.constant 0 : i32
        %swap3A_1070 = arith.index_cast %swap3A_1067 : i32 to index
        %swap3A_1071 = arith.index_cast %swap3A_1068 : i32 to index
        %swap3A_1072 = arith.index_cast %swap3A_1069 : i32 to index
        %swap3A_1073 = arith.index_cast %multiple_of3A : i32 to index
        %swap3A_1074 = tpu.vector_load %arg5[%swap3A_1070, %swap3A_1071, %swap3A_1072, %swap3A_1073] {strides = array<i32>} : memref<4x4x4x1024xf32, #tpu.memory_space<vmem>>, vector<1x1x1x16xf32>,
        %swap3A_1075 = vector.shape_cast %swap3A_1074 : vector<1x1x1x16xf32> to vector<16xf32>
        %swap3A_1076 = vector.shape_cast %get3A_1066 : vector<16xf32> to vector<1x1x1x16xf32>
        tpu.vector_store %arg5[%swap3A_1070, %swap3A_1071, %swap3A_1072, %swap3A_1073], %swap3A_1076 {add = true, strides = array<i32>} : memref<4x4x4x1024xf32, #tpu.memory_space<vmem>>, vector<1x1x1x16xf32>,
        %swap3A_1077 = arith.constant 2 : i32
        %swap3A_1078 = arith.constant 3 : i32
        %swap3A_1079 = arith.constant 1 : i32
        %swap3A_1080 = arith.index_cast %swap3A_1077 : i32 to index
        %swap3A_1081 = arith.index_cast %swap3A_1078 : i32 to index
        %swap3A_1082 = arith.index_cast %swap3A_1079 : i32 to index
        %swap3A_1083 = arith.index_cast %multiple_of3A : i32 to index
        %swap3A_1084 = tpu.vector_load %arg5[%swap3A_1080, %swap3A_1081, %swap3A_1082, %swap3A_1083] {strides = array<i32>} : memref<4x4x4x1024xf32, #tpu.memory_space<vmem>>, vector<1x1x1x16xf32>,
        %swap3A_1085 = vector.shape_cast %swap3A_1084 : vector<1x1x1x16xf32> to vector<16xf32>
        %swap3A_1086 = vector.shape_cast %get3A_1066 : vector<16xf32> to vector<1x1x1x16xf32>
        tpu.vector_store %arg5[%swap3A_1080, %swap3A_1081, %swap3A_1082, %swap3A_1083], %swap3A_1086 {add = true, strides = array<i32>} : memref<4x4x4x1024xf32, #tpu.memory_space<vmem>>, vector<1x1x1x16xf32>,
        %swap3A_1087 = arith.constant 2 : i32
        %swap3A_1088 = arith.constant 3 : i32
        %swap3A_1089 = arith.constant 2 : i32
        %swap3A_1090 = arith.index_cast %swap3A_1087 : i32 to index
        %swap3A_1091 = arith.index_cast %swap3A_1088 : i32 to index
        %swap3A_1092 = arith.index_cast %swap3A_1089 : i32 to index
        %swap3A_1093 = arith.index_cast %multiple_of3A : i32 to index
        %swap3A_1094 = tpu.vector_load %arg5[%swap3A_1090, %swap3A_1091, %swap3A_1092, %swap3A_1093] {strides = array<i32>} : memref<4x4x4x1024xf32, #tpu.memory_space<vmem>>, vector<1x1x1x16xf32>,
        %swap3A_1095 = vector.shape_cast %swap3A_1094 : vector<1x1x1x16xf32> to vector<16xf32>
        %swap3A_1096 = vector.shape_cast %get3A_1066 : vector<16xf32> to vector<1x1x1x16xf32>
        tpu.vector_store %arg5[%swap3A_1090, %swap3A_1091, %swap3A_1092, %swap3A_1093], %swap3A_1096 {add = true, strides = array<i32>} : memref<4x4x4x1024xf32, #tpu.memory_space<vmem>>, vector<1x1x1x16xf32>,
        %swap3A_1097 = arith.constant 2 : i32
        %swap3A_1098 = arith.constant 3 : i32
        %swap3A_1099 = arith.constant 3 : i32
        %swap3A_1100 = arith.index_cast %swap3A_1097 : i32 to index
        %swap3A_1101 = arith.index_cast %swap3A_1098 : i32 to index
        %swap3A_1102 = arith.index_cast %swap3A_1099 : i32 to index
        %swap3A_1103 = arith.index_cast %multiple_of3A : i32 to index
        %swap3A_1104 = tpu.vector_load %arg5[%swap3A_1100, %swap3A_1101, %swap3A_1102, %swap3A_1103] {strides = array<i32>} : memref<4x4x4x1024xf32, #tpu.memory_space<vmem>>, vector<1x1x1x16xf32>,
        %swap3A_1105 = vector.shape_cast %swap3A_1104 : vector<1x1x1x16xf32> to vector<16xf32>
        %swap3A_1106 = vector.shape_cast %get3A_1066 : vector<16xf32> to vector<1x1x1x16xf32>
        tpu.vector_store %arg5[%swap3A_1100, %swap3A_1101, %swap3A_1102, %swap3A_1103], %swap3A_1106 {add = true, strides = array<i32>} : memref<4x4x4x1024xf32, #tpu.memory_space<vmem>>, vector<1x1x1x16xf32>,
      }
      %scan3A_539 = arith.constant 64 : i32
      %mul3A_540 = arith.constant 4 : i32
      %mul3A_541 = arith.muli %add3A_444, %mul3A_540 : i32
      %add3A_542 = arith.addi %mul3A_2, %mul3A_541 : i32
      %dma_start3A_543 = arith.constant 2 : i32
      %dma_start3A_544 = arith.constant 0 : i32
      %dma_start3A_545 = arith.constant 0 : i32
      %dma_start3A_546 = arith.constant 0 : i32
      %dma_start3A_547 = tpu.memref_slice %arg5[%dma_start3A_543, %dma_start3A_544, %dma_start3A_545, %dma_start3A_546] : memref<4x4x4x1024xf32, #tpu.memory_space<vmem>> -> memref<1x4x4x1024xf32, #tpu.memory_space<vmem>>
      %dma_start3A_548 = tpu.memref_squeeze %dma_start3A_547 : memref<1x4x4x1024xf32, #tpu.memory_space<vmem>> -> memref<4x4x1024xf32, #tpu.memory_space<vmem>>
      %dma_start3A_549 = arith.constant 0 : i32
      %dma_start3A_550 = arith.constant 0 : i32
      %dma_start3A_551 = tpu.memref_slice %arg4[%add3A_542, %dma_start3A_549, %dma_start3A_550] : memref<4096x4x1024xf32, #tpu.memory_space<hbm>> -> memref<4x4x1024xf32, #tpu.memory_space<hbm>>
      %dma_start3A_552 = arith.constant 0 : i32
      %dma_start3A_553 = arith.constant 0 : i32
      %dma_start3A_554 = tpu.memref_slice %arg4[%add3A_542, %dma_start3A_552, %dma_start3A_553] : memref<4096x4x1024xf32, #tpu.memory_space<hbm>> -> memref<4x4x1024xf32, #tpu.memory_space<hbm>>
      %dma_start3A_555 = arith.constant 0 : i32
      %dma_start3A_556 = arith.constant 0 : i32
      %dma_start3A_557 = arith.constant 0 : i32
      %dma_start3A_558 = tpu.memref_slice %arg5[%dma_start3A_543, %dma_start3A_555, %dma_start3A_556, %dma_start3A_557] : memref<4x4x4x1024xf32, #tpu.memory_space<vmem>> -> memref<1x4x4x1024xf32, #tpu.memory_space<vmem>>
      %dma_start3A_559 = tpu.memref_squeeze %dma_start3A_558 : memref<1x4x4x1024xf32, #tpu.memory_space<vmem>> -> memref<4x4x1024xf32, #tpu.memory_space<vmem>>
      tpu.enqueue_dma source(%dma_start3A_559 : memref<4x4x1024xf32, #tpu.memory_space<vmem>>) target(%dma_start3A_554 : memref<4x4x1024xf32, #tpu.memory_space<hbm>>) target_semaphore(%arg17 : memref<!tpu.dma_semaphore, #tpu.memory_space<semaphore_mem>>)
      %add3A_560 = arith.constant 1 : i32
      %add3A_561 = arith.addi %add3A_442, %add3A_560 : i32
      %sub3A_562 = arith.constant 2 : i32
      %sub3A_563 = arith.subi %add3A_561, %sub3A_562 : i32
      %mul3A_564 = arith.constant 4 : i32
      %mul3A_565 = arith.muli %sub3A_563, %mul3A_564 : i32
      %add3A_566 = arith.addi %mul3A_2, %mul3A_565 : i32
      %dma_wait3A_567 = arith.constant 1 : i32
      %dma_wait3A_568 = arith.constant 0 : i32
      %dma_wait3A_569 = arith.constant 0 : i32
      %dma_wait3A_570 = arith.constant 0 : i32
      %dma_wait3A_571 = tpu.memref_slice %arg5[%dma_wait3A_567, %dma_wait3A_568, %dma_wait3A_569, %dma_wait3A_570] : memref<4x4x4x1024xf32, #tpu.memory_space<vmem>> -> memref<1x4x4x1024xf32, #tpu.memory_space<vmem>>
      %dma_wait3A_572 = tpu.memref_squeeze %dma_wait3A_571 : memref<1x4x4x1024xf32, #tpu.memory_space<vmem>> -> memref<4x4x1024xf32, #tpu.memory_space<vmem>>
      %dma_wait3A_573 = arith.constant 0 : i32
      %dma_wait3A_574 = arith.constant 0 : i32
      %dma_wait3A_575 = tpu.memref_slice %arg4[%add3A_566, %dma_wait3A_573, %dma_wait3A_574] : memref<4096x4x1024xf32, #tpu.memory_space<hbm>> -> memref<4x4x1024xf32, #tpu.memory_space<hbm>>
      %dma_wait3A_576 = arith.constant 0 : i32
      %dma_wait3A_577 = arith.constant 0 : i32
      %dma_wait3A_578 = tpu.memref_slice %arg4[%add3A_566, %dma_wait3A_576, %dma_wait3A_577] : memref<4096x4x1024xf32, #tpu.memory_space<hbm>> -> memref<4x4x1024xf32, #tpu.memory_space<hbm>>
      %dma_wait3A_579 = arith.constant 0 : i32
      %dma_wait3A_580 = arith.constant 0 : i32
      %dma_wait3A_581 = arith.constant 0 : i32
      %dma_wait3A_582 = tpu.memref_slice %arg5[%dma_wait3A_567, %dma_wait3A_579, %dma_wait3A_580, %dma_wait3A_581] : memref<4x4x4x1024xf32, #tpu.memory_space<vmem>> -> memref<1x4x4x1024xf32, #tpu.memory_space<vmem>>
      %dma_wait3A_583 = tpu.memref_squeeze %dma_wait3A_582 : memref<1x4x4x1024xf32, #tpu.memory_space<vmem>> -> memref<4x4x1024xf32, #tpu.memory_space<vmem>>
      tpu.wait_dma2 semaphore(%arg16 : memref<!tpu.dma_semaphore, #tpu.memory_space<semaphore_mem>>) src(%dma_wait3A_583 : memref<4x4x1024xf32, #tpu.memory_space<vmem>>) dst(%dma_wait3A_578 : memref<4x4x1024xf32, #tpu.memory_space<hbm>>)
      %add3A_584 = arith.constant 2 : i32
      %add3A_585 = arith.addi %add3A_561, %add3A_584 : i32
      %mul3A_586 = arith.constant 4 : i32
      %mul3A_587 = arith.muli %add3A_585, %mul3A_586 : i32
      %add3A_588 = arith.addi %mul3A_2, %mul3A_587 : i32
      %dma_start3A_589 = arith.constant 1 : i32
      %dma_start3A_590 = arith.constant 0 : i32
      %dma_start3A_591 = arith.constant 0 : i32
      %dma_start3A_592 = arith.constant 0 : i32
      %dma_start3A_593 = tpu.memref_slice %arg5[%dma_start3A_589, %dma_start3A_590, %dma_start3A_591, %dma_start3A_592] : memref<4x4x4x1024xf32, #tpu.memory_space<vmem>> -> memref<1x4x4x1024xf32, #tpu.memory_space<vmem>>
      %dma_start3A_594 = tpu.memref_squeeze %dma_start3A_593 : memref<1x4x4x1024xf32, #tpu.memory_space<vmem>> -> memref<4x4x1024xf32, #tpu.memory_space<vmem>>
      %dma_start3A_595 = arith.constant 0 : i32
      %dma_start3A_596 = arith.constant 0 : i32
      %dma_start3A_597 = tpu.memref_slice %arg2[%add3A_588, %dma_start3A_595, %dma_start3A_596] : memref<4096x4x1024xf32, #tpu.memory_space<hbm>> -> memref<4x4x1024xf32, #tpu.memory_space<hbm>>
      %dma_start3A_598 = arith.constant 0 : i32
      %dma_start3A_599 = arith.constant 0 : i32
      %dma_start3A_600 = arith.constant 0 : i32
      %dma_start3A_601 = tpu.memref_slice %arg5[%dma_start3A_589, %dma_start3A_598, %dma_start3A_599, %dma_start3A_600] : memref<4x4x4x1024xf32, #tpu.memory_space<vmem>> -> memref<1x4x4x1024xf32, #tpu.memory_space<vmem>>
      %dma_start3A_602 = tpu.memref_squeeze %dma_start3A_601 : memref<1x4x4x1024xf32, #tpu.memory_space<vmem>> -> memref<4x4x1024xf32, #tpu.memory_space<vmem>>
      %dma_start3A_603 = arith.constant 0 : i32
      %dma_start3A_604 = arith.constant 0 : i32
      %dma_start3A_605 = tpu.memref_slice %arg2[%add3A_588, %dma_start3A_603, %dma_start3A_604] : memref<4096x4x1024xf32, #tpu.memory_space<hbm>> -> memref<4x4x1024xf32, #tpu.memory_space<hbm>>
      tpu.enqueue_dma source(%dma_start3A_605 : memref<4x4x1024xf32, #tpu.memory_space<hbm>>) target(%dma_start3A_602 : memref<4x4x1024xf32, #tpu.memory_space<vmem>>) target_semaphore(%arg8 : memref<!tpu.dma_semaphore, #tpu.memory_space<semaphore_mem>>)
      %dma_start3A_606 = arith.constant 1 : i32
      %dma_start3A_607 = arith.constant 0 : i32
      %dma_start3A_608 = arith.constant 0 : i32
      %dma_start3A_609 = tpu.memref_slice %arg6[%dma_start3A_606, %dma_start3A_607, %dma_start3A_608] : memref<4x4x1024xf32, #tpu.memory_space<vmem>> -> memref<1x4x1024xf32, #tpu.memory_space<vmem>>
      %dma_start3A_610 = tpu.memref_squeeze %dma_start3A_609 : memref<1x4x1024xf32, #tpu.memory_space<vmem>> -> memref<4x1024xf32, #tpu.memory_space<vmem>>
      %dma_start3A_611 = arith.constant 0 : i32
      %dma_start3A_612 = tpu.memref_slice %arg3[%add3A_588, %dma_start3A_611] : memref<8192x1024xf32, #tpu.memory_space<hbm>> -> memref<4x1024xf32, #tpu.memory_space<hbm>>
      %dma_start3A_613 = arith.constant 0 : i32
      %dma_start3A_614 = arith.constant 0 : i32
      %dma_start3A_615 = tpu.memref_slice %arg6[%dma_start3A_606, %dma_start3A_613, %dma_start3A_614] : memref<4x4x1024xf32, #tpu.memory_space<vmem>> -> memref<1x4x1024xf32, #tpu.memory_space<vmem>>
      %dma_start3A_616 = tpu.memref_squeeze %dma_start3A_615 : memref<1x4x1024xf32, #tpu.memory_space<vmem>> -> memref<4x1024xf32, #tpu.memory_space<vmem>>
      %dma_start3A_617 = arith.constant 0 : i32
      %dma_start3A_618 = tpu.memref_slice %arg3[%add3A_588, %dma_start3A_617] : memref<8192x1024xf32, #tpu.memory_space<hbm>> -> memref<4x1024xf32, #tpu.memory_space<hbm>>
      tpu.enqueue_dma source(%dma_start3A_618 : memref<4x1024xf32, #tpu.memory_space<hbm>>) target(%dma_start3A_616 : memref<4x1024xf32, #tpu.memory_space<vmem>>) target_semaphore(%arg12 : memref<!tpu.dma_semaphore, #tpu.memory_space<semaphore_mem>>)
      %mul3A_619 = arith.constant 4 : i32
      %mul3A_620 = arith.muli %add3A_561, %mul3A_619 : i32
      %add3A_621 = arith.addi %mul3A_2, %mul3A_620 : i32
      %dma_wait3A_622 = arith.constant 3 : i32
      %dma_wait3A_623 = arith.constant 0 : i32
      %dma_wait3A_624 = arith.constant 0 : i32
      %dma_wait3A_625 = arith.constant 0 : i32
      %dma_wait3A_626 = tpu.memref_slice %arg5[%dma_wait3A_622, %dma_wait3A_623, %dma_wait3A_624, %dma_wait3A_625] : memref<4x4x4x1024xf32, #tpu.memory_space<vmem>> -> memref<1x4x4x1024xf32, #tpu.memory_space<vmem>>
      %dma_wait3A_627 = tpu.memref_squeeze %dma_wait3A_626 : memref<1x4x4x1024xf32, #tpu.memory_space<vmem>> -> memref<4x4x1024xf32, #tpu.memory_space<vmem>>
      %dma_wait3A_628 = arith.constant 0 : i32
      %dma_wait3A_629 = arith.constant 0 : i32
      %dma_wait3A_630 = tpu.memref_slice %arg2[%add3A_621, %dma_wait3A_628, %dma_wait3A_629] : memref<4096x4x1024xf32, #tpu.memory_space<hbm>> -> memref<4x4x1024xf32, #tpu.memory_space<hbm>>
      %dma_wait3A_631 = arith.constant 0 : i32
      %dma_wait3A_632 = arith.constant 0 : i32
      %dma_wait3A_633 = arith.constant 0 : i32
      %dma_wait3A_634 = tpu.memref_slice %arg5[%dma_wait3A_622, %dma_wait3A_631, %dma_wait3A_632, %dma_wait3A_633] : memref<4x4x4x1024xf32, #tpu.memory_space<vmem>> -> memref<1x4x4x1024xf32, #tpu.memory_space<vmem>>
      %dma_wait3A_635 = tpu.memref_squeeze %dma_wait3A_634 : memref<1x4x4x1024xf32, #tpu.memory_space<vmem>> -> memref<4x4x1024xf32, #tpu.memory_space<vmem>>
      %dma_wait3A_636 = arith.constant 0 : i32
      %dma_wait3A_637 = arith.constant 0 : i32
      %dma_wait3A_638 = tpu.memref_slice %arg2[%add3A_621, %dma_wait3A_636, %dma_wait3A_637] : memref<4096x4x1024xf32, #tpu.memory_space<hbm>> -> memref<4x4x1024xf32, #tpu.memory_space<hbm>>
      tpu.wait_dma2 semaphore(%arg10 : memref<!tpu.dma_semaphore, #tpu.memory_space<semaphore_mem>>) src(%dma_wait3A_638 : memref<4x4x1024xf32, #tpu.memory_space<hbm>>) dst(%dma_wait3A_635 : memref<4x4x1024xf32, #tpu.memory_space<vmem>>)
      %dma_wait3A_639 = arith.constant 3 : i32
      %dma_wait3A_640 = arith.constant 0 : i32
      %dma_wait3A_641 = arith.constant 0 : i32
      %dma_wait3A_642 = tpu.memref_slice %arg6[%dma_wait3A_639, %dma_wait3A_640, %dma_wait3A_641] : memref<4x4x1024xf32, #tpu.memory_space<vmem>> -> memref<1x4x1024xf32, #tpu.memory_space<vmem>>
      %dma_wait3A_643 = tpu.memref_squeeze %dma_wait3A_642 : memref<1x4x1024xf32, #tpu.memory_space<vmem>> -> memref<4x1024xf32, #tpu.memory_space<vmem>>
      %dma_wait3A_644 = arith.constant 0 : i32
      %dma_wait3A_645 = tpu.memref_slice %arg3[%add3A_621, %dma_wait3A_644] : memref<8192x1024xf32, #tpu.memory_space<hbm>> -> memref<4x1024xf32, #tpu.memory_space<hbm>>
      %dma_wait3A_646 = arith.constant 0 : i32
      %dma_wait3A_647 = arith.constant 0 : i32
      %dma_wait3A_648 = tpu.memref_slice %arg6[%dma_wait3A_639, %dma_wait3A_646, %dma_wait3A_647] : memref<4x4x1024xf32, #tpu.memory_space<vmem>> -> memref<1x4x1024xf32, #tpu.memory_space<vmem>>
      %dma_wait3A_649 = tpu.memref_squeeze %dma_wait3A_648 : memref<1x4x1024xf32, #tpu.memory_space<vmem>> -> memref<4x1024xf32, #tpu.memory_space<vmem>>
      %dma_wait3A_650 = arith.constant 0 : i32
      %dma_wait3A_651 = tpu.memref_slice %arg3[%add3A_621, %dma_wait3A_650] : memref<8192x1024xf32, #tpu.memory_space<hbm>> -> memref<4x1024xf32, #tpu.memory_space<hbm>>
      tpu.wait_dma2 semaphore(%arg14 : memref<!tpu.dma_semaphore, #tpu.memory_space<semaphore_mem>>) src(%dma_wait3A_651 : memref<4x1024xf32, #tpu.memory_space<hbm>>) dst(%dma_wait3A_649 : memref<4x1024xf32, #tpu.memory_space<vmem>>)
      %scan3A_652 = arith.constant 0 : i32
      %scan3A_653 = arith.constant 0 : i32
      %scan3A_654 = arith.constant 64 : i32
      %scan3A_655 = arith.addi %scan3A_653, %scan3A_654 : i32
      %scan3A_656 = arith.constant 1 : i32
      scf.for %scan3A_914 = %scan3A_653 to %scan3A_655 step %scan3A_656  : i32 {
        %mul3A_915 = arith.constant 1 : i32
        %mul3A_916 = arith.muli %scan3A_914, %mul3A_915 : i32
        %add3A_917 = arith.constant 0 : i32
        %add3A_918 = arith.addi %mul3A_916, %add3A_917 : i32
        %mul3A_919 = arith.constant 16 : i32
        %mul3A_920 = arith.muli %add3A_918, %mul3A_919 : i32
        %multiple_of3A = tpu.assume_multiple %mul3A_920, 16 : i32
        %get3A = arith.constant 3 : i32
        %get3A_921 = arith.constant 0 : i32
        %get3A_922 = arith.index_cast %get3A : i32 to index
        %get3A_923 = arith.index_cast %get3A_921 : i32 to index
        %get3A_924 = arith.index_cast %multiple_of3A : i32 to index
        %get3A_925 = tpu.vector_load %arg6[%get3A_922, %get3A_923, %get3A_924] {strides = array<i32>} : memref<4x4x1024xf32, #tpu.memory_space<vmem>>, vector<1x1x16xf32>,
        %get3A_926 = vector.shape_cast %get3A_925 : vector<1x1x16xf32> to vector<16xf32>
        %swap3A = arith.constant 3 : i32
        %swap3A_927 = arith.constant 0 : i32
        %swap3A_928 = arith.constant 0 : i32
        %swap3A_929 = arith.index_cast %swap3A : i32 to index
        %swap3A_930 = arith.index_cast %swap3A_927 : i32 to index
        %swap3A_931 = arith.index_cast %swap3A_928 : i32 to index
        %swap3A_932 = arith.index_cast %multiple_of3A : i32 to index
        %swap3A_933 = tpu.vector_load %arg5[%swap3A_929, %swap3A_930, %swap3A_931, %swap3A_932] {strides = array<i32>} : memref<4x4x4x1024xf32, #tpu.memory_space<vmem>>, vector<1x1x1x16xf32>,
        %swap3A_934 = vector.shape_cast %swap3A_933 : vector<1x1x1x16xf32> to vector<16xf32>
        %swap3A_935 = vector.shape_cast %get3A_926 : vector<16xf32> to vector<1x1x1x16xf32>
        tpu.vector_store %arg5[%swap3A_929, %swap3A_930, %swap3A_931, %swap3A_932], %swap3A_935 {add = true, strides = array<i32>} : memref<4x4x4x1024xf32, #tpu.memory_space<vmem>>, vector<1x1x1x16xf32>,
        %swap3A_936 = arith.constant 3 : i32
        %swap3A_937 = arith.constant 0 : i32
        %swap3A_938 = arith.constant 1 : i32
        %swap3A_939 = arith.index_cast %swap3A_936 : i32 to index
        %swap3A_940 = arith.index_cast %swap3A_937 : i32 to index
        %swap3A_941 = arith.index_cast %swap3A_938 : i32 to index
        %swap3A_942 = arith.index_cast %multiple_of3A : i32 to index
        %swap3A_943 = tpu.vector_load %arg5[%swap3A_939, %swap3A_940, %swap3A_941, %swap3A_942] {strides = array<i32>} : memref<4x4x4x1024xf32, #tpu.memory_space<vmem>>, vector<1x1x1x16xf32>,
        %swap3A_944 = vector.shape_cast %swap3A_943 : vector<1x1x1x16xf32> to vector<16xf32>
        %swap3A_945 = vector.shape_cast %get3A_926 : vector<16xf32> to vector<1x1x1x16xf32>
        tpu.vector_store %arg5[%swap3A_939, %swap3A_940, %swap3A_941, %swap3A_942], %swap3A_945 {add = true, strides = array<i32>} : memref<4x4x4x1024xf32, #tpu.memory_space<vmem>>, vector<1x1x1x16xf32>,
        %swap3A_946 = arith.constant 3 : i32
        %swap3A_947 = arith.constant 0 : i32
        %swap3A_948 = arith.constant 2 : i32
        %swap3A_949 = arith.index_cast %swap3A_946 : i32 to index
        %swap3A_950 = arith.index_cast %swap3A_947 : i32 to index
        %swap3A_951 = arith.index_cast %swap3A_948 : i32 to index
        %swap3A_952 = arith.index_cast %multiple_of3A : i32 to index
        %swap3A_953 = tpu.vector_load %arg5[%swap3A_949, %swap3A_950, %swap3A_951, %swap3A_952] {strides = array<i32>} : memref<4x4x4x1024xf32, #tpu.memory_space<vmem>>, vector<1x1x1x16xf32>,
        %swap3A_954 = vector.shape_cast %swap3A_953 : vector<1x1x1x16xf32> to vector<16xf32>
        %swap3A_955 = vector.shape_cast %get3A_926 : vector<16xf32> to vector<1x1x1x16xf32>
        tpu.vector_store %arg5[%swap3A_949, %swap3A_950, %swap3A_951, %swap3A_952], %swap3A_955 {add = true, strides = array<i32>} : memref<4x4x4x1024xf32, #tpu.memory_space<vmem>>, vector<1x1x1x16xf32>,
        %swap3A_956 = arith.constant 3 : i32
        %swap3A_957 = arith.constant 0 : i32
        %swap3A_958 = arith.constant 3 : i32
        %swap3A_959 = arith.index_cast %swap3A_956 : i32 to index
        %swap3A_960 = arith.index_cast %swap3A_957 : i32 to index
        %swap3A_961 = arith.index_cast %swap3A_958 : i32 to index
        %swap3A_962 = arith.index_cast %multiple_of3A : i32 to index
        %swap3A_963 = tpu.vector_load %arg5[%swap3A_959, %swap3A_960, %swap3A_961, %swap3A_962] {strides = array<i32>} : memref<4x4x4x1024xf32, #tpu.memory_space<vmem>>, vector<1x1x1x16xf32>,
        %swap3A_964 = vector.shape_cast %swap3A_963 : vector<1x1x1x16xf32> to vector<16xf32>
        %swap3A_965 = vector.shape_cast %get3A_926 : vector<16xf32> to vector<1x1x1x16xf32>
        tpu.vector_store %arg5[%swap3A_959, %swap3A_960, %swap3A_961, %swap3A_962], %swap3A_965 {add = true, strides = array<i32>} : memref<4x4x4x1024xf32, #tpu.memory_space<vmem>>, vector<1x1x1x16xf32>,
        %get3A_966 = arith.constant 3 : i32
        %get3A_967 = arith.constant 1 : i32
        %get3A_968 = arith.index_cast %get3A_966 : i32 to index
        %get3A_969 = arith.index_cast %get3A_967 : i32 to index
        %get3A_970 = arith.index_cast %multiple_of3A : i32 to index
        %get3A_971 = tpu.vector_load %arg6[%get3A_968, %get3A_969, %get3A_970] {strides = array<i32>} : memref<4x4x1024xf32, #tpu.memory_space<vmem>>, vector<1x1x16xf32>,
        %get3A_972 = vector.shape_cast %get3A_971 : vector<1x1x16xf32> to vector<16xf32>
        %swap3A_973 = arith.constant 3 : i32
        %swap3A_974 = arith.constant 1 : i32
        %swap3A_975 = arith.constant 0 : i32
        %swap3A_976 = arith.index_cast %swap3A_973 : i32 to index
        %swap3A_977 = arith.index_cast %swap3A_974 : i32 to index
        %swap3A_978 = arith.index_cast %swap3A_975 : i32 to index
        %swap3A_979 = arith.index_cast %multiple_of3A : i32 to index
        %swap3A_980 = tpu.vector_load %arg5[%swap3A_976, %swap3A_977, %swap3A_978, %swap3A_979] {strides = array<i32>} : memref<4x4x4x1024xf32, #tpu.memory_space<vmem>>, vector<1x1x1x16xf32>,
        %swap3A_981 = vector.shape_cast %swap3A_980 : vector<1x1x1x16xf32> to vector<16xf32>
        %swap3A_982 = vector.shape_cast %get3A_972 : vector<16xf32> to vector<1x1x1x16xf32>
        tpu.vector_store %arg5[%swap3A_976, %swap3A_977, %swap3A_978, %swap3A_979], %swap3A_982 {add = true, strides = array<i32>} : memref<4x4x4x1024xf32, #tpu.memory_space<vmem>>, vector<1x1x1x16xf32>,
        %swap3A_983 = arith.constant 3 : i32
        %swap3A_984 = arith.constant 1 : i32
        %swap3A_985 = arith.constant 1 : i32
        %swap3A_986 = arith.index_cast %swap3A_983 : i32 to index
        %swap3A_987 = arith.index_cast %swap3A_984 : i32 to index
        %swap3A_988 = arith.index_cast %swap3A_985 : i32 to index
        %swap3A_989 = arith.index_cast %multiple_of3A : i32 to index
        %swap3A_990 = tpu.vector_load %arg5[%swap3A_986, %swap3A_987, %swap3A_988, %swap3A_989] {strides = array<i32>} : memref<4x4x4x1024xf32, #tpu.memory_space<vmem>>, vector<1x1x1x16xf32>,
        %swap3A_991 = vector.shape_cast %swap3A_990 : vector<1x1x1x16xf32> to vector<16xf32>
        %swap3A_992 = vector.shape_cast %get3A_972 : vector<16xf32> to vector<1x1x1x16xf32>
        tpu.vector_store %arg5[%swap3A_986, %swap3A_987, %swap3A_988, %swap3A_989], %swap3A_992 {add = true, strides = array<i32>} : memref<4x4x4x1024xf32, #tpu.memory_space<vmem>>, vector<1x1x1x16xf32>,
        %swap3A_993 = arith.constant 3 : i32
        %swap3A_994 = arith.constant 1 : i32
        %swap3A_995 = arith.constant 2 : i32
        %swap3A_996 = arith.index_cast %swap3A_993 : i32 to index
        %swap3A_997 = arith.index_cast %swap3A_994 : i32 to index
        %swap3A_998 = arith.index_cast %swap3A_995 : i32 to index
        %swap3A_999 = arith.index_cast %multiple_of3A : i32 to index
        %swap3A_1000 = tpu.vector_load %arg5[%swap3A_996, %swap3A_997, %swap3A_998, %swap3A_999] {strides = array<i32>} : memref<4x4x4x1024xf32, #tpu.memory_space<vmem>>, vector<1x1x1x16xf32>,
        %swap3A_1001 = vector.shape_cast %swap3A_1000 : vector<1x1x1x16xf32> to vector<16xf32>
        %swap3A_1002 = vector.shape_cast %get3A_972 : vector<16xf32> to vector<1x1x1x16xf32>
        tpu.vector_store %arg5[%swap3A_996, %swap3A_997, %swap3A_998, %swap3A_999], %swap3A_1002 {add = true, strides = array<i32>} : memref<4x4x4x1024xf32, #tpu.memory_space<vmem>>, vector<1x1x1x16xf32>,
        %swap3A_1003 = arith.constant 3 : i32
        %swap3A_1004 = arith.constant 1 : i32
        %swap3A_1005 = arith.constant 3 : i32
        %swap3A_1006 = arith.index_cast %swap3A_1003 : i32 to index
        %swap3A_1007 = arith.index_cast %swap3A_1004 : i32 to index
        %swap3A_1008 = arith.index_cast %swap3A_1005 : i32 to index
        %swap3A_1009 = arith.index_cast %multiple_of3A : i32 to index
        %swap3A_1010 = tpu.vector_load %arg5[%swap3A_1006, %swap3A_1007, %swap3A_1008, %swap3A_1009] {strides = array<i32>} : memref<4x4x4x1024xf32, #tpu.memory_space<vmem>>, vector<1x1x1x16xf32>,
        %swap3A_1011 = vector.shape_cast %swap3A_1010 : vector<1x1x1x16xf32> to vector<16xf32>
        %swap3A_1012 = vector.shape_cast %get3A_972 : vector<16xf32> to vector<1x1x1x16xf32>
        tpu.vector_store %arg5[%swap3A_1006, %swap3A_1007, %swap3A_1008, %swap3A_1009], %swap3A_1012 {add = true, strides = array<i32>} : memref<4x4x4x1024xf32, #tpu.memory_space<vmem>>, vector<1x1x1x16xf32>,
        %get3A_1013 = arith.constant 3 : i32
        %get3A_1014 = arith.constant 2 : i32
        %get3A_1015 = arith.index_cast %get3A_1013 : i32 to index
        %get3A_1016 = arith.index_cast %get3A_1014 : i32 to index
        %get3A_1017 = arith.index_cast %multiple_of3A : i32 to index
        %get3A_1018 = tpu.vector_load %arg6[%get3A_1015, %get3A_1016, %get3A_1017] {strides = array<i32>} : memref<4x4x1024xf32, #tpu.memory_space<vmem>>, vector<1x1x16xf32>,
        %get3A_1019 = vector.shape_cast %get3A_1018 : vector<1x1x16xf32> to vector<16xf32>
        %swap3A_1020 = arith.constant 3 : i32
        %swap3A_1021 = arith.constant 2 : i32
        %swap3A_1022 = arith.constant 0 : i32
        %swap3A_1023 = arith.index_cast %swap3A_1020 : i32 to index
        %swap3A_1024 = arith.index_cast %swap3A_1021 : i32 to index
        %swap3A_1025 = arith.index_cast %swap3A_1022 : i32 to index
        %swap3A_1026 = arith.index_cast %multiple_of3A : i32 to index
        %swap3A_1027 = tpu.vector_load %arg5[%swap3A_1023, %swap3A_1024, %swap3A_1025, %swap3A_1026] {strides = array<i32>} : memref<4x4x4x1024xf32, #tpu.memory_space<vmem>>, vector<1x1x1x16xf32>,
        %swap3A_1028 = vector.shape_cast %swap3A_1027 : vector<1x1x1x16xf32> to vector<16xf32>
        %swap3A_1029 = vector.shape_cast %get3A_1019 : vector<16xf32> to vector<1x1x1x16xf32>
        tpu.vector_store %arg5[%swap3A_1023, %swap3A_1024, %swap3A_1025, %swap3A_1026], %swap3A_1029 {add = true, strides = array<i32>} : memref<4x4x4x1024xf32, #tpu.memory_space<vmem>>, vector<1x1x1x16xf32>,
        %swap3A_1030 = arith.constant 3 : i32
        %swap3A_1031 = arith.constant 2 : i32
        %swap3A_1032 = arith.constant 1 : i32
        %swap3A_1033 = arith.index_cast %swap3A_1030 : i32 to index
        %swap3A_1034 = arith.index_cast %swap3A_1031 : i32 to index
        %swap3A_1035 = arith.index_cast %swap3A_1032 : i32 to index
        %swap3A_1036 = arith.index_cast %multiple_of3A : i32 to index
        %swap3A_1037 = tpu.vector_load %arg5[%swap3A_1033, %swap3A_1034, %swap3A_1035, %swap3A_1036] {strides = array<i32>} : memref<4x4x4x1024xf32, #tpu.memory_space<vmem>>, vector<1x1x1x16xf32>,
        %swap3A_1038 = vector.shape_cast %swap3A_1037 : vector<1x1x1x16xf32> to vector<16xf32>
        %swap3A_1039 = vector.shape_cast %get3A_1019 : vector<16xf32> to vector<1x1x1x16xf32>
        tpu.vector_store %arg5[%swap3A_1033, %swap3A_1034, %swap3A_1035, %swap3A_1036], %swap3A_1039 {add = true, strides = array<i32>} : memref<4x4x4x1024xf32, #tpu.memory_space<vmem>>, vector<1x1x1x16xf32>,
        %swap3A_1040 = arith.constant 3 : i32
        %swap3A_1041 = arith.constant 2 : i32
        %swap3A_1042 = arith.constant 2 : i32
        %swap3A_1043 = arith.index_cast %swap3A_1040 : i32 to index
        %swap3A_1044 = arith.index_cast %swap3A_1041 : i32 to index
        %swap3A_1045 = arith.index_cast %swap3A_1042 : i32 to index
        %swap3A_1046 = arith.index_cast %multiple_of3A : i32 to index
        %swap3A_1047 = tpu.vector_load %arg5[%swap3A_1043, %swap3A_1044, %swap3A_1045, %swap3A_1046] {strides = array<i32>} : memref<4x4x4x1024xf32, #tpu.memory_space<vmem>>, vector<1x1x1x16xf32>,
        %swap3A_1048 = vector.shape_cast %swap3A_1047 : vector<1x1x1x16xf32> to vector<16xf32>
        %swap3A_1049 = vector.shape_cast %get3A_1019 : vector<16xf32> to vector<1x1x1x16xf32>
        tpu.vector_store %arg5[%swap3A_1043, %swap3A_1044, %swap3A_1045, %swap3A_1046], %swap3A_1049 {add = true, strides = array<i32>} : memref<4x4x4x1024xf32, #tpu.memory_space<vmem>>, vector<1x1x1x16xf32>,
        %swap3A_1050 = arith.constant 3 : i32
        %swap3A_1051 = arith.constant 2 : i32
        %swap3A_1052 = arith.constant 3 : i32
        %swap3A_1053 = arith.index_cast %swap3A_1050 : i32 to index
        %swap3A_1054 = arith.index_cast %swap3A_1051 : i32 to index
        %swap3A_1055 = arith.index_cast %swap3A_1052 : i32 to index
        %swap3A_1056 = arith.index_cast %multiple_of3A : i32 to index
        %swap3A_1057 = tpu.vector_load %arg5[%swap3A_1053, %swap3A_1054, %swap3A_1055, %swap3A_1056] {strides = array<i32>} : memref<4x4x4x1024xf32, #tpu.memory_space<vmem>>, vector<1x1x1x16xf32>,
        %swap3A_1058 = vector.shape_cast %swap3A_1057 : vector<1x1x1x16xf32> to vector<16xf32>
        %swap3A_1059 = vector.shape_cast %get3A_1019 : vector<16xf32> to vector<1x1x1x16xf32>
        tpu.vector_store %arg5[%swap3A_1053, %swap3A_1054, %swap3A_1055, %swap3A_1056], %swap3A_1059 {add = true, strides = array<i32>} : memref<4x4x4x1024xf32, #tpu.memory_space<vmem>>, vector<1x1x1x16xf32>,
        %get3A_1060 = arith.constant 3 : i32
        %get3A_1061 = arith.constant 3 : i32
        %get3A_1062 = arith.index_cast %get3A_1060 : i32 to index
        %get3A_1063 = arith.index_cast %get3A_1061 : i32 to index
        %get3A_1064 = arith.index_cast %multiple_of3A : i32 to index
        %get3A_1065 = tpu.vector_load %arg6[%get3A_1062, %get3A_1063, %get3A_1064] {strides = array<i32>} : memref<4x4x1024xf32, #tpu.memory_space<vmem>>, vector<1x1x16xf32>,
        %get3A_1066 = vector.shape_cast %get3A_1065 : vector<1x1x16xf32> to vector<16xf32>
        %swap3A_1067 = arith.constant 3 : i32
        %swap3A_1068 = arith.constant 3 : i32
        %swap3A_1069 = arith.constant 0 : i32
        %swap3A_1070 = arith.index_cast %swap3A_1067 : i32 to index
        %swap3A_1071 = arith.index_cast %swap3A_1068 : i32 to index
        %swap3A_1072 = arith.index_cast %swap3A_1069 : i32 to index
        %swap3A_1073 = arith.index_cast %multiple_of3A : i32 to index
        %swap3A_1074 = tpu.vector_load %arg5[%swap3A_1070, %swap3A_1071, %swap3A_1072, %swap3A_1073] {strides = array<i32>} : memref<4x4x4x1024xf32, #tpu.memory_space<vmem>>, vector<1x1x1x16xf32>,
        %swap3A_1075 = vector.shape_cast %swap3A_1074 : vector<1x1x1x16xf32> to vector<16xf32>
        %swap3A_1076 = vector.shape_cast %get3A_1066 : vector<16xf32> to vector<1x1x1x16xf32>
        tpu.vector_store %arg5[%swap3A_1070, %swap3A_1071, %swap3A_1072, %swap3A_1073], %swap3A_1076 {add = true, strides = array<i32>} : memref<4x4x4x1024xf32, #tpu.memory_space<vmem>>, vector<1x1x1x16xf32>,
        %swap3A_1077 = arith.constant 3 : i32
        %swap3A_1078 = arith.constant 3 : i32
        %swap3A_1079 = arith.constant 1 : i32
        %swap3A_1080 = arith.index_cast %swap3A_1077 : i32 to index
        %swap3A_1081 = arith.index_cast %swap3A_1078 : i32 to index
        %swap3A_1082 = arith.index_cast %swap3A_1079 : i32 to index
        %swap3A_1083 = arith.index_cast %multiple_of3A : i32 to index
        %swap3A_1084 = tpu.vector_load %arg5[%swap3A_1080, %swap3A_1081, %swap3A_1082, %swap3A_1083] {strides = array<i32>} : memref<4x4x4x1024xf32, #tpu.memory_space<vmem>>, vector<1x1x1x16xf32>,
        %swap3A_1085 = vector.shape_cast %swap3A_1084 : vector<1x1x1x16xf32> to vector<16xf32>
        %swap3A_1086 = vector.shape_cast %get3A_1066 : vector<16xf32> to vector<1x1x1x16xf32>
        tpu.vector_store %arg5[%swap3A_1080, %swap3A_1081, %swap3A_1082, %swap3A_1083], %swap3A_1086 {add = true, strides = array<i32>} : memref<4x4x4x1024xf32, #tpu.memory_space<vmem>>, vector<1x1x1x16xf32>,
        %swap3A_1087 = arith.constant 3 : i32
        %swap3A_1088 = arith.constant 3 : i32
        %swap3A_1089 = arith.constant 2 : i32
        %swap3A_1090 = arith.index_cast %swap3A_1087 : i32 to index
        %swap3A_1091 = arith.index_cast %swap3A_1088 : i32 to index
        %swap3A_1092 = arith.index_cast %swap3A_1089 : i32 to index
        %swap3A_1093 = arith.index_cast %multiple_of3A : i32 to index
        %swap3A_1094 = tpu.vector_load %arg5[%swap3A_1090, %swap3A_1091, %swap3A_1092, %swap3A_1093] {strides = array<i32>} : memref<4x4x4x1024xf32, #tpu.memory_space<vmem>>, vector<1x1x1x16xf32>,
        %swap3A_1095 = vector.shape_cast %swap3A_1094 : vector<1x1x1x16xf32> to vector<16xf32>
        %swap3A_1096 = vector.shape_cast %get3A_1066 : vector<16xf32> to vector<1x1x1x16xf32>
        tpu.vector_store %arg5[%swap3A_1090, %swap3A_1091, %swap3A_1092, %swap3A_1093], %swap3A_1096 {add = true, strides = array<i32>} : memref<4x4x4x1024xf32, #tpu.memory_space<vmem>>, vector<1x1x1x16xf32>,
        %swap3A_1097 = arith.constant 3 : i32
        %swap3A_1098 = arith.constant 3 : i32
        %swap3A_1099 = arith.constant 3 : i32
        %swap3A_1100 = arith.index_cast %swap3A_1097 : i32 to index
        %swap3A_1101 = arith.index_cast %swap3A_1098 : i32 to index
        %swap3A_1102 = arith.index_cast %swap3A_1099 : i32 to index
        %swap3A_1103 = arith.index_cast %multiple_of3A : i32 to index
        %swap3A_1104 = tpu.vector_load %arg5[%swap3A_1100, %swap3A_1101, %swap3A_1102, %swap3A_1103] {strides = array<i32>} : memref<4x4x4x1024xf32, #tpu.memory_space<vmem>>, vector<1x1x1x16xf32>,
        %swap3A_1105 = vector.shape_cast %swap3A_1104 : vector<1x1x1x16xf32> to vector<16xf32>
        %swap3A_1106 = vector.shape_cast %get3A_1066 : vector<16xf32> to vector<1x1x1x16xf32>
        tpu.vector_store %arg5[%swap3A_1100, %swap3A_1101, %swap3A_1102, %swap3A_1103], %swap3A_1106 {add = true, strides = array<i32>} : memref<4x4x4x1024xf32, #tpu.memory_space<vmem>>, vector<1x1x1x16xf32>,
      }
      %scan3A_657 = arith.constant 64 : i32
      %mul3A_658 = arith.constant 4 : i32
      %mul3A_659 = arith.muli %add3A_561, %mul3A_658 : i32
      %add3A_660 = arith.addi %mul3A_2, %mul3A_659 : i32
      %dma_start3A_661 = arith.constant 3 : i32
      %dma_start3A_662 = arith.constant 0 : i32
      %dma_start3A_663 = arith.constant 0 : i32
      %dma_start3A_664 = arith.constant 0 : i32
      %dma_start3A_665 = tpu.memref_slice %arg5[%dma_start3A_661, %dma_start3A_662, %dma_start3A_663, %dma_start3A_664] : memref<4x4x4x1024xf32, #tpu.memory_space<vmem>> -> memref<1x4x4x1024xf32, #tpu.memory_space<vmem>>
      %dma_start3A_666 = tpu.memref_squeeze %dma_start3A_665 : memref<1x4x4x1024xf32, #tpu.memory_space<vmem>> -> memref<4x4x1024xf32, #tpu.memory_space<vmem>>
      %dma_start3A_667 = arith.constant 0 : i32
      %dma_start3A_668 = arith.constant 0 : i32
      %dma_start3A_669 = tpu.memref_slice %arg4[%add3A_660, %dma_start3A_667, %dma_start3A_668] : memref<4096x4x1024xf32, #tpu.memory_space<hbm>> -> memref<4x4x1024xf32, #tpu.memory_space<hbm>>
      %dma_start3A_670 = arith.constant 0 : i32
      %dma_start3A_671 = arith.constant 0 : i32
      %dma_start3A_672 = tpu.memref_slice %arg4[%add3A_660, %dma_start3A_670, %dma_start3A_671] : memref<4096x4x1024xf32, #tpu.memory_space<hbm>> -> memref<4x4x1024xf32, #tpu.memory_space<hbm>>
      %dma_start3A_673 = arith.constant 0 : i32
      %dma_start3A_674 = arith.constant 0 : i32
      %dma_start3A_675 = arith.constant 0 : i32
      %dma_start3A_676 = tpu.memref_slice %arg5[%dma_start3A_661, %dma_start3A_673, %dma_start3A_674, %dma_start3A_675] : memref<4x4x4x1024xf32, #tpu.memory_space<vmem>> -> memref<1x4x4x1024xf32, #tpu.memory_space<vmem>>
      %dma_start3A_677 = tpu.memref_squeeze %dma_start3A_676 : memref<1x4x4x1024xf32, #tpu.memory_space<vmem>> -> memref<4x4x1024xf32, #tpu.memory_space<vmem>>
      tpu.enqueue_dma source(%dma_start3A_677 : memref<4x4x1024xf32, #tpu.memory_space<vmem>>) target(%dma_start3A_672 : memref<4x4x1024xf32, #tpu.memory_space<hbm>>) target_semaphore(%arg18 : memref<!tpu.dma_semaphore, #tpu.memory_space<semaphore_mem>>)
      %add3A_678 = arith.constant 2 : i32
      %add3A_679 = arith.addi %add3A_442, %add3A_678 : i32
      %sub3A_680 = arith.constant 2 : i32
      %sub3A_681 = arith.subi %add3A_679, %sub3A_680 : i32
      %mul3A_682 = arith.constant 4 : i32
      %mul3A_683 = arith.muli %sub3A_681, %mul3A_682 : i32
      %add3A_684 = arith.addi %mul3A_2, %mul3A_683 : i32
      %dma_wait3A_685 = arith.constant 2 : i32
      %dma_wait3A_686 = arith.constant 0 : i32
      %dma_wait3A_687 = arith.constant 0 : i32
      %dma_wait3A_688 = arith.constant 0 : i32
      %dma_wait3A_689 = tpu.memref_slice %arg5[%dma_wait3A_685, %dma_wait3A_686, %dma_wait3A_687, %dma_wait3A_688] : memref<4x4x4x1024xf32, #tpu.memory_space<vmem>> -> memref<1x4x4x1024xf32, #tpu.memory_space<vmem>>
      %dma_wait3A_690 = tpu.memref_squeeze %dma_wait3A_689 : memref<1x4x4x1024xf32, #tpu.memory_space<vmem>> -> memref<4x4x1024xf32, #tpu.memory_space<vmem>>
      %dma_wait3A_691 = arith.constant 0 : i32
      %dma_wait3A_692 = arith.constant 0 : i32
      %dma_wait3A_693 = tpu.memref_slice %arg4[%add3A_684, %dma_wait3A_691, %dma_wait3A_692] : memref<4096x4x1024xf32, #tpu.memory_space<hbm>> -> memref<4x4x1024xf32, #tpu.memory_space<hbm>>
      %dma_wait3A_694 = arith.constant 0 : i32
      %dma_wait3A_695 = arith.constant 0 : i32
      %dma_wait3A_696 = tpu.memref_slice %arg4[%add3A_684, %dma_wait3A_694, %dma_wait3A_695] : memref<4096x4x1024xf32, #tpu.memory_space<hbm>> -> memref<4x4x1024xf32, #tpu.memory_space<hbm>>
      %dma_wait3A_697 = arith.constant 0 : i32
      %dma_wait3A_698 = arith.constant 0 : i32
      %dma_wait3A_699 = arith.constant 0 : i32
      %dma_wait3A_700 = tpu.memref_slice %arg5[%dma_wait3A_685, %dma_wait3A_697, %dma_wait3A_698, %dma_wait3A_699] : memref<4x4x4x1024xf32, #tpu.memory_space<vmem>> -> memref<1x4x4x1024xf32, #tpu.memory_space<vmem>>
      %dma_wait3A_701 = tpu.memref_squeeze %dma_wait3A_700 : memref<1x4x4x1024xf32, #tpu.memory_space<vmem>> -> memref<4x4x1024xf32, #tpu.memory_space<vmem>>
      tpu.wait_dma2 semaphore(%arg17 : memref<!tpu.dma_semaphore, #tpu.memory_space<semaphore_mem>>) src(%dma_wait3A_701 : memref<4x4x1024xf32, #tpu.memory_space<vmem>>) dst(%dma_wait3A_696 : memref<4x4x1024xf32, #tpu.memory_space<hbm>>)
      %add3A_702 = arith.constant 2 : i32
      %add3A_703 = arith.addi %add3A_679, %add3A_702 : i32
      %mul3A_704 = arith.constant 4 : i32
      %mul3A_705 = arith.muli %add3A_703, %mul3A_704 : i32
      %add3A_706 = arith.addi %mul3A_2, %mul3A_705 : i32
      %dma_start3A_707 = arith.constant 2 : i32
      %dma_start3A_708 = arith.constant 0 : i32
      %dma_start3A_709 = arith.constant 0 : i32
      %dma_start3A_710 = arith.constant 0 : i32
      %dma_start3A_711 = tpu.memref_slice %arg5[%dma_start3A_707, %dma_start3A_708, %dma_start3A_709, %dma_start3A_710] : memref<4x4x4x1024xf32, #tpu.memory_space<vmem>> -> memref<1x4x4x1024xf32, #tpu.memory_space<vmem>>
      %dma_start3A_712 = tpu.memref_squeeze %dma_start3A_711 : memref<1x4x4x1024xf32, #tpu.memory_space<vmem>> -> memref<4x4x1024xf32, #tpu.memory_space<vmem>>
      %dma_start3A_713 = arith.constant 0 : i32
      %dma_start3A_714 = arith.constant 0 : i32
      %dma_start3A_715 = tpu.memref_slice %arg2[%add3A_706, %dma_start3A_713, %dma_start3A_714] : memref<4096x4x1024xf32, #tpu.memory_space<hbm>> -> memref<4x4x1024xf32, #tpu.memory_space<hbm>>
      %dma_start3A_716 = arith.constant 0 : i32
      %dma_start3A_717 = arith.constant 0 : i32
      %dma_start3A_718 = arith.constant 0 : i32
      %dma_start3A_719 = tpu.memref_slice %arg5[%dma_start3A_707, %dma_start3A_716, %dma_start3A_717, %dma_start3A_718] : memref<4x4x4x1024xf32, #tpu.memory_space<vmem>> -> memref<1x4x4x1024xf32, #tpu.memory_space<vmem>>
      %dma_start3A_720 = tpu.memref_squeeze %dma_start3A_719 : memref<1x4x4x1024xf32, #tpu.memory_space<vmem>> -> memref<4x4x1024xf32, #tpu.memory_space<vmem>>
      %dma_start3A_721 = arith.constant 0 : i32
      %dma_start3A_722 = arith.constant 0 : i32
      %dma_start3A_723 = tpu.memref_slice %arg2[%add3A_706, %dma_start3A_721, %dma_start3A_722] : memref<4096x4x1024xf32, #tpu.memory_space<hbm>> -> memref<4x4x1024xf32, #tpu.memory_space<hbm>>
      tpu.enqueue_dma source(%dma_start3A_723 : memref<4x4x1024xf32, #tpu.memory_space<hbm>>) target(%dma_start3A_720 : memref<4x4x1024xf32, #tpu.memory_space<vmem>>) target_semaphore(%arg9 : memref<!tpu.dma_semaphore, #tpu.memory_space<semaphore_mem>>)
      %dma_start3A_724 = arith.constant 2 : i32
      %dma_start3A_725 = arith.constant 0 : i32
      %dma_start3A_726 = arith.constant 0 : i32
      %dma_start3A_727 = tpu.memref_slice %arg6[%dma_start3A_724, %dma_start3A_725, %dma_start3A_726] : memref<4x4x1024xf32, #tpu.memory_space<vmem>> -> memref<1x4x1024xf32, #tpu.memory_space<vmem>>
      %dma_start3A_728 = tpu.memref_squeeze %dma_start3A_727 : memref<1x4x1024xf32, #tpu.memory_space<vmem>> -> memref<4x1024xf32, #tpu.memory_space<vmem>>
      %dma_start3A_729 = arith.constant 0 : i32
      %dma_start3A_730 = tpu.memref_slice %arg3[%add3A_706, %dma_start3A_729] : memref<8192x1024xf32, #tpu.memory_space<hbm>> -> memref<4x1024xf32, #tpu.memory_space<hbm>>
      %dma_start3A_731 = arith.constant 0 : i32
      %dma_start3A_732 = arith.constant 0 : i32
      %dma_start3A_733 = tpu.memref_slice %arg6[%dma_start3A_724, %dma_start3A_731, %dma_start3A_732] : memref<4x4x1024xf32, #tpu.memory_space<vmem>> -> memref<1x4x1024xf32, #tpu.memory_space<vmem>>
      %dma_start3A_734 = tpu.memref_squeeze %dma_start3A_733 : memref<1x4x1024xf32, #tpu.memory_space<vmem>> -> memref<4x1024xf32, #tpu.memory_space<vmem>>
      %dma_start3A_735 = arith.constant 0 : i32
      %dma_start3A_736 = tpu.memref_slice %arg3[%add3A_706, %dma_start3A_735] : memref<8192x1024xf32, #tpu.memory_space<hbm>> -> memref<4x1024xf32, #tpu.memory_space<hbm>>
      tpu.enqueue_dma source(%dma_start3A_736 : memref<4x1024xf32, #tpu.memory_space<hbm>>) target(%dma_start3A_734 : memref<4x1024xf32, #tpu.memory_space<vmem>>) target_semaphore(%arg13 : memref<!tpu.dma_semaphore, #tpu.memory_space<semaphore_mem>>)
      %mul3A_737 = arith.constant 4 : i32
      %mul3A_738 = arith.muli %add3A_679, %mul3A_737 : i32
      %add3A_739 = arith.addi %mul3A_2, %mul3A_738 : i32
      %dma_wait3A_740 = arith.constant 0 : i32
      %dma_wait3A_741 = arith.constant 0 : i32
      %dma_wait3A_742 = arith.constant 0 : i32
      %dma_wait3A_743 = arith.constant 0 : i32
      %dma_wait3A_744 = tpu.memref_slice %arg5[%dma_wait3A_740, %dma_wait3A_741, %dma_wait3A_742, %dma_wait3A_743] : memref<4x4x4x1024xf32, #tpu.memory_space<vmem>> -> memref<1x4x4x1024xf32, #tpu.memory_space<vmem>>
      %dma_wait3A_745 = tpu.memref_squeeze %dma_wait3A_744 : memref<1x4x4x1024xf32, #tpu.memory_space<vmem>> -> memref<4x4x1024xf32, #tpu.memory_space<vmem>>
      %dma_wait3A_746 = arith.constant 0 : i32
      %dma_wait3A_747 = arith.constant 0 : i32
      %dma_wait3A_748 = tpu.memref_slice %arg2[%add3A_739, %dma_wait3A_746, %dma_wait3A_747] : memref<4096x4x1024xf32, #tpu.memory_space<hbm>> -> memref<4x4x1024xf32, #tpu.memory_space<hbm>>
      %dma_wait3A_749 = arith.constant 0 : i32
      %dma_wait3A_750 = arith.constant 0 : i32
      %dma_wait3A_751 = arith.constant 0 : i32
      %dma_wait3A_752 = tpu.memref_slice %arg5[%dma_wait3A_740, %dma_wait3A_749, %dma_wait3A_750, %dma_wait3A_751] : memref<4x4x4x1024xf32, #tpu.memory_space<vmem>> -> memref<1x4x4x1024xf32, #tpu.memory_space<vmem>>
      %dma_wait3A_753 = tpu.memref_squeeze %dma_wait3A_752 : memref<1x4x4x1024xf32, #tpu.memory_space<vmem>> -> memref<4x4x1024xf32, #tpu.memory_space<vmem>>
      %dma_wait3A_754 = arith.constant 0 : i32
      %dma_wait3A_755 = arith.constant 0 : i32
      %dma_wait3A_756 = tpu.memref_slice %arg2[%add3A_739, %dma_wait3A_754, %dma_wait3A_755] : memref<4096x4x1024xf32, #tpu.memory_space<hbm>> -> memref<4x4x1024xf32, #tpu.memory_space<hbm>>
      tpu.wait_dma2 semaphore(%arg7 : memref<!tpu.dma_semaphore, #tpu.memory_space<semaphore_mem>>) src(%dma_wait3A_756 : memref<4x4x1024xf32, #tpu.memory_space<hbm>>) dst(%dma_wait3A_753 : memref<4x4x1024xf32, #tpu.memory_space<vmem>>)
      %dma_wait3A_757 = arith.constant 0 : i32
      %dma_wait3A_758 = arith.constant 0 : i32
      %dma_wait3A_759 = arith.constant 0 : i32
      %dma_wait3A_760 = tpu.memref_slice %arg6[%dma_wait3A_757, %dma_wait3A_758, %dma_wait3A_759] : memref<4x4x1024xf32, #tpu.memory_space<vmem>> -> memref<1x4x1024xf32, #tpu.memory_space<vmem>>
      %dma_wait3A_761 = tpu.memref_squeeze %dma_wait3A_760 : memref<1x4x1024xf32, #tpu.memory_space<vmem>> -> memref<4x1024xf32, #tpu.memory_space<vmem>>
      %dma_wait3A_762 = arith.constant 0 : i32
      %dma_wait3A_763 = tpu.memref_slice %arg3[%add3A_739, %dma_wait3A_762] : memref<8192x1024xf32, #tpu.memory_space<hbm>> -> memref<4x1024xf32, #tpu.memory_space<hbm>>
      %dma_wait3A_764 = arith.constant 0 : i32
      %dma_wait3A_765 = arith.constant 0 : i32
      %dma_wait3A_766 = tpu.memref_slice %arg6[%dma_wait3A_757, %dma_wait3A_764, %dma_wait3A_765] : memref<4x4x1024xf32, #tpu.memory_space<vmem>> -> memref<1x4x1024xf32, #tpu.memory_space<vmem>>
      %dma_wait3A_767 = tpu.memref_squeeze %dma_wait3A_766 : memref<1x4x1024xf32, #tpu.memory_space<vmem>> -> memref<4x1024xf32, #tpu.memory_space<vmem>>
      %dma_wait3A_768 = arith.constant 0 : i32
      %dma_wait3A_769 = tpu.memref_slice %arg3[%add3A_739, %dma_wait3A_768] : memref<8192x1024xf32, #tpu.memory_space<hbm>> -> memref<4x1024xf32, #tpu.memory_space<hbm>>
      tpu.wait_dma2 semaphore(%arg11 : memref<!tpu.dma_semaphore, #tpu.memory_space<semaphore_mem>>) src(%dma_wait3A_769 : memref<4x1024xf32, #tpu.memory_space<hbm>>) dst(%dma_wait3A_767 : memref<4x1024xf32, #tpu.memory_space<vmem>>)
      %scan3A_770 = arith.constant 0 : i32
      %scan3A_771 = arith.constant 0 : i32
      %scan3A_772 = arith.constant 64 : i32
      %scan3A_773 = arith.addi %scan3A_771, %scan3A_772 : i32
      %scan3A_774 = arith.constant 1 : i32
      scf.for %scan3A_914 = %scan3A_771 to %scan3A_773 step %scan3A_774  : i32 {
        %mul3A_915 = arith.constant 1 : i32
        %mul3A_916 = arith.muli %scan3A_914, %mul3A_915 : i32
        %add3A_917 = arith.constant 0 : i32
        %add3A_918 = arith.addi %mul3A_916, %add3A_917 : i32
        %mul3A_919 = arith.constant 16 : i32
        %mul3A_920 = arith.muli %add3A_918, %mul3A_919 : i32
        %multiple_of3A = tpu.assume_multiple %mul3A_920, 16 : i32
        %get3A = arith.constant 0 : i32
        %get3A_921 = arith.constant 0 : i32
        %get3A_922 = arith.index_cast %get3A : i32 to index
        %get3A_923 = arith.index_cast %get3A_921 : i32 to index
        %get3A_924 = arith.index_cast %multiple_of3A : i32 to index
        %get3A_925 = tpu.vector_load %arg6[%get3A_922, %get3A_923, %get3A_924] {strides = array<i32>} : memref<4x4x1024xf32, #tpu.memory_space<vmem>>, vector<1x1x16xf32>,
        %get3A_926 = vector.shape_cast %get3A_925 : vector<1x1x16xf32> to vector<16xf32>
        %swap3A = arith.constant 0 : i32
        %swap3A_927 = arith.constant 0 : i32
        %swap3A_928 = arith.constant 0 : i32
        %swap3A_929 = arith.index_cast %swap3A : i32 to index
        %swap3A_930 = arith.index_cast %swap3A_927 : i32 to index
        %swap3A_931 = arith.index_cast %swap3A_928 : i32 to index
        %swap3A_932 = arith.index_cast %multiple_of3A : i32 to index
        %swap3A_933 = tpu.vector_load %arg5[%swap3A_929, %swap3A_930, %swap3A_931, %swap3A_932] {strides = array<i32>} : memref<4x4x4x1024xf32, #tpu.memory_space<vmem>>, vector<1x1x1x16xf32>,
        %swap3A_934 = vector.shape_cast %swap3A_933 : vector<1x1x1x16xf32> to vector<16xf32>
        %swap3A_935 = vector.shape_cast %get3A_926 : vector<16xf32> to vector<1x1x1x16xf32>
        tpu.vector_store %arg5[%swap3A_929, %swap3A_930, %swap3A_931, %swap3A_932], %swap3A_935 {add = true, strides = array<i32>} : memref<4x4x4x1024xf32, #tpu.memory_space<vmem>>, vector<1x1x1x16xf32>,
        %swap3A_936 = arith.constant 0 : i32
        %swap3A_937 = arith.constant 0 : i32
        %swap3A_938 = arith.constant 1 : i32
        %swap3A_939 = arith.index_cast %swap3A_936 : i32 to index
        %swap3A_940 = arith.index_cast %swap3A_937 : i32 to index
        %swap3A_941 = arith.index_cast %swap3A_938 : i32 to index
        %swap3A_942 = arith.index_cast %multiple_of3A : i32 to index
        %swap3A_943 = tpu.vector_load %arg5[%swap3A_939, %swap3A_940, %swap3A_941, %swap3A_942] {strides = array<i32>} : memref<4x4x4x1024xf32, #tpu.memory_space<vmem>>, vector<1x1x1x16xf32>,
        %swap3A_944 = vector.shape_cast %swap3A_943 : vector<1x1x1x16xf32> to vector<16xf32>
        %swap3A_945 = vector.shape_cast %get3A_926 : vector<16xf32> to vector<1x1x1x16xf32>
        tpu.vector_store %arg5[%swap3A_939, %swap3A_940, %swap3A_941, %swap3A_942], %swap3A_945 {add = true, strides = array<i32>} : memref<4x4x4x1024xf32, #tpu.memory_space<vmem>>, vector<1x1x1x16xf32>,
        %swap3A_946 = arith.constant 0 : i32
        %swap3A_947 = arith.constant 0 : i32
        %swap3A_948 = arith.constant 2 : i32
        %swap3A_949 = arith.index_cast %swap3A_946 : i32 to index
        %swap3A_950 = arith.index_cast %swap3A_947 : i32 to index
        %swap3A_951 = arith.index_cast %swap3A_948 : i32 to index
        %swap3A_952 = arith.index_cast %multiple_of3A : i32 to index
        %swap3A_953 = tpu.vector_load %arg5[%swap3A_949, %swap3A_950, %swap3A_951, %swap3A_952] {strides = array<i32>} : memref<4x4x4x1024xf32, #tpu.memory_space<vmem>>, vector<1x1x1x16xf32>,
        %swap3A_954 = vector.shape_cast %swap3A_953 : vector<1x1x1x16xf32> to vector<16xf32>
        %swap3A_955 = vector.shape_cast %get3A_926 : vector<16xf32> to vector<1x1x1x16xf32>
        tpu.vector_store %arg5[%swap3A_949, %swap3A_950, %swap3A_951, %swap3A_952], %swap3A_955 {add = true, strides = array<i32>} : memref<4x4x4x1024xf32, #tpu.memory_space<vmem>>, vector<1x1x1x16xf32>,
        %swap3A_956 = arith.constant 0 : i32
        %swap3A_957 = arith.constant 0 : i32
        %swap3A_958 = arith.constant 3 : i32
        %swap3A_959 = arith.index_cast %swap3A_956 : i32 to index
        %swap3A_960 = arith.index_cast %swap3A_957 : i32 to index
        %swap3A_961 = arith.index_cast %swap3A_958 : i32 to index
        %swap3A_962 = arith.index_cast %multiple_of3A : i32 to index
        %swap3A_963 = tpu.vector_load %arg5[%swap3A_959, %swap3A_960, %swap3A_961, %swap3A_962] {strides = array<i32>} : memref<4x4x4x1024xf32, #tpu.memory_space<vmem>>, vector<1x1x1x16xf32>,
        %swap3A_964 = vector.shape_cast %swap3A_963 : vector<1x1x1x16xf32> to vector<16xf32>
        %swap3A_965 = vector.shape_cast %get3A_926 : vector<16xf32> to vector<1x1x1x16xf32>
        tpu.vector_store %arg5[%swap3A_959, %swap3A_960, %swap3A_961, %swap3A_962], %swap3A_965 {add = true, strides = array<i32>} : memref<4x4x4x1024xf32, #tpu.memory_space<vmem>>, vector<1x1x1x16xf32>,
        %get3A_966 = arith.constant 0 : i32
        %get3A_967 = arith.constant 1 : i32
        %get3A_968 = arith.index_cast %get3A_966 : i32 to index
        %get3A_969 = arith.index_cast %get3A_967 : i32 to index
        %get3A_970 = arith.index_cast %multiple_of3A : i32 to index
        %get3A_971 = tpu.vector_load %arg6[%get3A_968, %get3A_969, %get3A_970] {strides = array<i32>} : memref<4x4x1024xf32, #tpu.memory_space<vmem>>, vector<1x1x16xf32>,
        %get3A_972 = vector.shape_cast %get3A_971 : vector<1x1x16xf32> to vector<16xf32>
        %swap3A_973 = arith.constant 0 : i32
        %swap3A_974 = arith.constant 1 : i32
        %swap3A_975 = arith.constant 0 : i32
        %swap3A_976 = arith.index_cast %swap3A_973 : i32 to index
        %swap3A_977 = arith.index_cast %swap3A_974 : i32 to index
        %swap3A_978 = arith.index_cast %swap3A_975 : i32 to index
        %swap3A_979 = arith.index_cast %multiple_of3A : i32 to index
        %swap3A_980 = tpu.vector_load %arg5[%swap3A_976, %swap3A_977, %swap3A_978, %swap3A_979] {strides = array<i32>} : memref<4x4x4x1024xf32, #tpu.memory_space<vmem>>, vector<1x1x1x16xf32>,
        %swap3A_981 = vector.shape_cast %swap3A_980 : vector<1x1x1x16xf32> to vector<16xf32>
        %swap3A_982 = vector.shape_cast %get3A_972 : vector<16xf32> to vector<1x1x1x16xf32>
        tpu.vector_store %arg5[%swap3A_976, %swap3A_977, %swap3A_978, %swap3A_979], %swap3A_982 {add = true, strides = array<i32>} : memref<4x4x4x1024xf32, #tpu.memory_space<vmem>>, vector<1x1x1x16xf32>,
        %swap3A_983 = arith.constant 0 : i32
        %swap3A_984 = arith.constant 1 : i32
        %swap3A_985 = arith.constant 1 : i32
        %swap3A_986 = arith.index_cast %swap3A_983 : i32 to index
        %swap3A_987 = arith.index_cast %swap3A_984 : i32 to index
        %swap3A_988 = arith.index_cast %swap3A_985 : i32 to index
        %swap3A_989 = arith.index_cast %multiple_of3A : i32 to index
        %swap3A_990 = tpu.vector_load %arg5[%swap3A_986, %swap3A_987, %swap3A_988, %swap3A_989] {strides = array<i32>} : memref<4x4x4x1024xf32, #tpu.memory_space<vmem>>, vector<1x1x1x16xf32>,
        %swap3A_991 = vector.shape_cast %swap3A_990 : vector<1x1x1x16xf32> to vector<16xf32>
        %swap3A_992 = vector.shape_cast %get3A_972 : vector<16xf32> to vector<1x1x1x16xf32>
        tpu.vector_store %arg5[%swap3A_986, %swap3A_987, %swap3A_988, %swap3A_989], %swap3A_992 {add = true, strides = array<i32>} : memref<4x4x4x1024xf32, #tpu.memory_space<vmem>>, vector<1x1x1x16xf32>,
        %swap3A_993 = arith.constant 0 : i32
        %swap3A_994 = arith.constant 1 : i32
        %swap3A_995 = arith.constant 2 : i32
        %swap3A_996 = arith.index_cast %swap3A_993 : i32 to index
        %swap3A_997 = arith.index_cast %swap3A_994 : i32 to index
        %swap3A_998 = arith.index_cast %swap3A_995 : i32 to index
        %swap3A_999 = arith.index_cast %multiple_of3A : i32 to index
        %swap3A_1000 = tpu.vector_load %arg5[%swap3A_996, %swap3A_997, %swap3A_998, %swap3A_999] {strides = array<i32>} : memref<4x4x4x1024xf32, #tpu.memory_space<vmem>>, vector<1x1x1x16xf32>,
        %swap3A_1001 = vector.shape_cast %swap3A_1000 : vector<1x1x1x16xf32> to vector<16xf32>
        %swap3A_1002 = vector.shape_cast %get3A_972 : vector<16xf32> to vector<1x1x1x16xf32>
        tpu.vector_store %arg5[%swap3A_996, %swap3A_997, %swap3A_998, %swap3A_999], %swap3A_1002 {add = true, strides = array<i32>} : memref<4x4x4x1024xf32, #tpu.memory_space<vmem>>, vector<1x1x1x16xf32>,
        %swap3A_1003 = arith.constant 0 : i32
        %swap3A_1004 = arith.constant 1 : i32
        %swap3A_1005 = arith.constant 3 : i32
        %swap3A_1006 = arith.index_cast %swap3A_1003 : i32 to index
        %swap3A_1007 = arith.index_cast %swap3A_1004 : i32 to index
        %swap3A_1008 = arith.index_cast %swap3A_1005 : i32 to index
        %swap3A_1009 = arith.index_cast %multiple_of3A : i32 to index
        %swap3A_1010 = tpu.vector_load %arg5[%swap3A_1006, %swap3A_1007, %swap3A_1008, %swap3A_1009] {strides = array<i32>} : memref<4x4x4x1024xf32, #tpu.memory_space<vmem>>, vector<1x1x1x16xf32>,
        %swap3A_1011 = vector.shape_cast %swap3A_1010 : vector<1x1x1x16xf32> to vector<16xf32>
        %swap3A_1012 = vector.shape_cast %get3A_972 : vector<16xf32> to vector<1x1x1x16xf32>
        tpu.vector_store %arg5[%swap3A_1006, %swap3A_1007, %swap3A_1008, %swap3A_1009], %swap3A_1012 {add = true, strides = array<i32>} : memref<4x4x4x1024xf32, #tpu.memory_space<vmem>>, vector<1x1x1x16xf32>,
        %get3A_1013 = arith.constant 0 : i32
        %get3A_1014 = arith.constant 2 : i32
        %get3A_1015 = arith.index_cast %get3A_1013 : i32 to index
        %get3A_1016 = arith.index_cast %get3A_1014 : i32 to index
        %get3A_1017 = arith.index_cast %multiple_of3A : i32 to index
        %get3A_1018 = tpu.vector_load %arg6[%get3A_1015, %get3A_1016, %get3A_1017] {strides = array<i32>} : memref<4x4x1024xf32, #tpu.memory_space<vmem>>, vector<1x1x16xf32>,
        %get3A_1019 = vector.shape_cast %get3A_1018 : vector<1x1x16xf32> to vector<16xf32>
        %swap3A_1020 = arith.constant 0 : i32
        %swap3A_1021 = arith.constant 2 : i32
        %swap3A_1022 = arith.constant 0 : i32
        %swap3A_1023 = arith.index_cast %swap3A_1020 : i32 to index
        %swap3A_1024 = arith.index_cast %swap3A_1021 : i32 to index
        %swap3A_1025 = arith.index_cast %swap3A_1022 : i32 to index
        %swap3A_1026 = arith.index_cast %multiple_of3A : i32 to index
        %swap3A_1027 = tpu.vector_load %arg5[%swap3A_1023, %swap3A_1024, %swap3A_1025, %swap3A_1026] {strides = array<i32>} : memref<4x4x4x1024xf32, #tpu.memory_space<vmem>>, vector<1x1x1x16xf32>,
        %swap3A_1028 = vector.shape_cast %swap3A_1027 : vector<1x1x1x16xf32> to vector<16xf32>
        %swap3A_1029 = vector.shape_cast %get3A_1019 : vector<16xf32> to vector<1x1x1x16xf32>
        tpu.vector_store %arg5[%swap3A_1023, %swap3A_1024, %swap3A_1025, %swap3A_1026], %swap3A_1029 {add = true, strides = array<i32>} : memref<4x4x4x1024xf32, #tpu.memory_space<vmem>>, vector<1x1x1x16xf32>,
        %swap3A_1030 = arith.constant 0 : i32
        %swap3A_1031 = arith.constant 2 : i32
        %swap3A_1032 = arith.constant 1 : i32
        %swap3A_1033 = arith.index_cast %swap3A_1030 : i32 to index
        %swap3A_1034 = arith.index_cast %swap3A_1031 : i32 to index
        %swap3A_1035 = arith.index_cast %swap3A_1032 : i32 to index
        %swap3A_1036 = arith.index_cast %multiple_of3A : i32 to index
        %swap3A_1037 = tpu.vector_load %arg5[%swap3A_1033, %swap3A_1034, %swap3A_1035, %swap3A_1036] {strides = array<i32>} : memref<4x4x4x1024xf32, #tpu.memory_space<vmem>>, vector<1x1x1x16xf32>,
        %swap3A_1038 = vector.shape_cast %swap3A_1037 : vector<1x1x1x16xf32> to vector<16xf32>
        %swap3A_1039 = vector.shape_cast %get3A_1019 : vector<16xf32> to vector<1x1x1x16xf32>
        tpu.vector_store %arg5[%swap3A_1033, %swap3A_1034, %swap3A_1035, %swap3A_1036], %swap3A_1039 {add = true, strides = array<i32>} : memref<4x4x4x1024xf32, #tpu.memory_space<vmem>>, vector<1x1x1x16xf32>,
        %swap3A_1040 = arith.constant 0 : i32
        %swap3A_1041 = arith.constant 2 : i32
        %swap3A_1042 = arith.constant 2 : i32
        %swap3A_1043 = arith.index_cast %swap3A_1040 : i32 to index
        %swap3A_1044 = arith.index_cast %swap3A_1041 : i32 to index
        %swap3A_1045 = arith.index_cast %swap3A_1042 : i32 to index
        %swap3A_1046 = arith.index_cast %multiple_of3A : i32 to index
        %swap3A_1047 = tpu.vector_load %arg5[%swap3A_1043, %swap3A_1044, %swap3A_1045, %swap3A_1046] {strides = array<i32>} : memref<4x4x4x1024xf32, #tpu.memory_space<vmem>>, vector<1x1x1x16xf32>,
        %swap3A_1048 = vector.shape_cast %swap3A_1047 : vector<1x1x1x16xf32> to vector<16xf32>
        %swap3A_1049 = vector.shape_cast %get3A_1019 : vector<16xf32> to vector<1x1x1x16xf32>
        tpu.vector_store %arg5[%swap3A_1043, %swap3A_1044, %swap3A_1045, %swap3A_1046], %swap3A_1049 {add = true, strides = array<i32>} : memref<4x4x4x1024xf32, #tpu.memory_space<vmem>>, vector<1x1x1x16xf32>,
        %swap3A_1050 = arith.constant 0 : i32
        %swap3A_1051 = arith.constant 2 : i32
        %swap3A_1052 = arith.constant 3 : i32
        %swap3A_1053 = arith.index_cast %swap3A_1050 : i32 to index
        %swap3A_1054 = arith.index_cast %swap3A_1051 : i32 to index
        %swap3A_1055 = arith.index_cast %swap3A_1052 : i32 to index
        %swap3A_1056 = arith.index_cast %multiple_of3A : i32 to index
        %swap3A_1057 = tpu.vector_load %arg5[%swap3A_1053, %swap3A_1054, %swap3A_1055, %swap3A_1056] {strides = array<i32>} : memref<4x4x4x1024xf32, #tpu.memory_space<vmem>>, vector<1x1x1x16xf32>,
        %swap3A_1058 = vector.shape_cast %swap3A_1057 : vector<1x1x1x16xf32> to vector<16xf32>
        %swap3A_1059 = vector.shape_cast %get3A_1019 : vector<16xf32> to vector<1x1x1x16xf32>
        tpu.vector_store %arg5[%swap3A_1053, %swap3A_1054, %swap3A_1055, %swap3A_1056], %swap3A_1059 {add = true, strides = array<i32>} : memref<4x4x4x1024xf32, #tpu.memory_space<vmem>>, vector<1x1x1x16xf32>,
        %get3A_1060 = arith.constant 0 : i32
        %get3A_1061 = arith.constant 3 : i32
        %get3A_1062 = arith.index_cast %get3A_1060 : i32 to index
        %get3A_1063 = arith.index_cast %get3A_1061 : i32 to index
        %get3A_1064 = arith.index_cast %multiple_of3A : i32 to index
        %get3A_1065 = tpu.vector_load %arg6[%get3A_1062, %get3A_1063, %get3A_1064] {strides = array<i32>} : memref<4x4x1024xf32, #tpu.memory_space<vmem>>, vector<1x1x16xf32>,
        %get3A_1066 = vector.shape_cast %get3A_1065 : vector<1x1x16xf32> to vector<16xf32>
        %swap3A_1067 = arith.constant 0 : i32
        %swap3A_1068 = arith.constant 3 : i32
        %swap3A_1069 = arith.constant 0 : i32
        %swap3A_1070 = arith.index_cast %swap3A_1067 : i32 to index
        %swap3A_1071 = arith.index_cast %swap3A_1068 : i32 to index
        %swap3A_1072 = arith.index_cast %swap3A_1069 : i32 to index
        %swap3A_1073 = arith.index_cast %multiple_of3A : i32 to index
        %swap3A_1074 = tpu.vector_load %arg5[%swap3A_1070, %swap3A_1071, %swap3A_1072, %swap3A_1073] {strides = array<i32>} : memref<4x4x4x1024xf32, #tpu.memory_space<vmem>>, vector<1x1x1x16xf32>,
        %swap3A_1075 = vector.shape_cast %swap3A_1074 : vector<1x1x1x16xf32> to vector<16xf32>
        %swap3A_1076 = vector.shape_cast %get3A_1066 : vector<16xf32> to vector<1x1x1x16xf32>
        tpu.vector_store %arg5[%swap3A_1070, %swap3A_1071, %swap3A_1072, %swap3A_1073], %swap3A_1076 {add = true, strides = array<i32>} : memref<4x4x4x1024xf32, #tpu.memory_space<vmem>>, vector<1x1x1x16xf32>,
        %swap3A_1077 = arith.constant 0 : i32
        %swap3A_1078 = arith.constant 3 : i32
        %swap3A_1079 = arith.constant 1 : i32
        %swap3A_1080 = arith.index_cast %swap3A_1077 : i32 to index
        %swap3A_1081 = arith.index_cast %swap3A_1078 : i32 to index
        %swap3A_1082 = arith.index_cast %swap3A_1079 : i32 to index
        %swap3A_1083 = arith.index_cast %multiple_of3A : i32 to index
        %swap3A_1084 = tpu.vector_load %arg5[%swap3A_1080, %swap3A_1081, %swap3A_1082, %swap3A_1083] {strides = array<i32>} : memref<4x4x4x1024xf32, #tpu.memory_space<vmem>>, vector<1x1x1x16xf32>,
        %swap3A_1085 = vector.shape_cast %swap3A_1084 : vector<1x1x1x16xf32> to vector<16xf32>
        %swap3A_1086 = vector.shape_cast %get3A_1066 : vector<16xf32> to vector<1x1x1x16xf32>
        tpu.vector_store %arg5[%swap3A_1080, %swap3A_1081, %swap3A_1082, %swap3A_1083], %swap3A_1086 {add = true, strides = array<i32>} : memref<4x4x4x1024xf32, #tpu.memory_space<vmem>>, vector<1x1x1x16xf32>,
        %swap3A_1087 = arith.constant 0 : i32
        %swap3A_1088 = arith.constant 3 : i32
        %swap3A_1089 = arith.constant 2 : i32
        %swap3A_1090 = arith.index_cast %swap3A_1087 : i32 to index
        %swap3A_1091 = arith.index_cast %swap3A_1088 : i32 to index
        %swap3A_1092 = arith.index_cast %swap3A_1089 : i32 to index
        %swap3A_1093 = arith.index_cast %multiple_of3A : i32 to index
        %swap3A_1094 = tpu.vector_load %arg5[%swap3A_1090, %swap3A_1091, %swap3A_1092, %swap3A_1093] {strides = array<i32>} : memref<4x4x4x1024xf32, #tpu.memory_space<vmem>>, vector<1x1x1x16xf32>,
        %swap3A_1095 = vector.shape_cast %swap3A_1094 : vector<1x1x1x16xf32> to vector<16xf32>
        %swap3A_1096 = vector.shape_cast %get3A_1066 : vector<16xf32> to vector<1x1x1x16xf32>
        tpu.vector_store %arg5[%swap3A_1090, %swap3A_1091, %swap3A_1092, %swap3A_1093], %swap3A_1096 {add = true, strides = array<i32>} : memref<4x4x4x1024xf32, #tpu.memory_space<vmem>>, vector<1x1x1x16xf32>,
        %swap3A_1097 = arith.constant 0 : i32
        %swap3A_1098 = arith.constant 3 : i32
        %swap3A_1099 = arith.constant 3 : i32
        %swap3A_1100 = arith.index_cast %swap3A_1097 : i32 to index
        %swap3A_1101 = arith.index_cast %swap3A_1098 : i32 to index
        %swap3A_1102 = arith.index_cast %swap3A_1099 : i32 to index
        %swap3A_1103 = arith.index_cast %multiple_of3A : i32 to index
        %swap3A_1104 = tpu.vector_load %arg5[%swap3A_1100, %swap3A_1101, %swap3A_1102, %swap3A_1103] {strides = array<i32>} : memref<4x4x4x1024xf32, #tpu.memory_space<vmem>>, vector<1x1x1x16xf32>,
        %swap3A_1105 = vector.shape_cast %swap3A_1104 : vector<1x1x1x16xf32> to vector<16xf32>
        %swap3A_1106 = vector.shape_cast %get3A_1066 : vector<16xf32> to vector<1x1x1x16xf32>
        tpu.vector_store %arg5[%swap3A_1100, %swap3A_1101, %swap3A_1102, %swap3A_1103], %swap3A_1106 {add = true, strides = array<i32>} : memref<4x4x4x1024xf32, #tpu.memory_space<vmem>>, vector<1x1x1x16xf32>,
      }
      %scan3A_775 = arith.constant 64 : i32
      %mul3A_776 = arith.constant 4 : i32
      %mul3A_777 = arith.muli %add3A_679, %mul3A_776 : i32
      %add3A_778 = arith.addi %mul3A_2, %mul3A_777 : i32
      %dma_start3A_779 = arith.constant 0 : i32
      %dma_start3A_780 = arith.constant 0 : i32
      %dma_start3A_781 = arith.constant 0 : i32
      %dma_start3A_782 = arith.constant 0 : i32
      %dma_start3A_783 = tpu.memref_slice %arg5[%dma_start3A_779, %dma_start3A_780, %dma_start3A_781, %dma_start3A_782] : memref<4x4x4x1024xf32, #tpu.memory_space<vmem>> -> memref<1x4x4x1024xf32, #tpu.memory_space<vmem>>
      %dma_start3A_784 = tpu.memref_squeeze %dma_start3A_783 : memref<1x4x4x1024xf32, #tpu.memory_space<vmem>> -> memref<4x4x1024xf32, #tpu.memory_space<vmem>>
      %dma_start3A_785 = arith.constant 0 : i32
      %dma_start3A_786 = arith.constant 0 : i32
      %dma_start3A_787 = tpu.memref_slice %arg4[%add3A_778, %dma_start3A_785, %dma_start3A_786] : memref<4096x4x1024xf32, #tpu.memory_space<hbm>> -> memref<4x4x1024xf32, #tpu.memory_space<hbm>>
      %dma_start3A_788 = arith.constant 0 : i32
      %dma_start3A_789 = arith.constant 0 : i32
      %dma_start3A_790 = tpu.memref_slice %arg4[%add3A_778, %dma_start3A_788, %dma_start3A_789] : memref<4096x4x1024xf32, #tpu.memory_space<hbm>> -> memref<4x4x1024xf32, #tpu.memory_space<hbm>>
      %dma_start3A_791 = arith.constant 0 : i32
      %dma_start3A_792 = arith.constant 0 : i32
      %dma_start3A_793 = arith.constant 0 : i32
      %dma_start3A_794 = tpu.memref_slice %arg5[%dma_start3A_779, %dma_start3A_791, %dma_start3A_792, %dma_start3A_793] : memref<4x4x4x1024xf32, #tpu.memory_space<vmem>> -> memref<1x4x4x1024xf32, #tpu.memory_space<vmem>>
      %dma_start3A_795 = tpu.memref_squeeze %dma_start3A_794 : memref<1x4x4x1024xf32, #tpu.memory_space<vmem>> -> memref<4x4x1024xf32, #tpu.memory_space<vmem>>
      tpu.enqueue_dma source(%dma_start3A_795 : memref<4x4x1024xf32, #tpu.memory_space<vmem>>) target(%dma_start3A_790 : memref<4x4x1024xf32, #tpu.memory_space<hbm>>) target_semaphore(%arg15 : memref<!tpu.dma_semaphore, #tpu.memory_space<semaphore_mem>>)
      %add3A_796 = arith.constant 3 : i32
      %add3A_797 = arith.addi %add3A_442, %add3A_796 : i32
      %sub3A_798 = arith.constant 2 : i32
      %sub3A_799 = arith.subi %add3A_797, %sub3A_798 : i32
      %mul3A_800 = arith.constant 4 : i32
      %mul3A_801 = arith.muli %sub3A_799, %mul3A_800 : i32
      %add3A_802 = arith.addi %mul3A_2, %mul3A_801 : i32
      %dma_wait3A_803 = arith.constant 3 : i32
      %dma_wait3A_804 = arith.constant 0 : i32
      %dma_wait3A_805 = arith.constant 0 : i32
      %dma_wait3A_806 = arith.constant 0 : i32
      %dma_wait3A_807 = tpu.memref_slice %arg5[%dma_wait3A_803, %dma_wait3A_804, %dma_wait3A_805, %dma_wait3A_806] : memref<4x4x4x1024xf32, #tpu.memory_space<vmem>> -> memref<1x4x4x1024xf32, #tpu.memory_space<vmem>>
      %dma_wait3A_808 = tpu.memref_squeeze %dma_wait3A_807 : memref<1x4x4x1024xf32, #tpu.memory_space<vmem>> -> memref<4x4x1024xf32, #tpu.memory_space<vmem>>
      %dma_wait3A_809 = arith.constant 0 : i32
      %dma_wait3A_810 = arith.constant 0 : i32
      %dma_wait3A_811 = tpu.memref_slice %arg4[%add3A_802, %dma_wait3A_809, %dma_wait3A_810] : memref<4096x4x1024xf32, #tpu.memory_space<hbm>> -> memref<4x4x1024xf32, #tpu.memory_space<hbm>>
      %dma_wait3A_812 = arith.constant 0 : i32
      %dma_wait3A_813 = arith.constant 0 : i32
      %dma_wait3A_814 = tpu.memref_slice %arg4[%add3A_802, %dma_wait3A_812, %dma_wait3A_813] : memref<4096x4x1024xf32, #tpu.memory_space<hbm>> -> memref<4x4x1024xf32, #tpu.memory_space<hbm>>
      %dma_wait3A_815 = arith.constant 0 : i32
      %dma_wait3A_816 = arith.constant 0 : i32
      %dma_wait3A_817 = arith.constant 0 : i32
      %dma_wait3A_818 = tpu.memref_slice %arg5[%dma_wait3A_803, %dma_wait3A_815, %dma_wait3A_816, %dma_wait3A_817] : memref<4x4x4x1024xf32, #tpu.memory_space<vmem>> -> memref<1x4x4x1024xf32, #tpu.memory_space<vmem>>
      %dma_wait3A_819 = tpu.memref_squeeze %dma_wait3A_818 : memref<1x4x4x1024xf32, #tpu.memory_space<vmem>> -> memref<4x4x1024xf32, #tpu.memory_space<vmem>>
      tpu.wait_dma2 semaphore(%arg18 : memref<!tpu.dma_semaphore, #tpu.memory_space<semaphore_mem>>) src(%dma_wait3A_819 : memref<4x4x1024xf32, #tpu.memory_space<vmem>>) dst(%dma_wait3A_814 : memref<4x4x1024xf32, #tpu.memory_space<hbm>>)
      %add3A_820 = arith.constant 2 : i32
      %add3A_821 = arith.addi %add3A_797, %add3A_820 : i32
      %mul3A_822 = arith.constant 4 : i32
      %mul3A_823 = arith.muli %add3A_821, %mul3A_822 : i32
      %add3A_824 = arith.addi %mul3A_2, %mul3A_823 : i32
      %dma_start3A_825 = arith.constant 3 : i32
      %dma_start3A_826 = arith.constant 0 : i32
      %dma_start3A_827 = arith.constant 0 : i32
      %dma_start3A_828 = arith.constant 0 : i32
      %dma_start3A_829 = tpu.memref_slice %arg5[%dma_start3A_825, %dma_start3A_826, %dma_start3A_827, %dma_start3A_828] : memref<4x4x4x1024xf32, #tpu.memory_space<vmem>> -> memref<1x4x4x1024xf32, #tpu.memory_space<vmem>>
      %dma_start3A_830 = tpu.memref_squeeze %dma_start3A_829 : memref<1x4x4x1024xf32, #tpu.memory_space<vmem>> -> memref<4x4x1024xf32, #tpu.memory_space<vmem>>
      %dma_start3A_831 = arith.constant 0 : i32
      %dma_start3A_832 = arith.constant 0 : i32
      %dma_start3A_833 = tpu.memref_slice %arg2[%add3A_824, %dma_start3A_831, %dma_start3A_832] : memref<4096x4x1024xf32, #tpu.memory_space<hbm>> -> memref<4x4x1024xf32, #tpu.memory_space<hbm>>
      %dma_start3A_834 = arith.constant 0 : i32
      %dma_start3A_835 = arith.constant 0 : i32
      %dma_start3A_836 = arith.constant 0 : i32
      %dma_start3A_837 = tpu.memref_slice %arg5[%dma_start3A_825, %dma_start3A_834, %dma_start3A_835, %dma_start3A_836] : memref<4x4x4x1024xf32, #tpu.memory_space<vmem>> -> memref<1x4x4x1024xf32, #tpu.memory_space<vmem>>
      %dma_start3A_838 = tpu.memref_squeeze %dma_start3A_837 : memref<1x4x4x1024xf32, #tpu.memory_space<vmem>> -> memref<4x4x1024xf32, #tpu.memory_space<vmem>>
      %dma_start3A_839 = arith.constant 0 : i32
      %dma_start3A_840 = arith.constant 0 : i32
      %dma_start3A_841 = tpu.memref_slice %arg2[%add3A_824, %dma_start3A_839, %dma_start3A_840] : memref<4096x4x1024xf32, #tpu.memory_space<hbm>> -> memref<4x4x1024xf32, #tpu.memory_space<hbm>>
      tpu.enqueue_dma source(%dma_start3A_841 : memref<4x4x1024xf32, #tpu.memory_space<hbm>>) target(%dma_start3A_838 : memref<4x4x1024xf32, #tpu.memory_space<vmem>>) target_semaphore(%arg10 : memref<!tpu.dma_semaphore, #tpu.memory_space<semaphore_mem>>)
      %dma_start3A_842 = arith.constant 3 : i32
      %dma_start3A_843 = arith.constant 0 : i32
      %dma_start3A_844 = arith.constant 0 : i32
      %dma_start3A_845 = tpu.memref_slice %arg6[%dma_start3A_842, %dma_start3A_843, %dma_start3A_844] : memref<4x4x1024xf32, #tpu.memory_space<vmem>> -> memref<1x4x1024xf32, #tpu.memory_space<vmem>>
      %dma_start3A_846 = tpu.memref_squeeze %dma_start3A_845 : memref<1x4x1024xf32, #tpu.memory_space<vmem>> -> memref<4x1024xf32, #tpu.memory_space<vmem>>
      %dma_start3A_847 = arith.constant 0 : i32
      %dma_start3A_848 = tpu.memref_slice %arg3[%add3A_824, %dma_start3A_847] : memref<8192x1024xf32, #tpu.memory_space<hbm>> -> memref<4x1024xf32, #tpu.memory_space<hbm>>
      %dma_start3A_849 = arith.constant 0 : i32
      %dma_start3A_850 = arith.constant 0 : i32
      %dma_start3A_851 = tpu.memref_slice %arg6[%dma_start3A_842, %dma_start3A_849, %dma_start3A_850] : memref<4x4x1024xf32, #tpu.memory_space<vmem>> -> memref<1x4x1024xf32, #tpu.memory_space<vmem>>
      %dma_start3A_852 = tpu.memref_squeeze %dma_start3A_851 : memref<1x4x1024xf32, #tpu.memory_space<vmem>> -> memref<4x1024xf32, #tpu.memory_space<vmem>>
      %dma_start3A_853 = arith.constant 0 : i32
      %dma_start3A_854 = tpu.memref_slice %arg3[%add3A_824, %dma_start3A_853] : memref<8192x1024xf32, #tpu.memory_space<hbm>> -> memref<4x1024xf32, #tpu.memory_space<hbm>>
      tpu.enqueue_dma source(%dma_start3A_854 : memref<4x1024xf32, #tpu.memory_space<hbm>>) target(%dma_start3A_852 : memref<4x1024xf32, #tpu.memory_space<vmem>>) target_semaphore(%arg14 : memref<!tpu.dma_semaphore, #tpu.memory_space<semaphore_mem>>)
      %mul3A_855 = arith.constant 4 : i32
      %mul3A_856 = arith.muli %add3A_797, %mul3A_855 : i32
      %add3A_857 = arith.addi %mul3A_2, %mul3A_856 : i32
      %dma_wait3A_858 = arith.constant 1 : i32
      %dma_wait3A_859 = arith.constant 0 : i32
      %dma_wait3A_860 = arith.constant 0 : i32
      %dma_wait3A_861 = arith.constant 0 : i32
      %dma_wait3A_862 = tpu.memref_slice %arg5[%dma_wait3A_858, %dma_wait3A_859, %dma_wait3A_860, %dma_wait3A_861] : memref<4x4x4x1024xf32, #tpu.memory_space<vmem>> -> memref<1x4x4x1024xf32, #tpu.memory_space<vmem>>
      %dma_wait3A_863 = tpu.memref_squeeze %dma_wait3A_862 : memref<1x4x4x1024xf32, #tpu.memory_space<vmem>> -> memref<4x4x1024xf32, #tpu.memory_space<vmem>>
      %dma_wait3A_864 = arith.constant 0 : i32
      %dma_wait3A_865 = arith.constant 0 : i32
      %dma_wait3A_866 = tpu.memref_slice %arg2[%add3A_857, %dma_wait3A_864, %dma_wait3A_865] : memref<4096x4x1024xf32, #tpu.memory_space<hbm>> -> memref<4x4x1024xf32, #tpu.memory_space<hbm>>
      %dma_wait3A_867 = arith.constant 0 : i32
      %dma_wait3A_868 = arith.constant 0 : i32
      %dma_wait3A_869 = arith.constant 0 : i32
      %dma_wait3A_870 = tpu.memref_slice %arg5[%dma_wait3A_858, %dma_wait3A_867, %dma_wait3A_868, %dma_wait3A_869] : memref<4x4x4x1024xf32, #tpu.memory_space<vmem>> -> memref<1x4x4x1024xf32, #tpu.memory_space<vmem>>
      %dma_wait3A_871 = tpu.memref_squeeze %dma_wait3A_870 : memref<1x4x4x1024xf32, #tpu.memory_space<vmem>> -> memref<4x4x1024xf32, #tpu.memory_space<vmem>>
      %dma_wait3A_872 = arith.constant 0 : i32
      %dma_wait3A_873 = arith.constant 0 : i32
      %dma_wait3A_874 = tpu.memref_slice %arg2[%add3A_857, %dma_wait3A_872, %dma_wait3A_873] : memref<4096x4x1024xf32, #tpu.memory_space<hbm>> -> memref<4x4x1024xf32, #tpu.memory_space<hbm>>
      tpu.wait_dma2 semaphore(%arg8 : memref<!tpu.dma_semaphore, #tpu.memory_space<semaphore_mem>>) src(%dma_wait3A_874 : memref<4x4x1024xf32, #tpu.memory_space<hbm>>) dst(%dma_wait3A_871 : memref<4x4x1024xf32, #tpu.memory_space<vmem>>)
      %dma_wait3A_875 = arith.constant 1 : i32
      %dma_wait3A_876 = arith.constant 0 : i32
      %dma_wait3A_877 = arith.constant 0 : i32
      %dma_wait3A_878 = tpu.memref_slice %arg6[%dma_wait3A_875, %dma_wait3A_876, %dma_wait3A_877] : memref<4x4x1024xf32, #tpu.memory_space<vmem>> -> memref<1x4x1024xf32, #tpu.memory_space<vmem>>
      %dma_wait3A_879 = tpu.memref_squeeze %dma_wait3A_878 : memref<1x4x1024xf32, #tpu.memory_space<vmem>> -> memref<4x1024xf32, #tpu.memory_space<vmem>>
      %dma_wait3A_880 = arith.constant 0 : i32
      %dma_wait3A_881 = tpu.memref_slice %arg3[%add3A_857, %dma_wait3A_880] : memref<8192x1024xf32, #tpu.memory_space<hbm>> -> memref<4x1024xf32, #tpu.memory_space<hbm>>
      %dma_wait3A_882 = arith.constant 0 : i32
      %dma_wait3A_883 = arith.constant 0 : i32
      %dma_wait3A_884 = tpu.memref_slice %arg6[%dma_wait3A_875, %dma_wait3A_882, %dma_wait3A_883] : memref<4x4x1024xf32, #tpu.memory_space<vmem>> -> memref<1x4x1024xf32, #tpu.memory_space<vmem>>
      %dma_wait3A_885 = tpu.memref_squeeze %dma_wait3A_884 : memref<1x4x1024xf32, #tpu.memory_space<vmem>> -> memref<4x1024xf32, #tpu.memory_space<vmem>>
      %dma_wait3A_886 = arith.constant 0 : i32
      %dma_wait3A_887 = tpu.memref_slice %arg3[%add3A_857, %dma_wait3A_886] : memref<8192x1024xf32, #tpu.memory_space<hbm>> -> memref<4x1024xf32, #tpu.memory_space<hbm>>
      tpu.wait_dma2 semaphore(%arg12 : memref<!tpu.dma_semaphore, #tpu.memory_space<semaphore_mem>>) src(%dma_wait3A_887 : memref<4x1024xf32, #tpu.memory_space<hbm>>) dst(%dma_wait3A_885 : memref<4x1024xf32, #tpu.memory_space<vmem>>)
      %scan3A_888 = arith.constant 0 : i32
      %scan3A_889 = arith.constant 0 : i32
      %scan3A_890 = arith.constant 64 : i32
      %scan3A_891 = arith.addi %scan3A_889, %scan3A_890 : i32
      %scan3A_892 = arith.constant 1 : i32
      scf.for %scan3A_914 = %scan3A_889 to %scan3A_891 step %scan3A_892  : i32 {
        %mul3A_915 = arith.constant 1 : i32
        %mul3A_916 = arith.muli %scan3A_914, %mul3A_915 : i32
        %add3A_917 = arith.constant 0 : i32
        %add3A_918 = arith.addi %mul3A_916, %add3A_917 : i32
        %mul3A_919 = arith.constant 16 : i32
        %mul3A_920 = arith.muli %add3A_918, %mul3A_919 : i32
        %multiple_of3A = tpu.assume_multiple %mul3A_920, 16 : i32
        %get3A = arith.constant 1 : i32
        %get3A_921 = arith.constant 0 : i32
        %get3A_922 = arith.index_cast %get3A : i32 to index
        %get3A_923 = arith.index_cast %get3A_921 : i32 to index
        %get3A_924 = arith.index_cast %multiple_of3A : i32 to index
        %get3A_925 = tpu.vector_load %arg6[%get3A_922, %get3A_923, %get3A_924] {strides = array<i32>} : memref<4x4x1024xf32, #tpu.memory_space<vmem>>, vector<1x1x16xf32>,
        %get3A_926 = vector.shape_cast %get3A_925 : vector<1x1x16xf32> to vector<16xf32>
        %swap3A = arith.constant 1 : i32
        %swap3A_927 = arith.constant 0 : i32
        %swap3A_928 = arith.constant 0 : i32
        %swap3A_929 = arith.index_cast %swap3A : i32 to index
        %swap3A_930 = arith.index_cast %swap3A_927 : i32 to index
        %swap3A_931 = arith.index_cast %swap3A_928 : i32 to index
        %swap3A_932 = arith.index_cast %multiple_of3A : i32 to index
        %swap3A_933 = tpu.vector_load %arg5[%swap3A_929, %swap3A_930, %swap3A_931, %swap3A_932] {strides = array<i32>} : memref<4x4x4x1024xf32, #tpu.memory_space<vmem>>, vector<1x1x1x16xf32>,
        %swap3A_934 = vector.shape_cast %swap3A_933 : vector<1x1x1x16xf32> to vector<16xf32>
        %swap3A_935 = vector.shape_cast %get3A_926 : vector<16xf32> to vector<1x1x1x16xf32>
        tpu.vector_store %arg5[%swap3A_929, %swap3A_930, %swap3A_931, %swap3A_932], %swap3A_935 {add = true, strides = array<i32>} : memref<4x4x4x1024xf32, #tpu.memory_space<vmem>>, vector<1x1x1x16xf32>,
        %swap3A_936 = arith.constant 1 : i32
        %swap3A_937 = arith.constant 0 : i32
        %swap3A_938 = arith.constant 1 : i32
        %swap3A_939 = arith.index_cast %swap3A_936 : i32 to index
        %swap3A_940 = arith.index_cast %swap3A_937 : i32 to index
        %swap3A_941 = arith.index_cast %swap3A_938 : i32 to index
        %swap3A_942 = arith.index_cast %multiple_of3A : i32 to index
        %swap3A_943 = tpu.vector_load %arg5[%swap3A_939, %swap3A_940, %swap3A_941, %swap3A_942] {strides = array<i32>} : memref<4x4x4x1024xf32, #tpu.memory_space<vmem>>, vector<1x1x1x16xf32>,
        %swap3A_944 = vector.shape_cast %swap3A_943 : vector<1x1x1x16xf32> to vector<16xf32>
        %swap3A_945 = vector.shape_cast %get3A_926 : vector<16xf32> to vector<1x1x1x16xf32>
        tpu.vector_store %arg5[%swap3A_939, %swap3A_940, %swap3A_941, %swap3A_942], %swap3A_945 {add = true, strides = array<i32>} : memref<4x4x4x1024xf32, #tpu.memory_space<vmem>>, vector<1x1x1x16xf32>,
        %swap3A_946 = arith.constant 1 : i32
        %swap3A_947 = arith.constant 0 : i32
        %swap3A_948 = arith.constant 2 : i32
        %swap3A_949 = arith.index_cast %swap3A_946 : i32 to index
        %swap3A_950 = arith.index_cast %swap3A_947 : i32 to index
        %swap3A_951 = arith.index_cast %swap3A_948 : i32 to index
        %swap3A_952 = arith.index_cast %multiple_of3A : i32 to index
        %swap3A_953 = tpu.vector_load %arg5[%swap3A_949, %swap3A_950, %swap3A_951, %swap3A_952] {strides = array<i32>} : memref<4x4x4x1024xf32, #tpu.memory_space<vmem>>, vector<1x1x1x16xf32>,
        %swap3A_954 = vector.shape_cast %swap3A_953 : vector<1x1x1x16xf32> to vector<16xf32>
        %swap3A_955 = vector.shape_cast %get3A_926 : vector<16xf32> to vector<1x1x1x16xf32>
        tpu.vector_store %arg5[%swap3A_949, %swap3A_950, %swap3A_951, %swap3A_952], %swap3A_955 {add = true, strides = array<i32>} : memref<4x4x4x1024xf32, #tpu.memory_space<vmem>>, vector<1x1x1x16xf32>,
        %swap3A_956 = arith.constant 1 : i32
        %swap3A_957 = arith.constant 0 : i32
        %swap3A_958 = arith.constant 3 : i32
        %swap3A_959 = arith.index_cast %swap3A_956 : i32 to index
        %swap3A_960 = arith.index_cast %swap3A_957 : i32 to index
        %swap3A_961 = arith.index_cast %swap3A_958 : i32 to index
        %swap3A_962 = arith.index_cast %multiple_of3A : i32 to index
        %swap3A_963 = tpu.vector_load %arg5[%swap3A_959, %swap3A_960, %swap3A_961, %swap3A_962] {strides = array<i32>} : memref<4x4x4x1024xf32, #tpu.memory_space<vmem>>, vector<1x1x1x16xf32>,
        %swap3A_964 = vector.shape_cast %swap3A_963 : vector<1x1x1x16xf32> to vector<16xf32>
        %swap3A_965 = vector.shape_cast %get3A_926 : vector<16xf32> to vector<1x1x1x16xf32>
        tpu.vector_store %arg5[%swap3A_959, %swap3A_960, %swap3A_961, %swap3A_962], %swap3A_965 {add = true, strides = array<i32>} : memref<4x4x4x1024xf32, #tpu.memory_space<vmem>>, vector<1x1x1x16xf32>,
        %get3A_966 = arith.constant 1 : i32
        %get3A_967 = arith.constant 1 : i32
        %get3A_968 = arith.index_cast %get3A_966 : i32 to index
        %get3A_969 = arith.index_cast %get3A_967 : i32 to index
        %get3A_970 = arith.index_cast %multiple_of3A : i32 to index
        %get3A_971 = tpu.vector_load %arg6[%get3A_968, %get3A_969, %get3A_970] {strides = array<i32>} : memref<4x4x1024xf32, #tpu.memory_space<vmem>>, vector<1x1x16xf32>,
        %get3A_972 = vector.shape_cast %get3A_971 : vector<1x1x16xf32> to vector<16xf32>
        %swap3A_973 = arith.constant 1 : i32
        %swap3A_974 = arith.constant 1 : i32
        %swap3A_975 = arith.constant 0 : i32
        %swap3A_976 = arith.index_cast %swap3A_973 : i32 to index
        %swap3A_977 = arith.index_cast %swap3A_974 : i32 to index
        %swap3A_978 = arith.index_cast %swap3A_975 : i32 to index
        %swap3A_979 = arith.index_cast %multiple_of3A : i32 to index
        %swap3A_980 = tpu.vector_load %arg5[%swap3A_976, %swap3A_977, %swap3A_978, %swap3A_979] {strides = array<i32>} : memref<4x4x4x1024xf32, #tpu.memory_space<vmem>>, vector<1x1x1x16xf32>,
        %swap3A_981 = vector.shape_cast %swap3A_980 : vector<1x1x1x16xf32> to vector<16xf32>
        %swap3A_982 = vector.shape_cast %get3A_972 : vector<16xf32> to vector<1x1x1x16xf32>
        tpu.vector_store %arg5[%swap3A_976, %swap3A_977, %swap3A_978, %swap3A_979], %swap3A_982 {add = true, strides = array<i32>} : memref<4x4x4x1024xf32, #tpu.memory_space<vmem>>, vector<1x1x1x16xf32>,
        %swap3A_983 = arith.constant 1 : i32
        %swap3A_984 = arith.constant 1 : i32
        %swap3A_985 = arith.constant 1 : i32
        %swap3A_986 = arith.index_cast %swap3A_983 : i32 to index
        %swap3A_987 = arith.index_cast %swap3A_984 : i32 to index
        %swap3A_988 = arith.index_cast %swap3A_985 : i32 to index
        %swap3A_989 = arith.index_cast %multiple_of3A : i32 to index
        %swap3A_990 = tpu.vector_load %arg5[%swap3A_986, %swap3A_987, %swap3A_988, %swap3A_989] {strides = array<i32>} : memref<4x4x4x1024xf32, #tpu.memory_space<vmem>>, vector<1x1x1x16xf32>,
        %swap3A_991 = vector.shape_cast %swap3A_990 : vector<1x1x1x16xf32> to vector<16xf32>
        %swap3A_992 = vector.shape_cast %get3A_972 : vector<16xf32> to vector<1x1x1x16xf32>
        tpu.vector_store %arg5[%swap3A_986, %swap3A_987, %swap3A_988, %swap3A_989], %swap3A_992 {add = true, strides = array<i32>} : memref<4x4x4x1024xf32, #tpu.memory_space<vmem>>, vector<1x1x1x16xf32>,
        %swap3A_993 = arith.constant 1 : i32
        %swap3A_994 = arith.constant 1 : i32
        %swap3A_995 = arith.constant 2 : i32
        %swap3A_996 = arith.index_cast %swap3A_993 : i32 to index
        %swap3A_997 = arith.index_cast %swap3A_994 : i32 to index
        %swap3A_998 = arith.index_cast %swap3A_995 : i32 to index
        %swap3A_999 = arith.index_cast %multiple_of3A : i32 to index
        %swap3A_1000 = tpu.vector_load %arg5[%swap3A_996, %swap3A_997, %swap3A_998, %swap3A_999] {strides = array<i32>} : memref<4x4x4x1024xf32, #tpu.memory_space<vmem>>, vector<1x1x1x16xf32>,
        %swap3A_1001 = vector.shape_cast %swap3A_1000 : vector<1x1x1x16xf32> to vector<16xf32>
        %swap3A_1002 = vector.shape_cast %get3A_972 : vector<16xf32> to vector<1x1x1x16xf32>
        tpu.vector_store %arg5[%swap3A_996, %swap3A_997, %swap3A_998, %swap3A_999], %swap3A_1002 {add = true, strides = array<i32>} : memref<4x4x4x1024xf32, #tpu.memory_space<vmem>>, vector<1x1x1x16xf32>,
        %swap3A_1003 = arith.constant 1 : i32
        %swap3A_1004 = arith.constant 1 : i32
        %swap3A_1005 = arith.constant 3 : i32
        %swap3A_1006 = arith.index_cast %swap3A_1003 : i32 to index
        %swap3A_1007 = arith.index_cast %swap3A_1004 : i32 to index
        %swap3A_1008 = arith.index_cast %swap3A_1005 : i32 to index
        %swap3A_1009 = arith.index_cast %multiple_of3A : i32 to index
        %swap3A_1010 = tpu.vector_load %arg5[%swap3A_1006, %swap3A_1007, %swap3A_1008, %swap3A_1009] {strides = array<i32>} : memref<4x4x4x1024xf32, #tpu.memory_space<vmem>>, vector<1x1x1x16xf32>,
        %swap3A_1011 = vector.shape_cast %swap3A_1010 : vector<1x1x1x16xf32> to vector<16xf32>
        %swap3A_1012 = vector.shape_cast %get3A_972 : vector<16xf32> to vector<1x1x1x16xf32>
        tpu.vector_store %arg5[%swap3A_1006, %swap3A_1007, %swap3A_1008, %swap3A_1009], %swap3A_1012 {add = true, strides = array<i32>} : memref<4x4x4x1024xf32, #tpu.memory_space<vmem>>, vector<1x1x1x16xf32>,
        %get3A_1013 = arith.constant 1 : i32
        %get3A_1014 = arith.constant 2 : i32
        %get3A_1015 = arith.index_cast %get3A_1013 : i32 to index
        %get3A_1016 = arith.index_cast %get3A_1014 : i32 to index
        %get3A_1017 = arith.index_cast %multiple_of3A : i32 to index
        %get3A_1018 = tpu.vector_load %arg6[%get3A_1015, %get3A_1016, %get3A_1017] {strides = array<i32>} : memref<4x4x1024xf32, #tpu.memory_space<vmem>>, vector<1x1x16xf32>,
        %get3A_1019 = vector.shape_cast %get3A_1018 : vector<1x1x16xf32> to vector<16xf32>
        %swap3A_1020 = arith.constant 1 : i32
        %swap3A_1021 = arith.constant 2 : i32
        %swap3A_1022 = arith.constant 0 : i32
        %swap3A_1023 = arith.index_cast %swap3A_1020 : i32 to index
        %swap3A_1024 = arith.index_cast %swap3A_1021 : i32 to index
        %swap3A_1025 = arith.index_cast %swap3A_1022 : i32 to index
        %swap3A_1026 = arith.index_cast %multiple_of3A : i32 to index
        %swap3A_1027 = tpu.vector_load %arg5[%swap3A_1023, %swap3A_1024, %swap3A_1025, %swap3A_1026] {strides = array<i32>} : memref<4x4x4x1024xf32, #tpu.memory_space<vmem>>, vector<1x1x1x16xf32>,
        %swap3A_1028 = vector.shape_cast %swap3A_1027 : vector<1x1x1x16xf32> to vector<16xf32>
        %swap3A_1029 = vector.shape_cast %get3A_1019 : vector<16xf32> to vector<1x1x1x16xf32>
        tpu.vector_store %arg5[%swap3A_1023, %swap3A_1024, %swap3A_1025, %swap3A_1026], %swap3A_1029 {add = true, strides = array<i32>} : memref<4x4x4x1024xf32, #tpu.memory_space<vmem>>, vector<1x1x1x16xf32>,
        %swap3A_1030 = arith.constant 1 : i32
        %swap3A_1031 = arith.constant 2 : i32
        %swap3A_1032 = arith.constant 1 : i32
        %swap3A_1033 = arith.index_cast %swap3A_1030 : i32 to index
        %swap3A_1034 = arith.index_cast %swap3A_1031 : i32 to index
        %swap3A_1035 = arith.index_cast %swap3A_1032 : i32 to index
        %swap3A_1036 = arith.index_cast %multiple_of3A : i32 to index
        %swap3A_1037 = tpu.vector_load %arg5[%swap3A_1033, %swap3A_1034, %swap3A_1035, %swap3A_1036] {strides = array<i32>} : memref<4x4x4x1024xf32, #tpu.memory_space<vmem>>, vector<1x1x1x16xf32>,
        %swap3A_1038 = vector.shape_cast %swap3A_1037 : vector<1x1x1x16xf32> to vector<16xf32>
        %swap3A_1039 = vector.shape_cast %get3A_1019 : vector<16xf32> to vector<1x1x1x16xf32>
        tpu.vector_store %arg5[%swap3A_1033, %swap3A_1034, %swap3A_1035, %swap3A_1036], %swap3A_1039 {add = true, strides = array<i32>} : memref<4x4x4x1024xf32, #tpu.memory_space<vmem>>, vector<1x1x1x16xf32>,
        %swap3A_1040 = arith.constant 1 : i32
        %swap3A_1041 = arith.constant 2 : i32
        %swap3A_1042 = arith.constant 2 : i32
        %swap3A_1043 = arith.index_cast %swap3A_1040 : i32 to index
        %swap3A_1044 = arith.index_cast %swap3A_1041 : i32 to index
        %swap3A_1045 = arith.index_cast %swap3A_1042 : i32 to index
        %swap3A_1046 = arith.index_cast %multiple_of3A : i32 to index
        %swap3A_1047 = tpu.vector_load %arg5[%swap3A_1043, %swap3A_1044, %swap3A_1045, %swap3A_1046] {strides = array<i32>} : memref<4x4x4x1024xf32, #tpu.memory_space<vmem>>, vector<1x1x1x16xf32>,
        %swap3A_1048 = vector.shape_cast %swap3A_1047 : vector<1x1x1x16xf32> to vector<16xf32>
        %swap3A_1049 = vector.shape_cast %get3A_1019 : vector<16xf32> to vector<1x1x1x16xf32>
        tpu.vector_store %arg5[%swap3A_1043, %swap3A_1044, %swap3A_1045, %swap3A_1046], %swap3A_1049 {add = true, strides = array<i32>} : memref<4x4x4x1024xf32, #tpu.memory_space<vmem>>, vector<1x1x1x16xf32>,
        %swap3A_1050 = arith.constant 1 : i32
        %swap3A_1051 = arith.constant 2 : i32
        %swap3A_1052 = arith.constant 3 : i32
        %swap3A_1053 = arith.index_cast %swap3A_1050 : i32 to index
        %swap3A_1054 = arith.index_cast %swap3A_1051 : i32 to index
        %swap3A_1055 = arith.index_cast %swap3A_1052 : i32 to index
        %swap3A_1056 = arith.index_cast %multiple_of3A : i32 to index
        %swap3A_1057 = tpu.vector_load %arg5[%swap3A_1053, %swap3A_1054, %swap3A_1055, %swap3A_1056] {strides = array<i32>} : memref<4x4x4x1024xf32, #tpu.memory_space<vmem>>, vector<1x1x1x16xf32>,
        %swap3A_1058 = vector.shape_cast %swap3A_1057 : vector<1x1x1x16xf32> to vector<16xf32>
        %swap3A_1059 = vector.shape_cast %get3A_1019 : vector<16xf32> to vector<1x1x1x16xf32>
        tpu.vector_store %arg5[%swap3A_1053, %swap3A_1054, %swap3A_1055, %swap3A_1056], %swap3A_1059 {add = true, strides = array<i32>} : memref<4x4x4x1024xf32, #tpu.memory_space<vmem>>, vector<1x1x1x16xf32>,
        %get3A_1060 = arith.constant 1 : i32
        %get3A_1061 = arith.constant 3 : i32
        %get3A_1062 = arith.index_cast %get3A_1060 : i32 to index
        %get3A_1063 = arith.index_cast %get3A_1061 : i32 to index
        %get3A_1064 = arith.index_cast %multiple_of3A : i32 to index
        %get3A_1065 = tpu.vector_load %arg6[%get3A_1062, %get3A_1063, %get3A_1064] {strides = array<i32>} : memref<4x4x1024xf32, #tpu.memory_space<vmem>>, vector<1x1x16xf32>,
        %get3A_1066 = vector.shape_cast %get3A_1065 : vector<1x1x16xf32> to vector<16xf32>
        %swap3A_1067 = arith.constant 1 : i32
        %swap3A_1068 = arith.constant 3 : i32
        %swap3A_1069 = arith.constant 0 : i32
        %swap3A_1070 = arith.index_cast %swap3A_1067 : i32 to index
        %swap3A_1071 = arith.index_cast %swap3A_1068 : i32 to index
        %swap3A_1072 = arith.index_cast %swap3A_1069 : i32 to index
        %swap3A_1073 = arith.index_cast %multiple_of3A : i32 to index
        %swap3A_1074 = tpu.vector_load %arg5[%swap3A_1070, %swap3A_1071, %swap3A_1072, %swap3A_1073] {strides = array<i32>} : memref<4x4x4x1024xf32, #tpu.memory_space<vmem>>, vector<1x1x1x16xf32>,
        %swap3A_1075 = vector.shape_cast %swap3A_1074 : vector<1x1x1x16xf32> to vector<16xf32>
        %swap3A_1076 = vector.shape_cast %get3A_1066 : vector<16xf32> to vector<1x1x1x16xf32>
        tpu.vector_store %arg5[%swap3A_1070, %swap3A_1071, %swap3A_1072, %swap3A_1073], %swap3A_1076 {add = true, strides = array<i32>} : memref<4x4x4x1024xf32, #tpu.memory_space<vmem>>, vector<1x1x1x16xf32>,
        %swap3A_1077 = arith.constant 1 : i32
        %swap3A_1078 = arith.constant 3 : i32
        %swap3A_1079 = arith.constant 1 : i32
        %swap3A_1080 = arith.index_cast %swap3A_1077 : i32 to index
        %swap3A_1081 = arith.index_cast %swap3A_1078 : i32 to index
        %swap3A_1082 = arith.index_cast %swap3A_1079 : i32 to index
        %swap3A_1083 = arith.index_cast %multiple_of3A : i32 to index
        %swap3A_1084 = tpu.vector_load %arg5[%swap3A_1080, %swap3A_1081, %swap3A_1082, %swap3A_1083] {strides = array<i32>} : memref<4x4x4x1024xf32, #tpu.memory_space<vmem>>, vector<1x1x1x16xf32>,
        %swap3A_1085 = vector.shape_cast %swap3A_1084 : vector<1x1x1x16xf32> to vector<16xf32>
        %swap3A_1086 = vector.shape_cast %get3A_1066 : vector<16xf32> to vector<1x1x1x16xf32>
        tpu.vector_store %arg5[%swap3A_1080, %swap3A_1081, %swap3A_1082, %swap3A_1083], %swap3A_1086 {add = true, strides = array<i32>} : memref<4x4x4x1024xf32, #tpu.memory_space<vmem>>, vector<1x1x1x16xf32>,
        %swap3A_1087 = arith.constant 1 : i32
        %swap3A_1088 = arith.constant 3 : i32
        %swap3A_1089 = arith.constant 2 : i32
        %swap3A_1090 = arith.index_cast %swap3A_1087 : i32 to index
        %swap3A_1091 = arith.index_cast %swap3A_1088 : i32 to index
        %swap3A_1092 = arith.index_cast %swap3A_1089 : i32 to index
        %swap3A_1093 = arith.index_cast %multiple_of3A : i32 to index
        %swap3A_1094 = tpu.vector_load %arg5[%swap3A_1090, %swap3A_1091, %swap3A_1092, %swap3A_1093] {strides = array<i32>} : memref<4x4x4x1024xf32, #tpu.memory_space<vmem>>, vector<1x1x1x16xf32>,
        %swap3A_1095 = vector.shape_cast %swap3A_1094 : vector<1x1x1x16xf32> to vector<16xf32>
        %swap3A_1096 = vector.shape_cast %get3A_1066 : vector<16xf32> to vector<1x1x1x16xf32>
        tpu.vector_store %arg5[%swap3A_1090, %swap3A_1091, %swap3A_1092, %swap3A_1093], %swap3A_1096 {add = true, strides = array<i32>} : memref<4x4x4x1024xf32, #tpu.memory_space<vmem>>, vector<1x1x1x16xf32>,
        %swap3A_1097 = arith.constant 1 : i32
        %swap3A_1098 = arith.constant 3 : i32
        %swap3A_1099 = arith.constant 3 : i32
        %swap3A_1100 = arith.index_cast %swap3A_1097 : i32 to index
        %swap3A_1101 = arith.index_cast %swap3A_1098 : i32 to index
        %swap3A_1102 = arith.index_cast %swap3A_1099 : i32 to index
        %swap3A_1103 = arith.index_cast %multiple_of3A : i32 to index
        %swap3A_1104 = tpu.vector_load %arg5[%swap3A_1100, %swap3A_1101, %swap3A_1102, %swap3A_1103] {strides = array<i32>} : memref<4x4x4x1024xf32, #tpu.memory_space<vmem>>, vector<1x1x1x16xf32>,
        %swap3A_1105 = vector.shape_cast %swap3A_1104 : vector<1x1x1x16xf32> to vector<16xf32>
        %swap3A_1106 = vector.shape_cast %get3A_1066 : vector<16xf32> to vector<1x1x1x16xf32>
        tpu.vector_store %arg5[%swap3A_1100, %swap3A_1101, %swap3A_1102, %swap3A_1103], %swap3A_1106 {add = true, strides = array<i32>} : memref<4x4x4x1024xf32, #tpu.memory_space<vmem>>, vector<1x1x1x16xf32>,
      }
      %scan3A_893 = arith.constant 64 : i32
      %mul3A_894 = arith.constant 4 : i32
      %mul3A_895 = arith.muli %add3A_797, %mul3A_894 : i32
      %add3A_896 = arith.addi %mul3A_2, %mul3A_895 : i32
      %dma_start3A_897 = arith.constant 1 : i32
      %dma_start3A_898 = arith.constant 0 : i32
      %dma_start3A_899 = arith.constant 0 : i32
      %dma_start3A_900 = arith.constant 0 : i32
      %dma_start3A_901 = tpu.memref_slice %arg5[%dma_start3A_897, %dma_start3A_898, %dma_start3A_899, %dma_start3A_900] : memref<4x4x4x1024xf32, #tpu.memory_space<vmem>> -> memref<1x4x4x1024xf32, #tpu.memory_space<vmem>>
      %dma_start3A_902 = tpu.memref_squeeze %dma_start3A_901 : memref<1x4x4x1024xf32, #tpu.memory_space<vmem>> -> memref<4x4x1024xf32, #tpu.memory_space<vmem>>
      %dma_start3A_903 = arith.constant 0 : i32
      %dma_start3A_904 = arith.constant 0 : i32
      %dma_start3A_905 = tpu.memref_slice %arg4[%add3A_896, %dma_start3A_903, %dma_start3A_904] : memref<4096x4x1024xf32, #tpu.memory_space<hbm>> -> memref<4x4x1024xf32, #tpu.memory_space<hbm>>
      %dma_start3A_906 = arith.constant 0 : i32
      %dma_start3A_907 = arith.constant 0 : i32
      %dma_start3A_908 = tpu.memref_slice %arg4[%add3A_896, %dma_start3A_906, %dma_start3A_907] : memref<4096x4x1024xf32, #tpu.memory_space<hbm>> -> memref<4x4x1024xf32, #tpu.memory_space<hbm>>
      %dma_start3A_909 = arith.constant 0 : i32
      %dma_start3A_910 = arith.constant 0 : i32
      %dma_start3A_911 = arith.constant 0 : i32
      %dma_start3A_912 = tpu.memref_slice %arg5[%dma_start3A_897, %dma_start3A_909, %dma_start3A_910, %dma_start3A_911] : memref<4x4x4x1024xf32, #tpu.memory_space<vmem>> -> memref<1x4x4x1024xf32, #tpu.memory_space<vmem>>
      %dma_start3A_913 = tpu.memref_squeeze %dma_start3A_912 : memref<1x4x4x1024xf32, #tpu.memory_space<vmem>> -> memref<4x4x1024xf32, #tpu.memory_space<vmem>>
      tpu.enqueue_dma source(%dma_start3A_913 : memref<4x4x1024xf32, #tpu.memory_space<vmem>>) target(%dma_start3A_908 : memref<4x4x1024xf32, #tpu.memory_space<hbm>>) target_semaphore(%arg16 : memref<!tpu.dma_semaphore, #tpu.memory_space<semaphore_mem>>)
    }
    %scan3A_247 = arith.constant 7 : i32
    %add3A_248 = arith.constant 112 : i32
    %add3A_249 = arith.addi %mul3A_2, %add3A_248 : i32
    %dma_wait3A_250 = arith.constant 0 : i32
    %dma_wait3A_251 = arith.constant 0 : i32
    %dma_wait3A_252 = arith.constant 0 : i32
    %dma_wait3A_253 = arith.constant 0 : i32
    %dma_wait3A_254 = tpu.memref_slice %arg5[%dma_wait3A_250, %dma_wait3A_251, %dma_wait3A_252, %dma_wait3A_253] : memref<4x4x4x1024xf32, #tpu.memory_space<vmem>> -> memref<1x4x4x1024xf32, #tpu.memory_space<vmem>>
    %dma_wait3A_255 = tpu.memref_squeeze %dma_wait3A_254 : memref<1x4x4x1024xf32, #tpu.memory_space<vmem>> -> memref<4x4x1024xf32, #tpu.memory_space<vmem>>
    %dma_wait3A_256 = arith.constant 0 : i32
    %dma_wait3A_257 = arith.constant 0 : i32
    %dma_wait3A_258 = tpu.memref_slice %arg4[%add3A_249, %dma_wait3A_256, %dma_wait3A_257] : memref<4096x4x1024xf32, #tpu.memory_space<hbm>> -> memref<4x4x1024xf32, #tpu.memory_space<hbm>>
    %dma_wait3A_259 = arith.constant 0 : i32
    %dma_wait3A_260 = arith.constant 0 : i32
    %dma_wait3A_261 = tpu.memref_slice %arg4[%add3A_249, %dma_wait3A_259, %dma_wait3A_260] : memref<4096x4x1024xf32, #tpu.memory_space<hbm>> -> memref<4x4x1024xf32, #tpu.memory_space<hbm>>
    %dma_wait3A_262 = arith.constant 0 : i32
    %dma_wait3A_263 = arith.constant 0 : i32
    %dma_wait3A_264 = arith.constant 0 : i32
    %dma_wait3A_265 = tpu.memref_slice %arg5[%dma_wait3A_250, %dma_wait3A_262, %dma_wait3A_263, %dma_wait3A_264] : memref<4x4x4x1024xf32, #tpu.memory_space<vmem>> -> memref<1x4x4x1024xf32, #tpu.memory_space<vmem>>
    %dma_wait3A_266 = tpu.memref_squeeze %dma_wait3A_265 : memref<1x4x4x1024xf32, #tpu.memory_space<vmem>> -> memref<4x4x1024xf32, #tpu.memory_space<vmem>>
    tpu.wait_dma2 semaphore(%arg15 : memref<!tpu.dma_semaphore, #tpu.memory_space<semaphore_mem>>) src(%dma_wait3A_266 : memref<4x4x1024xf32, #tpu.memory_space<vmem>>) dst(%dma_wait3A_261 : memref<4x4x1024xf32, #tpu.memory_space<hbm>>)
    %add3A_267 = arith.constant 120 : i32
    %add3A_268 = arith.addi %mul3A_2, %add3A_267 : i32
    %dma_wait3A_269 = arith.constant 2 : i32
    %dma_wait3A_270 = arith.constant 0 : i32
    %dma_wait3A_271 = arith.constant 0 : i32
    %dma_wait3A_272 = arith.constant 0 : i32
    %dma_wait3A_273 = tpu.memref_slice %arg5[%dma_wait3A_269, %dma_wait3A_270, %dma_wait3A_271, %dma_wait3A_272] : memref<4x4x4x1024xf32, #tpu.memory_space<vmem>> -> memref<1x4x4x1024xf32, #tpu.memory_space<vmem>>
    %dma_wait3A_274 = tpu.memref_squeeze %dma_wait3A_273 : memref<1x4x4x1024xf32, #tpu.memory_space<vmem>> -> memref<4x4x1024xf32, #tpu.memory_space<vmem>>
    %dma_wait3A_275 = arith.constant 0 : i32
    %dma_wait3A_276 = arith.constant 0 : i32
    %dma_wait3A_277 = tpu.memref_slice %arg2[%add3A_268, %dma_wait3A_275, %dma_wait3A_276] : memref<4096x4x1024xf32, #tpu.memory_space<hbm>> -> memref<4x4x1024xf32, #tpu.memory_space<hbm>>
    %dma_wait3A_278 = arith.constant 0 : i32
    %dma_wait3A_279 = arith.constant 0 : i32
    %dma_wait3A_280 = arith.constant 0 : i32
    %dma_wait3A_281 = tpu.memref_slice %arg5[%dma_wait3A_269, %dma_wait3A_278, %dma_wait3A_279, %dma_wait3A_280] : memref<4x4x4x1024xf32, #tpu.memory_space<vmem>> -> memref<1x4x4x1024xf32, #tpu.memory_space<vmem>>
    %dma_wait3A_282 = tpu.memref_squeeze %dma_wait3A_281 : memref<1x4x4x1024xf32, #tpu.memory_space<vmem>> -> memref<4x4x1024xf32, #tpu.memory_space<vmem>>
    %dma_wait3A_283 = arith.constant 0 : i32
    %dma_wait3A_284 = arith.constant 0 : i32
    %dma_wait3A_285 = tpu.memref_slice %arg2[%add3A_268, %dma_wait3A_283, %dma_wait3A_284] : memref<4096x4x1024xf32, #tpu.memory_space<hbm>> -> memref<4x4x1024xf32, #tpu.memory_space<hbm>>
    tpu.wait_dma2 semaphore(%arg9 : memref<!tpu.dma_semaphore, #tpu.memory_space<semaphore_mem>>) src(%dma_wait3A_285 : memref<4x4x1024xf32, #tpu.memory_space<hbm>>) dst(%dma_wait3A_282 : memref<4x4x1024xf32, #tpu.memory_space<vmem>>)
    %dma_wait3A_286 = arith.constant 2 : i32
    %dma_wait3A_287 = arith.constant 0 : i32
    %dma_wait3A_288 = arith.constant 0 : i32
    %dma_wait3A_289 = tpu.memref_slice %arg6[%dma_wait3A_286, %dma_wait3A_287, %dma_wait3A_288] : memref<4x4x1024xf32, #tpu.memory_space<vmem>> -> memref<1x4x1024xf32, #tpu.memory_space<vmem>>
    %dma_wait3A_290 = tpu.memref_squeeze %dma_wait3A_289 : memref<1x4x1024xf32, #tpu.memory_space<vmem>> -> memref<4x1024xf32, #tpu.memory_space<vmem>>
    %dma_wait3A_291 = arith.constant 0 : i32
    %dma_wait3A_292 = tpu.memref_slice %arg3[%add3A_268, %dma_wait3A_291] : memref<8192x1024xf32, #tpu.memory_space<hbm>> -> memref<4x1024xf32, #tpu.memory_space<hbm>>
    %dma_wait3A_293 = arith.constant 0 : i32
    %dma_wait3A_294 = arith.constant 0 : i32
    %dma_wait3A_295 = tpu.memref_slice %arg6[%dma_wait3A_286, %dma_wait3A_293, %dma_wait3A_294] : memref<4x4x1024xf32, #tpu.memory_space<vmem>> -> memref<1x4x1024xf32, #tpu.memory_space<vmem>>
    %dma_wait3A_296 = tpu.memref_squeeze %dma_wait3A_295 : memref<1x4x1024xf32, #tpu.memory_space<vmem>> -> memref<4x1024xf32, #tpu.memory_space<vmem>>
    %dma_wait3A_297 = arith.constant 0 : i32
    %dma_wait3A_298 = tpu.memref_slice %arg3[%add3A_268, %dma_wait3A_297] : memref<8192x1024xf32, #tpu.memory_space<hbm>> -> memref<4x1024xf32, #tpu.memory_space<hbm>>
    tpu.wait_dma2 semaphore(%arg13 : memref<!tpu.dma_semaphore, #tpu.memory_space<semaphore_mem>>) src(%dma_wait3A_298 : memref<4x1024xf32, #tpu.memory_space<hbm>>) dst(%dma_wait3A_296 : memref<4x1024xf32, #tpu.memory_space<vmem>>)
    %scan3A_299 = arith.constant 0 : i32
    %scan3A_300 = arith.constant 0 : i32
    %scan3A_301 = arith.constant 64 : i32
    %scan3A_302 = arith.addi %scan3A_300, %scan3A_301 : i32
    %scan3A_303 = arith.constant 1 : i32
    scf.for %scan3A_438 = %scan3A_300 to %scan3A_302 step %scan3A_303  : i32 {
      %mul3A_439 = arith.constant 1 : i32
      %mul3A_440 = arith.muli %scan3A_438, %mul3A_439 : i32
      %add3A_441 = arith.constant 0 : i32
      %add3A_442 = arith.addi %mul3A_440, %add3A_441 : i32
      %mul3A_443 = arith.constant 16 : i32
      %mul3A_444 = arith.muli %add3A_442, %mul3A_443 : i32
      %multiple_of3A = tpu.assume_multiple %mul3A_444, 16 : i32
      %get3A = arith.constant 2 : i32
      %get3A_445 = arith.constant 0 : i32
      %get3A_446 = arith.index_cast %get3A : i32 to index
      %get3A_447 = arith.index_cast %get3A_445 : i32 to index
      %get3A_448 = arith.index_cast %multiple_of3A : i32 to index
      %get3A_449 = tpu.vector_load %arg6[%get3A_446, %get3A_447, %get3A_448] {strides = array<i32>} : memref<4x4x1024xf32, #tpu.memory_space<vmem>>, vector<1x1x16xf32>,
      %get3A_450 = vector.shape_cast %get3A_449 : vector<1x1x16xf32> to vector<16xf32>
      %swap3A = arith.constant 2 : i32
      %swap3A_451 = arith.constant 0 : i32
      %swap3A_452 = arith.constant 0 : i32
      %swap3A_453 = arith.index_cast %swap3A : i32 to index
      %swap3A_454 = arith.index_cast %swap3A_451 : i32 to index
      %swap3A_455 = arith.index_cast %swap3A_452 : i32 to index
      %swap3A_456 = arith.index_cast %multiple_of3A : i32 to index
      %swap3A_457 = tpu.vector_load %arg5[%swap3A_453, %swap3A_454, %swap3A_455, %swap3A_456] {strides = array<i32>} : memref<4x4x4x1024xf32, #tpu.memory_space<vmem>>, vector<1x1x1x16xf32>,
      %swap3A_458 = vector.shape_cast %swap3A_457 : vector<1x1x1x16xf32> to vector<16xf32>
      %swap3A_459 = vector.shape_cast %get3A_450 : vector<16xf32> to vector<1x1x1x16xf32>
      tpu.vector_store %arg5[%swap3A_453, %swap3A_454, %swap3A_455, %swap3A_456], %swap3A_459 {add = true, strides = array<i32>} : memref<4x4x4x1024xf32, #tpu.memory_space<vmem>>, vector<1x1x1x16xf32>,
      %swap3A_460 = arith.constant 2 : i32
      %swap3A_461 = arith.constant 0 : i32
      %swap3A_462 = arith.constant 1 : i32
      %swap3A_463 = arith.index_cast %swap3A_460 : i32 to index
      %swap3A_464 = arith.index_cast %swap3A_461 : i32 to index
      %swap3A_465 = arith.index_cast %swap3A_462 : i32 to index
      %swap3A_466 = arith.index_cast %multiple_of3A : i32 to index
      %swap3A_467 = tpu.vector_load %arg5[%swap3A_463, %swap3A_464, %swap3A_465, %swap3A_466] {strides = array<i32>} : memref<4x4x4x1024xf32, #tpu.memory_space<vmem>>, vector<1x1x1x16xf32>,
      %swap3A_468 = vector.shape_cast %swap3A_467 : vector<1x1x1x16xf32> to vector<16xf32>
      %swap3A_469 = vector.shape_cast %get3A_450 : vector<16xf32> to vector<1x1x1x16xf32>
      tpu.vector_store %arg5[%swap3A_463, %swap3A_464, %swap3A_465, %swap3A_466], %swap3A_469 {add = true, strides = array<i32>} : memref<4x4x4x1024xf32, #tpu.memory_space<vmem>>, vector<1x1x1x16xf32>,
      %swap3A_470 = arith.constant 2 : i32
      %swap3A_471 = arith.constant 0 : i32
      %swap3A_472 = arith.constant 2 : i32
      %swap3A_473 = arith.index_cast %swap3A_470 : i32 to index
      %swap3A_474 = arith.index_cast %swap3A_471 : i32 to index
      %swap3A_475 = arith.index_cast %swap3A_472 : i32 to index
      %swap3A_476 = arith.index_cast %multiple_of3A : i32 to index
      %swap3A_477 = tpu.vector_load %arg5[%swap3A_473, %swap3A_474, %swap3A_475, %swap3A_476] {strides = array<i32>} : memref<4x4x4x1024xf32, #tpu.memory_space<vmem>>, vector<1x1x1x16xf32>,
      %swap3A_478 = vector.shape_cast %swap3A_477 : vector<1x1x1x16xf32> to vector<16xf32>
      %swap3A_479 = vector.shape_cast %get3A_450 : vector<16xf32> to vector<1x1x1x16xf32>
      tpu.vector_store %arg5[%swap3A_473, %swap3A_474, %swap3A_475, %swap3A_476], %swap3A_479 {add = true, strides = array<i32>} : memref<4x4x4x1024xf32, #tpu.memory_space<vmem>>, vector<1x1x1x16xf32>,
      %swap3A_480 = arith.constant 2 : i32
      %swap3A_481 = arith.constant 0 : i32
      %swap3A_482 = arith.constant 3 : i32
      %swap3A_483 = arith.index_cast %swap3A_480 : i32 to index
      %swap3A_484 = arith.index_cast %swap3A_481 : i32 to index
      %swap3A_485 = arith.index_cast %swap3A_482 : i32 to index
      %swap3A_486 = arith.index_cast %multiple_of3A : i32 to index
      %swap3A_487 = tpu.vector_load %arg5[%swap3A_483, %swap3A_484, %swap3A_485, %swap3A_486] {strides = array<i32>} : memref<4x4x4x1024xf32, #tpu.memory_space<vmem>>, vector<1x1x1x16xf32>,
      %swap3A_488 = vector.shape_cast %swap3A_487 : vector<1x1x1x16xf32> to vector<16xf32>
      %swap3A_489 = vector.shape_cast %get3A_450 : vector<16xf32> to vector<1x1x1x16xf32>
      tpu.vector_store %arg5[%swap3A_483, %swap3A_484, %swap3A_485, %swap3A_486], %swap3A_489 {add = true, strides = array<i32>} : memref<4x4x4x1024xf32, #tpu.memory_space<vmem>>, vector<1x1x1x16xf32>,
      %get3A_490 = arith.constant 2 : i32
      %get3A_491 = arith.constant 1 : i32
      %get3A_492 = arith.index_cast %get3A_490 : i32 to index
      %get3A_493 = arith.index_cast %get3A_491 : i32 to index
      %get3A_494 = arith.index_cast %multiple_of3A : i32 to index
      %get3A_495 = tpu.vector_load %arg6[%get3A_492, %get3A_493, %get3A_494] {strides = array<i32>} : memref<4x4x1024xf32, #tpu.memory_space<vmem>>, vector<1x1x16xf32>,
      %get3A_496 = vector.shape_cast %get3A_495 : vector<1x1x16xf32> to vector<16xf32>
      %swap3A_497 = arith.constant 2 : i32
      %swap3A_498 = arith.constant 1 : i32
      %swap3A_499 = arith.constant 0 : i32
      %swap3A_500 = arith.index_cast %swap3A_497 : i32 to index
      %swap3A_501 = arith.index_cast %swap3A_498 : i32 to index
      %swap3A_502 = arith.index_cast %swap3A_499 : i32 to index
      %swap3A_503 = arith.index_cast %multiple_of3A : i32 to index
      %swap3A_504 = tpu.vector_load %arg5[%swap3A_500, %swap3A_501, %swap3A_502, %swap3A_503] {strides = array<i32>} : memref<4x4x4x1024xf32, #tpu.memory_space<vmem>>, vector<1x1x1x16xf32>,
      %swap3A_505 = vector.shape_cast %swap3A_504 : vector<1x1x1x16xf32> to vector<16xf32>
      %swap3A_506 = vector.shape_cast %get3A_496 : vector<16xf32> to vector<1x1x1x16xf32>
      tpu.vector_store %arg5[%swap3A_500, %swap3A_501, %swap3A_502, %swap3A_503], %swap3A_506 {add = true, strides = array<i32>} : memref<4x4x4x1024xf32, #tpu.memory_space<vmem>>, vector<1x1x1x16xf32>,
      %swap3A_507 = arith.constant 2 : i32
      %swap3A_508 = arith.constant 1 : i32
      %swap3A_509 = arith.constant 1 : i32
      %swap3A_510 = arith.index_cast %swap3A_507 : i32 to index
      %swap3A_511 = arith.index_cast %swap3A_508 : i32 to index
      %swap3A_512 = arith.index_cast %swap3A_509 : i32 to index
      %swap3A_513 = arith.index_cast %multiple_of3A : i32 to index
      %swap3A_514 = tpu.vector_load %arg5[%swap3A_510, %swap3A_511, %swap3A_512, %swap3A_513] {strides = array<i32>} : memref<4x4x4x1024xf32, #tpu.memory_space<vmem>>, vector<1x1x1x16xf32>,
      %swap3A_515 = vector.shape_cast %swap3A_514 : vector<1x1x1x16xf32> to vector<16xf32>
      %swap3A_516 = vector.shape_cast %get3A_496 : vector<16xf32> to vector<1x1x1x16xf32>
      tpu.vector_store %arg5[%swap3A_510, %swap3A_511, %swap3A_512, %swap3A_513], %swap3A_516 {add = true, strides = array<i32>} : memref<4x4x4x1024xf32, #tpu.memory_space<vmem>>, vector<1x1x1x16xf32>,
      %swap3A_517 = arith.constant 2 : i32
      %swap3A_518 = arith.constant 1 : i32
      %swap3A_519 = arith.constant 2 : i32
      %swap3A_520 = arith.index_cast %swap3A_517 : i32 to index
      %swap3A_521 = arith.index_cast %swap3A_518 : i32 to index
      %swap3A_522 = arith.index_cast %swap3A_519 : i32 to index
      %swap3A_523 = arith.index_cast %multiple_of3A : i32 to index
      %swap3A_524 = tpu.vector_load %arg5[%swap3A_520, %swap3A_521, %swap3A_522, %swap3A_523] {strides = array<i32>} : memref<4x4x4x1024xf32, #tpu.memory_space<vmem>>, vector<1x1x1x16xf32>,
      %swap3A_525 = vector.shape_cast %swap3A_524 : vector<1x1x1x16xf32> to vector<16xf32>
      %swap3A_526 = vector.shape_cast %get3A_496 : vector<16xf32> to vector<1x1x1x16xf32>
      tpu.vector_store %arg5[%swap3A_520, %swap3A_521, %swap3A_522, %swap3A_523], %swap3A_526 {add = true, strides = array<i32>} : memref<4x4x4x1024xf32, #tpu.memory_space<vmem>>, vector<1x1x1x16xf32>,
      %swap3A_527 = arith.constant 2 : i32
      %swap3A_528 = arith.constant 1 : i32
      %swap3A_529 = arith.constant 3 : i32
      %swap3A_530 = arith.index_cast %swap3A_527 : i32 to index
      %swap3A_531 = arith.index_cast %swap3A_528 : i32 to index
      %swap3A_532 = arith.index_cast %swap3A_529 : i32 to index
      %swap3A_533 = arith.index_cast %multiple_of3A : i32 to index
      %swap3A_534 = tpu.vector_load %arg5[%swap3A_530, %swap3A_531, %swap3A_532, %swap3A_533] {strides = array<i32>} : memref<4x4x4x1024xf32, #tpu.memory_space<vmem>>, vector<1x1x1x16xf32>,
      %swap3A_535 = vector.shape_cast %swap3A_534 : vector<1x1x1x16xf32> to vector<16xf32>
      %swap3A_536 = vector.shape_cast %get3A_496 : vector<16xf32> to vector<1x1x1x16xf32>
      tpu.vector_store %arg5[%swap3A_530, %swap3A_531, %swap3A_532, %swap3A_533], %swap3A_536 {add = true, strides = array<i32>} : memref<4x4x4x1024xf32, #tpu.memory_space<vmem>>, vector<1x1x1x16xf32>,
      %get3A_537 = arith.constant 2 : i32
      %get3A_538 = arith.constant 2 : i32
      %get3A_539 = arith.index_cast %get3A_537 : i32 to index
      %get3A_540 = arith.index_cast %get3A_538 : i32 to index
      %get3A_541 = arith.index_cast %multiple_of3A : i32 to index
      %get3A_542 = tpu.vector_load %arg6[%get3A_539, %get3A_540, %get3A_541] {strides = array<i32>} : memref<4x4x1024xf32, #tpu.memory_space<vmem>>, vector<1x1x16xf32>,
      %get3A_543 = vector.shape_cast %get3A_542 : vector<1x1x16xf32> to vector<16xf32>
      %swap3A_544 = arith.constant 2 : i32
      %swap3A_545 = arith.constant 2 : i32
      %swap3A_546 = arith.constant 0 : i32
      %swap3A_547 = arith.index_cast %swap3A_544 : i32 to index
      %swap3A_548 = arith.index_cast %swap3A_545 : i32 to index
      %swap3A_549 = arith.index_cast %swap3A_546 : i32 to index
      %swap3A_550 = arith.index_cast %multiple_of3A : i32 to index
      %swap3A_551 = tpu.vector_load %arg5[%swap3A_547, %swap3A_548, %swap3A_549, %swap3A_550] {strides = array<i32>} : memref<4x4x4x1024xf32, #tpu.memory_space<vmem>>, vector<1x1x1x16xf32>,
      %swap3A_552 = vector.shape_cast %swap3A_551 : vector<1x1x1x16xf32> to vector<16xf32>
      %swap3A_553 = vector.shape_cast %get3A_543 : vector<16xf32> to vector<1x1x1x16xf32>
      tpu.vector_store %arg5[%swap3A_547, %swap3A_548, %swap3A_549, %swap3A_550], %swap3A_553 {add = true, strides = array<i32>} : memref<4x4x4x1024xf32, #tpu.memory_space<vmem>>, vector<1x1x1x16xf32>,
      %swap3A_554 = arith.constant 2 : i32
      %swap3A_555 = arith.constant 2 : i32
      %swap3A_556 = arith.constant 1 : i32
      %swap3A_557 = arith.index_cast %swap3A_554 : i32 to index
      %swap3A_558 = arith.index_cast %swap3A_555 : i32 to index
      %swap3A_559 = arith.index_cast %swap3A_556 : i32 to index
      %swap3A_560 = arith.index_cast %multiple_of3A : i32 to index
      %swap3A_561 = tpu.vector_load %arg5[%swap3A_557, %swap3A_558, %swap3A_559, %swap3A_560] {strides = array<i32>} : memref<4x4x4x1024xf32, #tpu.memory_space<vmem>>, vector<1x1x1x16xf32>,
      %swap3A_562 = vector.shape_cast %swap3A_561 : vector<1x1x1x16xf32> to vector<16xf32>
      %swap3A_563 = vector.shape_cast %get3A_543 : vector<16xf32> to vector<1x1x1x16xf32>
      tpu.vector_store %arg5[%swap3A_557, %swap3A_558, %swap3A_559, %swap3A_560], %swap3A_563 {add = true, strides = array<i32>} : memref<4x4x4x1024xf32, #tpu.memory_space<vmem>>, vector<1x1x1x16xf32>,
      %swap3A_564 = arith.constant 2 : i32
      %swap3A_565 = arith.constant 2 : i32
      %swap3A_566 = arith.constant 2 : i32
      %swap3A_567 = arith.index_cast %swap3A_564 : i32 to index
      %swap3A_568 = arith.index_cast %swap3A_565 : i32 to index
      %swap3A_569 = arith.index_cast %swap3A_566 : i32 to index
      %swap3A_570 = arith.index_cast %multiple_of3A : i32 to index
      %swap3A_571 = tpu.vector_load %arg5[%swap3A_567, %swap3A_568, %swap3A_569, %swap3A_570] {strides = array<i32>} : memref<4x4x4x1024xf32, #tpu.memory_space<vmem>>, vector<1x1x1x16xf32>,
      %swap3A_572 = vector.shape_cast %swap3A_571 : vector<1x1x1x16xf32> to vector<16xf32>
      %swap3A_573 = vector.shape_cast %get3A_543 : vector<16xf32> to vector<1x1x1x16xf32>
      tpu.vector_store %arg5[%swap3A_567, %swap3A_568, %swap3A_569, %swap3A_570], %swap3A_573 {add = true, strides = array<i32>} : memref<4x4x4x1024xf32, #tpu.memory_space<vmem>>, vector<1x1x1x16xf32>,
      %swap3A_574 = arith.constant 2 : i32
      %swap3A_575 = arith.constant 2 : i32
      %swap3A_576 = arith.constant 3 : i32
      %swap3A_577 = arith.index_cast %swap3A_574 : i32 to index
      %swap3A_578 = arith.index_cast %swap3A_575 : i32 to index
      %swap3A_579 = arith.index_cast %swap3A_576 : i32 to index
      %swap3A_580 = arith.index_cast %multiple_of3A : i32 to index
      %swap3A_581 = tpu.vector_load %arg5[%swap3A_577, %swap3A_578, %swap3A_579, %swap3A_580] {strides = array<i32>} : memref<4x4x4x1024xf32, #tpu.memory_space<vmem>>, vector<1x1x1x16xf32>,
      %swap3A_582 = vector.shape_cast %swap3A_581 : vector<1x1x1x16xf32> to vector<16xf32>
      %swap3A_583 = vector.shape_cast %get3A_543 : vector<16xf32> to vector<1x1x1x16xf32>
      tpu.vector_store %arg5[%swap3A_577, %swap3A_578, %swap3A_579, %swap3A_580], %swap3A_583 {add = true, strides = array<i32>} : memref<4x4x4x1024xf32, #tpu.memory_space<vmem>>, vector<1x1x1x16xf32>,
      %get3A_584 = arith.constant 2 : i32
      %get3A_585 = arith.constant 3 : i32
      %get3A_586 = arith.index_cast %get3A_584 : i32 to index
      %get3A_587 = arith.index_cast %get3A_585 : i32 to index
      %get3A_588 = arith.index_cast %multiple_of3A : i32 to index
      %get3A_589 = tpu.vector_load %arg6[%get3A_586, %get3A_587, %get3A_588] {strides = array<i32>} : memref<4x4x1024xf32, #tpu.memory_space<vmem>>, vector<1x1x16xf32>,
      %get3A_590 = vector.shape_cast %get3A_589 : vector<1x1x16xf32> to vector<16xf32>
      %swap3A_591 = arith.constant 2 : i32
      %swap3A_592 = arith.constant 3 : i32
      %swap3A_593 = arith.constant 0 : i32
      %swap3A_594 = arith.index_cast %swap3A_591 : i32 to index
      %swap3A_595 = arith.index_cast %swap3A_592 : i32 to index
      %swap3A_596 = arith.index_cast %swap3A_593 : i32 to index
      %swap3A_597 = arith.index_cast %multiple_of3A : i32 to index
      %swap3A_598 = tpu.vector_load %arg5[%swap3A_594, %swap3A_595, %swap3A_596, %swap3A_597] {strides = array<i32>} : memref<4x4x4x1024xf32, #tpu.memory_space<vmem>>, vector<1x1x1x16xf32>,
      %swap3A_599 = vector.shape_cast %swap3A_598 : vector<1x1x1x16xf32> to vector<16xf32>
      %swap3A_600 = vector.shape_cast %get3A_590 : vector<16xf32> to vector<1x1x1x16xf32>
      tpu.vector_store %arg5[%swap3A_594, %swap3A_595, %swap3A_596, %swap3A_597], %swap3A_600 {add = true, strides = array<i32>} : memref<4x4x4x1024xf32, #tpu.memory_space<vmem>>, vector<1x1x1x16xf32>,
      %swap3A_601 = arith.constant 2 : i32
      %swap3A_602 = arith.constant 3 : i32
      %swap3A_603 = arith.constant 1 : i32
      %swap3A_604 = arith.index_cast %swap3A_601 : i32 to index
      %swap3A_605 = arith.index_cast %swap3A_602 : i32 to index
      %swap3A_606 = arith.index_cast %swap3A_603 : i32 to index
      %swap3A_607 = arith.index_cast %multiple_of3A : i32 to index
      %swap3A_608 = tpu.vector_load %arg5[%swap3A_604, %swap3A_605, %swap3A_606, %swap3A_607] {strides = array<i32>} : memref<4x4x4x1024xf32, #tpu.memory_space<vmem>>, vector<1x1x1x16xf32>,
      %swap3A_609 = vector.shape_cast %swap3A_608 : vector<1x1x1x16xf32> to vector<16xf32>
      %swap3A_610 = vector.shape_cast %get3A_590 : vector<16xf32> to vector<1x1x1x16xf32>
      tpu.vector_store %arg5[%swap3A_604, %swap3A_605, %swap3A_606, %swap3A_607], %swap3A_610 {add = true, strides = array<i32>} : memref<4x4x4x1024xf32, #tpu.memory_space<vmem>>, vector<1x1x1x16xf32>,
      %swap3A_611 = arith.constant 2 : i32
      %swap3A_612 = arith.constant 3 : i32
      %swap3A_613 = arith.constant 2 : i32
      %swap3A_614 = arith.index_cast %swap3A_611 : i32 to index
      %swap3A_615 = arith.index_cast %swap3A_612 : i32 to index
      %swap3A_616 = arith.index_cast %swap3A_613 : i32 to index
      %swap3A_617 = arith.index_cast %multiple_of3A : i32 to index
      %swap3A_618 = tpu.vector_load %arg5[%swap3A_614, %swap3A_615, %swap3A_616, %swap3A_617] {strides = array<i32>} : memref<4x4x4x1024xf32, #tpu.memory_space<vmem>>, vector<1x1x1x16xf32>,
      %swap3A_619 = vector.shape_cast %swap3A_618 : vector<1x1x1x16xf32> to vector<16xf32>
      %swap3A_620 = vector.shape_cast %get3A_590 : vector<16xf32> to vector<1x1x1x16xf32>
      tpu.vector_store %arg5[%swap3A_614, %swap3A_615, %swap3A_616, %swap3A_617], %swap3A_620 {add = true, strides = array<i32>} : memref<4x4x4x1024xf32, #tpu.memory_space<vmem>>, vector<1x1x1x16xf32>,
      %swap3A_621 = arith.constant 2 : i32
      %swap3A_622 = arith.constant 3 : i32
      %swap3A_623 = arith.constant 3 : i32
      %swap3A_624 = arith.index_cast %swap3A_621 : i32 to index
      %swap3A_625 = arith.index_cast %swap3A_622 : i32 to index
      %swap3A_626 = arith.index_cast %swap3A_623 : i32 to index
      %swap3A_627 = arith.index_cast %multiple_of3A : i32 to index
      %swap3A_628 = tpu.vector_load %arg5[%swap3A_624, %swap3A_625, %swap3A_626, %swap3A_627] {strides = array<i32>} : memref<4x4x4x1024xf32, #tpu.memory_space<vmem>>, vector<1x1x1x16xf32>,
      %swap3A_629 = vector.shape_cast %swap3A_628 : vector<1x1x1x16xf32> to vector<16xf32>
      %swap3A_630 = vector.shape_cast %get3A_590 : vector<16xf32> to vector<1x1x1x16xf32>
      tpu.vector_store %arg5[%swap3A_624, %swap3A_625, %swap3A_626, %swap3A_627], %swap3A_630 {add = true, strides = array<i32>} : memref<4x4x4x1024xf32, #tpu.memory_space<vmem>>, vector<1x1x1x16xf32>,
    }
    %scan3A_304 = arith.constant 64 : i32
    %add3A_305 = arith.constant 120 : i32
    %add3A_306 = arith.addi %mul3A_2, %add3A_305 : i32
    %dma_start3A_307 = arith.constant 2 : i32
    %dma_start3A_308 = arith.constant 0 : i32
    %dma_start3A_309 = arith.constant 0 : i32
    %dma_start3A_310 = arith.constant 0 : i32
    %dma_start3A_311 = tpu.memref_slice %arg5[%dma_start3A_307, %dma_start3A_308, %dma_start3A_309, %dma_start3A_310] : memref<4x4x4x1024xf32, #tpu.memory_space<vmem>> -> memref<1x4x4x1024xf32, #tpu.memory_space<vmem>>
    %dma_start3A_312 = tpu.memref_squeeze %dma_start3A_311 : memref<1x4x4x1024xf32, #tpu.memory_space<vmem>> -> memref<4x4x1024xf32, #tpu.memory_space<vmem>>
    %dma_start3A_313 = arith.constant 0 : i32
    %dma_start3A_314 = arith.constant 0 : i32
    %dma_start3A_315 = tpu.memref_slice %arg4[%add3A_306, %dma_start3A_313, %dma_start3A_314] : memref<4096x4x1024xf32, #tpu.memory_space<hbm>> -> memref<4x4x1024xf32, #tpu.memory_space<hbm>>
    %dma_start3A_316 = arith.constant 0 : i32
    %dma_start3A_317 = arith.constant 0 : i32
    %dma_start3A_318 = tpu.memref_slice %arg4[%add3A_306, %dma_start3A_316, %dma_start3A_317] : memref<4096x4x1024xf32, #tpu.memory_space<hbm>> -> memref<4x4x1024xf32, #tpu.memory_space<hbm>>
    %dma_start3A_319 = arith.constant 0 : i32
    %dma_start3A_320 = arith.constant 0 : i32
    %dma_start3A_321 = arith.constant 0 : i32
    %dma_start3A_322 = tpu.memref_slice %arg5[%dma_start3A_307, %dma_start3A_319, %dma_start3A_320, %dma_start3A_321] : memref<4x4x4x1024xf32, #tpu.memory_space<vmem>> -> memref<1x4x4x1024xf32, #tpu.memory_space<vmem>>
    %dma_start3A_323 = tpu.memref_squeeze %dma_start3A_322 : memref<1x4x4x1024xf32, #tpu.memory_space<vmem>> -> memref<4x4x1024xf32, #tpu.memory_space<vmem>>
    tpu.enqueue_dma source(%dma_start3A_323 : memref<4x4x1024xf32, #tpu.memory_space<vmem>>) target(%dma_start3A_318 : memref<4x4x1024xf32, #tpu.memory_space<hbm>>) target_semaphore(%arg17 : memref<!tpu.dma_semaphore, #tpu.memory_space<semaphore_mem>>)
    %add3A_324 = arith.constant 116 : i32
    %add3A_325 = arith.addi %mul3A_2, %add3A_324 : i32
    %dma_wait3A_326 = arith.constant 1 : i32
    %dma_wait3A_327 = arith.constant 0 : i32
    %dma_wait3A_328 = arith.constant 0 : i32
    %dma_wait3A_329 = arith.constant 0 : i32
    %dma_wait3A_330 = tpu.memref_slice %arg5[%dma_wait3A_326, %dma_wait3A_327, %dma_wait3A_328, %dma_wait3A_329] : memref<4x4x4x1024xf32, #tpu.memory_space<vmem>> -> memref<1x4x4x1024xf32, #tpu.memory_space<vmem>>
    %dma_wait3A_331 = tpu.memref_squeeze %dma_wait3A_330 : memref<1x4x4x1024xf32, #tpu.memory_space<vmem>> -> memref<4x4x1024xf32, #tpu.memory_space<vmem>>
    %dma_wait3A_332 = arith.constant 0 : i32
    %dma_wait3A_333 = arith.constant 0 : i32
    %dma_wait3A_334 = tpu.memref_slice %arg4[%add3A_325, %dma_wait3A_332, %dma_wait3A_333] : memref<4096x4x1024xf32, #tpu.memory_space<hbm>> -> memref<4x4x1024xf32, #tpu.memory_space<hbm>>
    %dma_wait3A_335 = arith.constant 0 : i32
    %dma_wait3A_336 = arith.constant 0 : i32
    %dma_wait3A_337 = tpu.memref_slice %arg4[%add3A_325, %dma_wait3A_335, %dma_wait3A_336] : memref<4096x4x1024xf32, #tpu.memory_space<hbm>> -> memref<4x4x1024xf32, #tpu.memory_space<hbm>>
    %dma_wait3A_338 = arith.constant 0 : i32
    %dma_wait3A_339 = arith.constant 0 : i32
    %dma_wait3A_340 = arith.constant 0 : i32
    %dma_wait3A_341 = tpu.memref_slice %arg5[%dma_wait3A_326, %dma_wait3A_338, %dma_wait3A_339, %dma_wait3A_340] : memref<4x4x4x1024xf32, #tpu.memory_space<vmem>> -> memref<1x4x4x1024xf32, #tpu.memory_space<vmem>>
    %dma_wait3A_342 = tpu.memref_squeeze %dma_wait3A_341 : memref<1x4x4x1024xf32, #tpu.memory_space<vmem>> -> memref<4x4x1024xf32, #tpu.memory_space<vmem>>
    tpu.wait_dma2 semaphore(%arg16 : memref<!tpu.dma_semaphore, #tpu.memory_space<semaphore_mem>>) src(%dma_wait3A_342 : memref<4x4x1024xf32, #tpu.memory_space<vmem>>) dst(%dma_wait3A_337 : memref<4x4x1024xf32, #tpu.memory_space<hbm>>)
    %add3A_343 = arith.constant 124 : i32
    %add3A_344 = arith.addi %mul3A_2, %add3A_343 : i32
    %dma_wait3A_345 = arith.constant 3 : i32
    %dma_wait3A_346 = arith.constant 0 : i32
    %dma_wait3A_347 = arith.constant 0 : i32
    %dma_wait3A_348 = arith.constant 0 : i32
    %dma_wait3A_349 = tpu.memref_slice %arg5[%dma_wait3A_345, %dma_wait3A_346, %dma_wait3A_347, %dma_wait3A_348] : memref<4x4x4x1024xf32, #tpu.memory_space<vmem>> -> memref<1x4x4x1024xf32, #tpu.memory_space<vmem>>
    %dma_wait3A_350 = tpu.memref_squeeze %dma_wait3A_349 : memref<1x4x4x1024xf32, #tpu.memory_space<vmem>> -> memref<4x4x1024xf32, #tpu.memory_space<vmem>>
    %dma_wait3A_351 = arith.constant 0 : i32
    %dma_wait3A_352 = arith.constant 0 : i32
    %dma_wait3A_353 = tpu.memref_slice %arg2[%add3A_344, %dma_wait3A_351, %dma_wait3A_352] : memref<4096x4x1024xf32, #tpu.memory_space<hbm>> -> memref<4x4x1024xf32, #tpu.memory_space<hbm>>
    %dma_wait3A_354 = arith.constant 0 : i32
    %dma_wait3A_355 = arith.constant 0 : i32
    %dma_wait3A_356 = arith.constant 0 : i32
    %dma_wait3A_357 = tpu.memref_slice %arg5[%dma_wait3A_345, %dma_wait3A_354, %dma_wait3A_355, %dma_wait3A_356] : memref<4x4x4x1024xf32, #tpu.memory_space<vmem>> -> memref<1x4x4x1024xf32, #tpu.memory_space<vmem>>
    %dma_wait3A_358 = tpu.memref_squeeze %dma_wait3A_357 : memref<1x4x4x1024xf32, #tpu.memory_space<vmem>> -> memref<4x4x1024xf32, #tpu.memory_space<vmem>>
    %dma_wait3A_359 = arith.constant 0 : i32
    %dma_wait3A_360 = arith.constant 0 : i32
    %dma_wait3A_361 = tpu.memref_slice %arg2[%add3A_344, %dma_wait3A_359, %dma_wait3A_360] : memref<4096x4x1024xf32, #tpu.memory_space<hbm>> -> memref<4x4x1024xf32, #tpu.memory_space<hbm>>
    tpu.wait_dma2 semaphore(%arg10 : memref<!tpu.dma_semaphore, #tpu.memory_space<semaphore_mem>>) src(%dma_wait3A_361 : memref<4x4x1024xf32, #tpu.memory_space<hbm>>) dst(%dma_wait3A_358 : memref<4x4x1024xf32, #tpu.memory_space<vmem>>)
    %dma_wait3A_362 = arith.constant 3 : i32
    %dma_wait3A_363 = arith.constant 0 : i32
    %dma_wait3A_364 = arith.constant 0 : i32
    %dma_wait3A_365 = tpu.memref_slice %arg6[%dma_wait3A_362, %dma_wait3A_363, %dma_wait3A_364] : memref<4x4x1024xf32, #tpu.memory_space<vmem>> -> memref<1x4x1024xf32, #tpu.memory_space<vmem>>
    %dma_wait3A_366 = tpu.memref_squeeze %dma_wait3A_365 : memref<1x4x1024xf32, #tpu.memory_space<vmem>> -> memref<4x1024xf32, #tpu.memory_space<vmem>>
    %dma_wait3A_367 = arith.constant 0 : i32
    %dma_wait3A_368 = tpu.memref_slice %arg3[%add3A_344, %dma_wait3A_367] : memref<8192x1024xf32, #tpu.memory_space<hbm>> -> memref<4x1024xf32, #tpu.memory_space<hbm>>
    %dma_wait3A_369 = arith.constant 0 : i32
    %dma_wait3A_370 = arith.constant 0 : i32
    %dma_wait3A_371 = tpu.memref_slice %arg6[%dma_wait3A_362, %dma_wait3A_369, %dma_wait3A_370] : memref<4x4x1024xf32, #tpu.memory_space<vmem>> -> memref<1x4x1024xf32, #tpu.memory_space<vmem>>
    %dma_wait3A_372 = tpu.memref_squeeze %dma_wait3A_371 : memref<1x4x1024xf32, #tpu.memory_space<vmem>> -> memref<4x1024xf32, #tpu.memory_space<vmem>>
    %dma_wait3A_373 = arith.constant 0 : i32
    %dma_wait3A_374 = tpu.memref_slice %arg3[%add3A_344, %dma_wait3A_373] : memref<8192x1024xf32, #tpu.memory_space<hbm>> -> memref<4x1024xf32, #tpu.memory_space<hbm>>
    tpu.wait_dma2 semaphore(%arg14 : memref<!tpu.dma_semaphore, #tpu.memory_space<semaphore_mem>>) src(%dma_wait3A_374 : memref<4x1024xf32, #tpu.memory_space<hbm>>) dst(%dma_wait3A_372 : memref<4x1024xf32, #tpu.memory_space<vmem>>)
    %scan3A_375 = arith.constant 0 : i32
    %scan3A_376 = arith.constant 0 : i32
    %scan3A_377 = arith.constant 64 : i32
    %scan3A_378 = arith.addi %scan3A_376, %scan3A_377 : i32
    %scan3A_379 = arith.constant 1 : i32
    scf.for %scan3A_438 = %scan3A_376 to %scan3A_378 step %scan3A_379  : i32 {
      %mul3A_439 = arith.constant 1 : i32
      %mul3A_440 = arith.muli %scan3A_438, %mul3A_439 : i32
      %add3A_441 = arith.constant 0 : i32
      %add3A_442 = arith.addi %mul3A_440, %add3A_441 : i32
      %mul3A_443 = arith.constant 16 : i32
      %mul3A_444 = arith.muli %add3A_442, %mul3A_443 : i32
      %multiple_of3A = tpu.assume_multiple %mul3A_444, 16 : i32
      %get3A = arith.constant 3 : i32
      %get3A_445 = arith.constant 0 : i32
      %get3A_446 = arith.index_cast %get3A : i32 to index
      %get3A_447 = arith.index_cast %get3A_445 : i32 to index
      %get3A_448 = arith.index_cast %multiple_of3A : i32 to index
      %get3A_449 = tpu.vector_load %arg6[%get3A_446, %get3A_447, %get3A_448] {strides = array<i32>} : memref<4x4x1024xf32, #tpu.memory_space<vmem>>, vector<1x1x16xf32>,
      %get3A_450 = vector.shape_cast %get3A_449 : vector<1x1x16xf32> to vector<16xf32>
      %swap3A = arith.constant 3 : i32
      %swap3A_451 = arith.constant 0 : i32
      %swap3A_452 = arith.constant 0 : i32
      %swap3A_453 = arith.index_cast %swap3A : i32 to index
      %swap3A_454 = arith.index_cast %swap3A_451 : i32 to index
      %swap3A_455 = arith.index_cast %swap3A_452 : i32 to index
      %swap3A_456 = arith.index_cast %multiple_of3A : i32 to index
      %swap3A_457 = tpu.vector_load %arg5[%swap3A_453, %swap3A_454, %swap3A_455, %swap3A_456] {strides = array<i32>} : memref<4x4x4x1024xf32, #tpu.memory_space<vmem>>, vector<1x1x1x16xf32>,
      %swap3A_458 = vector.shape_cast %swap3A_457 : vector<1x1x1x16xf32> to vector<16xf32>
      %swap3A_459 = vector.shape_cast %get3A_450 : vector<16xf32> to vector<1x1x1x16xf32>
      tpu.vector_store %arg5[%swap3A_453, %swap3A_454, %swap3A_455, %swap3A_456], %swap3A_459 {add = true, strides = array<i32>} : memref<4x4x4x1024xf32, #tpu.memory_space<vmem>>, vector<1x1x1x16xf32>,
      %swap3A_460 = arith.constant 3 : i32
      %swap3A_461 = arith.constant 0 : i32
      %swap3A_462 = arith.constant 1 : i32
      %swap3A_463 = arith.index_cast %swap3A_460 : i32 to index
      %swap3A_464 = arith.index_cast %swap3A_461 : i32 to index
      %swap3A_465 = arith.index_cast %swap3A_462 : i32 to index
      %swap3A_466 = arith.index_cast %multiple_of3A : i32 to index
      %swap3A_467 = tpu.vector_load %arg5[%swap3A_463, %swap3A_464, %swap3A_465, %swap3A_466] {strides = array<i32>} : memref<4x4x4x1024xf32, #tpu.memory_space<vmem>>, vector<1x1x1x16xf32>,
      %swap3A_468 = vector.shape_cast %swap3A_467 : vector<1x1x1x16xf32> to vector<16xf32>
      %swap3A_469 = vector.shape_cast %get3A_450 : vector<16xf32> to vector<1x1x1x16xf32>
      tpu.vector_store %arg5[%swap3A_463, %swap3A_464, %swap3A_465, %swap3A_466], %swap3A_469 {add = true, strides = array<i32>} : memref<4x4x4x1024xf32, #tpu.memory_space<vmem>>, vector<1x1x1x16xf32>,
      %swap3A_470 = arith.constant 3 : i32
      %swap3A_471 = arith.constant 0 : i32
      %swap3A_472 = arith.constant 2 : i32
      %swap3A_473 = arith.index_cast %swap3A_470 : i32 to index
      %swap3A_474 = arith.index_cast %swap3A_471 : i32 to index
      %swap3A_475 = arith.index_cast %swap3A_472 : i32 to index
      %swap3A_476 = arith.index_cast %multiple_of3A : i32 to index
      %swap3A_477 = tpu.vector_load %arg5[%swap3A_473, %swap3A_474, %swap3A_475, %swap3A_476] {strides = array<i32>} : memref<4x4x4x1024xf32, #tpu.memory_space<vmem>>, vector<1x1x1x16xf32>,
      %swap3A_478 = vector.shape_cast %swap3A_477 : vector<1x1x1x16xf32> to vector<16xf32>
      %swap3A_479 = vector.shape_cast %get3A_450 : vector<16xf32> to vector<1x1x1x16xf32>
      tpu.vector_store %arg5[%swap3A_473, %swap3A_474, %swap3A_475, %swap3A_476], %swap3A_479 {add = true, strides = array<i32>} : memref<4x4x4x1024xf32, #tpu.memory_space<vmem>>, vector<1x1x1x16xf32>,
      %swap3A_480 = arith.constant 3 : i32
      %swap3A_481 = arith.constant 0 : i32
      %swap3A_482 = arith.constant 3 : i32
      %swap3A_483 = arith.index_cast %swap3A_480 : i32 to index
      %swap3A_484 = arith.index_cast %swap3A_481 : i32 to index
      %swap3A_485 = arith.index_cast %swap3A_482 : i32 to index
      %swap3A_486 = arith.index_cast %multiple_of3A : i32 to index
      %swap3A_487 = tpu.vector_load %arg5[%swap3A_483, %swap3A_484, %swap3A_485, %swap3A_486] {strides = array<i32>} : memref<4x4x4x1024xf32, #tpu.memory_space<vmem>>, vector<1x1x1x16xf32>,
      %swap3A_488 = vector.shape_cast %swap3A_487 : vector<1x1x1x16xf32> to vector<16xf32>
      %swap3A_489 = vector.shape_cast %get3A_450 : vector<16xf32> to vector<1x1x1x16xf32>
      tpu.vector_store %arg5[%swap3A_483, %swap3A_484, %swap3A_485, %swap3A_486], %swap3A_489 {add = true, strides = array<i32>} : memref<4x4x4x1024xf32, #tpu.memory_space<vmem>>, vector<1x1x1x16xf32>,
      %get3A_490 = arith.constant 3 : i32
      %get3A_491 = arith.constant 1 : i32
      %get3A_492 = arith.index_cast %get3A_490 : i32 to index
      %get3A_493 = arith.index_cast %get3A_491 : i32 to index
      %get3A_494 = arith.index_cast %multiple_of3A : i32 to index
      %get3A_495 = tpu.vector_load %arg6[%get3A_492, %get3A_493, %get3A_494] {strides = array<i32>} : memref<4x4x1024xf32, #tpu.memory_space<vmem>>, vector<1x1x16xf32>,
      %get3A_496 = vector.shape_cast %get3A_495 : vector<1x1x16xf32> to vector<16xf32>
      %swap3A_497 = arith.constant 3 : i32
      %swap3A_498 = arith.constant 1 : i32
      %swap3A_499 = arith.constant 0 : i32
      %swap3A_500 = arith.index_cast %swap3A_497 : i32 to index
      %swap3A_501 = arith.index_cast %swap3A_498 : i32 to index
      %swap3A_502 = arith.index_cast %swap3A_499 : i32 to index
      %swap3A_503 = arith.index_cast %multiple_of3A : i32 to index
      %swap3A_504 = tpu.vector_load %arg5[%swap3A_500, %swap3A_501, %swap3A_502, %swap3A_503] {strides = array<i32>} : memref<4x4x4x1024xf32, #tpu.memory_space<vmem>>, vector<1x1x1x16xf32>,
      %swap3A_505 = vector.shape_cast %swap3A_504 : vector<1x1x1x16xf32> to vector<16xf32>
      %swap3A_506 = vector.shape_cast %get3A_496 : vector<16xf32> to vector<1x1x1x16xf32>
      tpu.vector_store %arg5[%swap3A_500, %swap3A_501, %swap3A_502, %swap3A_503], %swap3A_506 {add = true, strides = array<i32>} : memref<4x4x4x1024xf32, #tpu.memory_space<vmem>>, vector<1x1x1x16xf32>,
      %swap3A_507 = arith.constant 3 : i32
      %swap3A_508 = arith.constant 1 : i32
      %swap3A_509 = arith.constant 1 : i32
      %swap3A_510 = arith.index_cast %swap3A_507 : i32 to index
      %swap3A_511 = arith.index_cast %swap3A_508 : i32 to index
      %swap3A_512 = arith.index_cast %swap3A_509 : i32 to index
      %swap3A_513 = arith.index_cast %multiple_of3A : i32 to index
      %swap3A_514 = tpu.vector_load %arg5[%swap3A_510, %swap3A_511, %swap3A_512, %swap3A_513] {strides = array<i32>} : memref<4x4x4x1024xf32, #tpu.memory_space<vmem>>, vector<1x1x1x16xf32>,
      %swap3A_515 = vector.shape_cast %swap3A_514 : vector<1x1x1x16xf32> to vector<16xf32>
      %swap3A_516 = vector.shape_cast %get3A_496 : vector<16xf32> to vector<1x1x1x16xf32>
      tpu.vector_store %arg5[%swap3A_510, %swap3A_511, %swap3A_512, %swap3A_513], %swap3A_516 {add = true, strides = array<i32>} : memref<4x4x4x1024xf32, #tpu.memory_space<vmem>>, vector<1x1x1x16xf32>,
      %swap3A_517 = arith.constant 3 : i32
      %swap3A_518 = arith.constant 1 : i32
      %swap3A_519 = arith.constant 2 : i32
      %swap3A_520 = arith.index_cast %swap3A_517 : i32 to index
      %swap3A_521 = arith.index_cast %swap3A_518 : i32 to index
      %swap3A_522 = arith.index_cast %swap3A_519 : i32 to index
      %swap3A_523 = arith.index_cast %multiple_of3A : i32 to index
      %swap3A_524 = tpu.vector_load %arg5[%swap3A_520, %swap3A_521, %swap3A_522, %swap3A_523] {strides = array<i32>} : memref<4x4x4x1024xf32, #tpu.memory_space<vmem>>, vector<1x1x1x16xf32>,
      %swap3A_525 = vector.shape_cast %swap3A_524 : vector<1x1x1x16xf32> to vector<16xf32>
      %swap3A_526 = vector.shape_cast %get3A_496 : vector<16xf32> to vector<1x1x1x16xf32>
      tpu.vector_store %arg5[%swap3A_520, %swap3A_521, %swap3A_522, %swap3A_523], %swap3A_526 {add = true, strides = array<i32>} : memref<4x4x4x1024xf32, #tpu.memory_space<vmem>>, vector<1x1x1x16xf32>,
      %swap3A_527 = arith.constant 3 : i32
      %swap3A_528 = arith.constant 1 : i32
      %swap3A_529 = arith.constant 3 : i32
      %swap3A_530 = arith.index_cast %swap3A_527 : i32 to index
      %swap3A_531 = arith.index_cast %swap3A_528 : i32 to index
      %swap3A_532 = arith.index_cast %swap3A_529 : i32 to index
      %swap3A_533 = arith.index_cast %multiple_of3A : i32 to index
      %swap3A_534 = tpu.vector_load %arg5[%swap3A_530, %swap3A_531, %swap3A_532, %swap3A_533] {strides = array<i32>} : memref<4x4x4x1024xf32, #tpu.memory_space<vmem>>, vector<1x1x1x16xf32>,
      %swap3A_535 = vector.shape_cast %swap3A_534 : vector<1x1x1x16xf32> to vector<16xf32>
      %swap3A_536 = vector.shape_cast %get3A_496 : vector<16xf32> to vector<1x1x1x16xf32>
      tpu.vector_store %arg5[%swap3A_530, %swap3A_531, %swap3A_532, %swap3A_533], %swap3A_536 {add = true, strides = array<i32>} : memref<4x4x4x1024xf32, #tpu.memory_space<vmem>>, vector<1x1x1x16xf32>,
      %get3A_537 = arith.constant 3 : i32
      %get3A_538 = arith.constant 2 : i32
      %get3A_539 = arith.index_cast %get3A_537 : i32 to index
      %get3A_540 = arith.index_cast %get3A_538 : i32 to index
      %get3A_541 = arith.index_cast %multiple_of3A : i32 to index
      %get3A_542 = tpu.vector_load %arg6[%get3A_539, %get3A_540, %get3A_541] {strides = array<i32>} : memref<4x4x1024xf32, #tpu.memory_space<vmem>>, vector<1x1x16xf32>,
      %get3A_543 = vector.shape_cast %get3A_542 : vector<1x1x16xf32> to vector<16xf32>
      %swap3A_544 = arith.constant 3 : i32
      %swap3A_545 = arith.constant 2 : i32
      %swap3A_546 = arith.constant 0 : i32
      %swap3A_547 = arith.index_cast %swap3A_544 : i32 to index
      %swap3A_548 = arith.index_cast %swap3A_545 : i32 to index
      %swap3A_549 = arith.index_cast %swap3A_546 : i32 to index
      %swap3A_550 = arith.index_cast %multiple_of3A : i32 to index
      %swap3A_551 = tpu.vector_load %arg5[%swap3A_547, %swap3A_548, %swap3A_549, %swap3A_550] {strides = array<i32>} : memref<4x4x4x1024xf32, #tpu.memory_space<vmem>>, vector<1x1x1x16xf32>,
      %swap3A_552 = vector.shape_cast %swap3A_551 : vector<1x1x1x16xf32> to vector<16xf32>
      %swap3A_553 = vector.shape_cast %get3A_543 : vector<16xf32> to vector<1x1x1x16xf32>
      tpu.vector_store %arg5[%swap3A_547, %swap3A_548, %swap3A_549, %swap3A_550], %swap3A_553 {add = true, strides = array<i32>} : memref<4x4x4x1024xf32, #tpu.memory_space<vmem>>, vector<1x1x1x16xf32>,
      %swap3A_554 = arith.constant 3 : i32
      %swap3A_555 = arith.constant 2 : i32
      %swap3A_556 = arith.constant 1 : i32
      %swap3A_557 = arith.index_cast %swap3A_554 : i32 to index
      %swap3A_558 = arith.index_cast %swap3A_555 : i32 to index
      %swap3A_559 = arith.index_cast %swap3A_556 : i32 to index
      %swap3A_560 = arith.index_cast %multiple_of3A : i32 to index
      %swap3A_561 = tpu.vector_load %arg5[%swap3A_557, %swap3A_558, %swap3A_559, %swap3A_560] {strides = array<i32>} : memref<4x4x4x1024xf32, #tpu.memory_space<vmem>>, vector<1x1x1x16xf32>,
      %swap3A_562 = vector.shape_cast %swap3A_561 : vector<1x1x1x16xf32> to vector<16xf32>
      %swap3A_563 = vector.shape_cast %get3A_543 : vector<16xf32> to vector<1x1x1x16xf32>
      tpu.vector_store %arg5[%swap3A_557, %swap3A_558, %swap3A_559, %swap3A_560], %swap3A_563 {add = true, strides = array<i32>} : memref<4x4x4x1024xf32, #tpu.memory_space<vmem>>, vector<1x1x1x16xf32>,
      %swap3A_564 = arith.constant 3 : i32
      %swap3A_565 = arith.constant 2 : i32
      %swap3A_566 = arith.constant 2 : i32
      %swap3A_567 = arith.index_cast %swap3A_564 : i32 to index
      %swap3A_568 = arith.index_cast %swap3A_565 : i32 to index
      %swap3A_569 = arith.index_cast %swap3A_566 : i32 to index
      %swap3A_570 = arith.index_cast %multiple_of3A : i32 to index
      %swap3A_571 = tpu.vector_load %arg5[%swap3A_567, %swap3A_568, %swap3A_569, %swap3A_570] {strides = array<i32>} : memref<4x4x4x1024xf32, #tpu.memory_space<vmem>>, vector<1x1x1x16xf32>,
      %swap3A_572 = vector.shape_cast %swap3A_571 : vector<1x1x1x16xf32> to vector<16xf32>
      %swap3A_573 = vector.shape_cast %get3A_543 : vector<16xf32> to vector<1x1x1x16xf32>
      tpu.vector_store %arg5[%swap3A_567, %swap3A_568, %swap3A_569, %swap3A_570], %swap3A_573 {add = true, strides = array<i32>} : memref<4x4x4x1024xf32, #tpu.memory_space<vmem>>, vector<1x1x1x16xf32>,
      %swap3A_574 = arith.constant 3 : i32
      %swap3A_575 = arith.constant 2 : i32
      %swap3A_576 = arith.constant 3 : i32
      %swap3A_577 = arith.index_cast %swap3A_574 : i32 to index
      %swap3A_578 = arith.index_cast %swap3A_575 : i32 to index
      %swap3A_579 = arith.index_cast %swap3A_576 : i32 to index
      %swap3A_580 = arith.index_cast %multiple_of3A : i32 to index
      %swap3A_581 = tpu.vector_load %arg5[%swap3A_577, %swap3A_578, %swap3A_579, %swap3A_580] {strides = array<i32>} : memref<4x4x4x1024xf32, #tpu.memory_space<vmem>>, vector<1x1x1x16xf32>,
      %swap3A_582 = vector.shape_cast %swap3A_581 : vector<1x1x1x16xf32> to vector<16xf32>
      %swap3A_583 = vector.shape_cast %get3A_543 : vector<16xf32> to vector<1x1x1x16xf32>
      tpu.vector_store %arg5[%swap3A_577, %swap3A_578, %swap3A_579, %swap3A_580], %swap3A_583 {add = true, strides = array<i32>} : memref<4x4x4x1024xf32, #tpu.memory_space<vmem>>, vector<1x1x1x16xf32>,
      %get3A_584 = arith.constant 3 : i32
      %get3A_585 = arith.constant 3 : i32
      %get3A_586 = arith.index_cast %get3A_584 : i32 to index
      %get3A_587 = arith.index_cast %get3A_585 : i32 to index
      %get3A_588 = arith.index_cast %multiple_of3A : i32 to index
      %get3A_589 = tpu.vector_load %arg6[%get3A_586, %get3A_587, %get3A_588] {strides = array<i32>} : memref<4x4x1024xf32, #tpu.memory_space<vmem>>, vector<1x1x16xf32>,
      %get3A_590 = vector.shape_cast %get3A_589 : vector<1x1x16xf32> to vector<16xf32>
      %swap3A_591 = arith.constant 3 : i32
      %swap3A_592 = arith.constant 3 : i32
      %swap3A_593 = arith.constant 0 : i32
      %swap3A_594 = arith.index_cast %swap3A_591 : i32 to index
      %swap3A_595 = arith.index_cast %swap3A_592 : i32 to index
      %swap3A_596 = arith.index_cast %swap3A_593 : i32 to index
      %swap3A_597 = arith.index_cast %multiple_of3A : i32 to index
      %swap3A_598 = tpu.vector_load %arg5[%swap3A_594, %swap3A_595, %swap3A_596, %swap3A_597] {strides = array<i32>} : memref<4x4x4x1024xf32, #tpu.memory_space<vmem>>, vector<1x1x1x16xf32>,
      %swap3A_599 = vector.shape_cast %swap3A_598 : vector<1x1x1x16xf32> to vector<16xf32>
      %swap3A_600 = vector.shape_cast %get3A_590 : vector<16xf32> to vector<1x1x1x16xf32>
      tpu.vector_store %arg5[%swap3A_594, %swap3A_595, %swap3A_596, %swap3A_597], %swap3A_600 {add = true, strides = array<i32>} : memref<4x4x4x1024xf32, #tpu.memory_space<vmem>>, vector<1x1x1x16xf32>,
      %swap3A_601 = arith.constant 3 : i32
      %swap3A_602 = arith.constant 3 : i32
      %swap3A_603 = arith.constant 1 : i32
      %swap3A_604 = arith.index_cast %swap3A_601 : i32 to index
      %swap3A_605 = arith.index_cast %swap3A_602 : i32 to index
      %swap3A_606 = arith.index_cast %swap3A_603 : i32 to index
      %swap3A_607 = arith.index_cast %multiple_of3A : i32 to index
      %swap3A_608 = tpu.vector_load %arg5[%swap3A_604, %swap3A_605, %swap3A_606, %swap3A_607] {strides = array<i32>} : memref<4x4x4x1024xf32, #tpu.memory_space<vmem>>, vector<1x1x1x16xf32>,
      %swap3A_609 = vector.shape_cast %swap3A_608 : vector<1x1x1x16xf32> to vector<16xf32>
      %swap3A_610 = vector.shape_cast %get3A_590 : vector<16xf32> to vector<1x1x1x16xf32>
      tpu.vector_store %arg5[%swap3A_604, %swap3A_605, %swap3A_606, %swap3A_607], %swap3A_610 {add = true, strides = array<i32>} : memref<4x4x4x1024xf32, #tpu.memory_space<vmem>>, vector<1x1x1x16xf32>,
      %swap3A_611 = arith.constant 3 : i32
      %swap3A_612 = arith.constant 3 : i32
      %swap3A_613 = arith.constant 2 : i32
      %swap3A_614 = arith.index_cast %swap3A_611 : i32 to index
      %swap3A_615 = arith.index_cast %swap3A_612 : i32 to index
      %swap3A_616 = arith.index_cast %swap3A_613 : i32 to index
      %swap3A_617 = arith.index_cast %multiple_of3A : i32 to index
      %swap3A_618 = tpu.vector_load %arg5[%swap3A_614, %swap3A_615, %swap3A_616, %swap3A_617] {strides = array<i32>} : memref<4x4x4x1024xf32, #tpu.memory_space<vmem>>, vector<1x1x1x16xf32>,
      %swap3A_619 = vector.shape_cast %swap3A_618 : vector<1x1x1x16xf32> to vector<16xf32>
      %swap3A_620 = vector.shape_cast %get3A_590 : vector<16xf32> to vector<1x1x1x16xf32>
      tpu.vector_store %arg5[%swap3A_614, %swap3A_615, %swap3A_616, %swap3A_617], %swap3A_620 {add = true, strides = array<i32>} : memref<4x4x4x1024xf32, #tpu.memory_space<vmem>>, vector<1x1x1x16xf32>,
      %swap3A_621 = arith.constant 3 : i32
      %swap3A_622 = arith.constant 3 : i32
      %swap3A_623 = arith.constant 3 : i32
      %swap3A_624 = arith.index_cast %swap3A_621 : i32 to index
      %swap3A_625 = arith.index_cast %swap3A_622 : i32 to index
      %swap3A_626 = arith.index_cast %swap3A_623 : i32 to index
      %swap3A_627 = arith.index_cast %multiple_of3A : i32 to index
      %swap3A_628 = tpu.vector_load %arg5[%swap3A_624, %swap3A_625, %swap3A_626, %swap3A_627] {strides = array<i32>} : memref<4x4x4x1024xf32, #tpu.memory_space<vmem>>, vector<1x1x1x16xf32>,
      %swap3A_629 = vector.shape_cast %swap3A_628 : vector<1x1x1x16xf32> to vector<16xf32>
      %swap3A_630 = vector.shape_cast %get3A_590 : vector<16xf32> to vector<1x1x1x16xf32>
      tpu.vector_store %arg5[%swap3A_624, %swap3A_625, %swap3A_626, %swap3A_627], %swap3A_630 {add = true, strides = array<i32>} : memref<4x4x4x1024xf32, #tpu.memory_space<vmem>>, vector<1x1x1x16xf32>,
    }
    %scan3A_380 = arith.constant 64 : i32
    %add3A_381 = arith.constant 124 : i32
    %add3A_382 = arith.addi %mul3A_2, %add3A_381 : i32
    %dma_start3A_383 = arith.constant 3 : i32
    %dma_start3A_384 = arith.constant 0 : i32
    %dma_start3A_385 = arith.constant 0 : i32
    %dma_start3A_386 = arith.constant 0 : i32
    %dma_start3A_387 = tpu.memref_slice %arg5[%dma_start3A_383, %dma_start3A_384, %dma_start3A_385, %dma_start3A_386] : memref<4x4x4x1024xf32, #tpu.memory_space<vmem>> -> memref<1x4x4x1024xf32, #tpu.memory_space<vmem>>
    %dma_start3A_388 = tpu.memref_squeeze %dma_start3A_387 : memref<1x4x4x1024xf32, #tpu.memory_space<vmem>> -> memref<4x4x1024xf32, #tpu.memory_space<vmem>>
    %dma_start3A_389 = arith.constant 0 : i32
    %dma_start3A_390 = arith.constant 0 : i32
    %dma_start3A_391 = tpu.memref_slice %arg4[%add3A_382, %dma_start3A_389, %dma_start3A_390] : memref<4096x4x1024xf32, #tpu.memory_space<hbm>> -> memref<4x4x1024xf32, #tpu.memory_space<hbm>>
    %dma_start3A_392 = arith.constant 0 : i32
    %dma_start3A_393 = arith.constant 0 : i32
    %dma_start3A_394 = tpu.memref_slice %arg4[%add3A_382, %dma_start3A_392, %dma_start3A_393] : memref<4096x4x1024xf32, #tpu.memory_space<hbm>> -> memref<4x4x1024xf32, #tpu.memory_space<hbm>>
    %dma_start3A_395 = arith.constant 0 : i32
    %dma_start3A_396 = arith.constant 0 : i32
    %dma_start3A_397 = arith.constant 0 : i32
    %dma_start3A_398 = tpu.memref_slice %arg5[%dma_start3A_383, %dma_start3A_395, %dma_start3A_396, %dma_start3A_397] : memref<4x4x4x1024xf32, #tpu.memory_space<vmem>> -> memref<1x4x4x1024xf32, #tpu.memory_space<vmem>>
    %dma_start3A_399 = tpu.memref_squeeze %dma_start3A_398 : memref<1x4x4x1024xf32, #tpu.memory_space<vmem>> -> memref<4x4x1024xf32, #tpu.memory_space<vmem>>
    tpu.enqueue_dma source(%dma_start3A_399 : memref<4x4x1024xf32, #tpu.memory_space<vmem>>) target(%dma_start3A_394 : memref<4x4x1024xf32, #tpu.memory_space<hbm>>) target_semaphore(%arg18 : memref<!tpu.dma_semaphore, #tpu.memory_space<semaphore_mem>>)
    %add3A_400 = arith.constant 120 : i32
    %add3A_401 = arith.addi %mul3A_2, %add3A_400 : i32
    %dma_wait3A_402 = arith.constant 2 : i32
    %dma_wait3A_403 = arith.constant 0 : i32
    %dma_wait3A_404 = arith.constant 0 : i32
    %dma_wait3A_405 = arith.constant 0 : i32
    %dma_wait3A_406 = tpu.memref_slice %arg5[%dma_wait3A_402, %dma_wait3A_403, %dma_wait3A_404, %dma_wait3A_405] : memref<4x4x4x1024xf32, #tpu.memory_space<vmem>> -> memref<1x4x4x1024xf32, #tpu.memory_space<vmem>>
    %dma_wait3A_407 = tpu.memref_squeeze %dma_wait3A_406 : memref<1x4x4x1024xf32, #tpu.memory_space<vmem>> -> memref<4x4x1024xf32, #tpu.memory_space<vmem>>
    %dma_wait3A_408 = arith.constant 0 : i32
    %dma_wait3A_409 = arith.constant 0 : i32
    %dma_wait3A_410 = tpu.memref_slice %arg4[%add3A_401, %dma_wait3A_408, %dma_wait3A_409] : memref<4096x4x1024xf32, #tpu.memory_space<hbm>> -> memref<4x4x1024xf32, #tpu.memory_space<hbm>>
    %dma_wait3A_411 = arith.constant 0 : i32
    %dma_wait3A_412 = arith.constant 0 : i32
    %dma_wait3A_413 = tpu.memref_slice %arg4[%add3A_401, %dma_wait3A_411, %dma_wait3A_412] : memref<4096x4x1024xf32, #tpu.memory_space<hbm>> -> memref<4x4x1024xf32, #tpu.memory_space<hbm>>
    %dma_wait3A_414 = arith.constant 0 : i32
    %dma_wait3A_415 = arith.constant 0 : i32
    %dma_wait3A_416 = arith.constant 0 : i32
    %dma_wait3A_417 = tpu.memref_slice %arg5[%dma_wait3A_402, %dma_wait3A_414, %dma_wait3A_415, %dma_wait3A_416] : memref<4x4x4x1024xf32, #tpu.memory_space<vmem>> -> memref<1x4x4x1024xf32, #tpu.memory_space<vmem>>
    %dma_wait3A_418 = tpu.memref_squeeze %dma_wait3A_417 : memref<1x4x4x1024xf32, #tpu.memory_space<vmem>> -> memref<4x4x1024xf32, #tpu.memory_space<vmem>>
    tpu.wait_dma2 semaphore(%arg17 : memref<!tpu.dma_semaphore, #tpu.memory_space<semaphore_mem>>) src(%dma_wait3A_418 : memref<4x4x1024xf32, #tpu.memory_space<vmem>>) dst(%dma_wait3A_413 : memref<4x4x1024xf32, #tpu.memory_space<hbm>>)
    %add3A_419 = arith.constant 124 : i32
    %add3A_420 = arith.addi %mul3A_2, %add3A_419 : i32
    %dma_wait3A_421 = arith.constant 3 : i32
    %dma_wait3A_422 = arith.constant 0 : i32
    %dma_wait3A_423 = arith.constant 0 : i32
    %dma_wait3A_424 = arith.constant 0 : i32
    %dma_wait3A_425 = tpu.memref_slice %arg5[%dma_wait3A_421, %dma_wait3A_422, %dma_wait3A_423, %dma_wait3A_424] : memref<4x4x4x1024xf32, #tpu.memory_space<vmem>> -> memref<1x4x4x1024xf32, #tpu.memory_space<vmem>>
    %dma_wait3A_426 = tpu.memref_squeeze %dma_wait3A_425 : memref<1x4x4x1024xf32, #tpu.memory_space<vmem>> -> memref<4x4x1024xf32, #tpu.memory_space<vmem>>
    %dma_wait3A_427 = arith.constant 0 : i32
    %dma_wait3A_428 = arith.constant 0 : i32
    %dma_wait3A_429 = tpu.memref_slice %arg4[%add3A_420, %dma_wait3A_427, %dma_wait3A_428] : memref<4096x4x1024xf32, #tpu.memory_space<hbm>> -> memref<4x4x1024xf32, #tpu.memory_space<hbm>>
    %dma_wait3A_430 = arith.constant 0 : i32
    %dma_wait3A_431 = arith.constant 0 : i32
    %dma_wait3A_432 = tpu.memref_slice %arg4[%add3A_420, %dma_wait3A_430, %dma_wait3A_431] : memref<4096x4x1024xf32, #tpu.memory_space<hbm>> -> memref<4x4x1024xf32, #tpu.memory_space<hbm>>
    %dma_wait3A_433 = arith.constant 0 : i32
    %dma_wait3A_434 = arith.constant 0 : i32
    %dma_wait3A_435 = arith.constant 0 : i32
    %dma_wait3A_436 = tpu.memref_slice %arg5[%dma_wait3A_421, %dma_wait3A_433, %dma_wait3A_434, %dma_wait3A_435] : memref<4x4x4x1024xf32, #tpu.memory_space<vmem>> -> memref<1x4x4x1024xf32, #tpu.memory_space<vmem>>
    %dma_wait3A_437 = tpu.memref_squeeze %dma_wait3A_436 : memref<1x4x4x1024xf32, #tpu.memory_space<vmem>> -> memref<4x4x1024xf32, #tpu.memory_space<vmem>>
    tpu.wait_dma2 semaphore(%arg18 : memref<!tpu.dma_semaphore, #tpu.memory_space<semaphore_mem>>) src(%dma_wait3A_437 : memref<4x4x1024xf32, #tpu.memory_space<vmem>>) dst(%dma_wait3A_432 : memref<4x4x1024xf32, #tpu.memory_space<hbm>>)
    return
  }
}

</mosaic_0001>

<sc_bundles>
// kernel: kernel.3.cloned.1.call-start
scs
__scs_entry_jumppad:
0x0: {  	(pc) =	sbr.rel $0x88, $3  }
0x1: {  	(tag) =	ssettag $0x0;
	lr =	simm.s32 $0x1  }
0x2: {  	[smem:$0x3F9F] =	sst lr;
	_ =	strace $0xD0000000  }
0x3: {  	_ = 	snop  }
0x4: {  	_ = 	snop  }
0x5: {  	_ = 	snop  }
0x6: {  	_ = 	snop  }
0x7: {  	_ = 	snop  }
__scs_overlays_trampoline_lowered:
0x8: {  	[smem:$0x3FAE] =	sst s0  }
0x9: {  	[smem:$0x3FAF] =	sst s1  }
0xa: {  	[smem:$0x3FB0] =	sst s2  }
0xb: {  	[smem:$0x3FB1] =	sst s3  }
0xc: {  	[smem:$0x3FB2] =	sst s4  }
0xd: {  	[smem:$0x3FB3] =	sst s5  }
0xe: {  	[smem:$0x3FB4] =	sst s6  }
0xf: {  	[smem:$0x3FB5] =	sst s7  }
0x10: {  	[smem:$0x3FB6] =	sst s8  }
0x11: {  	[smem:$0x3FB7] =	sst s9;
	s0 =	simm.s32 @!p0 $0x0  }
0x12: {  	s1 =	sld [smem:$0x3F9D];
	s0 =	simm.s32 @p0 $0x1  }
0x13: {  	[smem:$0x3FB8] =	sst s0;
	s0 =	simm.s32 @!p1 $0x0  }
0x14: {  	s2 =	sld [smem:$0x3F9C];
	s0 =	simm.s32 @p1 $0x1  }
0x15: {  	[smem:$0x3FB9] =	sst s0;
	s0 =	simm.s32 @!p2 $0x0  }
0x16: {  	s3 =	sld [smem:$0x3FDB];
	s0 =	simm.s32 @p2 $0x1  }
0x17: {  	s4 =	simm.s32 $0x1BF5;
	[smem:$0x3FBB] =	sst s0  }
0x18: {  	s0 =	sld [smem:$0x3F9E];
	_ =	swait.ge [sflag:s4], $0x0  }
0x19: {  	s7 =	sld [smem:$0x3F9F]  }
0x1a: {  	s8 =	sadd.s32 $0xFFFFE003, lr  }
0x1b: {  	s9 =	sadd.s32 $0xFFFFFEF7, lr;
	s5 =	simm.s32 $0xFFFFFFFF;
	p2 =	slt.u32 s8, $0xFFFFF086  }
0x1c: {  	p1 =	slt.u32 s9, $0xF7A;
	s5 =	simm.s32 @!p2 $0x0  }
0x1d: {  	s5 =	simm.s32 @p1 $0x1;
	p0 =	seq.s32 s7, s2  }
0x1e: {  	s7 =	smul.u32 @!p0 $0xF7A, s2;
	p2 =	seq.s32 @!p0 s5, $0x0  }
0x1f: {  	s9 =	smul.u32 $0xF7A, s1;
	s8 =	simm.s32 @!p0 $0x1BF5;
	p2 =	por !p2, p0  }
0x20: {  	[sflag:s8] =	ssyncset.s32 @!p0 $0xFFFFF086;
	s6 =	sadd.s32 @!p0 s3, s7;
	s7 =	simm.s32 @!p0 $0x108  }
0x21: {  	s3 =	sadd.s32 s3, s9;
	s6 =	sadd.s32 @!p0 $0x88, s6;
	s7 =	simm.s32 @p2 $0x1082  }
0x22: {  	[simem:s7], [sflag:s8] =	dma.local @!p0 [hbm:s6], $0xF7A  }
0x23: {  	s9 =	sor.u32 $0xD0000000, s2;
	s6 =	simm.s32 $0x108;
	_ =	swait.ge @!p0 [sflag:s8], $0x0  }
0x24: {  	s3 =	sadd.s32 $0x88, s3;
	s6 =	simm.s32 @!p1 $0x1082;
	[sflag:s4] =	ssyncset.s32 $0xFFFFF086  }
0x25: {  	[simem:s6], [sflag:s4] =	dma.local [hbm:s3], $0xF7A  }
0x26: {  	[smem:$0x3F9F] =	sst s1;
	(tag) =	ssettag s2;
	_ =	strace s9  }
0x27: {  	s1 =	sld [smem:$0x3FAF]  }
0x28: {  	s2 =	sld [smem:$0x3FB0]  }
0x29: {  	s4 =	sld [smem:$0x3FB2]  }
0x2a: {  	p0 =	seq.s32 s5, $0x0;
	s5 =	sld [smem:$0x3FB3]  }
0x2b: {  	s6 =	sld [smem:$0x3FB4]  }
0x2c: {  	s7 =	sld [smem:$0x3FB5]  }
0x2d: {  	s3 =	simm.s32 $0x108;
	s8 =	sld [smem:$0x3FB6]  }
0x2e: {  	s3 =	simm.s32 @!p0 $0x1082;
	s9 =	sld [smem:$0x3FB7]  }
0x2f: {  	lr =	sadd.s32 s0, s3;
	s0 =	sld [smem:$0x3FAE]  }
0x30: {  	s3 =	sld [smem:$0x3FB1]  }
0x31: {  	[smem:$0x3FBA] =	sst s10  }
0x32: {  	s10 =	sld [smem:$0x3FB8];
	_ =	sdelay $0x3  }
0x33: {  	p0 =	seq.s32 s10, $0x1;
	s10 =	sld [smem:$0x3FBA];
	_ =	sdelay $0x3  }
0x34: {  	[smem:$0x3FBA] =	sst s10  }
0x35: {  	s10 =	sld [smem:$0x3FB9];
	_ =	sdelay $0x3  }
0x36: {  	p1 =	seq.s32 s10, $0x1;
	s10 =	sld [smem:$0x3FBA];
	_ =	sdelay $0x3  }
0x37: {  	[smem:$0x3FBA] =	sst s10  }
0x38: {  	s10 =	sld [smem:$0x3FBB]  }
0x39: {  	_ = 	snop;
	(pc) =	sbr.ind lr, $3  }
0x3a: {  	_ = 	snop  }
0x3b: {  	_ = 	snop  }
0x3c: {  	p2 =	seq.s32 s10, $0x1;
	s10 =	sld [smem:$0x3FBA]  }
0x3d: {  	_ =	shalt  }
0x3e: {  	_ =	shalt  }
0x3f: {  	_ =	shalt  }
0x40: {  	_ =	shalt  }
0x41: {  	_ =	shalt  }
0x42: {  	_ =	shalt  }
0x43: {  	_ =	shalt  }
0x44: {  	_ =	shalt  }
0x45: {  	_ =	shalt  }
0x46: {  	_ =	shalt  }
0x47: {  	_ =	shalt  }
0x48: {  	_ =	shalt  }
0x49: {  	_ =	shalt  }
0x4a: {  	_ =	shalt  }
0x4b: {  	_ =	shalt  }
0x4c: {  	_ =	shalt  }
0x4d: {  	_ =	shalt  }
0x4e: {  	_ =	shalt  }
0x4f: {  	_ =	shalt  }
0x50: {  	_ =	shalt  }
0x51: {  	_ =	shalt  }
0x52: {  	_ =	shalt  }
0x53: {  	_ =	shalt  }
0x54: {  	_ =	shalt  }
0x55: {  	_ =	shalt  }
0x56: {  	_ =	shalt  }
0x57: {  	_ =	shalt  }
0x58: {  	_ =	shalt  }
0x59: {  	_ =	shalt  }
0x5a: {  	_ =	shalt  }
0x5b: {  	_ =	shalt  }
0x5c: {  	_ =	shalt  }
0x5d: {  	_ =	shalt  }
0x5e: {  	_ =	shalt  }
0x5f: {  	_ =	shalt  }
0x60: {  	_ =	shalt  }
0x61: {  	_ =	shalt  }
0x62: {  	_ =	shalt  }
0x63: {  	_ =	shalt  }
0x64: {  	_ =	shalt  }
0x65: {  	_ =	shalt  }
0x66: {  	_ =	shalt  }
0x67: {  	_ =	shalt  }
0x68: {  	_ =	shalt  }
0x69: {  	_ =	shalt  }
0x6a: {  	_ =	shalt  }
0x6b: {  	_ =	shalt  }
0x6c: {  	_ =	shalt  }
0x6d: {  	_ =	shalt  }
0x6e: {  	_ =	shalt  }
0x6f: {  	_ =	shalt  }
0x70: {  	_ =	shalt  }
0x71: {  	_ =	shalt  }
0x72: {  	_ =	shalt  }
0x73: {  	_ =	shalt  }
0x74: {  	_ =	shalt  }
0x75: {  	_ =	shalt  }
0x76: {  	_ =	shalt  }
0x77: {  	_ =	shalt  }
0x78: {  	_ =	shalt  }
0x79: {  	_ =	shalt  }
0x7a: {  	_ =	shalt  }
0x7b: {  	_ =	shalt  }
0x7c: {  	_ =	shalt  }
0x7d: {  	_ =	shalt  }
0x7e: {  	_ =	shalt  }
0x7f: {  	_ =	shalt  }
0x80: {  	_ =	shalt  }
0x81: {  	_ =	shalt  }
0x82: {  	_ =	shalt  }
0x83: {  	_ =	shalt  }
0x84: {  	_ =	shalt  }
0x85: {  	_ =	shalt  }
0x86: {  	_ =	shalt  }
0x87: {  	_ =	shalt  }
.Lfunc_end0:
.L_simem_size_0:
called_computation_lowered:
.L_overlay_start_0:
0x88: {  	s2 =	sld [smem:$0x3FD9]  }
0x89: {  	s3 =	sld [smem:$0x3FFE];
	_ =	sdelay $0x1  }
0x8a: {  	s1 =	srdreg.scid  }
0x8b: {  	s0 =	sand.u32 $0x1, s1  }
0x8c: {  	s18 =	sshll.u32 s0, $0xA;
	s2 =	sadd.s32 s3, s2  }
0x8d: {  	s2 =	sadd.s32 s2, s18  }
0x8e: {  	[smem:$0x3FC6] =	sst s2  }
0x8f: {  	_ = 	snop  }
0x90: {  	s2 =	sld [smem:$0x3FC9]  }
0x91: {  	s19 =	sld [smem:$0x3FC8]  }
0x92: {  	s4 =	sld [smem:$0x3FD0];
	(tm) =	ssettm $0x1  }
0x93: {  	s5 =	sld [smem:$0x3FFB];
	_ =	sdelay $0x3  }
0x94: {  	_ =	strace s5  }
0x95: {  	s5 =	sld [smem:$0x3FFC];
	_ =	sdelay $0x3  }
0x96: {  	_ =	strace s5  }
0x97: {  	s5 =	sld [smem:$0x3FFD];
	_ =	sdelay $0x3  }
0x98: {  	_ =	strace s5  }
0x99: {  	_ =	strace $0x8FFFFFFF  }
0x9a: {  	s20 =	sld [smem:$0x3FDB];
	_ =	sdelay $0x1  }
0x9b: {  	s6 =	simm.s32 $_scs_section_size  }
0x9c: {  	s7 =	simm.s32 $_size__tile_overlayer_lowered;
	s8 =	simm.s32 $_tile_overlayer_lowered  }
0x9d: {  	s23 =	simm.s32 $0x1BFF;
	s22 =	sshll.u32 s8, $0x1;
	s5 =	sadd.s32 s6, s20  }
0x9e: {  	s9 =	simm.s32 $0x0;
	s21 =	sshll.u32 s7, $0x1;
	s7 =	sadd.s32 s22, s5  }
0x9f: {  	[timem:s9], [sflag:s23] =	dma.local [hbm:s7], s21  }
0xa0: {  	_ =	swait.ge [sflag:s23], s21  }
0xa1: {  	s6 =	ssub.s32 $0x0, s21;
	[sflag:s23] =	ssyncset.done $0x0  }
0xa2: {  	[sflag:s23] =	ssyncadd.s32 s6;
	_ =	sdelay $0x1  }
0xa3: {  	s24 =	simm.s32 $0x1B8B  }
0xa4: {  	_ =	swait.ge [sflag:s24], $0x1  }
0xa5: {  	[sflag:s24] =	ssyncset.done $0x0  }
0xa6: {  	s25 =	simm.s32 $0x1B8E;
	[sflag:s24] =	ssyncadd.s32 $0xFFFFFFFF  }
0xa7: {  	s26 =	simm.s32 $execute0_lowered;
	[smem:$0x3FD2] =	sst s25  }
0xa8: {  	s6 =	sshll.u32 s26, $0x1;
	_ =	strace $0x80000046;
	[dreg:$0x1] =	wrdreg $0xFFFFFFFF  }
0xa9: {  	s28 =	simm.s32 $_size_execute0_lowered;
	s5 =	sadd.s32 s5, s6;
	[dreg:$0x0] =	wrdreg $0x0  }
0xaa: {  	s6 =	sshll.u32 s28, $0x1;
	[dreg:$0x2] =	wrdreg s5  }
0xab: {  	[dreg:$0x3] =	wrdreg s6  }
0xac: {  	[dreg:$0x4] =	wrdreg $0xC0  }
0xad: {  	_ =	task [dreg:s9], $0x5FFFF  }
0xae: {  	[dreg:$0x1] =	wrdreg $0xFFFFFFFF  }
0xaf: {  	[dreg:$0x0] =	wrdreg $0x60  }
0xb0: {  	[dreg:$0x2] =	wrdreg s2  }
0xb1: {  	[dreg:$0x3] =	wrdreg s19  }
0xb2: {  	[dreg:$0x4] =	wrdreg s4  }
0xb3: {  	[dreg:$0x5] =	wrdreg $0x9  }
0xb4: {  	_ =	task.clear_ibuf [dreg:s9], $0x6FFFF;
	_ =	strace $0x90000046  }
0xb5: {  	s29 =	simm.s32 $0x9;
	_ =	strace $0x80000048  }
0xb6: {  	_ =	swait.ge [sflag:s29], $0x1  }
0xb7: {  	[sflag:s29] =	ssyncadd.s32 $0xFFFFFFFF  }
0xb8: {  	_ =	strace $0x90000048  }
0xb9: {  	_ =	sfence  }
0xba: {  	s30 =	sld [smem:$0x0];
	_ =	sdelay $0x2  }
0xbb: {  	s31 =	sshll.u32 s1, $0xD;
	s1 =	sshrl.u32 s1, $0x2  }
0xbc: {  	s3 =	sand.u32 $0x4000, s31;
	s1 =	sadd.s32 s1, s30  }
0xbd: {  	s0 =	sor.u32 s3, s0;
	s1 =	sshll.u32 s1, $0x11  }
0xbe: {  	s0 =	sor.u32 s1, s0  }
0xbf: {  	s0 =	sadd.s32 $0x8F2B, s0  }
0xc0: {  	[sflag:s0] =	ssyncadd.remote.s32 $0x1  }
0xc1: {  	_ =	sfence.sel $0xFFFF  }
0xc2: {  	[dreg:$0x0] =	wrdreg $0xFFFFFFFF;
	(pc) =	sbr.abs _section_cstart, $3  }
0xc3: {  	[dreg:$0x1] =	wrdreg $0xFFFFFFFF  }
0xc4: {  	_ =	task.clear_ibuf [dreg:s9], $0x2FFFF;
	_ =	strace $0x9FFFFFFF  }
0xc5: {  	(tm) =	ssettm $0x7FFFFFFF  }
tec
execute0_lowered:
.L_overlay_start_1:
0x0: {  	(tag) =	ssettag $0x1  }
0x1: {  	s1 =	rddreg [dreg:$0x0]  }
0x2: {  	s31 =	rddreg [dreg:$0x1]  }
0x3: {  	s3 =	rddreg [dreg:$0x2]  }
0x4: {  	s20 =	simm.s32 $0x0;
	s0 =	srdreg.scid;
	s4 =	stileid.u32  }
0x5: {  	s11 =	simm.s32 $0x2;
	s12 =	simm.s32 $0x6;
	s0 =	sand.u32 $0x1, s0  }
0x6: {  	[smem:$0x7FF] =	sst s20;
	s4 =	sshll.u32 s4, $0x8;
	s2 =	ssub.s32 $0x2, s0  }
0x7: {  	s10 =	sadd.s32 $0x40, s31;
	s0 =	sshll.u32 s0, $0x7;
	s5 =	sshrl.u32 s2, $0x1  }
0x8: {  	_ =	strace $0x80000047;
	s8 =	sor.u32 s0, s4;
	s13 =	ssub.s32 s2, s5  }
0x9: {  	s14 =	sshll.u32 s8, $0x9;
	s4 =	sshll.u32 s8, $0x7;
	s18 =	sor.u32 $0x8, s8  }
0xa: {  	s7 =	sor.u32 $0xC, s8;
	s25 =	sor.u32 $0x10, s8;
	[dreg:$0x4] =	wrdreg s8  }
0xb: {  	s26 =	sor.u32 $0x14, s8;
	s28 =	sor.u32 $0x18, s8;
	[dreg:$0xf] =	wrdreg s25  }
0xc: {  	s29 =	sor.u32 $0x1C, s8;
	s15 =	sadd.s32 s1, s14;
	[dreg:$0x10] =	wrdreg s26  }
0xd: {  	s16 =	sadd.s32 s31, s4;
	s17 =	sor.u32 $0x800, s14;
	[dreg:$0x11] =	wrdreg s28  }
0xe: {  	s4 =	sadd.s32 s4, s10;
	s19 =	sshll.u32 s18, $0x9;
	[dreg:$0x12] =	wrdreg s29  }
0xf: {  	s21 =	sshll.u32 s18, $0x7;
	s22 =	sshll.u32 s7, $0x7;
	[dreg:$0x5] =	wrdreg s15  }
0x10: {  	s23 =	sshll.u32 s7, $0x9;
	s2 =	sadd.s32 s3, s14;
	[dreg:$0x6] =	wrdreg s16  }
0x11: {  	s0 =	smax.u32 s13, $0x1;
	s25 =	simm.s32 $0x200;
	[dreg:$0x8] =	wrdreg s4  }
0x12: {  	s26 =	simm.s32 $0x400;
	s13 =	simm.s32 $0x9;
	[dreg:$0xb] =	wrdreg s2  }
0x13: {  	s14 =	simm.s32 $0xC;
	s6 =	sadd.s32 s1, s17;
	[dreg:$0x15] =	wrdreg s0  }
0x14: {  	s4 =	sadd.s32 s1, s19;
	s3 =	sadd.s32 s3, s17;
	[dreg:$0x7] =	wrdreg s6  }
0x15: {  	s30 =	sadd.s32 $0xF000, s2;
	s2 =	sadd.s32 $0xF800, s2;
	[dreg:$0x9] =	wrdreg s4  }
0x16: {  	s15 =	simm.s32 $0x3;
	s16 =	simm.s32 $0x7;
	[dreg:$0xe] =	wrdreg s3  }
0x17: {  	s17 =	simm.s32 $0xA;
	s4 =	sadd.s32 s31, s21;
	[dreg:$0x13] =	wrdreg s30  }
0x18: {  	s6 =	sand.u32 $0x7C400, s22;
	[dreg:$0x14] =	wrdreg s2;
	s22 =	simm.s32 $0x4  }
0x19: {  	s2 =	simm.s32 $0x0;
	[dreg:$0xa] =	wrdreg s4;
	s4 =	sadd.s32 s1, s23  }
0x1a: {  	s24 =	sadd.s32 s6, s10;
	s23 =	simm.s32 $0x8;
	[dreg:$0xc] =	wrdreg s4  }
0x1b: {  	[dreg:$0xd] =	wrdreg s24;
	s4 =	simm.s32 $0x4000;
	s24 =	simm.s32 $0xB  }
.LBB2_1:
0x1c: {  	[dreg:$0x16] =	wrdreg s2  }
0x1d: {  	s0 =	rddreg [dreg:$0x5]  }
0x1e: {  	[tilespmem:s20], [sflag:$0x1] =	stream.linear.gather [hbm4b:s0+s20], $0x4000, $0x38;
	[tilespmem:$0x14000] =	vst v63  }
0x1f: {  	s6 =	rddreg [dreg:$0x6];
	s7 =	simm.s32 $0x10000  }
0x20: {  	[tilespmem:s7], [sflag:$0x5] =	stream.strided.gather [hbm4b:s6+s25], $0x1000, s26, s25, $0x38;
	[tilespmem:$0x14000] =	vst v63  }
0x21: {  	s8 =	rddreg [dreg:$0x7]  }
0x22: {  	[tilespmem:s4], [sflag:$0x2] =	stream.linear.gather [hbm4b:s8+s20], $0x4000, $0x38;
	[tilespmem:$0x14000] =	vst v63  }
0x23: {  	s9 =	rddreg [dreg:$0x8];
	s18 =	simm.s32 $0x11000  }
0x24: {  	[tilespmem:s18], [sflag:$0x6] =	stream.strided.gather [hbm4b:s9+s25], $0x1000, s26, s25, $0x38;
	[tilespmem:$0x14000] =	vst v63  }
0x25: {  	s19 =	rddreg [dreg:$0x9];
	s21 =	simm.s32 $0x8000  }
0x26: {  	[tilespmem:s21], [sflag:$0x3] =	stream.linear.gather [hbm4b:s19+s20], $0x4000, $0x38;
	[tilespmem:$0x14000] =	vst v63  }
0x27: {  	s28 =	rddreg [dreg:$0xa];
	s29 =	simm.s32 $0x12000;
	s30 =	simm.s32 $0x1  }
0x28: {  	[tilespmem:s29], [sflag:$0x7] =	stream.strided.gather [hbm4b:s28+s25], $0x1000, s26, s25, $0x38;
	[tilespmem:$0x14000] =	vst v63  }
0x29: {  	_ =	swait.ge [sflag:s30], $0x4000  }
0x2a: {  	[sflag:s30] =	ssyncset.done $0x0  }
0x2b: {  	s3 =	simm.s32 $0x5;
	[sflag:s30] =	ssyncadd.s32 $0xFFFFC000  }
0x2c: {  	_ =	swait.ge [sflag:s3], $0x1000  }
0x2d: {  	s2 =	sand.u32 $0x70, s20;
	s5 =	sand.u32 $0xE00, s20;
	[sflag:s3] =	ssyncset.done $0x0  }
0x2e: {  	s5 =	sor.u32 s2, s5;
	[sflag:s3] =	ssyncadd.s32 $0xFFFFF000  }
0x2f: {  	v0 =	vld [tilespmem:s5+$0x10000];
	_ =	sdelay $0x4  }
0x30: {  	s0 =	sor.u32 $0x80, s5;
	[tilespmem:s5+$0x0] =	vst.add.f32.msk $0xffff, v0  }
0x31: {  	s2 =	sor.u32 $0x100, s5;
	[tilespmem:s0+$0x0] =	vst.add.f32.msk $0xffff, v0  }
0x32: {  	s6 =	sor.u32 $0x180, s5;
	[tilespmem:s2+$0x0] =	vst.add.f32.msk $0xffff, v0  }
0x33: {  	[tilespmem:s6+$0x0] =	vst.add.f32.msk $0xffff, v0  }
0x34: {  	v0 =	vld [tilespmem:s5+$0x10080];
	_ =	sdelay $0x3  }
0x35: {  	s7 =	sor.u32 $0x1000, s5  }
0x36: {  	s8 =	sor.u32 $0x1080, s5;
	[tilespmem:s7+$0x0] =	vst.add.f32.msk $0xffff, v0  }
0x37: {  	s9 =	sor.u32 $0x1100, s5;
	[tilespmem:s8+$0x0] =	vst.add.f32.msk $0xffff, v0  }
0x38: {  	s18 =	sor.u32 $0x1180, s5;
	[tilespmem:s9+$0x0] =	vst.add.f32.msk $0xffff, v0  }
0x39: {  	[tilespmem:s18+$0x0] =	vst.add.f32.msk $0xffff, v0  }
0x3a: {  	v0 =	vld [tilespmem:s5+$0x10100];
	_ =	sdelay $0x3  }
0x3b: {  	s19 =	sor.u32 $0x2000, s5  }
0x3c: {  	s20 =	sor.u32 $0x2080, s5;
	[tilespmem:s19+$0x0] =	vst.add.f32.msk $0xffff, v0  }
0x3d: {  	s21 =	sor.u32 $0x2100, s5;
	[tilespmem:s20+$0x0] =	vst.add.f32.msk $0xffff, v0  }
0x3e: {  	s28 =	sor.u32 $0x2180, s5;
	[tilespmem:s21+$0x0] =	vst.add.f32.msk $0xffff, v0  }
0x3f: {  	[tilespmem:s28+$0x0] =	vst.add.f32.msk $0xffff, v0  }
0x40: {  	v0 =	vld [tilespmem:s5+$0x10180];
	_ =	sdelay $0x3  }
0x41: {  	s29 =	sor.u32 $0x3000, s5  }
0x42: {  	s30 =	sor.u32 $0x3080, s5;
	s0 =	simm.s32 $0x20;
	[tilespmem:s29+$0x0] =	vst.add.f32.msk $0xffff, v0  }
0x43: {  	s2 =	simm.s32 $0x40;
	s6 =	simm.s32 $0x10;
	s18 =	sor.u32 $0x3100, s5;
	[tilespmem:s30+$0x0] =	vst.add.f32.msk $0xffff, v0  }
0x44: {  	s6 =	sand.u32 $0x70, s6;
	s9 =	sand.u32 $0xE00, s2;
	[tilespmem:s18+$0x0] =	vst.add.f32.msk $0xffff, v0;
	s18 =	sor.u32 $0x3180, s5  }
.LBB2_2:
0x45: {  	p0 =	sne.s32 s0, $0x3F0  }
0x46: {  	s5 =	sor.u32 s6, s9;
	[tilespmem:s18+$0x0] =	vst.add.f32.msk $0xffff, v0;
	s6 =	smov.u32 s0;
	s0 =	sadd.s32 $0x10, s0  }
0x47: {  	v0 =	vld [tilespmem:s5+$0x10000];
	s9 =	sor.u32 $0x100, s5;
	s18 =	sor.u32 $0x1080, s5;
	s19 =	sor.u32 $0x1100, s5  }
0x48: {  	s20 =	sor.u32 $0x180, s5;
	s21 =	sor.u32 $0x1180, s5;
	_ =	sdelay $0x3  }
0x49: {  	s28 =	sor.u32 $0x80, s5;
	[tilespmem:s5+$0x0] =	vst.add.f32.msk $0xffff, v0  }
0x4a: {  	[tilespmem:s28+$0x0] =	vst.add.f32.msk $0xffff, v0  }
0x4b: {  	[tilespmem:s9+$0x0] =	vst.add.f32.msk $0xffff, v0  }
0x4c: {  	[tilespmem:s20+$0x0] =	vst.add.f32.msk $0xffff, v0  }
0x4d: {  	v0 =	vld [tilespmem:s5+$0x10080];
	_ =	sdelay $0x3  }
0x4e: {  	s9 =	sor.u32 $0x1000, s5  }
0x4f: {  	[tilespmem:s9+$0x0] =	vst.add.f32.msk $0xffff, v0  }
0x50: {  	[tilespmem:s18+$0x0] =	vst.add.f32.msk $0xffff, v0  }
0x51: {  	[tilespmem:s19+$0x0] =	vst.add.f32.msk $0xffff, v0  }
0x52: {  	[tilespmem:s21+$0x0] =	vst.add.f32.msk $0xffff, v0  }
0x53: {  	v0 =	vld [tilespmem:s5+$0x10100];
	_ =	sdelay $0x3  }
0x54: {  	s9 =	sor.u32 $0x2000, s5  }
0x55: {  	[tilespmem:s9+$0x0] =	vst.add.f32.msk $0xffff, v0;
	s9 =	sor.u32 $0x2080, s5  }
0x56: {  	[tilespmem:s9+$0x0] =	vst.add.f32.msk $0xffff, v0;
	s9 =	sor.u32 $0x2100, s5  }
0x57: {  	[tilespmem:s9+$0x0] =	vst.add.f32.msk $0xffff, v0;
	s9 =	sor.u32 $0x2180, s5  }
0x58: {  	[tilespmem:s9+$0x0] =	vst.add.f32.msk $0xffff, v0  }
0x59: {  	v0 =	vld [tilespmem:s5+$0x10180];
	_ =	sdelay $0x2  }
.Ltmp0:
0x5a: {  	(pc) =	sbr.rel @p0 .LBB2_2-.Ltmp0, $4  }
0x5b: {  	s9 =	sor.u32 $0x3000, s5  }
0x5c: {  	[tilespmem:s9+$0x0] =	vst.add.f32.msk $0xffff, v0;
	s9 =	sor.u32 $0x3080, s5  }
0x5d: {  	s2 =	sadd.s32 $0x40, s2;
	s18 =	sor.u32 $0x3100, s5;
	[tilespmem:s9+$0x0] =	vst.add.f32.msk $0xffff, v0  }
0x5e: {  	s6 =	sand.u32 $0x70, s6;
	s9 =	sand.u32 $0xE00, s2;
	[tilespmem:s18+$0x0] =	vst.add.f32.msk $0xffff, v0;
	s18 =	sor.u32 $0x3180, s5  }
0x5f: {  	s0 =	sor.u32 s6, s9;
	[tilespmem:s18+$0x0] =	vst.add.f32.msk $0xffff, v0  }
0x60: {  	v0 =	vld [tilespmem:s0+$0x10000];
	_ =	sdelay $0x4  }
0x61: {  	s2 =	sor.u32 $0x80, s0;
	[tilespmem:s0+$0x0] =	vst.add.f32.msk $0xffff, v0  }
0x62: {  	s5 =	sor.u32 $0x100, s0;
	[tilespmem:s2+$0x0] =	vst.add.f32.msk $0xffff, v0  }
0x63: {  	s19 =	sor.u32 $0x180, s0;
	[tilespmem:s5+$0x0] =	vst.add.f32.msk $0xffff, v0  }
0x64: {  	[tilespmem:s19+$0x0] =	vst.add.f32.msk $0xffff, v0  }
0x65: {  	v0 =	vld [tilespmem:s0+$0x10080];
	_ =	sdelay $0x3  }
0x66: {  	s20 =	sor.u32 $0x1000, s0  }
0x67: {  	s21 =	sor.u32 $0x1080, s0;
	[tilespmem:s20+$0x0] =	vst.add.f32.msk $0xffff, v0  }
0x68: {  	s28 =	sor.u32 $0x1100, s0;
	[tilespmem:s21+$0x0] =	vst.add.f32.msk $0xffff, v0  }
0x69: {  	s29 =	sor.u32 $0x1180, s0;
	[tilespmem:s28+$0x0] =	vst.add.f32.msk $0xffff, v0  }
0x6a: {  	[tilespmem:s29+$0x0] =	vst.add.f32.msk $0xffff, v0  }
0x6b: {  	v0 =	vld [tilespmem:s0+$0x10100];
	_ =	sdelay $0x3  }
0x6c: {  	s30 =	sor.u32 $0x2000, s0  }
0x6d: {  	s3 =	sor.u32 $0x2080, s0;
	[tilespmem:s30+$0x0] =	vst.add.f32.msk $0xffff, v0  }
0x6e: {  	s5 =	sor.u32 $0x2100, s0;
	[tilespmem:s3+$0x0] =	vst.add.f32.msk $0xffff, v0  }
0x6f: {  	s6 =	sor.u32 $0x2180, s0;
	[tilespmem:s5+$0x0] =	vst.add.f32.msk $0xffff, v0  }
0x70: {  	[tilespmem:s6+$0x0] =	vst.add.f32.msk $0xffff, v0  }
0x71: {  	v0 =	vld [tilespmem:s0+$0x10180];
	_ =	sdelay $0x3  }
0x72: {  	s7 =	sor.u32 $0x3000, s0  }
0x73: {  	s8 =	sor.u32 $0x3080, s0;
	[tilespmem:s7+$0x0] =	vst.add.f32.msk $0xffff, v0  }
0x74: {  	s9 =	sor.u32 $0x3100, s0;
	[tilespmem:s8+$0x0] =	vst.add.f32.msk $0xffff, v0  }
0x75: {  	s0 =	sor.u32 $0x3180, s0;
	[tilespmem:s9+$0x0] =	vst.add.f32.msk $0xffff, v0  }
0x76: {  	s18 =	simm.s32 $0x0;
	s19 =	rddreg [dreg:$0xb];
	[tilespmem:s0+$0x0] =	vst.add.f32.msk $0xffff, v0  }
0x77: {  	[hbm4b:s19+s18] =	stream.linear.scatter [tilespmem:s18], [sflag:$0x9], $0x4000, $0x38;
	[tilespmem:$0x14000] =	vst v63  }
0x78: {  	s20 =	rddreg [dreg:$0xc];
	s3 =	simm.s32 $0xC000  }
0x79: {  	[tilespmem:s3], [sflag:$0x4] =	stream.linear.gather [hbm4b:s20+s18], $0x4000, $0x38;
	[tilespmem:$0x14000] =	vst v63  }
0x7a: {  	s21 =	rddreg [dreg:$0xd];
	s28 =	simm.s32 $0x13000  }
0x7b: {  	[tilespmem:s28], [sflag:$0x8] =	stream.strided.gather [hbm4b:s21+s25], $0x1000, s26, s25, $0x38;
	[tilespmem:$0x14000] =	vst v63  }
0x7c: {  	_ =	swait.ge [sflag:s11], $0x4000  }
0x7d: {  	[sflag:s11] =	ssyncset.done $0x0  }
0x7e: {  	[sflag:s11] =	ssyncadd.s32 $0xFFFFC000  }
0x7f: {  	_ =	swait.ge [sflag:s12], $0x1000  }
0x80: {  	s29 =	sand.u32 $0x70, s18;
	s0 =	sand.u32 $0xE00, s18;
	[sflag:s12] =	ssyncset.done $0x0  }
0x81: {  	s5 =	sor.u32 s29, s0;
	[sflag:s12] =	ssyncadd.s32 $0xFFFFF000  }
0x82: {  	v0 =	vld [tilespmem:s5+$0x11000];
	_ =	sdelay $0x3  }
0x83: {  	s0 =	sor.u32 $0x4000, s5  }
0x84: {  	s2 =	sor.u32 $0x4080, s5;
	[tilespmem:s0+$0x0] =	vst.add.f32.msk $0xffff, v0  }
0x85: {  	s30 =	sor.u32 $0x4100, s5;
	[tilespmem:s2+$0x0] =	vst.add.f32.msk $0xffff, v0  }
0x86: {  	s2 =	sor.u32 $0x4180, s5;
	[tilespmem:s30+$0x0] =	vst.add.f32.msk $0xffff, v0  }
0x87: {  	[tilespmem:s2+$0x0] =	vst.add.f32.msk $0xffff, v0  }
0x88: {  	v0 =	vld [tilespmem:s5+$0x11080];
	_ =	sdelay $0x3  }
0x89: {  	s3 =	sor.u32 $0x5000, s5  }
0x8a: {  	s6 =	sor.u32 $0x5080, s5;
	[tilespmem:s3+$0x0] =	vst.add.f32.msk $0xffff, v0  }
0x8b: {  	s7 =	sor.u32 $0x5100, s5;
	[tilespmem:s6+$0x0] =	vst.add.f32.msk $0xffff, v0  }
0x8c: {  	s8 =	sor.u32 $0x5180, s5;
	[tilespmem:s7+$0x0] =	vst.add.f32.msk $0xffff, v0  }
0x8d: {  	[tilespmem:s8+$0x0] =	vst.add.f32.msk $0xffff, v0  }
0x8e: {  	v0 =	vld [tilespmem:s5+$0x11100];
	_ =	sdelay $0x3  }
0x8f: {  	s9 =	sor.u32 $0x6000, s5  }
0x90: {  	s18 =	sor.u32 $0x6080, s5;
	[tilespmem:s9+$0x0] =	vst.add.f32.msk $0xffff, v0  }
0x91: {  	s19 =	sor.u32 $0x6100, s5;
	[tilespmem:s18+$0x0] =	vst.add.f32.msk $0xffff, v0  }
0x92: {  	s20 =	sor.u32 $0x6180, s5;
	[tilespmem:s19+$0x0] =	vst.add.f32.msk $0xffff, v0  }
0x93: {  	[tilespmem:s20+$0x0] =	vst.add.f32.msk $0xffff, v0  }
0x94: {  	v0 =	vld [tilespmem:s5+$0x11180];
	_ =	sdelay $0x3  }
0x95: {  	s21 =	sor.u32 $0x7000, s5  }
0x96: {  	s29 =	sor.u32 $0x7080, s5;
	s28 =	simm.s32 $0x10;
	[tilespmem:s21+$0x0] =	vst.add.f32.msk $0xffff, v0  }
0x97: {  	s0 =	simm.s32 $0x20;
	s30 =	sor.u32 $0x7100, s5;
	s2 =	simm.s32 $0x40;
	[tilespmem:s29+$0x0] =	vst.add.f32.msk $0xffff, v0  }
0x98: {  	s6 =	sand.u32 $0x70, s28;
	s9 =	sand.u32 $0xE00, s2;
	s18 =	sor.u32 $0x7180, s5;
	[tilespmem:s30+$0x0] =	vst.add.f32.msk $0xffff, v0  }
.LBB2_4:
0x99: {  	p0 =	sne.s32 s0, $0x3F0  }
0x9a: {  	s5 =	sor.u32 s6, s9;
	[tilespmem:s18+$0x0] =	vst.add.f32.msk $0xffff, v0;
	s6 =	smov.u32 s0;
	s0 =	sadd.s32 $0x10, s0  }
0x9b: {  	v0 =	vld [tilespmem:s5+$0x11000];
	s9 =	sor.u32 $0x4080, s5;
	s18 =	sor.u32 $0x4100, s5;
	s19 =	sor.u32 $0x5080, s5  }
0x9c: {  	s20 =	sor.u32 $0x5100, s5;
	s21 =	sor.u32 $0x5180, s5;
	_ =	sdelay $0x2  }
0x9d: {  	s28 =	sor.u32 $0x4000, s5  }
0x9e: {  	[tilespmem:s28+$0x0] =	vst.add.f32.msk $0xffff, v0  }
0x9f: {  	[tilespmem:s9+$0x0] =	vst.add.f32.msk $0xffff, v0  }
0xa0: {  	s9 =	sor.u32 $0x4180, s5;
	[tilespmem:s18+$0x0] =	vst.add.f32.msk $0xffff, v0  }
0xa1: {  	[tilespmem:s9+$0x0] =	vst.add.f32.msk $0xffff, v0  }
0xa2: {  	v0 =	vld [tilespmem:s5+$0x11080];
	_ =	sdelay $0x3  }
0xa3: {  	s9 =	sor.u32 $0x5000, s5  }
0xa4: {  	[tilespmem:s9+$0x0] =	vst.add.f32.msk $0xffff, v0  }
0xa5: {  	[tilespmem:s19+$0x0] =	vst.add.f32.msk $0xffff, v0  }
0xa6: {  	[tilespmem:s20+$0x0] =	vst.add.f32.msk $0xffff, v0  }
0xa7: {  	[tilespmem:s21+$0x0] =	vst.add.f32.msk $0xffff, v0  }
0xa8: {  	v0 =	vld [tilespmem:s5+$0x11100];
	_ =	sdelay $0x3  }
0xa9: {  	s9 =	sor.u32 $0x6000, s5  }
0xaa: {  	[tilespmem:s9+$0x0] =	vst.add.f32.msk $0xffff, v0;
	s9 =	sor.u32 $0x6080, s5  }
0xab: {  	[tilespmem:s9+$0x0] =	vst.add.f32.msk $0xffff, v0;
	s9 =	sor.u32 $0x6100, s5  }
0xac: {  	[tilespmem:s9+$0x0] =	vst.add.f32.msk $0xffff, v0;
	s9 =	sor.u32 $0x6180, s5  }
0xad: {  	[tilespmem:s9+$0x0] =	vst.add.f32.msk $0xffff, v0  }
0xae: {  	v0 =	vld [tilespmem:s5+$0x11180];
	_ =	sdelay $0x2  }
.Ltmp1:
0xaf: {  	(pc) =	sbr.rel @p0 .LBB2_4-.Ltmp1, $4  }
0xb0: {  	s9 =	sor.u32 $0x7000, s5  }
0xb1: {  	[tilespmem:s9+$0x0] =	vst.add.f32.msk $0xffff, v0;
	s9 =	sor.u32 $0x7080, s5  }
0xb2: {  	s2 =	sadd.s32 $0x40, s2;
	s18 =	sor.u32 $0x7100, s5;
	[tilespmem:s9+$0x0] =	vst.add.f32.msk $0xffff, v0  }
0xb3: {  	s6 =	sand.u32 $0x70, s6;
	s9 =	sand.u32 $0xE00, s2;
	[tilespmem:s18+$0x0] =	vst.add.f32.msk $0xffff, v0;
	s18 =	sor.u32 $0x7180, s5  }
0xb4: {  	s0 =	sor.u32 s6, s9;
	[tilespmem:s18+$0x0] =	vst.add.f32.msk $0xffff, v0  }
0xb5: {  	v0 =	vld [tilespmem:s0+$0x11000];
	_ =	sdelay $0x3  }
0xb6: {  	s2 =	sor.u32 $0x4000, s0  }
0xb7: {  	s5 =	sor.u32 $0x4080, s0;
	[tilespmem:s2+$0x0] =	vst.add.f32.msk $0xffff, v0  }
0xb8: {  	s19 =	sor.u32 $0x4100, s0;
	[tilespmem:s5+$0x0] =	vst.add.f32.msk $0xffff, v0  }
0xb9: {  	s20 =	sor.u32 $0x4180, s0;
	[tilespmem:s19+$0x0] =	vst.add.f32.msk $0xffff, v0  }
0xba: {  	[tilespmem:s20+$0x0] =	vst.add.f32.msk $0xffff, v0  }
0xbb: {  	v0 =	vld [tilespmem:s0+$0x11080];
	_ =	sdelay $0x3  }
0xbc: {  	s21 =	sor.u32 $0x5000, s0  }
0xbd: {  	s29 =	sor.u32 $0x5080, s0;
	[tilespmem:s21+$0x0] =	vst.add.f32.msk $0xffff, v0  }
0xbe: {  	s3 =	sor.u32 $0x5100, s0;
	[tilespmem:s29+$0x0] =	vst.add.f32.msk $0xffff, v0  }
0xbf: {  	s6 =	sor.u32 $0x5180, s0;
	[tilespmem:s3+$0x0] =	vst.add.f32.msk $0xffff, v0  }
0xc0: {  	[tilespmem:s6+$0x0] =	vst.add.f32.msk $0xffff, v0  }
0xc1: {  	v0 =	vld [tilespmem:s0+$0x11100];
	_ =	sdelay $0x3  }
0xc2: {  	s7 =	sor.u32 $0x6000, s0  }
0xc3: {  	s8 =	sor.u32 $0x6080, s0;
	[tilespmem:s7+$0x0] =	vst.add.f32.msk $0xffff, v0  }
0xc4: {  	s9 =	sor.u32 $0x6100, s0;
	[tilespmem:s8+$0x0] =	vst.add.f32.msk $0xffff, v0  }
0xc5: {  	s18 =	sor.u32 $0x6180, s0;
	[tilespmem:s9+$0x0] =	vst.add.f32.msk $0xffff, v0  }
0xc6: {  	[tilespmem:s18+$0x0] =	vst.add.f32.msk $0xffff, v0  }
0xc7: {  	v0 =	vld [tilespmem:s0+$0x11180];
	_ =	sdelay $0x3  }
0xc8: {  	s19 =	sor.u32 $0x7000, s0  }
0xc9: {  	s20 =	sor.u32 $0x7080, s0;
	[tilespmem:s19+$0x0] =	vst.add.f32.msk $0xffff, v0  }
0xca: {  	s21 =	sor.u32 $0x7100, s0;
	[tilespmem:s20+$0x0] =	vst.add.f32.msk $0xffff, v0  }
0xcb: {  	s0 =	sor.u32 $0x7180, s0;
	[tilespmem:s21+$0x0] =	vst.add.f32.msk $0xffff, v0  }
0xcc: {  	s28 =	simm.s32 $0x0;
	s30 =	simm.s32 $0x0;
	s29 =	rddreg [dreg:$0xe];
	[tilespmem:s0+$0x0] =	vst.add.f32.msk $0xffff, v0  }
0xcd: {  	[hbm4b:s29+s28] =	stream.linear.scatter [tilespmem:s4], [sflag:$0xA], $0x4000, $0x38;
	[tilespmem:$0x14000] =	vst v63  }
.LBB2_6:
0xce: {  	_ =	swait.ge [sflag:s13], $0x4000  }
0xcf: {  	s0 =	sshll.u32 s30, $0x4;
	s2 =	rddreg [dreg:$0xf]  }
0xd0: {  	s2 =	sadd.s32 s0, s2  }
0xd1: {  	[sflag:s13] =	ssyncset.done $0x0;
	s9 =	sshll.u32 s2, $0x9  }
0xd2: {  	[sflag:s13] =	ssyncadd.s32 $0xFFFFC000;
	s2 =	sshll.u32 s2, $0x7;
	s5 =	sadd.s32 s1, s9  }
0xd3: {  	[tilespmem:s28], [sflag:$0x1] =	stream.linear.gather [hbm4b:s5+s28], $0x4000, $0x38;
	[tilespmem:$0x14000] =	vst v63  }
0xd4: {  	s3 =	simm.s32 $0x10000;
	s2 =	sadd.s32 s31, s2  }
0xd5: {  	[tilespmem:s3], [sflag:$0x5] =	stream.strided.gather [hbm4b:s2+s25], $0x1000, s26, s25, $0x38;
	[tilespmem:$0x14000] =	vst v63  }
0xd6: {  	_ =	swait.ge [sflag:s15], $0x4000  }
0xd7: {  	[sflag:s15] =	ssyncset.done $0x0  }
0xd8: {  	[sflag:s15] =	ssyncadd.s32 $0xFFFFC000  }
0xd9: {  	_ =	swait.ge [sflag:s16], $0x1000  }
0xda: {  	s18 =	sand.u32 $0x70, s28;
	s19 =	sand.u32 $0xE00, s28;
	[sflag:s16] =	ssyncset.done $0x0  }
0xdb: {  	s6 =	sor.u32 s18, s19;
	[sflag:s16] =	ssyncadd.s32 $0xFFFFF000  }
0xdc: {  	v0 =	vld [tilespmem:s6+$0x12000];
	_ =	sdelay $0x3  }
0xdd: {  	s2 =	sor.u32 $0x8000, s6  }
0xde: {  	s5 =	sor.u32 $0x8080, s6;
	[tilespmem:s2+$0x0] =	vst.add.f32.msk $0xffff, v0  }
0xdf: {  	s20 =	sor.u32 $0x8100, s6;
	[tilespmem:s5+$0x0] =	vst.add.f32.msk $0xffff, v0  }
0xe0: {  	s21 =	sor.u32 $0x8180, s6;
	[tilespmem:s20+$0x0] =	vst.add.f32.msk $0xffff, v0  }
0xe1: {  	[tilespmem:s21+$0x0] =	vst.add.f32.msk $0xffff, v0  }
0xe2: {  	v0 =	vld [tilespmem:s6+$0x12080];
	_ =	sdelay $0x3  }
0xe3: {  	s29 =	sor.u32 $0x9000, s6  }
0xe4: {  	s7 =	smov.u32 s31;
	s31 =	sor.u32 $0x9080, s6;
	[tilespmem:s29+$0x0] =	vst.add.f32.msk $0xffff, v0  }
0xe5: {  	s3 =	sor.u32 $0x9100, s6;
	[tilespmem:s31+$0x0] =	vst.add.f32.msk $0xffff, v0  }
0xe6: {  	s8 =	sor.u32 $0x9180, s6;
	[tilespmem:s3+$0x0] =	vst.add.f32.msk $0xffff, v0  }
0xe7: {  	[tilespmem:s8+$0x0] =	vst.add.f32.msk $0xffff, v0  }
0xe8: {  	v0 =	vld [tilespmem:s6+$0x12100];
	_ =	sdelay $0x3  }
0xe9: {  	s18 =	sor.u32 $0xA000, s6  }
0xea: {  	s19 =	sor.u32 $0xA080, s6;
	[tilespmem:s18+$0x0] =	vst.add.f32.msk $0xffff, v0  }
0xeb: {  	s20 =	sor.u32 $0xA100, s6;
	[tilespmem:s19+$0x0] =	vst.add.f32.msk $0xffff, v0  }
0xec: {  	s21 =	sor.u32 $0xA180, s6;
	[tilespmem:s20+$0x0] =	vst.add.f32.msk $0xffff, v0  }
0xed: {  	[tilespmem:s21+$0x0] =	vst.add.f32.msk $0xffff, v0  }
0xee: {  	v0 =	vld [tilespmem:s6+$0x12180];
	_ =	sdelay $0x3  }
0xef: {  	s29 =	sor.u32 $0xB000, s6  }
0xf0: {  	s2 =	simm.s32 $0x20;
	s31 =	sor.u32 $0xB080, s6;
	[tilespmem:s29+$0x0] =	vst.add.f32.msk $0xffff, v0  }
0xf1: {  	s5 =	simm.s32 $0x40;
	s18 =	simm.s32 $0x10;
	s20 =	sor.u32 $0xB100, s6;
	[tilespmem:s31+$0x0] =	vst.add.f32.msk $0xffff, v0  }
0xf2: {  	s18 =	sand.u32 $0x70, s18;
	s19 =	sand.u32 $0xE00, s5;
	[tilespmem:s20+$0x0] =	vst.add.f32.msk $0xffff, v0;
	s20 =	sor.u32 $0xB180, s6  }
.LBB2_7:
0xf3: {  	p0 =	sne.s32 s2, $0x3F0  }
0xf4: {  	s6 =	sor.u32 s18, s19;
	[tilespmem:s20+$0x0] =	vst.add.f32.msk $0xffff, v0;
	s18 =	smov.u32 s2;
	s2 =	sadd.s32 $0x10, s2  }
0xf5: {  	v0 =	vld [tilespmem:s6+$0x12000];
	s19 =	sor.u32 $0x8080, s6;
	s20 =	sor.u32 $0x8100, s6;
	s21 =	sor.u32 $0x9080, s6  }
0xf6: {  	s29 =	sor.u32 $0x9100, s6;
	s31 =	sor.u32 $0x9180, s6;
	_ =	sdelay $0x2  }
0xf7: {  	s8 =	sor.u32 $0x8000, s6  }
0xf8: {  	[tilespmem:s8+$0x0] =	vst.add.f32.msk $0xffff, v0  }
0xf9: {  	[tilespmem:s19+$0x0] =	vst.add.f32.msk $0xffff, v0  }
0xfa: {  	s8 =	sor.u32 $0x8180, s6;
	[tilespmem:s20+$0x0] =	vst.add.f32.msk $0xffff, v0  }
0xfb: {  	[tilespmem:s8+$0x0] =	vst.add.f32.msk $0xffff, v0  }
0xfc: {  	v0 =	vld [tilespmem:s6+$0x12080];
	_ =	sdelay $0x3  }
0xfd: {  	s8 =	sor.u32 $0x9000, s6  }
0xfe: {  	[tilespmem:s8+$0x0] =	vst.add.f32.msk $0xffff, v0  }
0xff: {  	[tilespmem:s21+$0x0] =	vst.add.f32.msk $0xffff, v0  }
0x100: {  	[tilespmem:s29+$0x0] =	vst.add.f32.msk $0xffff, v0  }
0x101: {  	[tilespmem:s31+$0x0] =	vst.add.f32.msk $0xffff, v0  }
0x102: {  	v0 =	vld [tilespmem:s6+$0x12100];
	_ =	sdelay $0x3  }
0x103: {  	s8 =	sor.u32 $0xA000, s6  }
0x104: {  	[tilespmem:s8+$0x0] =	vst.add.f32.msk $0xffff, v0;
	s8 =	sor.u32 $0xA080, s6  }
0x105: {  	[tilespmem:s8+$0x0] =	vst.add.f32.msk $0xffff, v0;
	s8 =	sor.u32 $0xA100, s6  }
0x106: {  	[tilespmem:s8+$0x0] =	vst.add.f32.msk $0xffff, v0;
	s8 =	sor.u32 $0xA180, s6  }
0x107: {  	[tilespmem:s8+$0x0] =	vst.add.f32.msk $0xffff, v0  }
0x108: {  	v0 =	vld [tilespmem:s6+$0x12180];
	_ =	sdelay $0x2  }
.Ltmp2:
0x109: {  	(pc) =	sbr.rel @p0 .LBB2_7-.Ltmp2, $4  }
0x10a: {  	s8 =	sor.u32 $0xB000, s6  }
0x10b: {  	[tilespmem:s8+$0x0] =	vst.add.f32.msk $0xffff, v0;
	s8 =	sor.u32 $0xB080, s6  }
0x10c: {  	s5 =	sadd.s32 $0x40, s5;
	[tilespmem:s8+$0x0] =	vst.add.f32.msk $0xffff, v0;
	s8 =	sor.u32 $0xB100, s6  }
0x10d: {  	s18 =	sand.u32 $0x70, s18;
	s19 =	sand.u32 $0xE00, s5;
	s20 =	sor.u32 $0xB180, s6;
	[tilespmem:s8+$0x0] =	vst.add.f32.msk $0xffff, v0  }
0x10e: {  	s2 =	sor.u32 s18, s19;
	[tilespmem:s20+$0x0] =	vst.add.f32.msk $0xffff, v0  }
0x10f: {  	v0 =	vld [tilespmem:s2+$0x12000];
	_ =	sdelay $0x3  }
0x110: {  	s5 =	sor.u32 $0x8000, s2  }
0x111: {  	s6 =	sor.u32 $0x8080, s2;
	[tilespmem:s5+$0x0] =	vst.add.f32.msk $0xffff, v0  }
0x112: {  	s3 =	sor.u32 $0x8100, s2;
	[tilespmem:s6+$0x0] =	vst.add.f32.msk $0xffff, v0  }
0x113: {  	s8 =	sor.u32 $0x8180, s2;
	[tilespmem:s3+$0x0] =	vst.add.f32.msk $0xffff, v0  }
0x114: {  	[tilespmem:s8+$0x0] =	vst.add.f32.msk $0xffff, v0  }
0x115: {  	v0 =	vld [tilespmem:s2+$0x12080];
	_ =	sdelay $0x3  }
0x116: {  	s18 =	sor.u32 $0x9000, s2  }
0x117: {  	s19 =	sor.u32 $0x9080, s2;
	[tilespmem:s18+$0x0] =	vst.add.f32.msk $0xffff, v0  }
0x118: {  	s20 =	sor.u32 $0x9100, s2;
	[tilespmem:s19+$0x0] =	vst.add.f32.msk $0xffff, v0  }
0x119: {  	s21 =	sor.u32 $0x9180, s2;
	[tilespmem:s20+$0x0] =	vst.add.f32.msk $0xffff, v0  }
0x11a: {  	[tilespmem:s21+$0x0] =	vst.add.f32.msk $0xffff, v0  }
0x11b: {  	v0 =	vld [tilespmem:s2+$0x12100];
	_ =	sdelay $0x3  }
0x11c: {  	s31 =	sor.u32 $0xA000, s2  }
0x11d: {  	s3 =	sor.u32 $0xA080, s2;
	[tilespmem:s31+$0x0] =	vst.add.f32.msk $0xffff, v0  }
0x11e: {  	s6 =	sor.u32 $0xA100, s2;
	[tilespmem:s3+$0x0] =	vst.add.f32.msk $0xffff, v0  }
0x11f: {  	s8 =	sor.u32 $0xA180, s2;
	[tilespmem:s6+$0x0] =	vst.add.f32.msk $0xffff, v0  }
0x120: {  	[tilespmem:s8+$0x0] =	vst.add.f32.msk $0xffff, v0  }
0x121: {  	v0 =	vld [tilespmem:s2+$0x12180];
	_ =	sdelay $0x3  }
0x122: {  	s18 =	sor.u32 $0xB000, s2;
	s3 =	rddreg [dreg:$0x4]  }
0x123: {  	s19 =	sor.u32 $0xB080, s2;
	s20 =	sadd.s32 s0, s3;
	[tilespmem:s18+$0x0] =	vst.add.f32.msk $0xffff, v0  }
0x124: {  	s21 =	sor.u32 $0xB100, s2;
	s3 =	rddreg [dreg:$0x2];
	s6 =	sshll.u32 s20, $0x9;
	[tilespmem:s19+$0x0] =	vst.add.f32.msk $0xffff, v0  }
0x125: {  	s31 =	sor.u32 $0xB180, s2;
	s2 =	sadd.s32 s3, s6;
	[tilespmem:s21+$0x0] =	vst.add.f32.msk $0xffff, v0  }
0x126: {  	s6 =	simm.s32 $0x0;
	s8 =	sadd.s32 $0x1000, s2;
	s18 =	simm.s32 $0x8000;
	[tilespmem:s31+$0x0] =	vst.add.f32.msk $0xffff, v0  }
0x127: {  	[hbm4b:s8+s6] =	stream.linear.scatter [tilespmem:s18], [sflag:$0xB], $0x4000, $0x38;
	[tilespmem:$0x14000] =	vst v63  }
0x128: {  	_ =	swait.ge [sflag:s17], $0x4000  }
0x129: {  	s19 =	rddreg [dreg:$0x10]  }
0x12a: {  	s8 =	sadd.s32 s0, s19  }
0x12b: {  	[sflag:s17] =	ssyncset.done $0x0;
	s5 =	sshll.u32 s8, $0x9;
	s8 =	sshll.u32 s8, $0x7  }
0x12c: {  	[sflag:s17] =	ssyncadd.s32 $0xFFFFC000;
	s20 =	sadd.s32 s1, s5;
	s8 =	sand.u32 $0xFF800, s8  }
0x12d: {  	[tilespmem:s4], [sflag:$0x2] =	stream.linear.gather [hbm4b:s20+s6], $0x4000, $0x38;
	[tilespmem:$0x14000] =	vst v63  }
0x12e: {  	s21 =	simm.s32 $0x11000;
	s8 =	sadd.s32 s8, s10  }
0x12f: {  	[tilespmem:s21], [sflag:$0x6] =	stream.strided.gather [hbm4b:s8+s25], $0x1000, s26, s25, $0x38;
	[tilespmem:$0x14000] =	vst v63  }
0x130: {  	_ =	swait.ge [sflag:s22], $0x4000  }
0x131: {  	[sflag:s22] =	ssyncset.done $0x0  }
0x132: {  	[sflag:s22] =	ssyncadd.s32 $0xFFFFC000  }
0x133: {  	_ =	swait.ge [sflag:s23], $0x1000  }
0x134: {  	s31 =	sand.u32 $0x70, s6;
	s6 =	sand.u32 $0xE00, s6;
	[sflag:s23] =	ssyncset.done $0x0  }
0x135: {  	s8 =	sor.u32 s31, s6;
	[sflag:s23] =	ssyncadd.s32 $0xFFFFF000  }
0x136: {  	v0 =	vld [tilespmem:s8+$0x13000];
	_ =	sdelay $0x3  }
0x137: {  	s6 =	sor.u32 $0xC000, s8  }
0x138: {  	s3 =	sor.u32 $0xC080, s8;
	[tilespmem:s6+$0x0] =	vst.add.f32.msk $0xffff, v0  }
0x139: {  	s4 =	sor.u32 $0xC100, s8;
	[tilespmem:s3+$0x0] =	vst.add.f32.msk $0xffff, v0  }
0x13a: {  	s18 =	sor.u32 $0xC180, s8;
	[tilespmem:s4+$0x0] =	vst.add.f32.msk $0xffff, v0  }
0x13b: {  	[tilespmem:s18+$0x0] =	vst.add.f32.msk $0xffff, v0  }
0x13c: {  	v0 =	vld [tilespmem:s8+$0x13080];
	_ =	sdelay $0x3  }
0x13d: {  	s19 =	sor.u32 $0xD000, s8  }
0x13e: {  	s20 =	sor.u32 $0xD080, s8;
	[tilespmem:s19+$0x0] =	vst.add.f32.msk $0xffff, v0  }
0x13f: {  	s21 =	sor.u32 $0xD100, s8;
	[tilespmem:s20+$0x0] =	vst.add.f32.msk $0xffff, v0  }
0x140: {  	s31 =	sor.u32 $0xD180, s8;
	[tilespmem:s21+$0x0] =	vst.add.f32.msk $0xffff, v0  }
0x141: {  	[tilespmem:s31+$0x0] =	vst.add.f32.msk $0xffff, v0  }
0x142: {  	v0 =	vld [tilespmem:s8+$0x13100];
	_ =	sdelay $0x3  }
0x143: {  	s3 =	sor.u32 $0xE000, s8  }
0x144: {  	s4 =	sor.u32 $0xE080, s8;
	[tilespmem:s3+$0x0] =	vst.add.f32.msk $0xffff, v0  }
0x145: {  	s18 =	sor.u32 $0xE100, s8;
	[tilespmem:s4+$0x0] =	vst.add.f32.msk $0xffff, v0  }
0x146: {  	s19 =	sor.u32 $0xE180, s8;
	[tilespmem:s18+$0x0] =	vst.add.f32.msk $0xffff, v0  }
0x147: {  	[tilespmem:s19+$0x0] =	vst.add.f32.msk $0xffff, v0  }
0x148: {  	v0 =	vld [tilespmem:s8+$0x13180];
	_ =	sdelay $0x3  }
0x149: {  	s20 =	sor.u32 $0xF000, s8  }
0x14a: {  	s29 =	sor.u32 $0xF100, s8;
	s31 =	sor.u32 $0xF080, s8;
	[tilespmem:s20+$0x0] =	vst.add.f32.msk $0xffff, v0  }
0x14b: {  	s6 =	simm.s32 $0x20;
	s21 =	simm.s32 $0x10;
	s18 =	simm.s32 $0x40;
	[tilespmem:s31+$0x0] =	vst.add.f32.msk $0xffff, v0  }
0x14c: {  	s20 =	sand.u32 $0x70, s21;
	s21 =	sand.u32 $0xE00, s18;
	[tilespmem:s29+$0x0] =	vst.add.f32.msk $0xffff, v0;
	s29 =	sor.u32 $0xF180, s8  }
.LBB2_9:
0x14d: {  	p0 =	sne.s32 s6, $0x3F0  }
0x14e: {  	s19 =	sor.u32 s20, s21;
	[tilespmem:s29+$0x0] =	vst.add.f32.msk $0xffff, v0;
	s20 =	smov.u32 s6;
	s6 =	sadd.s32 $0x10, s6  }
0x14f: {  	v0 =	vld [tilespmem:s19+$0x13000];
	s8 =	sor.u32 $0xC080, s19;
	s21 =	sor.u32 $0xC100, s19;
	s29 =	sor.u32 $0xD080, s19  }
0x150: {  	s31 =	sor.u32 $0xD100, s19;
	s3 =	sor.u32 $0xD180, s19;
	_ =	sdelay $0x2  }
0x151: {  	s4 =	sor.u32 $0xC000, s19  }
0x152: {  	[tilespmem:s4+$0x0] =	vst.add.f32.msk $0xffff, v0  }
0x153: {  	[tilespmem:s8+$0x0] =	vst.add.f32.msk $0xffff, v0  }
0x154: {  	s4 =	sor.u32 $0xC180, s19;
	[tilespmem:s21+$0x0] =	vst.add.f32.msk $0xffff, v0  }
0x155: {  	[tilespmem:s4+$0x0] =	vst.add.f32.msk $0xffff, v0  }
0x156: {  	v0 =	vld [tilespmem:s19+$0x13080];
	_ =	sdelay $0x3  }
0x157: {  	s4 =	sor.u32 $0xD000, s19  }
0x158: {  	[tilespmem:s4+$0x0] =	vst.add.f32.msk $0xffff, v0  }
0x159: {  	[tilespmem:s29+$0x0] =	vst.add.f32.msk $0xffff, v0  }
0x15a: {  	[tilespmem:s31+$0x0] =	vst.add.f32.msk $0xffff, v0  }
0x15b: {  	[tilespmem:s3+$0x0] =	vst.add.f32.msk $0xffff, v0  }
0x15c: {  	v0 =	vld [tilespmem:s19+$0x13100];
	_ =	sdelay $0x3  }
0x15d: {  	s3 =	sor.u32 $0xE000, s19  }
0x15e: {  	[tilespmem:s3+$0x0] =	vst.add.f32.msk $0xffff, v0;
	s3 =	sor.u32 $0xE080, s19  }
0x15f: {  	[tilespmem:s3+$0x0] =	vst.add.f32.msk $0xffff, v0;
	s3 =	sor.u32 $0xE100, s19  }
0x160: {  	[tilespmem:s3+$0x0] =	vst.add.f32.msk $0xffff, v0;
	s3 =	sor.u32 $0xE180, s19  }
0x161: {  	[tilespmem:s3+$0x0] =	vst.add.f32.msk $0xffff, v0  }
0x162: {  	v0 =	vld [tilespmem:s19+$0x13180];
	_ =	sdelay $0x2  }
.Ltmp3:
0x163: {  	(pc) =	sbr.rel @p0 .LBB2_9-.Ltmp3, $4  }
0x164: {  	s3 =	sor.u32 $0xF000, s19  }
0x165: {  	[tilespmem:s3+$0x0] =	vst.add.f32.msk $0xffff, v0;
	s3 =	sor.u32 $0xF080, s19  }
0x166: {  	s18 =	sadd.s32 $0x40, s18;
	[tilespmem:s3+$0x0] =	vst.add.f32.msk $0xffff, v0;
	s3 =	sor.u32 $0xF100, s19  }
0x167: {  	s20 =	sand.u32 $0x70, s20;
	s21 =	sand.u32 $0xE00, s18;
	s29 =	sor.u32 $0xF180, s19;
	[tilespmem:s3+$0x0] =	vst.add.f32.msk $0xffff, v0  }
0x168: {  	s3 =	sor.u32 s20, s21;
	[tilespmem:s29+$0x0] =	vst.add.f32.msk $0xffff, v0  }
0x169: {  	v0 =	vld [tilespmem:s3+$0x13000];
	_ =	sdelay $0x3  }
0x16a: {  	s4 =	sor.u32 $0xC000, s3  }
0x16b: {  	s6 =	sor.u32 $0xC080, s3;
	[tilespmem:s4+$0x0] =	vst.add.f32.msk $0xffff, v0  }
0x16c: {  	s18 =	sor.u32 $0xC100, s3;
	[tilespmem:s6+$0x0] =	vst.add.f32.msk $0xffff, v0  }
0x16d: {  	s19 =	sor.u32 $0xC180, s3;
	[tilespmem:s18+$0x0] =	vst.add.f32.msk $0xffff, v0  }
0x16e: {  	[tilespmem:s19+$0x0] =	vst.add.f32.msk $0xffff, v0  }
0x16f: {  	v0 =	vld [tilespmem:s3+$0x13080];
	_ =	sdelay $0x3  }
0x170: {  	s20 =	sor.u32 $0xD000, s3  }
0x171: {  	s21 =	sor.u32 $0xD080, s3;
	[tilespmem:s20+$0x0] =	vst.add.f32.msk $0xffff, v0  }
0x172: {  	s29 =	sor.u32 $0xD100, s3;
	[tilespmem:s21+$0x0] =	vst.add.f32.msk $0xffff, v0  }
0x173: {  	s8 =	sor.u32 $0xD180, s3;
	[tilespmem:s29+$0x0] =	vst.add.f32.msk $0xffff, v0  }
0x174: {  	[tilespmem:s8+$0x0] =	vst.add.f32.msk $0xffff, v0  }
0x175: {  	v0 =	vld [tilespmem:s3+$0x13100];
	_ =	sdelay $0x3  }
0x176: {  	s18 =	sor.u32 $0xE000, s3  }
0x177: {  	s19 =	sor.u32 $0xE080, s3;
	[tilespmem:s18+$0x0] =	vst.add.f32.msk $0xffff, v0  }
0x178: {  	s20 =	sor.u32 $0xE100, s3;
	[tilespmem:s19+$0x0] =	vst.add.f32.msk $0xffff, v0  }
0x179: {  	s21 =	sor.u32 $0xE180, s3;
	[tilespmem:s20+$0x0] =	vst.add.f32.msk $0xffff, v0  }
0x17a: {  	[tilespmem:s21+$0x0] =	vst.add.f32.msk $0xffff, v0  }
0x17b: {  	v0 =	vld [tilespmem:s3+$0x13180];
	_ =	sdelay $0x3  }
0x17c: {  	s29 =	sor.u32 $0xF000, s3  }
0x17d: {  	s6 =	sor.u32 $0xF080, s3;
	[tilespmem:s29+$0x0] =	vst.add.f32.msk $0xffff, v0  }
0x17e: {  	s8 =	sor.u32 $0xF100, s3;
	[tilespmem:s6+$0x0] =	vst.add.f32.msk $0xffff, v0  }
0x17f: {  	s3 =	sor.u32 $0xF180, s3;
	[tilespmem:s8+$0x0] =	vst.add.f32.msk $0xffff, v0  }
0x180: {  	s2 =	sadd.s32 $0x1800, s2;
	s18 =	simm.s32 $0xC000;
	[tilespmem:s3+$0x0] =	vst.add.f32.msk $0xffff, v0;
	s3 =	simm.s32 $0x0  }
0x181: {  	[hbm4b:s2+s3] =	stream.linear.scatter [tilespmem:s18], [sflag:$0xC], $0x4000, $0x38;
	[tilespmem:$0x14000] =	vst v63  }
0x182: {  	_ =	swait.ge [sflag:s24], $0x4000  }
0x183: {  	s19 =	rddreg [dreg:$0x11]  }
0x184: {  	s2 =	sadd.s32 s0, s19  }
0x185: {  	s21 =	simm.s32 $0x8000;
	[sflag:s24] =	ssyncset.done $0x0;
	s20 =	sshll.u32 s2, $0x9  }
0x186: {  	[sflag:s24] =	ssyncadd.s32 $0xFFFFC000;
	s2 =	sshll.u32 s2, $0x7;
	s4 =	sadd.s32 s1, s20  }
0x187: {  	[tilespmem:s21], [sflag:$0x3] =	stream.linear.gather [hbm4b:s4+s3], $0x4000, $0x38;
	[tilespmem:$0x14000] =	vst v63  }
0x188: {  	s29 =	simm.s32 $0x12000;
	s6 =	simm.s32 $0x1;
	s2 =	sadd.s32 s7, s2  }
0x189: {  	[tilespmem:s29], [sflag:$0x7] =	stream.strided.gather [hbm4b:s2+s25], $0x1000, s26, s25, $0x38;
	[tilespmem:$0x14000] =	vst v63  }
0x18a: {  	_ =	swait.ge [sflag:s6], $0x4000  }
0x18b: {  	[sflag:s6] =	ssyncset.done $0x0  }
0x18c: {  	s31 =	smov.u32 s7;
	s7 =	simm.s32 $0x5;
	[sflag:s6] =	ssyncadd.s32 $0xFFFFC000  }
0x18d: {  	_ =	swait.ge [sflag:s7], $0x1000  }
0x18e: {  	s8 =	sand.u32 $0x70, s3;
	s3 =	sand.u32 $0xE00, s3;
	[sflag:s7] =	ssyncset.done $0x0  }
0x18f: {  	s3 =	sor.u32 s8, s3;
	[sflag:s7] =	ssyncadd.s32 $0xFFFFF000  }
0x190: {  	v0 =	vld [tilespmem:s3+$0x10000];
	_ =	sdelay $0x4  }
0x191: {  	s2 =	sor.u32 $0x80, s3;
	[tilespmem:s3+$0x0] =	vst.add.f32.msk $0xffff, v0  }
0x192: {  	s18 =	sor.u32 $0x100, s3;
	[tilespmem:s2+$0x0] =	vst.add.f32.msk $0xffff, v0  }
0x193: {  	s19 =	sor.u32 $0x180, s3;
	[tilespmem:s18+$0x0] =	vst.add.f32.msk $0xffff, v0  }
0x194: {  	[tilespmem:s19+$0x0] =	vst.add.f32.msk $0xffff, v0  }
0x195: {  	v0 =	vld [tilespmem:s3+$0x10080];
	_ =	sdelay $0x3  }
0x196: {  	s20 =	sor.u32 $0x1000, s3  }
0x197: {  	s21 =	sor.u32 $0x1080, s3;
	[tilespmem:s20+$0x0] =	vst.add.f32.msk $0xffff, v0  }
0x198: {  	s29 =	sor.u32 $0x1100, s3;
	[tilespmem:s21+$0x0] =	vst.add.f32.msk $0xffff, v0  }
0x199: {  	s6 =	sor.u32 $0x1180, s3;
	[tilespmem:s29+$0x0] =	vst.add.f32.msk $0xffff, v0  }
0x19a: {  	[tilespmem:s6+$0x0] =	vst.add.f32.msk $0xffff, v0  }
0x19b: {  	v0 =	vld [tilespmem:s3+$0x10100];
	_ =	sdelay $0x3  }
0x19c: {  	s7 =	sor.u32 $0x2000, s3  }
0x19d: {  	s8 =	sor.u32 $0x2080, s3;
	[tilespmem:s7+$0x0] =	vst.add.f32.msk $0xffff, v0  }
0x19e: {  	s18 =	sor.u32 $0x2100, s3;
	[tilespmem:s8+$0x0] =	vst.add.f32.msk $0xffff, v0  }
0x19f: {  	s19 =	sor.u32 $0x2180, s3;
	[tilespmem:s18+$0x0] =	vst.add.f32.msk $0xffff, v0  }
0x1a0: {  	[tilespmem:s19+$0x0] =	vst.add.f32.msk $0xffff, v0  }
0x1a1: {  	v0 =	vld [tilespmem:s3+$0x10180];
	_ =	sdelay $0x3  }
0x1a2: {  	s20 =	sor.u32 $0x3000, s3  }
0x1a3: {  	s2 =	simm.s32 $0x20;
	s29 =	sor.u32 $0x3080, s3;
	[tilespmem:s20+$0x0] =	vst.add.f32.msk $0xffff, v0  }
0x1a4: {  	s21 =	simm.s32 $0x10;
	s6 =	simm.s32 $0x40;
	s8 =	sor.u32 $0x3100, s3;
	[tilespmem:s29+$0x0] =	vst.add.f32.msk $0xffff, v0  }
0x1a5: {  	s19 =	sand.u32 $0x70, s21;
	s21 =	sor.u32 $0x3180, s3;
	s20 =	sand.u32 $0xE00, s6;
	[tilespmem:s8+$0x0] =	vst.add.f32.msk $0xffff, v0  }
.LBB2_11:
0x1a6: {  	p0 =	sne.s32 s2, $0x3F0  }
0x1a7: {  	s18 =	sor.u32 s19, s20;
	[tilespmem:s21+$0x0] =	vst.add.f32.msk $0xffff, v0;
	s19 =	smov.u32 s2;
	s2 =	sadd.s32 $0x10, s2  }
0x1a8: {  	v0 =	vld [tilespmem:s18+$0x10000];
	s3 =	sor.u32 $0x100, s18;
	s4 =	sor.u32 $0x1080, s18;
	s8 =	sor.u32 $0x1100, s18  }
0x1a9: {  	s20 =	sor.u32 $0x180, s18;
	s21 =	sor.u32 $0x1180, s18;
	_ =	sdelay $0x3  }
0x1aa: {  	s29 =	sor.u32 $0x80, s18;
	[tilespmem:s18+$0x0] =	vst.add.f32.msk $0xffff, v0  }
0x1ab: {  	[tilespmem:s29+$0x0] =	vst.add.f32.msk $0xffff, v0  }
0x1ac: {  	[tilespmem:s3+$0x0] =	vst.add.f32.msk $0xffff, v0  }
0x1ad: {  	[tilespmem:s20+$0x0] =	vst.add.f32.msk $0xffff, v0  }
0x1ae: {  	v0 =	vld [tilespmem:s18+$0x10080];
	_ =	sdelay $0x3  }
0x1af: {  	s3 =	sor.u32 $0x1000, s18  }
0x1b0: {  	[tilespmem:s3+$0x0] =	vst.add.f32.msk $0xffff, v0  }
0x1b1: {  	[tilespmem:s4+$0x0] =	vst.add.f32.msk $0xffff, v0  }
0x1b2: {  	[tilespmem:s8+$0x0] =	vst.add.f32.msk $0xffff, v0  }
0x1b3: {  	[tilespmem:s21+$0x0] =	vst.add.f32.msk $0xffff, v0  }
0x1b4: {  	v0 =	vld [tilespmem:s18+$0x10100];
	_ =	sdelay $0x3  }
0x1b5: {  	s3 =	sor.u32 $0x2000, s18  }
0x1b6: {  	[tilespmem:s3+$0x0] =	vst.add.f32.msk $0xffff, v0;
	s3 =	sor.u32 $0x2080, s18  }
0x1b7: {  	[tilespmem:s3+$0x0] =	vst.add.f32.msk $0xffff, v0;
	s3 =	sor.u32 $0x2100, s18  }
0x1b8: {  	[tilespmem:s3+$0x0] =	vst.add.f32.msk $0xffff, v0;
	s3 =	sor.u32 $0x2180, s18  }
0x1b9: {  	[tilespmem:s3+$0x0] =	vst.add.f32.msk $0xffff, v0  }
0x1ba: {  	v0 =	vld [tilespmem:s18+$0x10180];
	_ =	sdelay $0x2  }
.Ltmp4:
0x1bb: {  	(pc) =	sbr.rel @p0 .LBB2_11-.Ltmp4, $4  }
0x1bc: {  	s3 =	sor.u32 $0x3000, s18  }
0x1bd: {  	[tilespmem:s3+$0x0] =	vst.add.f32.msk $0xffff, v0;
	s3 =	sor.u32 $0x3080, s18  }
0x1be: {  	s6 =	sadd.s32 $0x40, s6;
	[tilespmem:s3+$0x0] =	vst.add.f32.msk $0xffff, v0;
	s3 =	sor.u32 $0x3100, s18  }
0x1bf: {  	s19 =	sand.u32 $0x70, s19;
	s20 =	sand.u32 $0xE00, s6;
	s21 =	sor.u32 $0x3180, s18;
	[tilespmem:s3+$0x0] =	vst.add.f32.msk $0xffff, v0  }
0x1c0: {  	s2 =	sor.u32 s19, s20;
	[tilespmem:s21+$0x0] =	vst.add.f32.msk $0xffff, v0  }
0x1c1: {  	v0 =	vld [tilespmem:s2+$0x10000];
	_ =	sdelay $0x4  }
0x1c2: {  	s3 =	sor.u32 $0x80, s2;
	[tilespmem:s2+$0x0] =	vst.add.f32.msk $0xffff, v0  }
0x1c3: {  	s4 =	sor.u32 $0x100, s2;
	[tilespmem:s3+$0x0] =	vst.add.f32.msk $0xffff, v0  }
0x1c4: {  	s20 =	sor.u32 $0x180, s2;
	[tilespmem:s4+$0x0] =	vst.add.f32.msk $0xffff, v0  }
0x1c5: {  	[tilespmem:s20+$0x0] =	vst.add.f32.msk $0xffff, v0  }
0x1c6: {  	v0 =	vld [tilespmem:s2+$0x10080];
	_ =	sdelay $0x3  }
0x1c7: {  	s21 =	sor.u32 $0x1000, s2  }
0x1c8: {  	s29 =	sor.u32 $0x1080, s2;
	[tilespmem:s21+$0x0] =	vst.add.f32.msk $0xffff, v0  }
0x1c9: {  	s6 =	sor.u32 $0x1100, s2;
	[tilespmem:s29+$0x0] =	vst.add.f32.msk $0xffff, v0  }
0x1ca: {  	s7 =	sor.u32 $0x1180, s2;
	[tilespmem:s6+$0x0] =	vst.add.f32.msk $0xffff, v0  }
0x1cb: {  	[tilespmem:s7+$0x0] =	vst.add.f32.msk $0xffff, v0  }
0x1cc: {  	v0 =	vld [tilespmem:s2+$0x10100];
	_ =	sdelay $0x3  }
0x1cd: {  	s8 =	sor.u32 $0x2000, s2  }
0x1ce: {  	s18 =	sor.u32 $0x2080, s2;
	[tilespmem:s8+$0x0] =	vst.add.f32.msk $0xffff, v0  }
0x1cf: {  	s19 =	sor.u32 $0x2100, s2;
	[tilespmem:s18+$0x0] =	vst.add.f32.msk $0xffff, v0  }
0x1d0: {  	s20 =	sor.u32 $0x2180, s2;
	[tilespmem:s19+$0x0] =	vst.add.f32.msk $0xffff, v0  }
0x1d1: {  	[tilespmem:s20+$0x0] =	vst.add.f32.msk $0xffff, v0  }
0x1d2: {  	v0 =	vld [tilespmem:s2+$0x10180];
	_ =	sdelay $0x3  }
0x1d3: {  	s21 =	sor.u32 $0x3000, s2  }
0x1d4: {  	s29 =	sor.u32 $0x3080, s2;
	[tilespmem:s21+$0x0] =	vst.add.f32.msk $0xffff, v0  }
0x1d5: {  	s4 =	sor.u32 $0x3100, s2;
	[tilespmem:s29+$0x0] =	vst.add.f32.msk $0xffff, v0  }
0x1d6: {  	s6 =	rddreg [dreg:$0x2];
	s2 =	sor.u32 $0x3180, s2;
	[tilespmem:s4+$0x0] =	vst.add.f32.msk $0xffff, v0  }
0x1d7: {  	s7 =	simm.s32 $0x0;
	[tilespmem:s2+$0x0] =	vst.add.f32.msk $0xffff, v0;
	s2 =	sadd.s32 s6, s9  }
0x1d8: {  	[hbm4b:s2+s7] =	stream.linear.scatter [tilespmem:s7], [sflag:$0x9], $0x4000, $0x38;
	[tilespmem:$0x14000] =	vst v63  }
0x1d9: {  	_ =	swait.ge [sflag:s14], $0x4000  }
0x1da: {  	s8 =	rddreg [dreg:$0x12]  }
0x1db: {  	s9 =	simm.s32 $0xC000;
	s0 =	sadd.s32 s0, s8  }
0x1dc: {  	[sflag:s14] =	ssyncset.done $0x0;
	s2 =	sshll.u32 s0, $0x9;
	s0 =	sshll.u32 s0, $0x7  }
0x1dd: {  	[sflag:s14] =	ssyncadd.s32 $0xFFFFC000;
	s2 =	sadd.s32 s1, s2;
	s0 =	sand.u32 $0xFFC00, s0  }
0x1de: {  	[tilespmem:s9], [sflag:$0x4] =	stream.linear.gather [hbm4b:s2+s7], $0x4000, $0x38;
	[tilespmem:$0x14000] =	vst v63  }
0x1df: {  	s18 =	simm.s32 $0x13000;
	s0 =	sadd.s32 s0, s10  }
0x1e0: {  	[tilespmem:s18], [sflag:$0x8] =	stream.strided.gather [hbm4b:s0+s25], $0x1000, s26, s25, $0x38;
	[tilespmem:$0x14000] =	vst v63  }
0x1e1: {  	_ =	swait.ge [sflag:s11], $0x4000  }
0x1e2: {  	[sflag:s11] =	ssyncset.done $0x0  }
0x1e3: {  	[sflag:s11] =	ssyncadd.s32 $0xFFFFC000  }
0x1e4: {  	_ =	swait.ge [sflag:s12], $0x1000  }
0x1e5: {  	s19 =	sand.u32 $0x70, s7;
	s20 =	sand.u32 $0xE00, s7;
	[sflag:s12] =	ssyncset.done $0x0  }
0x1e6: {  	s3 =	sor.u32 s19, s20;
	[sflag:s12] =	ssyncadd.s32 $0xFFFFF000  }
0x1e7: {  	v0 =	vld [tilespmem:s3+$0x11000];
	_ =	sdelay $0x3  }
0x1e8: {  	s0 =	sor.u32 $0x4000, s3  }
0x1e9: {  	s2 =	sor.u32 $0x4080, s3;
	[tilespmem:s0+$0x0] =	vst.add.f32.msk $0xffff, v0  }
0x1ea: {  	s21 =	sor.u32 $0x4100, s3;
	[tilespmem:s2+$0x0] =	vst.add.f32.msk $0xffff, v0  }
0x1eb: {  	s29 =	sor.u32 $0x4180, s3;
	[tilespmem:s21+$0x0] =	vst.add.f32.msk $0xffff, v0  }
0x1ec: {  	[tilespmem:s29+$0x0] =	vst.add.f32.msk $0xffff, v0  }
0x1ed: {  	v0 =	vld [tilespmem:s3+$0x11080];
	_ =	sdelay $0x3  }
0x1ee: {  	s2 =	sor.u32 $0x5000, s3  }
0x1ef: {  	s4 =	sor.u32 $0x5080, s3;
	[tilespmem:s2+$0x0] =	vst.add.f32.msk $0xffff, v0  }
0x1f0: {  	s6 =	sor.u32 $0x5100, s3;
	[tilespmem:s4+$0x0] =	vst.add.f32.msk $0xffff, v0  }
0x1f1: {  	s7 =	sor.u32 $0x5180, s3;
	[tilespmem:s6+$0x0] =	vst.add.f32.msk $0xffff, v0  }
0x1f2: {  	[tilespmem:s7+$0x0] =	vst.add.f32.msk $0xffff, v0  }
0x1f3: {  	v0 =	vld [tilespmem:s3+$0x11100];
	_ =	sdelay $0x3  }
0x1f4: {  	s8 =	sor.u32 $0x6000, s3  }
0x1f5: {  	s9 =	sor.u32 $0x6080, s3;
	[tilespmem:s8+$0x0] =	vst.add.f32.msk $0xffff, v0  }
0x1f6: {  	s18 =	sor.u32 $0x6100, s3;
	[tilespmem:s9+$0x0] =	vst.add.f32.msk $0xffff, v0  }
0x1f7: {  	s19 =	sor.u32 $0x6180, s3;
	[tilespmem:s18+$0x0] =	vst.add.f32.msk $0xffff, v0  }
0x1f8: {  	[tilespmem:s19+$0x0] =	vst.add.f32.msk $0xffff, v0  }
0x1f9: {  	v0 =	vld [tilespmem:s3+$0x11180];
	_ =	sdelay $0x3  }
0x1fa: {  	s20 =	sor.u32 $0x7000, s3  }
0x1fb: {  	s0 =	simm.s32 $0x20;
	s29 =	sor.u32 $0x7080, s3;
	[tilespmem:s20+$0x0] =	vst.add.f32.msk $0xffff, v0  }
0x1fc: {  	s21 =	simm.s32 $0x10;
	s2 =	simm.s32 $0x40;
	s6 =	sor.u32 $0x7100, s3;
	[tilespmem:s29+$0x0] =	vst.add.f32.msk $0xffff, v0  }
0x1fd: {  	s9 =	sand.u32 $0x70, s21;
	s18 =	sand.u32 $0xE00, s2;
	s19 =	sor.u32 $0x7180, s3;
	[tilespmem:s6+$0x0] =	vst.add.f32.msk $0xffff, v0  }
.LBB2_13:
0x1fe: {  	p0 =	sne.s32 s0, $0x3F0  }
0x1ff: {  	s6 =	sor.u32 s9, s18;
	[tilespmem:s19+$0x0] =	vst.add.f32.msk $0xffff, v0;
	s9 =	smov.u32 s0;
	s0 =	sadd.s32 $0x10, s0  }
0x200: {  	v0 =	vld [tilespmem:s6+$0x11000];
	s3 =	sor.u32 $0x4080, s6;
	s4 =	sor.u32 $0x4100, s6;
	s8 =	sor.u32 $0x5080, s6  }
0x201: {  	s18 =	sor.u32 $0x5100, s6;
	s19 =	sor.u32 $0x5180, s6;
	_ =	sdelay $0x2  }
0x202: {  	s20 =	sor.u32 $0x4000, s6  }
0x203: {  	[tilespmem:s20+$0x0] =	vst.add.f32.msk $0xffff, v0  }
0x204: {  	[tilespmem:s3+$0x0] =	vst.add.f32.msk $0xffff, v0  }
0x205: {  	s3 =	sor.u32 $0x4180, s6;
	[tilespmem:s4+$0x0] =	vst.add.f32.msk $0xffff, v0  }
0x206: {  	[tilespmem:s3+$0x0] =	vst.add.f32.msk $0xffff, v0  }
0x207: {  	v0 =	vld [tilespmem:s6+$0x11080];
	_ =	sdelay $0x3  }
0x208: {  	s3 =	sor.u32 $0x5000, s6  }
0x209: {  	[tilespmem:s3+$0x0] =	vst.add.f32.msk $0xffff, v0  }
0x20a: {  	[tilespmem:s8+$0x0] =	vst.add.f32.msk $0xffff, v0  }
0x20b: {  	[tilespmem:s18+$0x0] =	vst.add.f32.msk $0xffff, v0  }
0x20c: {  	[tilespmem:s19+$0x0] =	vst.add.f32.msk $0xffff, v0  }
0x20d: {  	v0 =	vld [tilespmem:s6+$0x11100];
	_ =	sdelay $0x3  }
0x20e: {  	s3 =	sor.u32 $0x6000, s6  }
0x20f: {  	[tilespmem:s3+$0x0] =	vst.add.f32.msk $0xffff, v0;
	s3 =	sor.u32 $0x6080, s6  }
0x210: {  	[tilespmem:s3+$0x0] =	vst.add.f32.msk $0xffff, v0;
	s3 =	sor.u32 $0x6100, s6  }
0x211: {  	[tilespmem:s3+$0x0] =	vst.add.f32.msk $0xffff, v0;
	s3 =	sor.u32 $0x6180, s6  }
0x212: {  	[tilespmem:s3+$0x0] =	vst.add.f32.msk $0xffff, v0  }
0x213: {  	v0 =	vld [tilespmem:s6+$0x11180];
	_ =	sdelay $0x2  }
.Ltmp5:
0x214: {  	(pc) =	sbr.rel @p0 .LBB2_13-.Ltmp5, $4  }
0x215: {  	s3 =	sor.u32 $0x7000, s6  }
0x216: {  	[tilespmem:s3+$0x0] =	vst.add.f32.msk $0xffff, v0;
	s3 =	sor.u32 $0x7080, s6  }
0x217: {  	s2 =	sadd.s32 $0x40, s2;
	[tilespmem:s3+$0x0] =	vst.add.f32.msk $0xffff, v0;
	s3 =	sor.u32 $0x7100, s6  }
0x218: {  	s9 =	sand.u32 $0x70, s9;
	s18 =	sand.u32 $0xE00, s2;
	s19 =	sor.u32 $0x7180, s6;
	[tilespmem:s3+$0x0] =	vst.add.f32.msk $0xffff, v0  }
0x219: {  	s0 =	sor.u32 s9, s18;
	[tilespmem:s19+$0x0] =	vst.add.f32.msk $0xffff, v0  }
0x21a: {  	v0 =	vld [tilespmem:s0+$0x11000];
	_ =	sdelay $0x3  }
0x21b: {  	s2 =	sor.u32 $0x4000, s0  }
0x21c: {  	s3 =	sor.u32 $0x4080, s0;
	[tilespmem:s2+$0x0] =	vst.add.f32.msk $0xffff, v0  }
0x21d: {  	s19 =	sor.u32 $0x4100, s0;
	[tilespmem:s3+$0x0] =	vst.add.f32.msk $0xffff, v0  }
0x21e: {  	s20 =	sor.u32 $0x4180, s0;
	[tilespmem:s19+$0x0] =	vst.add.f32.msk $0xffff, v0  }
0x21f: {  	[tilespmem:s20+$0x0] =	vst.add.f32.msk $0xffff, v0  }
0x220: {  	v0 =	vld [tilespmem:s0+$0x11080];
	_ =	sdelay $0x3  }
0x221: {  	s21 =	sor.u32 $0x5000, s0  }
0x222: {  	s29 =	sor.u32 $0x5080, s0;
	[tilespmem:s21+$0x0] =	vst.add.f32.msk $0xffff, v0  }
0x223: {  	s4 =	sor.u32 $0x5100, s0;
	[tilespmem:s29+$0x0] =	vst.add.f32.msk $0xffff, v0  }
0x224: {  	s6 =	sor.u32 $0x5180, s0;
	[tilespmem:s4+$0x0] =	vst.add.f32.msk $0xffff, v0  }
0x225: {  	[tilespmem:s6+$0x0] =	vst.add.f32.msk $0xffff, v0  }
0x226: {  	v0 =	vld [tilespmem:s0+$0x11100];
	_ =	sdelay $0x3  }
0x227: {  	s7 =	sor.u32 $0x6000, s0  }
0x228: {  	s8 =	sor.u32 $0x6080, s0;
	[tilespmem:s7+$0x0] =	vst.add.f32.msk $0xffff, v0  }
0x229: {  	s9 =	sor.u32 $0x6100, s0;
	[tilespmem:s8+$0x0] =	vst.add.f32.msk $0xffff, v0  }
0x22a: {  	s18 =	sor.u32 $0x6180, s0;
	[tilespmem:s9+$0x0] =	vst.add.f32.msk $0xffff, v0  }
0x22b: {  	[tilespmem:s18+$0x0] =	vst.add.f32.msk $0xffff, v0  }
0x22c: {  	v0 =	vld [tilespmem:s0+$0x11180];
	_ =	sdelay $0x2  }
0x22d: {  	s30 =	sadd.s32 $0x1, s30  }
0x22e: {  	p0 =	sne.s32 s30, $0x7;
	s19 =	sor.u32 $0x7000, s0  }
.Ltmp6:
0x22f: {  	s20 =	sor.u32 $0x7080, s0;
	[tilespmem:s19+$0x0] =	vst.add.f32.msk $0xffff, v0;
	(pc) =	sbr.rel @p0 .LBB2_6-.Ltmp6, $4  }
0x230: {  	s21 =	sor.u32 $0x7100, s0;
	[tilespmem:s20+$0x0] =	vst.add.f32.msk $0xffff, v0  }
0x231: {  	s29 =	rddreg [dreg:$0x2];
	s0 =	sor.u32 $0x7180, s0;
	[tilespmem:s21+$0x0] =	vst.add.f32.msk $0xffff, v0  }
0x232: {  	s4 =	simm.s32 $0x4000;
	s20 =	simm.s32 $0x0;
	[tilespmem:s0+$0x0] =	vst.add.f32.msk $0xffff, v0;
	s0 =	sadd.s32 s29, s5  }
0x233: {  	[hbm4b:s0+s20] =	stream.linear.scatter [tilespmem:s4], [sflag:$0xA], $0x4000, $0x38;
	[tilespmem:$0x14000] =	vst v63  }
0x234: {  	_ =	swait.ge [sflag:s13], $0x4000  }
0x235: {  	[sflag:s13] =	ssyncset.done $0x0  }
0x236: {  	[sflag:s13] =	ssyncadd.s32 $0xFFFFC000  }
0x237: {  	_ =	swait.ge [sflag:s15], $0x4000  }
0x238: {  	[sflag:s15] =	ssyncset.done $0x0  }
0x239: {  	[sflag:s15] =	ssyncadd.s32 $0xFFFFC000  }
0x23a: {  	s0 =	simm.s32 $0x0;
	_ =	swait.ge [sflag:s16], $0x1000  }
0x23b: {  	s2 =	sand.u32 $0x70, s0;
	s0 =	sand.u32 $0xE00, s0;
	[sflag:s16] =	ssyncset.done $0x0  }
0x23c: {  	s3 =	sor.u32 s2, s0;
	[sflag:s16] =	ssyncadd.s32 $0xFFFFF000  }
0x23d: {  	v0 =	vld [tilespmem:s3+$0x12000];
	_ =	sdelay $0x3  }
0x23e: {  	s0 =	sor.u32 $0x8000, s3  }
0x23f: {  	s2 =	sor.u32 $0x8080, s3;
	[tilespmem:s0+$0x0] =	vst.add.f32.msk $0xffff, v0  }
0x240: {  	s4 =	sor.u32 $0x8100, s3;
	[tilespmem:s2+$0x0] =	vst.add.f32.msk $0xffff, v0  }
0x241: {  	s5 =	sor.u32 $0x8180, s3;
	[tilespmem:s4+$0x0] =	vst.add.f32.msk $0xffff, v0  }
0x242: {  	[tilespmem:s5+$0x0] =	vst.add.f32.msk $0xffff, v0  }
0x243: {  	v0 =	vld [tilespmem:s3+$0x12080];
	_ =	sdelay $0x3  }
0x244: {  	s6 =	sor.u32 $0x9000, s3  }
0x245: {  	s7 =	sor.u32 $0x9080, s3;
	[tilespmem:s6+$0x0] =	vst.add.f32.msk $0xffff, v0  }
0x246: {  	s8 =	sor.u32 $0x9100, s3;
	[tilespmem:s7+$0x0] =	vst.add.f32.msk $0xffff, v0  }
0x247: {  	s9 =	sor.u32 $0x9180, s3;
	[tilespmem:s8+$0x0] =	vst.add.f32.msk $0xffff, v0  }
0x248: {  	[tilespmem:s9+$0x0] =	vst.add.f32.msk $0xffff, v0  }
0x249: {  	v0 =	vld [tilespmem:s3+$0x12100];
	_ =	sdelay $0x3  }
0x24a: {  	s18 =	sor.u32 $0xA000, s3  }
0x24b: {  	s19 =	sor.u32 $0xA080, s3;
	[tilespmem:s18+$0x0] =	vst.add.f32.msk $0xffff, v0  }
0x24c: {  	s21 =	sor.u32 $0xA100, s3;
	[tilespmem:s19+$0x0] =	vst.add.f32.msk $0xffff, v0  }
0x24d: {  	s28 =	sor.u32 $0xA180, s3;
	[tilespmem:s21+$0x0] =	vst.add.f32.msk $0xffff, v0  }
0x24e: {  	[tilespmem:s28+$0x0] =	vst.add.f32.msk $0xffff, v0  }
0x24f: {  	v0 =	vld [tilespmem:s3+$0x12180];
	_ =	sdelay $0x3  }
0x250: {  	s29 =	sor.u32 $0xB000, s3  }
0x251: {  	s30 =	sor.u32 $0xB080, s3;
	s0 =	simm.s32 $0x20;
	[tilespmem:s29+$0x0] =	vst.add.f32.msk $0xffff, v0  }
0x252: {  	s2 =	simm.s32 $0x40;
	s4 =	simm.s32 $0x10;
	s5 =	sor.u32 $0xB100, s3;
	[tilespmem:s30+$0x0] =	vst.add.f32.msk $0xffff, v0  }
0x253: {  	s6 =	sand.u32 $0x70, s4;
	s9 =	sand.u32 $0xE00, s2;
	s18 =	sor.u32 $0xB180, s3;
	[tilespmem:s5+$0x0] =	vst.add.f32.msk $0xffff, v0  }
.LBB2_16:
0x254: {  	p0 =	sne.s32 s0, $0x3F0  }
0x255: {  	s5 =	sor.u32 s6, s9;
	[tilespmem:s18+$0x0] =	vst.add.f32.msk $0xffff, v0;
	s6 =	smov.u32 s0;
	s0 =	sadd.s32 $0x10, s0  }
0x256: {  	v0 =	vld [tilespmem:s5+$0x12000];
	s3 =	sor.u32 $0x8080, s5;
	s4 =	sor.u32 $0x8100, s5;
	s8 =	sor.u32 $0x9080, s5  }
0x257: {  	s9 =	sor.u32 $0x9100, s5;
	s18 =	sor.u32 $0x9180, s5;
	_ =	sdelay $0x2  }
0x258: {  	s19 =	sor.u32 $0x8000, s5  }
0x259: {  	[tilespmem:s19+$0x0] =	vst.add.f32.msk $0xffff, v0  }
0x25a: {  	[tilespmem:s3+$0x0] =	vst.add.f32.msk $0xffff, v0  }
0x25b: {  	s3 =	sor.u32 $0x8180, s5;
	[tilespmem:s4+$0x0] =	vst.add.f32.msk $0xffff, v0  }
0x25c: {  	[tilespmem:s3+$0x0] =	vst.add.f32.msk $0xffff, v0  }
0x25d: {  	v0 =	vld [tilespmem:s5+$0x12080];
	_ =	sdelay $0x3  }
0x25e: {  	s3 =	sor.u32 $0x9000, s5  }
0x25f: {  	[tilespmem:s3+$0x0] =	vst.add.f32.msk $0xffff, v0  }
0x260: {  	[tilespmem:s8+$0x0] =	vst.add.f32.msk $0xffff, v0  }
0x261: {  	[tilespmem:s9+$0x0] =	vst.add.f32.msk $0xffff, v0  }
0x262: {  	[tilespmem:s18+$0x0] =	vst.add.f32.msk $0xffff, v0  }
0x263: {  	v0 =	vld [tilespmem:s5+$0x12100];
	_ =	sdelay $0x3  }
0x264: {  	s3 =	sor.u32 $0xA000, s5  }
0x265: {  	[tilespmem:s3+$0x0] =	vst.add.f32.msk $0xffff, v0;
	s3 =	sor.u32 $0xA080, s5  }
0x266: {  	[tilespmem:s3+$0x0] =	vst.add.f32.msk $0xffff, v0;
	s3 =	sor.u32 $0xA100, s5  }
0x267: {  	[tilespmem:s3+$0x0] =	vst.add.f32.msk $0xffff, v0;
	s3 =	sor.u32 $0xA180, s5  }
0x268: {  	[tilespmem:s3+$0x0] =	vst.add.f32.msk $0xffff, v0  }
0x269: {  	v0 =	vld [tilespmem:s5+$0x12180];
	_ =	sdelay $0x2  }
.Ltmp7:
0x26a: {  	(pc) =	sbr.rel @p0 .LBB2_16-.Ltmp7, $4  }
0x26b: {  	s3 =	sor.u32 $0xB000, s5  }
0x26c: {  	[tilespmem:s3+$0x0] =	vst.add.f32.msk $0xffff, v0;
	s3 =	sor.u32 $0xB080, s5  }
0x26d: {  	s2 =	sadd.s32 $0x40, s2;
	[tilespmem:s3+$0x0] =	vst.add.f32.msk $0xffff, v0;
	s3 =	sor.u32 $0xB100, s5  }
0x26e: {  	s6 =	sand.u32 $0x70, s6;
	s9 =	sand.u32 $0xE00, s2;
	s18 =	sor.u32 $0xB180, s5;
	[tilespmem:s3+$0x0] =	vst.add.f32.msk $0xffff, v0  }
0x26f: {  	s0 =	sor.u32 s6, s9;
	[tilespmem:s18+$0x0] =	vst.add.f32.msk $0xffff, v0  }
0x270: {  	v0 =	vld [tilespmem:s0+$0x12000];
	_ =	sdelay $0x3  }
0x271: {  	s2 =	sor.u32 $0x8000, s0  }
0x272: {  	s3 =	sor.u32 $0x8080, s0;
	[tilespmem:s2+$0x0] =	vst.add.f32.msk $0xffff, v0  }
0x273: {  	s21 =	sor.u32 $0x8100, s0;
	[tilespmem:s3+$0x0] =	vst.add.f32.msk $0xffff, v0  }
0x274: {  	s28 =	sor.u32 $0x8180, s0;
	[tilespmem:s21+$0x0] =	vst.add.f32.msk $0xffff, v0  }
0x275: {  	[tilespmem:s28+$0x0] =	vst.add.f32.msk $0xffff, v0  }
0x276: {  	v0 =	vld [tilespmem:s0+$0x12080];
	_ =	sdelay $0x3  }
0x277: {  	s29 =	sor.u32 $0x9000, s0  }
0x278: {  	s30 =	sor.u32 $0x9080, s0;
	[tilespmem:s29+$0x0] =	vst.add.f32.msk $0xffff, v0  }
0x279: {  	s4 =	sor.u32 $0x9100, s0;
	[tilespmem:s30+$0x0] =	vst.add.f32.msk $0xffff, v0  }
0x27a: {  	s5 =	sor.u32 $0x9180, s0;
	[tilespmem:s4+$0x0] =	vst.add.f32.msk $0xffff, v0  }
0x27b: {  	[tilespmem:s5+$0x0] =	vst.add.f32.msk $0xffff, v0  }
0x27c: {  	v0 =	vld [tilespmem:s0+$0x12100];
	_ =	sdelay $0x3  }
0x27d: {  	s6 =	sor.u32 $0xA000, s0  }
0x27e: {  	s7 =	sor.u32 $0xA080, s0;
	[tilespmem:s6+$0x0] =	vst.add.f32.msk $0xffff, v0  }
0x27f: {  	s8 =	sor.u32 $0xA100, s0;
	[tilespmem:s7+$0x0] =	vst.add.f32.msk $0xffff, v0  }
0x280: {  	s9 =	sor.u32 $0xA180, s0;
	[tilespmem:s8+$0x0] =	vst.add.f32.msk $0xffff, v0  }
0x281: {  	[tilespmem:s9+$0x0] =	vst.add.f32.msk $0xffff, v0  }
0x282: {  	v0 =	vld [tilespmem:s0+$0x12180];
	_ =	sdelay $0x3  }
0x283: {  	s18 =	sor.u32 $0xB000, s0  }
0x284: {  	s19 =	sor.u32 $0xB080, s0;
	[tilespmem:s18+$0x0] =	vst.add.f32.msk $0xffff, v0  }
0x285: {  	s21 =	sor.u32 $0xB100, s0;
	[tilespmem:s19+$0x0] =	vst.add.f32.msk $0xffff, v0  }
0x286: {  	s0 =	sor.u32 $0xB180, s0;
	[tilespmem:s21+$0x0] =	vst.add.f32.msk $0xffff, v0  }
0x287: {  	s28 =	simm.s32 $0x0;
	s29 =	rddreg [dreg:$0x13];
	s30 =	simm.s32 $0x8000;
	[tilespmem:s0+$0x0] =	vst.add.f32.msk $0xffff, v0  }
0x288: {  	[hbm4b:s29+s28] =	stream.linear.scatter [tilespmem:s30], [sflag:$0xB], $0x4000, $0x38;
	[tilespmem:$0x14000] =	vst v63  }
0x289: {  	_ =	swait.ge [sflag:s17], $0x4000  }
0x28a: {  	[sflag:s17] =	ssyncset.done $0x0  }
0x28b: {  	[sflag:s17] =	ssyncadd.s32 $0xFFFFC000  }
0x28c: {  	_ =	swait.ge [sflag:s22], $0x4000  }
0x28d: {  	[sflag:s22] =	ssyncset.done $0x0  }
0x28e: {  	[sflag:s22] =	ssyncadd.s32 $0xFFFFC000  }
0x28f: {  	_ =	swait.ge [sflag:s23], $0x1000  }
0x290: {  	s3 =	sand.u32 $0x70, s28;
	s0 =	sand.u32 $0xE00, s28;
	[sflag:s23] =	ssyncset.done $0x0  }
0x291: {  	s3 =	sor.u32 s3, s0;
	[sflag:s23] =	ssyncadd.s32 $0xFFFFF000  }
0x292: {  	v0 =	vld [tilespmem:s3+$0x13000];
	_ =	sdelay $0x3  }
0x293: {  	s0 =	sor.u32 $0xC000, s3  }
0x294: {  	s2 =	sor.u32 $0xC080, s3;
	[tilespmem:s0+$0x0] =	vst.add.f32.msk $0xffff, v0  }
0x295: {  	s4 =	sor.u32 $0xC100, s3;
	[tilespmem:s2+$0x0] =	vst.add.f32.msk $0xffff, v0  }
0x296: {  	s5 =	sor.u32 $0xC180, s3;
	[tilespmem:s4+$0x0] =	vst.add.f32.msk $0xffff, v0  }
0x297: {  	[tilespmem:s5+$0x0] =	vst.add.f32.msk $0xffff, v0  }
0x298: {  	v0 =	vld [tilespmem:s3+$0x13080];
	_ =	sdelay $0x3  }
0x299: {  	s6 =	sor.u32 $0xD000, s3  }
0x29a: {  	s7 =	sor.u32 $0xD080, s3;
	[tilespmem:s6+$0x0] =	vst.add.f32.msk $0xffff, v0  }
0x29b: {  	s8 =	sor.u32 $0xD100, s3;
	[tilespmem:s7+$0x0] =	vst.add.f32.msk $0xffff, v0  }
0x29c: {  	s9 =	sor.u32 $0xD180, s3;
	[tilespmem:s8+$0x0] =	vst.add.f32.msk $0xffff, v0  }
0x29d: {  	[tilespmem:s9+$0x0] =	vst.add.f32.msk $0xffff, v0  }
0x29e: {  	v0 =	vld [tilespmem:s3+$0x13100];
	_ =	sdelay $0x3  }
0x29f: {  	s18 =	sor.u32 $0xE000, s3  }
0x2a0: {  	s19 =	sor.u32 $0xE080, s3;
	[tilespmem:s18+$0x0] =	vst.add.f32.msk $0xffff, v0  }
0x2a1: {  	s21 =	sor.u32 $0xE100, s3;
	[tilespmem:s19+$0x0] =	vst.add.f32.msk $0xffff, v0  }
0x2a2: {  	s28 =	sor.u32 $0xE180, s3;
	[tilespmem:s21+$0x0] =	vst.add.f32.msk $0xffff, v0  }
0x2a3: {  	[tilespmem:s28+$0x0] =	vst.add.f32.msk $0xffff, v0  }
0x2a4: {  	v0 =	vld [tilespmem:s3+$0x13180];
	_ =	sdelay $0x3  }
0x2a5: {  	s29 =	sor.u32 $0xF000, s3  }
0x2a6: {  	s30 =	sor.u32 $0xF080, s3;
	s0 =	simm.s32 $0x20;
	[tilespmem:s29+$0x0] =	vst.add.f32.msk $0xffff, v0  }
0x2a7: {  	s2 =	simm.s32 $0x40;
	s4 =	simm.s32 $0x10;
	s5 =	sor.u32 $0xF100, s3;
	[tilespmem:s30+$0x0] =	vst.add.f32.msk $0xffff, v0  }
0x2a8: {  	s6 =	sand.u32 $0x70, s4;
	s9 =	sand.u32 $0xE00, s2;
	s18 =	sor.u32 $0xF180, s3;
	[tilespmem:s5+$0x0] =	vst.add.f32.msk $0xffff, v0  }
.LBB2_18:
0x2a9: {  	p0 =	sne.s32 s0, $0x3F0  }
0x2aa: {  	s5 =	sor.u32 s6, s9;
	[tilespmem:s18+$0x0] =	vst.add.f32.msk $0xffff, v0;
	s6 =	smov.u32 s0;
	s0 =	sadd.s32 $0x10, s0  }
0x2ab: {  	v0 =	vld [tilespmem:s5+$0x13000];
	s3 =	sor.u32 $0xC080, s5;
	s4 =	sor.u32 $0xC100, s5;
	s8 =	sor.u32 $0xD080, s5  }
0x2ac: {  	s9 =	sor.u32 $0xD100, s5;
	s18 =	sor.u32 $0xD180, s5;
	_ =	sdelay $0x2  }
0x2ad: {  	s19 =	sor.u32 $0xC000, s5  }
0x2ae: {  	[tilespmem:s19+$0x0] =	vst.add.f32.msk $0xffff, v0  }
0x2af: {  	[tilespmem:s3+$0x0] =	vst.add.f32.msk $0xffff, v0  }
0x2b0: {  	s3 =	sor.u32 $0xC180, s5;
	[tilespmem:s4+$0x0] =	vst.add.f32.msk $0xffff, v0  }
0x2b1: {  	[tilespmem:s3+$0x0] =	vst.add.f32.msk $0xffff, v0  }
0x2b2: {  	v0 =	vld [tilespmem:s5+$0x13080];
	_ =	sdelay $0x3  }
0x2b3: {  	s3 =	sor.u32 $0xD000, s5  }
0x2b4: {  	[tilespmem:s3+$0x0] =	vst.add.f32.msk $0xffff, v0  }
0x2b5: {  	[tilespmem:s8+$0x0] =	vst.add.f32.msk $0xffff, v0  }
0x2b6: {  	[tilespmem:s9+$0x0] =	vst.add.f32.msk $0xffff, v0  }
0x2b7: {  	[tilespmem:s18+$0x0] =	vst.add.f32.msk $0xffff, v0  }
0x2b8: {  	v0 =	vld [tilespmem:s5+$0x13100];
	_ =	sdelay $0x3  }
0x2b9: {  	s3 =	sor.u32 $0xE000, s5  }
0x2ba: {  	[tilespmem:s3+$0x0] =	vst.add.f32.msk $0xffff, v0;
	s3 =	sor.u32 $0xE080, s5  }
0x2bb: {  	[tilespmem:s3+$0x0] =	vst.add.f32.msk $0xffff, v0;
	s3 =	sor.u32 $0xE100, s5  }
0x2bc: {  	[tilespmem:s3+$0x0] =	vst.add.f32.msk $0xffff, v0;
	s3 =	sor.u32 $0xE180, s5  }
0x2bd: {  	[tilespmem:s3+$0x0] =	vst.add.f32.msk $0xffff, v0  }
0x2be: {  	v0 =	vld [tilespmem:s5+$0x13180];
	_ =	sdelay $0x2  }
.Ltmp8:
0x2bf: {  	(pc) =	sbr.rel @p0 .LBB2_18-.Ltmp8, $4  }
0x2c0: {  	s3 =	sor.u32 $0xF000, s5  }
0x2c1: {  	[tilespmem:s3+$0x0] =	vst.add.f32.msk $0xffff, v0;
	s3 =	sor.u32 $0xF080, s5  }
0x2c2: {  	s2 =	sadd.s32 $0x40, s2;
	[tilespmem:s3+$0x0] =	vst.add.f32.msk $0xffff, v0;
	s3 =	sor.u32 $0xF100, s5  }
0x2c3: {  	s6 =	sand.u32 $0x70, s6;
	s9 =	sand.u32 $0xE00, s2;
	s18 =	sor.u32 $0xF180, s5;
	[tilespmem:s3+$0x0] =	vst.add.f32.msk $0xffff, v0  }
0x2c4: {  	s0 =	sor.u32 s6, s9;
	[tilespmem:s18+$0x0] =	vst.add.f32.msk $0xffff, v0  }
0x2c5: {  	v0 =	vld [tilespmem:s0+$0x13000];
	_ =	sdelay $0x3  }
0x2c6: {  	s2 =	sor.u32 $0xC000, s0  }
0x2c7: {  	s3 =	sor.u32 $0xC080, s0;
	[tilespmem:s2+$0x0] =	vst.add.f32.msk $0xffff, v0  }
0x2c8: {  	s19 =	sor.u32 $0xC100, s0;
	[tilespmem:s3+$0x0] =	vst.add.f32.msk $0xffff, v0  }
0x2c9: {  	s21 =	sor.u32 $0xC180, s0;
	[tilespmem:s19+$0x0] =	vst.add.f32.msk $0xffff, v0  }
0x2ca: {  	[tilespmem:s21+$0x0] =	vst.add.f32.msk $0xffff, v0  }
0x2cb: {  	v0 =	vld [tilespmem:s0+$0x13080];
	_ =	sdelay $0x3  }
0x2cc: {  	s28 =	sor.u32 $0xD000, s0  }
0x2cd: {  	s29 =	sor.u32 $0xD080, s0;
	[tilespmem:s28+$0x0] =	vst.add.f32.msk $0xffff, v0  }
0x2ce: {  	s30 =	sor.u32 $0xD100, s0;
	[tilespmem:s29+$0x0] =	vst.add.f32.msk $0xffff, v0  }
0x2cf: {  	s4 =	sor.u32 $0xD180, s0;
	[tilespmem:s30+$0x0] =	vst.add.f32.msk $0xffff, v0  }
0x2d0: {  	[tilespmem:s4+$0x0] =	vst.add.f32.msk $0xffff, v0  }
0x2d1: {  	v0 =	vld [tilespmem:s0+$0x13100];
	_ =	sdelay $0x3  }
0x2d2: {  	s5 =	sor.u32 $0xE000, s0  }
0x2d3: {  	s6 =	sor.u32 $0xE080, s0;
	[tilespmem:s5+$0x0] =	vst.add.f32.msk $0xffff, v0  }
0x2d4: {  	s7 =	sor.u32 $0xE100, s0;
	[tilespmem:s6+$0x0] =	vst.add.f32.msk $0xffff, v0  }
0x2d5: {  	s8 =	sor.u32 $0xE180, s0;
	[tilespmem:s7+$0x0] =	vst.add.f32.msk $0xffff, v0  }
0x2d6: {  	[tilespmem:s8+$0x0] =	vst.add.f32.msk $0xffff, v0  }
0x2d7: {  	v0 =	vld [tilespmem:s0+$0x13180];
	_ =	sdelay $0x3  }
0x2d8: {  	s9 =	sor.u32 $0xF000, s0  }
0x2d9: {  	s18 =	sor.u32 $0xF080, s0;
	[tilespmem:s9+$0x0] =	vst.add.f32.msk $0xffff, v0  }
0x2da: {  	s19 =	sor.u32 $0xF100, s0;
	[tilespmem:s18+$0x0] =	vst.add.f32.msk $0xffff, v0  }
0x2db: {  	s0 =	sor.u32 $0xF180, s0;
	[tilespmem:s19+$0x0] =	vst.add.f32.msk $0xffff, v0  }
0x2dc: {  	s21 =	rddreg [dreg:$0x14];
	s28 =	simm.s32 $0xC000;
	[tilespmem:s0+$0x0] =	vst.add.f32.msk $0xffff, v0  }
0x2dd: {  	[hbm4b:s21+s20] =	stream.linear.scatter [tilespmem:s28], [sflag:$0xC], $0x4000, $0x38;
	[tilespmem:$0x14000] =	vst v63  }
0x2de: {  	_ =	swait.ge [sflag:s24], $0x4000  }
0x2df: {  	[sflag:s24] =	ssyncset.done $0x0  }
0x2e0: {  	[sflag:s24] =	ssyncadd.s32 $0xFFFFC000  }
0x2e1: {  	_ =	swait.ge [sflag:s14], $0x4000  }
0x2e2: {  	s29 =	rddreg [dreg:$0x16]  }
0x2e3: {  	s30 =	rddreg [dreg:$0x15];
	s2 =	sadd.s32 $0x1, s29  }
0x2e4: {  	p0 =	sne.s32 s2, s30  }
.Ltmp9:
0x2e5: {  	_ = 	snop;
	(pc) =	sbr.rel @p0 .LBB2_1-.Ltmp9, $3  }
0x2e6: {  	_ =	sdelay $0x1  }
0x2e7: {  	[sflag:s14] =	ssyncset.done $0x0  }
0x2e8: {  	s4 =	simm.s32 $0x4000;
	[sflag:s14] =	ssyncadd.s32 $0xFFFFC000  }
0x2e9: {  	_ =	sfence.sel $0x180000  }
0x2ea: {  	[bflag:$0x0] =	sbarrier.arrive $0xFFFF  }
0x2eb: {  	_ =	strace $0x90000047  }
0x2ec: {  	s0 =	stileid.u32;
	[bflag:$0x2] =	sbarrier.arrive $0xFFFF  }
0x2ed: {  	p0 =	sne.s32 s0, $0x0;
	s0 =	rddreg [dreg:$0x3]  }
0x2ee: {  	s0 =	sadd.s32 @!p0 $0x100000, s0  }
0x2ef: {  	[sflag:s0] =	ssyncadd.tile.s32 @!p0 $0x1;
	_ =	shalt  }
.Lfunc_end2:
_tile_overlayer_lowered:
.L_overlay_start_2:
0x2f0: {  	(tag) =	ssettag $0x2  }
0x2f1: {  	s0 =	rddreg [dreg:$0x0];
	s2 =	stileid.u32  }
0x2f2: {  	s1 =	rddreg [dreg:$0x1];
	p0 =	sne.s32 s2, $0x0  }
0x2f3: {  	s3 =	rddreg [dreg:$0x2];
	[bflag:$0x3] =	sbarrier.arrive $0xFFFF;
	s2 =	simm.s32 @!p0 $0x1C0D  }
0x2f4: {  	[timem:s3], [sflag:s2] =	dma.local @!p0 [hbm:s0], s1  }
0x2f5: {  	s0 =	simm.s32 @!p0 $0xD  }
0x2f6: {  	_ =	swait.ge @!p0 [sflag:s0], s1  }
0x2f7: {  	s1 =	ssub.s32 @!p0 $0x0, s1;
	[sflag:s0] =	ssyncset.done @!p0 $0x0  }
0x2f8: {  	[sflag:s0] =	ssyncadd.s32 @!p0 s1  }
0x2f9: {  	[bflag:$0x3] =	sbarrier.arrive $0xFFFF  }
0x2fa: {  	_ =	shalt  }

</sc_bundles>
